<compile_context>
chip_gen: v7x
topology: tpu7x:2x2x1
jax: 0.10.2.dev20260603
libtpu: 0.0.44.dev20260713+nightly
codegen_flags: <defaults>
</compile_context>

<pallas_src>
import functools

import jax
import jax.numpy as jnp
import numpy as np
from jax import lax
from jax.experimental import pallas as pl
from jax.experimental.pallas import tpu as pltpu
from jax.experimental.pallas import tpu_sc as plsc

NC = 2
NS = 16
NW = NC * NS
CH = 80

NSLAB = 1

NG = 16
_OFFS = np.linspace(0.0, 100.0, NG).astype(np.float32)
_COEFF = np.float32(-0.5 / (_OFFS[1] - _OFFS[0]) ** 2)


def _gather_body(p_hbm, q_hbm, x0_hbm, x1_hbm, x2_hbm, dst_hbm, src_hbm,
                 g_hbm, d2_hbm,
                 idxd, idxs, bufp0, bufq0, bufp1, bufq1, bufp2, bufq2,
                 d2v0, d2v1, d2v2, x0v, x1v, x2v,
                 semg0, semg1, semg2, semw0, semw1, semw2):
    E = dst_hbm.shape[0]
    epw = E // NW
    nch = epw // CH
    c = lax.axis_index("c")
    s = lax.axis_index("s")
    wid = s * NC + c
    base0 = wid * epw

    bufp = (bufp0, bufp1, bufp2)
    bufq = (bufq0, bufq1, bufq2)
    d2v = (d2v0, d2v1, d2v2)
    semg = (semg0, semg1, semg2)
    semw = (semw0, semw1, semw2)

    pltpu.sync_copy(x0_hbm, x0v)
    pltpu.sync_copy(x1_hbm, x1v)
    pltpu.sync_copy(x2_hbm, x2v)
    pltpu.sync_copy(dst_hbm.at[pl.ds(base0, epw)], idxd)
    pltpu.sync_copy(src_hbm.at[pl.ds(base0, epw)], idxs)

    def gather_descs(k, b):
        off = k * CH
        return (pltpu.make_async_copy(
                    p_hbm.at[idxd.at[pl.ds(off, CH)]], bufp[b], semg[b]),
                pltpu.make_async_copy(
                    q_hbm.at[idxs.at[pl.ds(off, CH)]], bufq[b], semg[b]))

    def wb_descs(k, b):
        base = base0 + k * CH
        return (pltpu.make_async_copy(bufp[b], g_hbm.at[pl.ds(base, CH)],
                                      semw[b]),
                pltpu.make_async_copy(d2v[b], d2_hbm.at[pl.ds(base, CH)],
                                      semw[b]))

    def process(k, b):
        for dsc in gather_descs(k, b):
            dsc.wait()
        bp, bq, dv = bufp[b], bufq[b], d2v[b]

        def row(r, _):
            for j in range(8):
                sl = pl.ds(j * 16, 16)
                bp[r, sl] = bp[r, sl] + bq[r, sl]
            return 0

        lax.fori_loop(0, CH, row, 0, unroll=2)

        def grp(g, _):
            sl = pl.ds(k * CH + g * 16, 16)
            dvx = idxd[sl]
            svx = idxs[sl]
            d0 = plsc.load_gather(x0v, [dvx]) - plsc.load_gather(x0v, [svx])
            d1 = plsc.load_gather(x1v, [dvx]) - plsc.load_gather(x1v, [svx])
            d2 = plsc.load_gather(x2v, [dvx]) - plsc.load_gather(x2v, [svx])
            dv[pl.ds(g * 16, 16)] = d0 * d0 + d1 * d1 + d2 * d2
            return 0

        lax.fori_loop(0, CH // 16, grp, 0, unroll=5)
        for dsc in wb_descs(k, b):
            dsc.start()

    ntrip = nch // 3
    assert nch == 3 * ntrip + 2
    for dsc in gather_descs(0, 0):
        dsc.start()
    for dsc in gather_descs(1, 1):
        dsc.start()

    def triple(t, _):
        k = 3 * t

        @pl.when(t > 0)
        def _():
            for dsc in wb_descs(k - 1, 2):
                dsc.wait()

        for dsc in gather_descs(k + 2, 2):
            dsc.start()
        process(k, 0)

        for dsc in wb_descs(k, 0):
            dsc.wait()
        for dsc in gather_descs(k + 3, 0):
            dsc.start()
        process(k + 1, 1)

        for dsc in wb_descs(k + 1, 1):
            dsc.wait()
        for dsc in gather_descs(k + 4, 1):
            dsc.start()
        process(k + 2, 2)
        return 0

    lax.fori_loop(0, ntrip, triple, 0)
    process(nch - 2, 0)
    process(nch - 1, 1)
    for dsc in wb_descs(nch - 3, 2):
        dsc.wait()
    for dsc in wb_descs(nch - 2, 0):
        dsc.wait()
    for dsc in wb_descs(nch - 1, 1):
        dsc.wait()


def _scatter_body(*refs):
    s_hbms = refs[:NSLAB]
    dst_hbms = refs[NSLAB:2 * NSLAB]
    out_hbm = refs[2 * NSLAB]
    sbuf0, idxb0, sbuf1, idxb1, zb, acc, seml0, seml1 = refs[2 * NSLAB + 1:]
    sbuf = (sbuf0, sbuf1)
    idxb = (idxb0, idxb1)
    seml = (seml0, seml1)
    N = acc.shape[0]
    rpt = 8 * (N // (8 * NS))
    rem = N - rpt * NS
    c = lax.axis_index("c")
    s = lax.axis_index("s")
    base_r = s * rpt

    def zrow(r, _):
        for k in range(8):
            zb[r, pl.ds(k * 16, 16)] = jnp.zeros((16,), jnp.float32)
        return 0

    lax.fori_loop(0, zb.shape[0], zrow, 0)

    def zcopy(j, _):
        pltpu.sync_copy(zb, acc.at[pl.ds(base_r + j * zb.shape[0],
                                         zb.shape[0])])
        return 0

    lax.fori_loop(0, rpt // zb.shape[0], zcopy, 0)

    @pl.when(s == NS - 1)
    def _():
        pltpu.sync_copy(zb, acc.at[pl.ds(N - rem, rem)])

    plsc.subcore_barrier()

    for s_hbm, dst_hbm in zip(s_hbms, dst_hbms):
        es = dst_hbm.shape[0]
        epc = es // NC
        ept = epc // NS
        nch = ept // CH
        base0 = c * epc + s * ept

        def load_descs(k, b, s_hbm=s_hbm, dst_hbm=dst_hbm, base0=base0):
            base = base0 + k * CH
            return (pltpu.make_async_copy(s_hbm.at[pl.ds(base, CH)], sbuf[b],
                                          seml[b]),
                    pltpu.make_async_copy(dst_hbm.at[pl.ds(base, CH)],
                                          idxb[b], seml[b]))

        def step(k, b, load_descs=load_descs, nch=nch):
            for dsc in load_descs(k, b):
                dsc.wait()
            pltpu.sync_copy(sbuf[b], acc.at[idxb[b]], add=True)

            @pl.when(k + 2 < nch)
            def _():
                for dsc in load_descs(k + 2, b):
                    dsc.start()

        for b in range(2):
            for dsc in load_descs(b, b):
                dsc.start()

        def pair(p, _, step=step):
            step(2 * p, 0)
            step(2 * p + 1, 1)
            return 0

        lax.fori_loop(0, nch // 2, pair, 0)
        if nch % 2:
            step(nch - 1, 0)
    plsc.subcore_barrier()
    pltpu.sync_copy(acc.at[pl.ds(base_r, rpt)],
                    out_hbm.at[c, pl.ds(base_r, rpt)])

    @pl.when(s == NS - 1)
    def _():
        pltpu.sync_copy(acc.at[pl.ds(N - rem, rem)],
                        out_hbm.at[c, pl.ds(N - rem, rem)])


def _pq_body(h_ref, whi_ref, whj_ref, p_ref, q_ref):
    h = h_ref[...]
    p_ref[...] = jnp.dot(h, whi_ref[...], preferred_element_type=jnp.float32)
    q_ref[...] = jnp.dot(h, whj_ref[...], preferred_element_type=jnp.float32)


def _edge_body(g_ref, d2_ref, ea_ref, wa_ref, wr_ref, we2_ref, winf_ref,
               be1_ref, be2_ref, binf_ref, offs_ref, s_ref):
    nrow = d2_ref.shape[0]
    parts = []
    for j in range(nrow):
        d2j = d2_ref[j]
        dj = jnp.sqrt(jnp.maximum(d2j, 1e-12))
        rftj = jnp.exp(_COEFF * (dj - offs_ref[...]) ** 2)
        parts.append(lax.dot_general(
            rftj, wr_ref[...], (((0,), (0,)), ((), ())),
            preferred_element_type=jnp.float32))
    rfc = jnp.concatenate(parts, axis=0)
    pre = (jnp.dot(ea_ref[...], wa_ref[...], preferred_element_type=jnp.float32)
           + rfc + g_ref[...] + be1_ref[...])
    h1 = jnp.maximum(pre, 0.0)
    mij = jnp.maximum(
        jnp.dot(h1, we2_ref[...], preferred_element_type=jnp.float32)
        + be2_ref[...], 0.0)
    logit = (jnp.dot(mij, winf_ref[...], preferred_element_type=jnp.float32)
             + binf_ref[...])
    s_ref[...] = mij * jax.nn.sigmoid(logit)


def _node_body(m_ref, h_ref, wna_ref, wnb_ref, wn2_ref,
               bn1_ref, bn2_ref, o_ref):
    mi = m_ref[0] + m_ref[1]
    a = jnp.maximum(
        jnp.dot(mi, wna_ref[...], preferred_element_type=jnp.float32)
        + jnp.dot(h_ref[...], wnb_ref[...], preferred_element_type=jnp.float32)
        + bn1_ref[...], 0.0)
    o_ref[...] = (jnp.dot(a, wn2_ref[...], preferred_element_type=jnp.float32)
                  + bn2_ref[...])


def _full(shape):
    return pl.BlockSpec(shape, lambda i: (0,) * len(shape))


def kernel(h, x, edge_index, edge_attr, W_e1, b_e1, W_e2, b_e2, W_inf, b_inf,
           W_n1, b_n1, W_n2, b_n2):
    N, H = h.shape
    E = edge_index.shape[1]
    EF = edge_attr.shape[1]
    dst = edge_index[0]
    src = edge_index[1]

    W_a = W_e1[:EF]
    W_r = W_e1[EF:EF + NG]
    W_hi = W_e1[EF + NG:EF + NG + H]
    W_hj = W_e1[EF + NG + H:]

    f32 = jnp.float32
    BN = 1000

    P, Q = pl.pallas_call(
        _pq_body,
        grid=(N // BN,),
        in_specs=[pl.BlockSpec((BN, H), lambda i: (i, 0)),
                  _full((H, H)), _full((H, H))],
        out_specs=[pl.BlockSpec((BN, H), lambda i: (i, 0)),
                   pl.BlockSpec((BN, H), lambda i: (i, 0))],
        out_shape=[jax.ShapeDtypeStruct((N, H), f32),
                   jax.ShapeDtypeStruct((N, H), f32)],
    )(h, W_hi, W_hj)

    x0 = x[:, 0]
    x1 = x[:, 1]
    x2 = x[:, 2]

    mesh = plsc.VectorSubcoreMesh(core_axis_name="c", subcore_axis_name="s",
                                  num_cores=NC, num_subcores=NS)
    sc_params = pltpu.CompilerParams(needs_layout_passes=False)
    ES = E // NSLAB
    BE = 2560

    gather_fn = pl.kernel(
        _gather_body,
        compiler_params=sc_params,
        out_type=(jax.ShapeDtypeStruct((ES, H), f32),
                  jax.ShapeDtypeStruct((ES,), f32)),
        mesh=mesh,
        scratch_types=[
            pltpu.VMEM((ES // NW,), jnp.int32),
            pltpu.VMEM((ES // NW,), jnp.int32),
            pltpu.VMEM((CH, H), f32),
            pltpu.VMEM((CH, H), f32),
            pltpu.VMEM((CH, H), f32),
            pltpu.VMEM((CH, H), f32),
            pltpu.VMEM((CH, H), f32),
            pltpu.VMEM((CH, H), f32),
            pltpu.VMEM((CH,), f32),
            pltpu.VMEM((CH,), f32),
            pltpu.VMEM((CH,), f32),
            pltpu.VMEM((N,), f32),
            pltpu.VMEM((N,), f32),
            pltpu.VMEM((N,), f32),
            pltpu.SemaphoreType.DMA,
            pltpu.SemaphoreType.DMA,
            pltpu.SemaphoreType.DMA,
            pltpu.SemaphoreType.DMA,
            pltpu.SemaphoreType.DMA,
            pltpu.SemaphoreType.DMA,
        ],
    )

    edge_fn = pl.pallas_call(
        _edge_body,
        grid=(ES // BE,),
        in_specs=[pl.BlockSpec((BE, H), lambda i: (i, 0)),
                  pl.BlockSpec((BE // 128, 1, 128), lambda i: (i, 0, 0)),
                  pl.BlockSpec((BE, EF), lambda i: (i, 0)),
                  _full((EF, H)), _full((NG, H)), _full((H, H)),
                  _full((H, 128)), _full((1, H)), _full((1, H)),
                  _full((1, 128)), _full((NG, 128))],
        out_specs=pl.BlockSpec((BE, H), lambda i: (i, 0)),
        out_shape=jax.ShapeDtypeStruct((ES, H), f32),
    )

    winf_bc = jnp.broadcast_to(W_inf, (H, 128))
    binf_bc = jnp.broadcast_to(b_inf.reshape(1, 1), (1, 128))
    offs_bc = jnp.broadcast_to(jnp.asarray(_OFFS).reshape(NG, 1), (NG, 128))

    dsts = [dst[k * ES:(k + 1) * ES] for k in range(NSLAB)]
    srcs = [src[k * ES:(k + 1) * ES] for k in range(NSLAB)]
    ss = []
    for k in range(NSLAB):
        Gk, d2k = gather_fn(P, Q, x0, x1, x2, dsts[k], srcs[k])
        d2k = jnp.reshape(d2k, (ES // 128, 1, 128))
        ek = edge_fn(Gk, d2k, edge_attr[k * ES:(k + 1) * ES], W_a, W_r,
                     W_e2, winf_bc, b_e1.reshape(1, H), b_e2.reshape(1, H),
                     binf_bc, offs_bc)
        ss.append(ek)

    mi2 = pl.kernel(
        _scatter_body,
        compiler_params=sc_params,
        out_type=jax.ShapeDtypeStruct((NC, N, H), f32),
        mesh=mesh,
        scratch_types=[
            pltpu.VMEM((CH, H), f32),
            pltpu.VMEM((CH,), jnp.int32),
            pltpu.VMEM((CH, H), f32),
            pltpu.VMEM((CH,), jnp.int32),
            pltpu.VMEM((16, H), f32),
            pltpu.VMEM_SHARED((N, H), f32),
            pltpu.SemaphoreType.DMA,
            pltpu.SemaphoreType.DMA,
        ],
    )(*ss, *dsts)

    out = pl.pallas_call(
        _node_body,
        grid=(N // BN,),
        in_specs=[pl.BlockSpec((NC, BN, H), lambda i: (0, i, 0)),
                  pl.BlockSpec((BN, H), lambda i: (i, 0)),
                  _full((H, H)), _full((H, H)), _full((H, H)),
                  _full((1, H)), _full((1, H))],
        out_specs=pl.BlockSpec((BN, H), lambda i: (i, 0)),
        out_shape=jax.ShapeDtypeStruct((N, H), f32),
    )(mi2, h, W_n1[:H], W_n1[H:], W_n2,
      b_n1.reshape(1, H), b_n2.reshape(1, H))

    return (out, x)

# --- scband reference (transcript-rebuilt; emitter-appended) ---
"""Pipeline reference for scband-en-base-layer-59184649339215 (READ-ONLY COPY).

The authoritative reference and input builder live on the scoring server;
editing this copy changes nothing except your own understanding.
"""

import jax, jax.numpy as jnp
import numpy as np

N = 10000
E = 320000
H = 128
EF = 16
NG = 16


def _gaussian_smearing(d):
    # GaussianSmearing(r_min=0.0, r_max=100.0, num_gaussians=NG, fixed_offset=False)
    offset = jnp.linspace(0.0, 100.0, NG)
    coeff = -0.5 / (offset[1] - offset[0]) ** 2
    return jnp.exp(coeff * (d - offset[None, :]) ** 2)


def setup_inputs(seed: int = 0) -> dict:
    key = jax.random.key(seed)
    ks = jax.random.split(key, 16)
    h = jax.random.normal(ks[0], (N, H), dtype=jnp.float32)
    x = jax.random.normal(ks[1], (N, 3), dtype=jnp.float32)
    edge_index = jax.random.randint(ks[2], (2, E), 0, N, dtype=jnp.int32)
    edge_attr = jax.random.normal(ks[3], (E, EF), dtype=jnp.float32)
    # edge_mlp: MLP(2H + EF + NG -> H -> H), act_last=True (update_x=False branch)
    din_e = 2 * H + EF + NG
    W_e1 = jax.random.normal(ks[4], (din_e, H), dtype=jnp.float32) / np.sqrt(din_e)
    b_e1 = jnp.zeros((H,), dtype=jnp.float32)
    W_e2 = jax.random.normal(ks[5], (H, H), dtype=jnp.float32) / np.sqrt(H)
    b_e2 = jnp.zeros((H,), dtype=jnp.float32)
    # edge_inf: Linear(H, 1) + Sigmoid
    W_inf = jax.random.normal(ks[6], (H, 1), dtype=jnp.float32) / np.sqrt(H)
    b_inf = jnp.zeros((1,), dtype=jnp.float32)
    # node_mlp: MLP(2H -> H -> H), no act_last
    W_n1 = jax.random.normal(ks[7], (2 * H, H), dtype=jnp.float32) / np.sqrt(2 * H)
    b_n1 = jnp.zeros((H,), dtype=jnp.float32)
    W_n2 = jax.random.normal(ks[8], (H, H), dtype=jnp.float32) / np.sqrt(H)
    b_n2 = jnp.zeros((H,), dtype=jnp.float32)
    return {"h": h, "x": x, "edge_index": edge_index, "edge_attr": edge_attr,
            "W_e1": W_e1, "b_e1": b_e1, "W_e2": W_e2, "b_e2": b_e2,
            "W_inf": W_inf, "b_inf": b_inf,
            "W_n1": W_n1, "b_n1": b_n1, "W_n2": W_n2, "b_n2": b_n2}


def reference(h, x, edge_index, edge_attr, W_e1, b_e1, W_e2, b_e2, W_inf, b_inf, W_n1, b_n1, W_n2, b_n2):
    dst = edge_index[0]
    src = edge_index[1]
    hi = jnp.take(h, dst, axis=0).astype(jnp.float32)
    hj = jnp.take(h, src, axis=0).astype(jnp.float32)
    rel_x = jnp.take(x, dst, axis=0) - jnp.take(x, src, axis=0)
    x_l2 = jnp.sqrt(jnp.maximum(jnp.sum(rel_x ** 2, axis=-1, keepdims=True), 1e-12))
    r_feat = _gaussian_smearing(x_l2)
    m_in = jnp.concatenate([edge_attr.astype(jnp.float32), r_feat, hi, hj], axis=-1)
    h1 = jax.nn.relu(m_in @ W_e1 + b_e1)
    mij = jax.nn.relu(h1 @ W_e2 + b_e2)  # act_last=True
    eij = jax.nn.sigmoid(mij @ W_inf + b_inf)
    mi = jax.ops.segment_sum(mij * eij, dst, num_segments=h.shape[0])
    n_in = jnp.concatenate([mi, h], axis=-1)
    output = jax.nn.relu(n_in @ W_n1 + b_n1) @ W_n2 + b_n2  # no act_last
    return (output, x)

if __name__ == "__main__":
    import jax
    _d = setup_inputs()
    print(jax.jit(kernel)(*tuple(_d.values())))

</pallas_src>

<mosaic_0001>
#map = affine_map<(d0, d1) -> (0, 0)>
#map1 = affine_map<(d0, d1) -> (0)>
module attributes {stable_mosaic.version = 14 : i64} {
  func.func @_gather_body(%arg0: i32, %arg1: i32, %arg2: memref<10000x128xf32, #tpu.memory_space<hbm>>, %arg3: memref<10000x128xf32, #tpu.memory_space<hbm>>, %arg4: memref<10000xf32, #tpu.memory_space<hbm>>, %arg5: memref<10000xf32, #tpu.memory_space<hbm>>, %arg6: memref<10000xf32, #tpu.memory_space<hbm>>, %arg7: memref<320000xi32, #tpu.memory_space<hbm>>, %arg8: memref<320000xi32, #tpu.memory_space<hbm>>, %arg9: memref<320000x128xf32, #tpu.memory_space<hbm>>, %arg10: memref<320000xf32, #tpu.memory_space<hbm>>, %arg11: memref<10000xi32, #tpu.memory_space<vmem>>, %arg12: memref<10000xi32, #tpu.memory_space<vmem>>, %arg13: memref<80x128xf32, #tpu.memory_space<vmem>>, %arg14: memref<80x128xf32, #tpu.memory_space<vmem>>, %arg15: memref<80x128xf32, #tpu.memory_space<vmem>>, %arg16: memref<80x128xf32, #tpu.memory_space<vmem>>, %arg17: memref<80x128xf32, #tpu.memory_space<vmem>>, %arg18: memref<80x128xf32, #tpu.memory_space<vmem>>, %arg19: memref<80xf32, #tpu.memory_space<vmem>>, %arg20: memref<80xf32, #tpu.memory_space<vmem>>, %arg21: memref<80xf32, #tpu.memory_space<vmem>>, %arg22: memref<10000xf32, #tpu.memory_space<vmem>>, %arg23: memref<10000xf32, #tpu.memory_space<vmem>>, %arg24: memref<10000xf32, #tpu.memory_space<vmem>>, %arg25: memref<!tpu.dma_semaphore, #tpu.memory_space<semaphore_mem>>, %arg26: memref<!tpu.dma_semaphore, #tpu.memory_space<semaphore_mem>>, %arg27: memref<!tpu.dma_semaphore, #tpu.memory_space<semaphore_mem>>, %arg28: memref<!tpu.dma_semaphore, #tpu.memory_space<semaphore_mem>>, %arg29: memref<!tpu.dma_semaphore, #tpu.memory_space<semaphore_mem>>, %arg30: memref<!tpu.dma_semaphore, #tpu.memory_space<semaphore_mem>>) attributes {dimension_semantics = [#tpu.dimension_semantics<core_parallel>, #tpu.dimension_semantics<subcore_parallel>], iteration_bounds = array<i64: 2, 16>, scalar_prefetch = 0 : i64, scratch_operands = 20 : i64, tpu.core_type = #tpu.core_type<sc_vector_subcore>, window_params = [{transform_indices = #map}, {transform_indices = #map}, {transform_indices = #map1}, {transform_indices = #map1}, {transform_indices = #map1}, {transform_indices = #map1}, {transform_indices = #map1}, {transform_indices = #map}, {transform_indices = #map1}]} {
    %mul3A = arith.constant 2 : i32
    %mul3A_0 = arith.muli %arg1, %mul3A : i32
    %add3A = arith.addi %mul3A_0, %arg0 : i32
    %mul3A_1 = arith.constant 10000 : i32
    %mul3A_2 = arith.muli %add3A, %mul3A_1 : i32
    "tpu.region"() ({
      %run_scoped3A = tpu.sem_alloc : memref<!tpu.dma_semaphore, #tpu.memory_space<semaphore_mem>>
      tpu.enqueue_dma source(%arg4 : memref<10000xf32, #tpu.memory_space<hbm>>) target(%arg22 : memref<10000xf32, #tpu.memory_space<vmem>>) target_semaphore(%run_scoped3A : memref<!tpu.dma_semaphore, #tpu.memory_space<semaphore_mem>>)
      tpu.wait_dma2 semaphore(%run_scoped3A : memref<!tpu.dma_semaphore, #tpu.memory_space<semaphore_mem>>) src(%arg4 : memref<10000xf32, #tpu.memory_space<hbm>>) dst(%arg22 : memref<10000xf32, #tpu.memory_space<vmem>>)
      tpu.yield
    }) : () -> ()
    "tpu.region"() ({
      %run_scoped3A = tpu.sem_alloc : memref<!tpu.dma_semaphore, #tpu.memory_space<semaphore_mem>>
      tpu.enqueue_dma source(%arg5 : memref<10000xf32, #tpu.memory_space<hbm>>) target(%arg23 : memref<10000xf32, #tpu.memory_space<vmem>>) target_semaphore(%run_scoped3A : memref<!tpu.dma_semaphore, #tpu.memory_space<semaphore_mem>>)
      tpu.wait_dma2 semaphore(%run_scoped3A : memref<!tpu.dma_semaphore, #tpu.memory_space<semaphore_mem>>) src(%arg5 : memref<10000xf32, #tpu.memory_space<hbm>>) dst(%arg23 : memref<10000xf32, #tpu.memory_space<vmem>>)
      tpu.yield
    }) : () -> ()
    "tpu.region"() ({
      %run_scoped3A = tpu.sem_alloc : memref<!tpu.dma_semaphore, #tpu.memory_space<semaphore_mem>>
      tpu.enqueue_dma source(%arg6 : memref<10000xf32, #tpu.memory_space<hbm>>) target(%arg24 : memref<10000xf32, #tpu.memory_space<vmem>>) target_semaphore(%run_scoped3A : memref<!tpu.dma_semaphore, #tpu.memory_space<semaphore_mem>>)
      tpu.wait_dma2 semaphore(%run_scoped3A : memref<!tpu.dma_semaphore, #tpu.memory_space<semaphore_mem>>) src(%arg6 : memref<10000xf32, #tpu.memory_space<hbm>>) dst(%arg24 : memref<10000xf32, #tpu.memory_space<vmem>>)
      tpu.yield
    }) : () -> ()
    "tpu.region"() ({
      %run_scoped3A = tpu.sem_alloc : memref<!tpu.dma_semaphore, #tpu.memory_space<semaphore_mem>>
      %dma_start3A_381 = tpu.memref_slice %arg7[%mul3A_2] : memref<320000xi32, #tpu.memory_space<hbm>> -> memref<10000xi32, #tpu.memory_space<hbm>>
      %dma_start3A_382 = tpu.memref_slice %arg7[%mul3A_2] : memref<320000xi32, #tpu.memory_space<hbm>> -> memref<10000xi32, #tpu.memory_space<hbm>>
      tpu.enqueue_dma source(%dma_start3A_382 : memref<10000xi32, #tpu.memory_space<hbm>>) target(%arg11 : memref<10000xi32, #tpu.memory_space<vmem>>) target_semaphore(%run_scoped3A : memref<!tpu.dma_semaphore, #tpu.memory_space<semaphore_mem>>)
      %dma_wait3A_383 = tpu.memref_slice %arg7[%mul3A_2] : memref<320000xi32, #tpu.memory_space<hbm>> -> memref<10000xi32, #tpu.memory_space<hbm>>
      %dma_wait3A_384 = tpu.memref_slice %arg7[%mul3A_2] : memref<320000xi32, #tpu.memory_space<hbm>> -> memref<10000xi32, #tpu.memory_space<hbm>>
      tpu.wait_dma2 semaphore(%run_scoped3A : memref<!tpu.dma_semaphore, #tpu.memory_space<semaphore_mem>>) src(%dma_wait3A_384 : memref<10000xi32, #tpu.memory_space<hbm>>) dst(%arg11 : memref<10000xi32, #tpu.memory_space<vmem>>)
      tpu.yield
    }) : () -> ()
    "tpu.region"() ({
      %run_scoped3A = tpu.sem_alloc : memref<!tpu.dma_semaphore, #tpu.memory_space<semaphore_mem>>
      %dma_start3A_381 = tpu.memref_slice %arg8[%mul3A_2] : memref<320000xi32, #tpu.memory_space<hbm>> -> memref<10000xi32, #tpu.memory_space<hbm>>
      %dma_start3A_382 = tpu.memref_slice %arg8[%mul3A_2] : memref<320000xi32, #tpu.memory_space<hbm>> -> memref<10000xi32, #tpu.memory_space<hbm>>
      tpu.enqueue_dma source(%dma_start3A_382 : memref<10000xi32, #tpu.memory_space<hbm>>) target(%arg12 : memref<10000xi32, #tpu.memory_space<vmem>>) target_semaphore(%run_scoped3A : memref<!tpu.dma_semaphore, #tpu.memory_space<semaphore_mem>>)
      %dma_wait3A_383 = tpu.memref_slice %arg8[%mul3A_2] : memref<320000xi32, #tpu.memory_space<hbm>> -> memref<10000xi32, #tpu.memory_space<hbm>>
      %dma_wait3A_384 = tpu.memref_slice %arg8[%mul3A_2] : memref<320000xi32, #tpu.memory_space<hbm>> -> memref<10000xi32, #tpu.memory_space<hbm>>
      tpu.wait_dma2 semaphore(%run_scoped3A : memref<!tpu.dma_semaphore, #tpu.memory_space<semaphore_mem>>) src(%dma_wait3A_384 : memref<10000xi32, #tpu.memory_space<hbm>>) dst(%arg12 : memref<10000xi32, #tpu.memory_space<vmem>>)
      tpu.yield
    }) : () -> ()
    %dma_start3A = arith.constant 0 : i32
    %dma_start3A_3 = tpu.memref_slice %arg11[%dma_start3A] : memref<10000xi32, #tpu.memory_space<vmem>> -> memref<80xi32, #tpu.memory_space<vmem>>
    %dma_start3A_4 = arith.constant 0 : i32
    %dma_start3A_5 = arith.constant 0 : i32
    %dma_start3A_6 = tpu.memref_slice %arg2[%dma_start3A_4, %dma_start3A_5] : memref<10000x128xf32, #tpu.memory_space<hbm>> -> memref<10000x128xf32, #tpu.memory_space<hbm>>
    tpu.enqueue_indirect_dma source(%dma_start3A_6 : memref<10000x128xf32, #tpu.memory_space<hbm>>) target(%arg13 : memref<80x128xf32, #tpu.memory_space<vmem>>) offsets(%dma_start3A_3 : memref<80xi32, #tpu.memory_space<vmem>>) semaphore(%arg25 : memref<!tpu.dma_semaphore, #tpu.memory_space<semaphore_mem>>)
    %dma_start3A_7 = arith.constant 0 : i32
    %dma_start3A_8 = tpu.memref_slice %arg12[%dma_start3A_7] : memref<10000xi32, #tpu.memory_space<vmem>> -> memref<80xi32, #tpu.memory_space<vmem>>
    %dma_start3A_9 = arith.constant 0 : i32
    %dma_start3A_10 = arith.constant 0 : i32
    %dma_start3A_11 = tpu.memref_slice %arg3[%dma_start3A_9, %dma_start3A_10] : memref<10000x128xf32, #tpu.memory_space<hbm>> -> memref<10000x128xf32, #tpu.memory_space<hbm>>
    tpu.enqueue_indirect_dma source(%dma_start3A_11 : memref<10000x128xf32, #tpu.memory_space<hbm>>) target(%arg14 : memref<80x128xf32, #tpu.memory_space<vmem>>) offsets(%dma_start3A_8 : memref<80xi32, #tpu.memory_space<vmem>>) semaphore(%arg25 : memref<!tpu.dma_semaphore, #tpu.memory_space<semaphore_mem>>)
    %dma_start3A_12 = arith.constant 80 : i32
    %dma_start3A_13 = tpu.memref_slice %arg11[%dma_start3A_12] : memref<10000xi32, #tpu.memory_space<vmem>> -> memref<80xi32, #tpu.memory_space<vmem>>
    %dma_start3A_14 = arith.constant 0 : i32
    %dma_start3A_15 = arith.constant 0 : i32
    %dma_start3A_16 = tpu.memref_slice %arg2[%dma_start3A_14, %dma_start3A_15] : memref<10000x128xf32, #tpu.memory_space<hbm>> -> memref<10000x128xf32, #tpu.memory_space<hbm>>
    tpu.enqueue_indirect_dma source(%dma_start3A_16 : memref<10000x128xf32, #tpu.memory_space<hbm>>) target(%arg15 : memref<80x128xf32, #tpu.memory_space<vmem>>) offsets(%dma_start3A_13 : memref<80xi32, #tpu.memory_space<vmem>>) semaphore(%arg26 : memref<!tpu.dma_semaphore, #tpu.memory_space<semaphore_mem>>)
    %dma_start3A_17 = arith.constant 80 : i32
    %dma_start3A_18 = tpu.memref_slice %arg12[%dma_start3A_17] : memref<10000xi32, #tpu.memory_space<vmem>> -> memref<80xi32, #tpu.memory_space<vmem>>
    %dma_start3A_19 = arith.constant 0 : i32
    %dma_start3A_20 = arith.constant 0 : i32
    %dma_start3A_21 = tpu.memref_slice %arg3[%dma_start3A_19, %dma_start3A_20] : memref<10000x128xf32, #tpu.memory_space<hbm>> -> memref<10000x128xf32, #tpu.memory_space<hbm>>
    tpu.enqueue_indirect_dma source(%dma_start3A_21 : memref<10000x128xf32, #tpu.memory_space<hbm>>) target(%arg16 : memref<80x128xf32, #tpu.memory_space<vmem>>) offsets(%dma_start3A_18 : memref<80xi32, #tpu.memory_space<vmem>>) semaphore(%arg26 : memref<!tpu.dma_semaphore, #tpu.memory_space<semaphore_mem>>)
    %scan3A = arith.constant 0 : i32
    %scan3A_22 = arith.constant 0 : i32
    %scan3A_23 = arith.constant 41 : i32
    %scan3A_24 = arith.addi %scan3A_22, %scan3A_23 : i32
    %scan3A_25 = arith.constant 1 : i32
    %scan3A_26 = scf.for %scan3A_381 = %scan3A_22 to %scan3A_24 step %scan3A_25 iter_args(%scan3A_382 = %scan3A) -> (i32)  : i32 {
      %mul3A_383 = arith.constant 3 : i32
      %mul3A_384 = arith.muli %mul3A_383, %scan3A_381 : i32
      %gt3A = arith.constant 0 : i32
      %gt3A_385 = arith.cmpi sgt, %scan3A_381, %gt3A : i32
      %convert_element_type3A = arith.extui %gt3A_385 : i1 to i32
      %cond3A = arith.constant 0 : i32
      %cond3A_386 = arith.cmpi ne, %convert_element_type3A, %cond3A : i32
      scf.if %cond3A_386 {
        %sub3A_967 = arith.constant 1 : i32
        %sub3A_968 = arith.subi %mul3A_384, %sub3A_967 : i32
        %mul3A_969 = arith.constant 80 : i32
        %mul3A_970 = arith.muli %sub3A_968, %mul3A_969 : i32
        %add3A_971 = arith.addi %mul3A_2, %mul3A_970 : i32
        %dma_wait3A_972 = arith.constant 0 : i32
        %dma_wait3A_973 = tpu.memref_slice %arg9[%add3A_971, %dma_wait3A_972] : memref<320000x128xf32, #tpu.memory_space<hbm>> -> memref<80x128xf32, #tpu.memory_space<hbm>>
        %dma_wait3A_974 = arith.constant 0 : i32
        %dma_wait3A_975 = tpu.memref_slice %arg9[%add3A_971, %dma_wait3A_974] : memref<320000x128xf32, #tpu.memory_space<hbm>> -> memref<80x128xf32, #tpu.memory_space<hbm>>
        tpu.wait_dma2 semaphore(%arg30 : memref<!tpu.dma_semaphore, #tpu.memory_space<semaphore_mem>>) src(%arg17 : memref<80x128xf32, #tpu.memory_space<vmem>>) dst(%dma_wait3A_975 : memref<80x128xf32, #tpu.memory_space<hbm>>)
        %dma_wait3A_976 = tpu.memref_slice %arg10[%add3A_971] : memref<320000xf32, #tpu.memory_space<hbm>> -> memref<80xf32, #tpu.memory_space<hbm>>
        %dma_wait3A_977 = tpu.memref_slice %arg10[%add3A_971] : memref<320000xf32, #tpu.memory_space<hbm>> -> memref<80xf32, #tpu.memory_space<hbm>>
        tpu.wait_dma2 semaphore(%arg30 : memref<!tpu.dma_semaphore, #tpu.memory_space<semaphore_mem>>) src(%arg21 : memref<80xf32, #tpu.memory_space<vmem>>) dst(%dma_wait3A_977 : memref<80xf32, #tpu.memory_space<hbm>>)
      } else {
      }
      %add3A_387 = arith.constant 2 : i32
      %add3A_388 = arith.addi %mul3A_384, %add3A_387 : i32
      %mul3A_389 = arith.constant 80 : i32
      %mul3A_390 = arith.muli %add3A_388, %mul3A_389 : i32
      %dma_start3A_391 = tpu.memref_slice %arg11[%mul3A_390] : memref<10000xi32, #tpu.memory_space<vmem>> -> memref<80xi32, #tpu.memory_space<vmem>>
      %dma_start3A_392 = arith.constant 0 : i32
      %dma_start3A_393 = arith.constant 0 : i32
      %dma_start3A_394 = tpu.memref_slice %arg2[%dma_start3A_392, %dma_start3A_393] : memref<10000x128xf32, #tpu.memory_space<hbm>> -> memref<10000x128xf32, #tpu.memory_space<hbm>>
      tpu.enqueue_indirect_dma source(%dma_start3A_394 : memref<10000x128xf32, #tpu.memory_space<hbm>>) target(%arg17 : memref<80x128xf32, #tpu.memory_space<vmem>>) offsets(%dma_start3A_391 : memref<80xi32, #tpu.memory_space<vmem>>) semaphore(%arg27 : memref<!tpu.dma_semaphore, #tpu.memory_space<semaphore_mem>>)
      %dma_start3A_395 = tpu.memref_slice %arg12[%mul3A_390] : memref<10000xi32, #tpu.memory_space<vmem>> -> memref<80xi32, #tpu.memory_space<vmem>>
      %dma_start3A_396 = arith.constant 0 : i32
      %dma_start3A_397 = arith.constant 0 : i32
      %dma_start3A_398 = tpu.memref_slice %arg3[%dma_start3A_396, %dma_start3A_397] : memref<10000x128xf32, #tpu.memory_space<hbm>> -> memref<10000x128xf32, #tpu.memory_space<hbm>>
      tpu.enqueue_indirect_dma source(%dma_start3A_398 : memref<10000x128xf32, #tpu.memory_space<hbm>>) target(%arg18 : memref<80x128xf32, #tpu.memory_space<vmem>>) offsets(%dma_start3A_395 : memref<80xi32, #tpu.memory_space<vmem>>) semaphore(%arg27 : memref<!tpu.dma_semaphore, #tpu.memory_space<semaphore_mem>>)
      %mul3A_399 = arith.constant 80 : i32
      %mul3A_400 = arith.muli %mul3A_384, %mul3A_399 : i32
      %dma_wait3A_401 = tpu.memref_slice %arg11[%mul3A_400] : memref<10000xi32, #tpu.memory_space<vmem>> -> memref<80xi32, #tpu.memory_space<vmem>>
      %dma_wait3A_402 = arith.constant 0 : i32
      %dma_wait3A_403 = arith.constant 0 : i32
      %dma_wait3A_404 = tpu.memref_slice %arg2[%dma_wait3A_402, %dma_wait3A_403] : memref<10000x128xf32, #tpu.memory_space<hbm>> -> memref<10000x128xf32, #tpu.memory_space<hbm>>
      tpu.wait_indirect_dma semaphore(%arg25 : memref<!tpu.dma_semaphore, #tpu.memory_space<semaphore_mem>>) src(%dma_wait3A_404 : memref<10000x128xf32, #tpu.memory_space<hbm>>) dst(%arg13 : memref<80x128xf32, #tpu.memory_space<vmem>>)
      %dma_wait3A_405 = tpu.memref_slice %arg12[%mul3A_400] : memref<10000xi32, #tpu.memory_space<vmem>> -> memref<80xi32, #tpu.memory_space<vmem>>
      %dma_wait3A_406 = arith.constant 0 : i32
      %dma_wait3A_407 = arith.constant 0 : i32
      %dma_wait3A_408 = tpu.memref_slice %arg3[%dma_wait3A_406, %dma_wait3A_407] : memref<10000x128xf32, #tpu.memory_space<hbm>> -> memref<10000x128xf32, #tpu.memory_space<hbm>>
      tpu.wait_indirect_dma semaphore(%arg25 : memref<!tpu.dma_semaphore, #tpu.memory_space<semaphore_mem>>) src(%dma_wait3A_408 : memref<10000x128xf32, #tpu.memory_space<hbm>>) dst(%arg14 : memref<80x128xf32, #tpu.memory_space<vmem>>)
      %scan3A_409 = arith.constant 0 : i32
      %scan3A_410 = arith.constant 0 : i32
      %scan3A_411 = arith.constant 80 : i32
      %scan3A_412 = arith.addi %scan3A_410, %scan3A_411 : i32
      %scan3A_413 = arith.constant 2 : i32
      %scan3A_414 = scf.for %scan3A_967 = %scan3A_410 to %scan3A_412 step %scan3A_413 iter_args(%scan3A_968 = %scan3A_409) -> (i32)  : i32 {
        %get3A_969 = arith.index_cast %scan3A_967 : i32 to index
        %get3A_970 = arith.constant 0 : index
        %get3A_971 = tpu.vector_load %arg13[%get3A_969, %get3A_970] {strides = array<i32>} : memref<80x128xf32, #tpu.memory_space<vmem>>, vector<16xf32>,
        %get3A_972 = arith.index_cast %scan3A_967 : i32 to index
        %get3A_973 = arith.constant 0 : index
        %get3A_974 = tpu.vector_load %arg14[%get3A_972, %get3A_973] {strides = array<i32>} : memref<80x128xf32, #tpu.memory_space<vmem>>, vector<16xf32>,
        %add3A_975 = arith.addf %get3A_971, %get3A_974 : vector<16xf32>
        %swap3A_976 = arith.index_cast %scan3A_967 : i32 to index
        %swap3A_977 = arith.constant 0 : index
        %swap3A_978 = tpu.vector_load %arg13[%swap3A_976, %swap3A_977] {strides = array<i32>} : memref<80x128xf32, #tpu.memory_space<vmem>>, vector<16xf32>,
        tpu.vector_store %arg13[%swap3A_976, %swap3A_977], %add3A_975 {strides = array<i32>} : memref<80x128xf32, #tpu.memory_space<vmem>>, vector<16xf32>,
        %get3A_979 = arith.index_cast %scan3A_967 : i32 to index
        %get3A_980 = arith.constant 16 : index
        %get3A_981 = tpu.vector_load %arg13[%get3A_979, %get3A_980] {strides = array<i32>} : memref<80x128xf32, #tpu.memory_space<vmem>>, vector<16xf32>,
        %get3A_982 = arith.index_cast %scan3A_967 : i32 to index
        %get3A_983 = arith.constant 16 : index
        %get3A_984 = tpu.vector_load %arg14[%get3A_982, %get3A_983] {strides = array<i32>} : memref<80x128xf32, #tpu.memory_space<vmem>>, vector<16xf32>,
        %add3A_985 = arith.addf %get3A_981, %get3A_984 : vector<16xf32>
        %swap3A_986 = arith.index_cast %scan3A_967 : i32 to index
        %swap3A_987 = arith.constant 16 : index
        %swap3A_988 = tpu.vector_load %arg13[%swap3A_986, %swap3A_987] {strides = array<i32>} : memref<80x128xf32, #tpu.memory_space<vmem>>, vector<16xf32>,
        tpu.vector_store %arg13[%swap3A_986, %swap3A_987], %add3A_985 {strides = array<i32>} : memref<80x128xf32, #tpu.memory_space<vmem>>, vector<16xf32>,
        %get3A_989 = arith.index_cast %scan3A_967 : i32 to index
        %get3A_990 = arith.constant 32 : index
        %get3A_991 = tpu.vector_load %arg13[%get3A_989, %get3A_990] {strides = array<i32>} : memref<80x128xf32, #tpu.memory_space<vmem>>, vector<16xf32>,
        %get3A_992 = arith.index_cast %scan3A_967 : i32 to index
        %get3A_993 = arith.constant 32 : index
        %get3A_994 = tpu.vector_load %arg14[%get3A_992, %get3A_993] {strides = array<i32>} : memref<80x128xf32, #tpu.memory_space<vmem>>, vector<16xf32>,
        %add3A_995 = arith.addf %get3A_991, %get3A_994 : vector<16xf32>
        %swap3A_996 = arith.index_cast %scan3A_967 : i32 to index
        %swap3A_997 = arith.constant 32 : index
        %swap3A_998 = tpu.vector_load %arg13[%swap3A_996, %swap3A_997] {strides = array<i32>} : memref<80x128xf32, #tpu.memory_space<vmem>>, vector<16xf32>,
        tpu.vector_store %arg13[%swap3A_996, %swap3A_997], %add3A_995 {strides = array<i32>} : memref<80x128xf32, #tpu.memory_space<vmem>>, vector<16xf32>,
        %get3A_999 = arith.index_cast %scan3A_967 : i32 to index
        %get3A_1000 = arith.constant 48 : index
        %get3A_1001 = tpu.vector_load %arg13[%get3A_999, %get3A_1000] {strides = array<i32>} : memref<80x128xf32, #tpu.memory_space<vmem>>, vector<16xf32>,
        %get3A_1002 = arith.index_cast %scan3A_967 : i32 to index
        %get3A_1003 = arith.constant 48 : index
        %get3A_1004 = tpu.vector_load %arg14[%get3A_1002, %get3A_1003] {strides = array<i32>} : memref<80x128xf32, #tpu.memory_space<vmem>>, vector<16xf32>,
        %add3A_1005 = arith.addf %get3A_1001, %get3A_1004 : vector<16xf32>
        %swap3A_1006 = arith.index_cast %scan3A_967 : i32 to index
        %swap3A_1007 = arith.constant 48 : index
        %swap3A_1008 = tpu.vector_load %arg13[%swap3A_1006, %swap3A_1007] {strides = array<i32>} : memref<80x128xf32, #tpu.memory_space<vmem>>, vector<16xf32>,
        tpu.vector_store %arg13[%swap3A_1006, %swap3A_1007], %add3A_1005 {strides = array<i32>} : memref<80x128xf32, #tpu.memory_space<vmem>>, vector<16xf32>,
        %get3A_1009 = arith.index_cast %scan3A_967 : i32 to index
        %get3A_1010 = arith.constant 64 : index
        %get3A_1011 = tpu.vector_load %arg13[%get3A_1009, %get3A_1010] {strides = array<i32>} : memref<80x128xf32, #tpu.memory_space<vmem>>, vector<16xf32>,
        %get3A_1012 = arith.index_cast %scan3A_967 : i32 to index
        %get3A_1013 = arith.constant 64 : index
        %get3A_1014 = tpu.vector_load %arg14[%get3A_1012, %get3A_1013] {strides = array<i32>} : memref<80x128xf32, #tpu.memory_space<vmem>>, vector<16xf32>,
        %add3A_1015 = arith.addf %get3A_1011, %get3A_1014 : vector<16xf32>
        %swap3A_1016 = arith.index_cast %scan3A_967 : i32 to index
        %swap3A_1017 = arith.constant 64 : index
        %swap3A_1018 = tpu.vector_load %arg13[%swap3A_1016, %swap3A_1017] {strides = array<i32>} : memref<80x128xf32, #tpu.memory_space<vmem>>, vector<16xf32>,
        tpu.vector_store %arg13[%swap3A_1016, %swap3A_1017], %add3A_1015 {strides = array<i32>} : memref<80x128xf32, #tpu.memory_space<vmem>>, vector<16xf32>,
        %get3A_1019 = arith.index_cast %scan3A_967 : i32 to index
        %get3A_1020 = arith.constant 80 : index
        %get3A_1021 = tpu.vector_load %arg13[%get3A_1019, %get3A_1020] {strides = array<i32>} : memref<80x128xf32, #tpu.memory_space<vmem>>, vector<16xf32>,
        %get3A_1022 = arith.index_cast %scan3A_967 : i32 to index
        %get3A_1023 = arith.constant 80 : index
        %get3A_1024 = tpu.vector_load %arg14[%get3A_1022, %get3A_1023] {strides = array<i32>} : memref<80x128xf32, #tpu.memory_space<vmem>>, vector<16xf32>,
        %add3A_1025 = arith.addf %get3A_1021, %get3A_1024 : vector<16xf32>
        %swap3A_1026 = arith.index_cast %scan3A_967 : i32 to index
        %swap3A_1027 = arith.constant 80 : index
        %swap3A_1028 = tpu.vector_load %arg13[%swap3A_1026, %swap3A_1027] {strides = array<i32>} : memref<80x128xf32, #tpu.memory_space<vmem>>, vector<16xf32>,
        tpu.vector_store %arg13[%swap3A_1026, %swap3A_1027], %add3A_1025 {strides = array<i32>} : memref<80x128xf32, #tpu.memory_space<vmem>>, vector<16xf32>,
        %get3A_1029 = arith.index_cast %scan3A_967 : i32 to index
        %get3A_1030 = arith.constant 96 : index
        %get3A_1031 = tpu.vector_load %arg13[%get3A_1029, %get3A_1030] {strides = array<i32>} : memref<80x128xf32, #tpu.memory_space<vmem>>, vector<16xf32>,
        %get3A_1032 = arith.index_cast %scan3A_967 : i32 to index
        %get3A_1033 = arith.constant 96 : index
        %get3A_1034 = tpu.vector_load %arg14[%get3A_1032, %get3A_1033] {strides = array<i32>} : memref<80x128xf32, #tpu.memory_space<vmem>>, vector<16xf32>,
        %add3A_1035 = arith.addf %get3A_1031, %get3A_1034 : vector<16xf32>
        %swap3A_1036 = arith.index_cast %scan3A_967 : i32 to index
        %swap3A_1037 = arith.constant 96 : index
        %swap3A_1038 = tpu.vector_load %arg13[%swap3A_1036, %swap3A_1037] {strides = array<i32>} : memref<80x128xf32, #tpu.memory_space<vmem>>, vector<16xf32>,
        tpu.vector_store %arg13[%swap3A_1036, %swap3A_1037], %add3A_1035 {strides = array<i32>} : memref<80x128xf32, #tpu.memory_space<vmem>>, vector<16xf32>,
        %get3A_1039 = arith.index_cast %scan3A_967 : i32 to index
        %get3A_1040 = arith.constant 112 : index
        %get3A_1041 = tpu.vector_load %arg13[%get3A_1039, %get3A_1040] {strides = array<i32>} : memref<80x128xf32, #tpu.memory_space<vmem>>, vector<16xf32>,
        %get3A_1042 = arith.index_cast %scan3A_967 : i32 to index
        %get3A_1043 = arith.constant 112 : index
        %get3A_1044 = tpu.vector_load %arg14[%get3A_1042, %get3A_1043] {strides = array<i32>} : memref<80x128xf32, #tpu.memory_space<vmem>>, vector<16xf32>,
        %add3A_1045 = arith.addf %get3A_1041, %get3A_1044 : vector<16xf32>
        %swap3A_1046 = arith.index_cast %scan3A_967 : i32 to index
        %swap3A_1047 = arith.constant 112 : index
        %swap3A_1048 = tpu.vector_load %arg13[%swap3A_1046, %swap3A_1047] {strides = array<i32>} : memref<80x128xf32, #tpu.memory_space<vmem>>, vector<16xf32>,
        tpu.vector_store %arg13[%swap3A_1046, %swap3A_1047], %add3A_1045 {strides = array<i32>} : memref<80x128xf32, #tpu.memory_space<vmem>>, vector<16xf32>,
        %scan3A_1049 = arith.constant 0 : i32
        %scan3A_1050 = arith.constant 1 : i32
        %scan3A_1051 = arith.addi %scan3A_967, %scan3A_1050 : i32
        %get3A_1052 = arith.index_cast %scan3A_1051 : i32 to index
        %get3A_1053 = arith.constant 0 : index
        %get3A_1054 = tpu.vector_load %arg13[%get3A_1052, %get3A_1053] {strides = array<i32>} : memref<80x128xf32, #tpu.memory_space<vmem>>, vector<16xf32>,
        %get3A_1055 = arith.index_cast %scan3A_1051 : i32 to index
        %get3A_1056 = arith.constant 0 : index
        %get3A_1057 = tpu.vector_load %arg14[%get3A_1055, %get3A_1056] {strides = array<i32>} : memref<80x128xf32, #tpu.memory_space<vmem>>, vector<16xf32>,
        %add3A_1058 = arith.addf %get3A_1054, %get3A_1057 : vector<16xf32>
        %swap3A_1059 = arith.index_cast %scan3A_1051 : i32 to index
        %swap3A_1060 = arith.constant 0 : index
        %swap3A_1061 = tpu.vector_load %arg13[%swap3A_1059, %swap3A_1060] {strides = array<i32>} : memref<80x128xf32, #tpu.memory_space<vmem>>, vector<16xf32>,
        tpu.vector_store %arg13[%swap3A_1059, %swap3A_1060], %add3A_1058 {strides = array<i32>} : memref<80x128xf32, #tpu.memory_space<vmem>>, vector<16xf32>,
        %get3A_1062 = arith.index_cast %scan3A_1051 : i32 to index
        %get3A_1063 = arith.constant 16 : index
        %get3A_1064 = tpu.vector_load %arg13[%get3A_1062, %get3A_1063] {strides = array<i32>} : memref<80x128xf32, #tpu.memory_space<vmem>>, vector<16xf32>,
        %get3A_1065 = arith.index_cast %scan3A_1051 : i32 to index
        %get3A_1066 = arith.constant 16 : index
        %get3A_1067 = tpu.vector_load %arg14[%get3A_1065, %get3A_1066] {strides = array<i32>} : memref<80x128xf32, #tpu.memory_space<vmem>>, vector<16xf32>,
        %add3A_1068 = arith.addf %get3A_1064, %get3A_1067 : vector<16xf32>
        %swap3A_1069 = arith.index_cast %scan3A_1051 : i32 to index
        %swap3A_1070 = arith.constant 16 : index
        %swap3A_1071 = tpu.vector_load %arg13[%swap3A_1069, %swap3A_1070] {strides = array<i32>} : memref<80x128xf32, #tpu.memory_space<vmem>>, vector<16xf32>,
        tpu.vector_store %arg13[%swap3A_1069, %swap3A_1070], %add3A_1068 {strides = array<i32>} : memref<80x128xf32, #tpu.memory_space<vmem>>, vector<16xf32>,
        %get3A_1072 = arith.index_cast %scan3A_1051 : i32 to index
        %get3A_1073 = arith.constant 32 : index
        %get3A_1074 = tpu.vector_load %arg13[%get3A_1072, %get3A_1073] {strides = array<i32>} : memref<80x128xf32, #tpu.memory_space<vmem>>, vector<16xf32>,
        %get3A_1075 = arith.index_cast %scan3A_1051 : i32 to index
        %get3A_1076 = arith.constant 32 : index
        %get3A_1077 = tpu.vector_load %arg14[%get3A_1075, %get3A_1076] {strides = array<i32>} : memref<80x128xf32, #tpu.memory_space<vmem>>, vector<16xf32>,
        %add3A_1078 = arith.addf %get3A_1074, %get3A_1077 : vector<16xf32>
        %swap3A_1079 = arith.index_cast %scan3A_1051 : i32 to index
        %swap3A_1080 = arith.constant 32 : index
        %swap3A_1081 = tpu.vector_load %arg13[%swap3A_1079, %swap3A_1080] {strides = array<i32>} : memref<80x128xf32, #tpu.memory_space<vmem>>, vector<16xf32>,
        tpu.vector_store %arg13[%swap3A_1079, %swap3A_1080], %add3A_1078 {strides = array<i32>} : memref<80x128xf32, #tpu.memory_space<vmem>>, vector<16xf32>,
        %get3A_1082 = arith.index_cast %scan3A_1051 : i32 to index
        %get3A_1083 = arith.constant 48 : index
        %get3A_1084 = tpu.vector_load %arg13[%get3A_1082, %get3A_1083] {strides = array<i32>} : memref<80x128xf32, #tpu.memory_space<vmem>>, vector<16xf32>,
        %get3A_1085 = arith.index_cast %scan3A_1051 : i32 to index
        %get3A_1086 = arith.constant 48 : index
        %get3A_1087 = tpu.vector_load %arg14[%get3A_1085, %get3A_1086] {strides = array<i32>} : memref<80x128xf32, #tpu.memory_space<vmem>>, vector<16xf32>,
        %add3A_1088 = arith.addf %get3A_1084, %get3A_1087 : vector<16xf32>
        %swap3A_1089 = arith.index_cast %scan3A_1051 : i32 to index
        %swap3A_1090 = arith.constant 48 : index
        %swap3A_1091 = tpu.vector_load %arg13[%swap3A_1089, %swap3A_1090] {strides = array<i32>} : memref<80x128xf32, #tpu.memory_space<vmem>>, vector<16xf32>,
        tpu.vector_store %arg13[%swap3A_1089, %swap3A_1090], %add3A_1088 {strides = array<i32>} : memref<80x128xf32, #tpu.memory_space<vmem>>, vector<16xf32>,
        %get3A_1092 = arith.index_cast %scan3A_1051 : i32 to index
        %get3A_1093 = arith.constant 64 : index
        %get3A_1094 = tpu.vector_load %arg13[%get3A_1092, %get3A_1093] {strides = array<i32>} : memref<80x128xf32, #tpu.memory_space<vmem>>, vector<16xf32>,
        %get3A_1095 = arith.index_cast %scan3A_1051 : i32 to index
        %get3A_1096 = arith.constant 64 : index
        %get3A_1097 = tpu.vector_load %arg14[%get3A_1095, %get3A_1096] {strides = array<i32>} : memref<80x128xf32, #tpu.memory_space<vmem>>, vector<16xf32>,
        %add3A_1098 = arith.addf %get3A_1094, %get3A_1097 : vector<16xf32>
        %swap3A_1099 = arith.index_cast %scan3A_1051 : i32 to index
        %swap3A_1100 = arith.constant 64 : index
        %swap3A_1101 = tpu.vector_load %arg13[%swap3A_1099, %swap3A_1100] {strides = array<i32>} : memref<80x128xf32, #tpu.memory_space<vmem>>, vector<16xf32>,
        tpu.vector_store %arg13[%swap3A_1099, %swap3A_1100], %add3A_1098 {strides = array<i32>} : memref<80x128xf32, #tpu.memory_space<vmem>>, vector<16xf32>,
        %get3A_1102 = arith.index_cast %scan3A_1051 : i32 to index
        %get3A_1103 = arith.constant 80 : index
        %get3A_1104 = tpu.vector_load %arg13[%get3A_1102, %get3A_1103] {strides = array<i32>} : memref<80x128xf32, #tpu.memory_space<vmem>>, vector<16xf32>,
        %get3A_1105 = arith.index_cast %scan3A_1051 : i32 to index
        %get3A_1106 = arith.constant 80 : index
        %get3A_1107 = tpu.vector_load %arg14[%get3A_1105, %get3A_1106] {strides = array<i32>} : memref<80x128xf32, #tpu.memory_space<vmem>>, vector<16xf32>,
        %add3A_1108 = arith.addf %get3A_1104, %get3A_1107 : vector<16xf32>
        %swap3A_1109 = arith.index_cast %scan3A_1051 : i32 to index
        %swap3A_1110 = arith.constant 80 : index
        %swap3A_1111 = tpu.vector_load %arg13[%swap3A_1109, %swap3A_1110] {strides = array<i32>} : memref<80x128xf32, #tpu.memory_space<vmem>>, vector<16xf32>,
        tpu.vector_store %arg13[%swap3A_1109, %swap3A_1110], %add3A_1108 {strides = array<i32>} : memref<80x128xf32, #tpu.memory_space<vmem>>, vector<16xf32>,
        %get3A_1112 = arith.index_cast %scan3A_1051 : i32 to index
        %get3A_1113 = arith.constant 96 : index
        %get3A_1114 = tpu.vector_load %arg13[%get3A_1112, %get3A_1113] {strides = array<i32>} : memref<80x128xf32, #tpu.memory_space<vmem>>, vector<16xf32>,
        %get3A_1115 = arith.index_cast %scan3A_1051 : i32 to index
        %get3A_1116 = arith.constant 96 : index
        %get3A_1117 = tpu.vector_load %arg14[%get3A_1115, %get3A_1116] {strides = array<i32>} : memref<80x128xf32, #tpu.memory_space<vmem>>, vector<16xf32>,
        %add3A_1118 = arith.addf %get3A_1114, %get3A_1117 : vector<16xf32>
        %swap3A_1119 = arith.index_cast %scan3A_1051 : i32 to index
        %swap3A_1120 = arith.constant 96 : index
        %swap3A_1121 = tpu.vector_load %arg13[%swap3A_1119, %swap3A_1120] {strides = array<i32>} : memref<80x128xf32, #tpu.memory_space<vmem>>, vector<16xf32>,
        tpu.vector_store %arg13[%swap3A_1119, %swap3A_1120], %add3A_1118 {strides = array<i32>} : memref<80x128xf32, #tpu.memory_space<vmem>>, vector<16xf32>,
        %get3A_1122 = arith.index_cast %scan3A_1051 : i32 to index
        %get3A_1123 = arith.constant 112 : index
        %get3A_1124 = tpu.vector_load %arg13[%get3A_1122, %get3A_1123] {strides = array<i32>} : memref<80x128xf32, #tpu.memory_space<vmem>>, vector<16xf32>,
        %get3A_1125 = arith.index_cast %scan3A_1051 : i32 to index
        %get3A_1126 = arith.constant 112 : index
        %get3A_1127 = tpu.vector_load %arg14[%get3A_1125, %get3A_1126] {strides = array<i32>} : memref<80x128xf32, #tpu.memory_space<vmem>>, vector<16xf32>,
        %add3A_1128 = arith.addf %get3A_1124, %get3A_1127 : vector<16xf32>
        %swap3A_1129 = arith.index_cast %scan3A_1051 : i32 to index
        %swap3A_1130 = arith.constant 112 : index
        %swap3A_1131 = tpu.vector_load %arg13[%swap3A_1129, %swap3A_1130] {strides = array<i32>} : memref<80x128xf32, #tpu.memory_space<vmem>>, vector<16xf32>,
        tpu.vector_store %arg13[%swap3A_1129, %swap3A_1130], %add3A_1128 {strides = array<i32>} : memref<80x128xf32, #tpu.memory_space<vmem>>, vector<16xf32>,
        %scan3A_1132 = arith.constant 0 : i32
        scf.yield %scan3A_1132 : i32
      }
      %scan3A_415 = arith.constant 80 : i32
      %scan3A_416 = arith.constant 0 : i32
      %scan3A_417 = arith.constant 0 : i32
      %mul3A_418 = arith.constant 80 : i32
      %mul3A_419 = arith.muli %mul3A_384, %mul3A_418 : i32
      %mul3A_420 = arith.constant 16 : i32
      %mul3A_421 = arith.muli %scan3A_417, %mul3A_420 : i32
      %add3A_422 = arith.addi %mul3A_419, %mul3A_421 : i32
      %get3A_423 = arith.index_cast %add3A_422 : i32 to index
      %get3A_424 = tpu.vector_load %arg11[%get3A_423] {strides = array<i32>} : memref<10000xi32, #tpu.memory_space<vmem>>, vector<16xi32>,
      %get3A_425 = arith.index_cast %add3A_422 : i32 to index
      %get3A_426 = tpu.vector_load %arg12[%get3A_425] {strides = array<i32>} : memref<10000xi32, #tpu.memory_space<vmem>>, vector<16xi32>,
      %gather3A_427 = tpu.vector_load_idx %arg22[%get3A_424] : memref<10000xf32, #tpu.memory_space<vmem>>[vector<16xi32>], vector<16xf32>,
      %gather3A_428 = tpu.vector_load_idx %arg22[%get3A_426] : memref<10000xf32, #tpu.memory_space<vmem>>[vector<16xi32>], vector<16xf32>,
      %sub3A_429 = arith.subf %gather3A_427, %gather3A_428 : vector<16xf32>
      %gather3A_430 = tpu.vector_load_idx %arg23[%get3A_424] : memref<10000xf32, #tpu.memory_space<vmem>>[vector<16xi32>], vector<16xf32>,
      %gather3A_431 = tpu.vector_load_idx %arg23[%get3A_426] : memref<10000xf32, #tpu.memory_space<vmem>>[vector<16xi32>], vector<16xf32>,
      %sub3A_432 = arith.subf %gather3A_430, %gather3A_431 : vector<16xf32>
      %gather3A_433 = tpu.vector_load_idx %arg24[%get3A_424] : memref<10000xf32, #tpu.memory_space<vmem>>[vector<16xi32>], vector<16xf32>,
      %gather3A_434 = tpu.vector_load_idx %arg24[%get3A_426] : memref<10000xf32, #tpu.memory_space<vmem>>[vector<16xi32>], vector<16xf32>,
      %sub3A_435 = arith.subf %gather3A_433, %gather3A_434 : vector<16xf32>
      %mul3A_436 = arith.mulf %sub3A_429, %sub3A_429 : vector<16xf32>
      %mul3A_437 = arith.mulf %sub3A_432, %sub3A_432 : vector<16xf32>
      %add3A_438 = arith.addf %mul3A_436, %mul3A_437 : vector<16xf32>
      %mul3A_439 = arith.mulf %sub3A_435, %sub3A_435 : vector<16xf32>
      %add3A_440 = arith.addf %add3A_438, %mul3A_439 : vector<16xf32>
      %mul3A_441 = arith.constant 16 : i32
      %mul3A_442 = arith.muli %scan3A_417, %mul3A_441 : i32
      %swap3A_443 = arith.index_cast %mul3A_442 : i32 to index
      %swap3A_444 = tpu.vector_load %arg19[%swap3A_443] {strides = array<i32>} : memref<80xf32, #tpu.memory_space<vmem>>, vector<16xf32>,
      tpu.vector_store %arg19[%swap3A_443], %add3A_440 {strides = array<i32>} : memref<80xf32, #tpu.memory_space<vmem>>, vector<16xf32>,
      %scan3A_445 = arith.constant 0 : i32
      %scan3A_446 = arith.constant 1 : i32
      %mul3A_447 = arith.constant 80 : i32
      %mul3A_448 = arith.muli %mul3A_384, %mul3A_447 : i32
      %mul3A_449 = arith.constant 16 : i32
      %mul3A_450 = arith.muli %scan3A_446, %mul3A_449 : i32
      %add3A_451 = arith.addi %mul3A_448, %mul3A_450 : i32
      %get3A_452 = arith.index_cast %add3A_451 : i32 to index
      %get3A_453 = tpu.vector_load %arg11[%get3A_452] {strides = array<i32>} : memref<10000xi32, #tpu.memory_space<vmem>>, vector<16xi32>,
      %get3A_454 = arith.index_cast %add3A_451 : i32 to index
      %get3A_455 = tpu.vector_load %arg12[%get3A_454] {strides = array<i32>} : memref<10000xi32, #tpu.memory_space<vmem>>, vector<16xi32>,
      %gather3A_456 = tpu.vector_load_idx %arg22[%get3A_453] : memref<10000xf32, #tpu.memory_space<vmem>>[vector<16xi32>], vector<16xf32>,
      %gather3A_457 = tpu.vector_load_idx %arg22[%get3A_455] : memref<10000xf32, #tpu.memory_space<vmem>>[vector<16xi32>], vector<16xf32>,
      %sub3A_458 = arith.subf %gather3A_456, %gather3A_457 : vector<16xf32>
      %gather3A_459 = tpu.vector_load_idx %arg23[%get3A_453] : memref<10000xf32, #tpu.memory_space<vmem>>[vector<16xi32>], vector<16xf32>,
      %gather3A_460 = tpu.vector_load_idx %arg23[%get3A_455] : memref<10000xf32, #tpu.memory_space<vmem>>[vector<16xi32>], vector<16xf32>,
      %sub3A_461 = arith.subf %gather3A_459, %gather3A_460 : vector<16xf32>
      %gather3A_462 = tpu.vector_load_idx %arg24[%get3A_453] : memref<10000xf32, #tpu.memory_space<vmem>>[vector<16xi32>], vector<16xf32>,
      %gather3A_463 = tpu.vector_load_idx %arg24[%get3A_455] : memref<10000xf32, #tpu.memory_space<vmem>>[vector<16xi32>], vector<16xf32>,
      %sub3A_464 = arith.subf %gather3A_462, %gather3A_463 : vector<16xf32>
      %mul3A_465 = arith.mulf %sub3A_458, %sub3A_458 : vector<16xf32>
      %mul3A_466 = arith.mulf %sub3A_461, %sub3A_461 : vector<16xf32>
      %add3A_467 = arith.addf %mul3A_465, %mul3A_466 : vector<16xf32>
      %mul3A_468 = arith.mulf %sub3A_464, %sub3A_464 : vector<16xf32>
      %add3A_469 = arith.addf %add3A_467, %mul3A_468 : vector<16xf32>
      %mul3A_470 = arith.constant 16 : i32
      %mul3A_471 = arith.muli %scan3A_446, %mul3A_470 : i32
      %swap3A_472 = arith.index_cast %mul3A_471 : i32 to index
      %swap3A_473 = tpu.vector_load %arg19[%swap3A_472] {strides = array<i32>} : memref<80xf32, #tpu.memory_space<vmem>>, vector<16xf32>,
      tpu.vector_store %arg19[%swap3A_472], %add3A_469 {strides = array<i32>} : memref<80xf32, #tpu.memory_space<vmem>>, vector<16xf32>,
      %scan3A_474 = arith.constant 0 : i32
      %scan3A_475 = arith.constant 2 : i32
      %mul3A_476 = arith.constant 80 : i32
      %mul3A_477 = arith.muli %mul3A_384, %mul3A_476 : i32
      %mul3A_478 = arith.constant 16 : i32
      %mul3A_479 = arith.muli %scan3A_475, %mul3A_478 : i32
      %add3A_480 = arith.addi %mul3A_477, %mul3A_479 : i32
      %get3A_481 = arith.index_cast %add3A_480 : i32 to index
      %get3A_482 = tpu.vector_load %arg11[%get3A_481] {strides = array<i32>} : memref<10000xi32, #tpu.memory_space<vmem>>, vector<16xi32>,
      %get3A_483 = arith.index_cast %add3A_480 : i32 to index
      %get3A_484 = tpu.vector_load %arg12[%get3A_483] {strides = array<i32>} : memref<10000xi32, #tpu.memory_space<vmem>>, vector<16xi32>,
      %gather3A_485 = tpu.vector_load_idx %arg22[%get3A_482] : memref<10000xf32, #tpu.memory_space<vmem>>[vector<16xi32>], vector<16xf32>,
      %gather3A_486 = tpu.vector_load_idx %arg22[%get3A_484] : memref<10000xf32, #tpu.memory_space<vmem>>[vector<16xi32>], vector<16xf32>,
      %sub3A_487 = arith.subf %gather3A_485, %gather3A_486 : vector<16xf32>
      %gather3A_488 = tpu.vector_load_idx %arg23[%get3A_482] : memref<10000xf32, #tpu.memory_space<vmem>>[vector<16xi32>], vector<16xf32>,
      %gather3A_489 = tpu.vector_load_idx %arg23[%get3A_484] : memref<10000xf32, #tpu.memory_space<vmem>>[vector<16xi32>], vector<16xf32>,
      %sub3A_490 = arith.subf %gather3A_488, %gather3A_489 : vector<16xf32>
      %gather3A_491 = tpu.vector_load_idx %arg24[%get3A_482] : memref<10000xf32, #tpu.memory_space<vmem>>[vector<16xi32>], vector<16xf32>,
      %gather3A_492 = tpu.vector_load_idx %arg24[%get3A_484] : memref<10000xf32, #tpu.memory_space<vmem>>[vector<16xi32>], vector<16xf32>,
      %sub3A_493 = arith.subf %gather3A_491, %gather3A_492 : vector<16xf32>
      %mul3A_494 = arith.mulf %sub3A_487, %sub3A_487 : vector<16xf32>
      %mul3A_495 = arith.mulf %sub3A_490, %sub3A_490 : vector<16xf32>
      %add3A_496 = arith.addf %mul3A_494, %mul3A_495 : vector<16xf32>
      %mul3A_497 = arith.mulf %sub3A_493, %sub3A_493 : vector<16xf32>
      %add3A_498 = arith.addf %add3A_496, %mul3A_497 : vector<16xf32>
      %mul3A_499 = arith.constant 16 : i32
      %mul3A_500 = arith.muli %scan3A_475, %mul3A_499 : i32
      %swap3A_501 = arith.index_cast %mul3A_500 : i32 to index
      %swap3A_502 = tpu.vector_load %arg19[%swap3A_501] {strides = array<i32>} : memref<80xf32, #tpu.memory_space<vmem>>, vector<16xf32>,
      tpu.vector_store %arg19[%swap3A_501], %add3A_498 {strides = array<i32>} : memref<80xf32, #tpu.memory_space<vmem>>, vector<16xf32>,
      %scan3A_503 = arith.constant 0 : i32
      %scan3A_504 = arith.constant 3 : i32
      %mul3A_505 = arith.constant 80 : i32
      %mul3A_506 = arith.muli %mul3A_384, %mul3A_505 : i32
      %mul3A_507 = arith.constant 16 : i32
      %mul3A_508 = arith.muli %scan3A_504, %mul3A_507 : i32
      %add3A_509 = arith.addi %mul3A_506, %mul3A_508 : i32
      %get3A_510 = arith.index_cast %add3A_509 : i32 to index
      %get3A_511 = tpu.vector_load %arg11[%get3A_510] {strides = array<i32>} : memref<10000xi32, #tpu.memory_space<vmem>>, vector<16xi32>,
      %get3A_512 = arith.index_cast %add3A_509 : i32 to index
      %get3A_513 = tpu.vector_load %arg12[%get3A_512] {strides = array<i32>} : memref<10000xi32, #tpu.memory_space<vmem>>, vector<16xi32>,
      %gather3A_514 = tpu.vector_load_idx %arg22[%get3A_511] : memref<10000xf32, #tpu.memory_space<vmem>>[vector<16xi32>], vector<16xf32>,
      %gather3A_515 = tpu.vector_load_idx %arg22[%get3A_513] : memref<10000xf32, #tpu.memory_space<vmem>>[vector<16xi32>], vector<16xf32>,
      %sub3A_516 = arith.subf %gather3A_514, %gather3A_515 : vector<16xf32>
      %gather3A_517 = tpu.vector_load_idx %arg23[%get3A_511] : memref<10000xf32, #tpu.memory_space<vmem>>[vector<16xi32>], vector<16xf32>,
      %gather3A_518 = tpu.vector_load_idx %arg23[%get3A_513] : memref<10000xf32, #tpu.memory_space<vmem>>[vector<16xi32>], vector<16xf32>,
      %sub3A_519 = arith.subf %gather3A_517, %gather3A_518 : vector<16xf32>
      %gather3A_520 = tpu.vector_load_idx %arg24[%get3A_511] : memref<10000xf32, #tpu.memory_space<vmem>>[vector<16xi32>], vector<16xf32>,
      %gather3A_521 = tpu.vector_load_idx %arg24[%get3A_513] : memref<10000xf32, #tpu.memory_space<vmem>>[vector<16xi32>], vector<16xf32>,
      %sub3A_522 = arith.subf %gather3A_520, %gather3A_521 : vector<16xf32>
      %mul3A_523 = arith.mulf %sub3A_516, %sub3A_516 : vector<16xf32>
      %mul3A_524 = arith.mulf %sub3A_519, %sub3A_519 : vector<16xf32>
      %add3A_525 = arith.addf %mul3A_523, %mul3A_524 : vector<16xf32>
      %mul3A_526 = arith.mulf %sub3A_522, %sub3A_522 : vector<16xf32>
      %add3A_527 = arith.addf %add3A_525, %mul3A_526 : vector<16xf32>
      %mul3A_528 = arith.constant 16 : i32
      %mul3A_529 = arith.muli %scan3A_504, %mul3A_528 : i32
      %swap3A_530 = arith.index_cast %mul3A_529 : i32 to index
      %swap3A_531 = tpu.vector_load %arg19[%swap3A_530] {strides = array<i32>} : memref<80xf32, #tpu.memory_space<vmem>>, vector<16xf32>,
      tpu.vector_store %arg19[%swap3A_530], %add3A_527 {strides = array<i32>} : memref<80xf32, #tpu.memory_space<vmem>>, vector<16xf32>,
      %scan3A_532 = arith.constant 0 : i32
      %scan3A_533 = arith.constant 4 : i32
      %mul3A_534 = arith.constant 80 : i32
      %mul3A_535 = arith.muli %mul3A_384, %mul3A_534 : i32
      %mul3A_536 = arith.constant 16 : i32
      %mul3A_537 = arith.muli %scan3A_533, %mul3A_536 : i32
      %add3A_538 = arith.addi %mul3A_535, %mul3A_537 : i32
      %get3A_539 = arith.index_cast %add3A_538 : i32 to index
      %get3A_540 = tpu.vector_load %arg11[%get3A_539] {strides = array<i32>} : memref<10000xi32, #tpu.memory_space<vmem>>, vector<16xi32>,
      %get3A_541 = arith.index_cast %add3A_538 : i32 to index
      %get3A_542 = tpu.vector_load %arg12[%get3A_541] {strides = array<i32>} : memref<10000xi32, #tpu.memory_space<vmem>>, vector<16xi32>,
      %gather3A_543 = tpu.vector_load_idx %arg22[%get3A_540] : memref<10000xf32, #tpu.memory_space<vmem>>[vector<16xi32>], vector<16xf32>,
      %gather3A_544 = tpu.vector_load_idx %arg22[%get3A_542] : memref<10000xf32, #tpu.memory_space<vmem>>[vector<16xi32>], vector<16xf32>,
      %sub3A_545 = arith.subf %gather3A_543, %gather3A_544 : vector<16xf32>
      %gather3A_546 = tpu.vector_load_idx %arg23[%get3A_540] : memref<10000xf32, #tpu.memory_space<vmem>>[vector<16xi32>], vector<16xf32>,
      %gather3A_547 = tpu.vector_load_idx %arg23[%get3A_542] : memref<10000xf32, #tpu.memory_space<vmem>>[vector<16xi32>], vector<16xf32>,
      %sub3A_548 = arith.subf %gather3A_546, %gather3A_547 : vector<16xf32>
      %gather3A_549 = tpu.vector_load_idx %arg24[%get3A_540] : memref<10000xf32, #tpu.memory_space<vmem>>[vector<16xi32>], vector<16xf32>,
      %gather3A_550 = tpu.vector_load_idx %arg24[%get3A_542] : memref<10000xf32, #tpu.memory_space<vmem>>[vector<16xi32>], vector<16xf32>,
      %sub3A_551 = arith.subf %gather3A_549, %gather3A_550 : vector<16xf32>
      %mul3A_552 = arith.mulf %sub3A_545, %sub3A_545 : vector<16xf32>
      %mul3A_553 = arith.mulf %sub3A_548, %sub3A_548 : vector<16xf32>
      %add3A_554 = arith.addf %mul3A_552, %mul3A_553 : vector<16xf32>
      %mul3A_555 = arith.mulf %sub3A_551, %sub3A_551 : vector<16xf32>
      %add3A_556 = arith.addf %add3A_554, %mul3A_555 : vector<16xf32>
      %mul3A_557 = arith.constant 16 : i32
      %mul3A_558 = arith.muli %scan3A_533, %mul3A_557 : i32
      %swap3A_559 = arith.index_cast %mul3A_558 : i32 to index
      %swap3A_560 = tpu.vector_load %arg19[%swap3A_559] {strides = array<i32>} : memref<80xf32, #tpu.memory_space<vmem>>, vector<16xf32>,
      tpu.vector_store %arg19[%swap3A_559], %add3A_556 {strides = array<i32>} : memref<80xf32, #tpu.memory_space<vmem>>, vector<16xf32>,
      %scan3A_561 = arith.constant 0 : i32
      %scan3A_562 = arith.constant 5 : i32
      %mul3A_563 = arith.constant 80 : i32
      %mul3A_564 = arith.muli %mul3A_384, %mul3A_563 : i32
      %add3A_565 = arith.addi %mul3A_2, %mul3A_564 : i32
      %dma_start3A_566 = arith.constant 0 : i32
      %dma_start3A_567 = tpu.memref_slice %arg9[%add3A_565, %dma_start3A_566] : memref<320000x128xf32, #tpu.memory_space<hbm>> -> memref<80x128xf32, #tpu.memory_space<hbm>>
      %dma_start3A_568 = arith.constant 0 : i32
      %dma_start3A_569 = tpu.memref_slice %arg9[%add3A_565, %dma_start3A_568] : memref<320000x128xf32, #tpu.memory_space<hbm>> -> memref<80x128xf32, #tpu.memory_space<hbm>>
      tpu.enqueue_dma source(%arg13 : memref<80x128xf32, #tpu.memory_space<vmem>>) target(%dma_start3A_569 : memref<80x128xf32, #tpu.memory_space<hbm>>) target_semaphore(%arg28 : memref<!tpu.dma_semaphore, #tpu.memory_space<semaphore_mem>>)
      %dma_start3A_570 = tpu.memref_slice %arg10[%add3A_565] : memref<320000xf32, #tpu.memory_space<hbm>> -> memref<80xf32, #tpu.memory_space<hbm>>
      %dma_start3A_571 = tpu.memref_slice %arg10[%add3A_565] : memref<320000xf32, #tpu.memory_space<hbm>> -> memref<80xf32, #tpu.memory_space<hbm>>
      tpu.enqueue_dma source(%arg19 : memref<80xf32, #tpu.memory_space<vmem>>) target(%dma_start3A_571 : memref<80xf32, #tpu.memory_space<hbm>>) target_semaphore(%arg28 : memref<!tpu.dma_semaphore, #tpu.memory_space<semaphore_mem>>)
      %mul3A_572 = arith.constant 80 : i32
      %mul3A_573 = arith.muli %mul3A_384, %mul3A_572 : i32
      %add3A_574 = arith.addi %mul3A_2, %mul3A_573 : i32
      %dma_wait3A_575 = arith.constant 0 : i32
      %dma_wait3A_576 = tpu.memref_slice %arg9[%add3A_574, %dma_wait3A_575] : memref<320000x128xf32, #tpu.memory_space<hbm>> -> memref<80x128xf32, #tpu.memory_space<hbm>>
      %dma_wait3A_577 = arith.constant 0 : i32
      %dma_wait3A_578 = tpu.memref_slice %arg9[%add3A_574, %dma_wait3A_577] : memref<320000x128xf32, #tpu.memory_space<hbm>> -> memref<80x128xf32, #tpu.memory_space<hbm>>
      tpu.wait_dma2 semaphore(%arg28 : memref<!tpu.dma_semaphore, #tpu.memory_space<semaphore_mem>>) src(%arg13 : memref<80x128xf32, #tpu.memory_space<vmem>>) dst(%dma_wait3A_578 : memref<80x128xf32, #tpu.memory_space<hbm>>)
      %dma_wait3A_579 = tpu.memref_slice %arg10[%add3A_574] : memref<320000xf32, #tpu.memory_space<hbm>> -> memref<80xf32, #tpu.memory_space<hbm>>
      %dma_wait3A_580 = tpu.memref_slice %arg10[%add3A_574] : memref<320000xf32, #tpu.memory_space<hbm>> -> memref<80xf32, #tpu.memory_space<hbm>>
      tpu.wait_dma2 semaphore(%arg28 : memref<!tpu.dma_semaphore, #tpu.memory_space<semaphore_mem>>) src(%arg19 : memref<80xf32, #tpu.memory_space<vmem>>) dst(%dma_wait3A_580 : memref<80xf32, #tpu.memory_space<hbm>>)
      %add3A_581 = arith.constant 3 : i32
      %add3A_582 = arith.addi %mul3A_384, %add3A_581 : i32
      %mul3A_583 = arith.constant 80 : i32
      %mul3A_584 = arith.muli %add3A_582, %mul3A_583 : i32
      %dma_start3A_585 = tpu.memref_slice %arg11[%mul3A_584] : memref<10000xi32, #tpu.memory_space<vmem>> -> memref<80xi32, #tpu.memory_space<vmem>>
      %dma_start3A_586 = arith.constant 0 : i32
      %dma_start3A_587 = arith.constant 0 : i32
      %dma_start3A_588 = tpu.memref_slice %arg2[%dma_start3A_586, %dma_start3A_587] : memref<10000x128xf32, #tpu.memory_space<hbm>> -> memref<10000x128xf32, #tpu.memory_space<hbm>>
      tpu.enqueue_indirect_dma source(%dma_start3A_588 : memref<10000x128xf32, #tpu.memory_space<hbm>>) target(%arg13 : memref<80x128xf32, #tpu.memory_space<vmem>>) offsets(%dma_start3A_585 : memref<80xi32, #tpu.memory_space<vmem>>) semaphore(%arg25 : memref<!tpu.dma_semaphore, #tpu.memory_space<semaphore_mem>>)
      %dma_start3A_589 = tpu.memref_slice %arg12[%mul3A_584] : memref<10000xi32, #tpu.memory_space<vmem>> -> memref<80xi32, #tpu.memory_space<vmem>>
      %dma_start3A_590 = arith.constant 0 : i32
      %dma_start3A_591 = arith.constant 0 : i32
      %dma_start3A_592 = tpu.memref_slice %arg3[%dma_start3A_590, %dma_start3A_591] : memref<10000x128xf32, #tpu.memory_space<hbm>> -> memref<10000x128xf32, #tpu.memory_space<hbm>>
      tpu.enqueue_indirect_dma source(%dma_start3A_592 : memref<10000x128xf32, #tpu.memory_space<hbm>>) target(%arg14 : memref<80x128xf32, #tpu.memory_space<vmem>>) offsets(%dma_start3A_589 : memref<80xi32, #tpu.memory_space<vmem>>) semaphore(%arg25 : memref<!tpu.dma_semaphore, #tpu.memory_space<semaphore_mem>>)
      %add3A_593 = arith.constant 1 : i32
      %add3A_594 = arith.addi %mul3A_384, %add3A_593 : i32
      %mul3A_595 = arith.constant 80 : i32
      %mul3A_596 = arith.muli %add3A_594, %mul3A_595 : i32
      %dma_wait3A_597 = tpu.memref_slice %arg11[%mul3A_596] : memref<10000xi32, #tpu.memory_space<vmem>> -> memref<80xi32, #tpu.memory_space<vmem>>
      %dma_wait3A_598 = arith.constant 0 : i32
      %dma_wait3A_599 = arith.constant 0 : i32
      %dma_wait3A_600 = tpu.memref_slice %arg2[%dma_wait3A_598, %dma_wait3A_599] : memref<10000x128xf32, #tpu.memory_space<hbm>> -> memref<10000x128xf32, #tpu.memory_space<hbm>>
      tpu.wait_indirect_dma semaphore(%arg26 : memref<!tpu.dma_semaphore, #tpu.memory_space<semaphore_mem>>) src(%dma_wait3A_600 : memref<10000x128xf32, #tpu.memory_space<hbm>>) dst(%arg15 : memref<80x128xf32, #tpu.memory_space<vmem>>)
      %dma_wait3A_601 = tpu.memref_slice %arg12[%mul3A_596] : memref<10000xi32, #tpu.memory_space<vmem>> -> memref<80xi32, #tpu.memory_space<vmem>>
      %dma_wait3A_602 = arith.constant 0 : i32
      %dma_wait3A_603 = arith.constant 0 : i32
      %dma_wait3A_604 = tpu.memref_slice %arg3[%dma_wait3A_602, %dma_wait3A_603] : memref<10000x128xf32, #tpu.memory_space<hbm>> -> memref<10000x128xf32, #tpu.memory_space<hbm>>
      tpu.wait_indirect_dma semaphore(%arg26 : memref<!tpu.dma_semaphore, #tpu.memory_space<semaphore_mem>>) src(%dma_wait3A_604 : memref<10000x128xf32, #tpu.memory_space<hbm>>) dst(%arg16 : memref<80x128xf32, #tpu.memory_space<vmem>>)
      %scan3A_605 = arith.constant 0 : i32
      %scan3A_606 = arith.constant 0 : i32
      %scan3A_607 = arith.constant 80 : i32
      %scan3A_608 = arith.addi %scan3A_606, %scan3A_607 : i32
      %scan3A_609 = arith.constant 2 : i32
      %scan3A_610 = scf.for %scan3A_967 = %scan3A_606 to %scan3A_608 step %scan3A_609 iter_args(%scan3A_968 = %scan3A_605) -> (i32)  : i32 {
        %get3A_969 = arith.index_cast %scan3A_967 : i32 to index
        %get3A_970 = arith.constant 0 : index
        %get3A_971 = tpu.vector_load %arg15[%get3A_969, %get3A_970] {strides = array<i32>} : memref<80x128xf32, #tpu.memory_space<vmem>>, vector<16xf32>,
        %get3A_972 = arith.index_cast %scan3A_967 : i32 to index
        %get3A_973 = arith.constant 0 : index
        %get3A_974 = tpu.vector_load %arg16[%get3A_972, %get3A_973] {strides = array<i32>} : memref<80x128xf32, #tpu.memory_space<vmem>>, vector<16xf32>,
        %add3A_975 = arith.addf %get3A_971, %get3A_974 : vector<16xf32>
        %swap3A_976 = arith.index_cast %scan3A_967 : i32 to index
        %swap3A_977 = arith.constant 0 : index
        %swap3A_978 = tpu.vector_load %arg15[%swap3A_976, %swap3A_977] {strides = array<i32>} : memref<80x128xf32, #tpu.memory_space<vmem>>, vector<16xf32>,
        tpu.vector_store %arg15[%swap3A_976, %swap3A_977], %add3A_975 {strides = array<i32>} : memref<80x128xf32, #tpu.memory_space<vmem>>, vector<16xf32>,
        %get3A_979 = arith.index_cast %scan3A_967 : i32 to index
        %get3A_980 = arith.constant 16 : index
        %get3A_981 = tpu.vector_load %arg15[%get3A_979, %get3A_980] {strides = array<i32>} : memref<80x128xf32, #tpu.memory_space<vmem>>, vector<16xf32>,
        %get3A_982 = arith.index_cast %scan3A_967 : i32 to index
        %get3A_983 = arith.constant 16 : index
        %get3A_984 = tpu.vector_load %arg16[%get3A_982, %get3A_983] {strides = array<i32>} : memref<80x128xf32, #tpu.memory_space<vmem>>, vector<16xf32>,
        %add3A_985 = arith.addf %get3A_981, %get3A_984 : vector<16xf32>
        %swap3A_986 = arith.index_cast %scan3A_967 : i32 to index
        %swap3A_987 = arith.constant 16 : index
        %swap3A_988 = tpu.vector_load %arg15[%swap3A_986, %swap3A_987] {strides = array<i32>} : memref<80x128xf32, #tpu.memory_space<vmem>>, vector<16xf32>,
        tpu.vector_store %arg15[%swap3A_986, %swap3A_987], %add3A_985 {strides = array<i32>} : memref<80x128xf32, #tpu.memory_space<vmem>>, vector<16xf32>,
        %get3A_989 = arith.index_cast %scan3A_967 : i32 to index
        %get3A_990 = arith.constant 32 : index
        %get3A_991 = tpu.vector_load %arg15[%get3A_989, %get3A_990] {strides = array<i32>} : memref<80x128xf32, #tpu.memory_space<vmem>>, vector<16xf32>,
        %get3A_992 = arith.index_cast %scan3A_967 : i32 to index
        %get3A_993 = arith.constant 32 : index
        %get3A_994 = tpu.vector_load %arg16[%get3A_992, %get3A_993] {strides = array<i32>} : memref<80x128xf32, #tpu.memory_space<vmem>>, vector<16xf32>,
        %add3A_995 = arith.addf %get3A_991, %get3A_994 : vector<16xf32>
        %swap3A_996 = arith.index_cast %scan3A_967 : i32 to index
        %swap3A_997 = arith.constant 32 : index
        %swap3A_998 = tpu.vector_load %arg15[%swap3A_996, %swap3A_997] {strides = array<i32>} : memref<80x128xf32, #tpu.memory_space<vmem>>, vector<16xf32>,
        tpu.vector_store %arg15[%swap3A_996, %swap3A_997], %add3A_995 {strides = array<i32>} : memref<80x128xf32, #tpu.memory_space<vmem>>, vector<16xf32>,
        %get3A_999 = arith.index_cast %scan3A_967 : i32 to index
        %get3A_1000 = arith.constant 48 : index
        %get3A_1001 = tpu.vector_load %arg15[%get3A_999, %get3A_1000] {strides = array<i32>} : memref<80x128xf32, #tpu.memory_space<vmem>>, vector<16xf32>,
        %get3A_1002 = arith.index_cast %scan3A_967 : i32 to index
        %get3A_1003 = arith.constant 48 : index
        %get3A_1004 = tpu.vector_load %arg16[%get3A_1002, %get3A_1003] {strides = array<i32>} : memref<80x128xf32, #tpu.memory_space<vmem>>, vector<16xf32>,
        %add3A_1005 = arith.addf %get3A_1001, %get3A_1004 : vector<16xf32>
        %swap3A_1006 = arith.index_cast %scan3A_967 : i32 to index
        %swap3A_1007 = arith.constant 48 : index
        %swap3A_1008 = tpu.vector_load %arg15[%swap3A_1006, %swap3A_1007] {strides = array<i32>} : memref<80x128xf32, #tpu.memory_space<vmem>>, vector<16xf32>,
        tpu.vector_store %arg15[%swap3A_1006, %swap3A_1007], %add3A_1005 {strides = array<i32>} : memref<80x128xf32, #tpu.memory_space<vmem>>, vector<16xf32>,
        %get3A_1009 = arith.index_cast %scan3A_967 : i32 to index
        %get3A_1010 = arith.constant 64 : index
        %get3A_1011 = tpu.vector_load %arg15[%get3A_1009, %get3A_1010] {strides = array<i32>} : memref<80x128xf32, #tpu.memory_space<vmem>>, vector<16xf32>,
        %get3A_1012 = arith.index_cast %scan3A_967 : i32 to index
        %get3A_1013 = arith.constant 64 : index
        %get3A_1014 = tpu.vector_load %arg16[%get3A_1012, %get3A_1013] {strides = array<i32>} : memref<80x128xf32, #tpu.memory_space<vmem>>, vector<16xf32>,
        %add3A_1015 = arith.addf %get3A_1011, %get3A_1014 : vector<16xf32>
        %swap3A_1016 = arith.index_cast %scan3A_967 : i32 to index
        %swap3A_1017 = arith.constant 64 : index
        %swap3A_1018 = tpu.vector_load %arg15[%swap3A_1016, %swap3A_1017] {strides = array<i32>} : memref<80x128xf32, #tpu.memory_space<vmem>>, vector<16xf32>,
        tpu.vector_store %arg15[%swap3A_1016, %swap3A_1017], %add3A_1015 {strides = array<i32>} : memref<80x128xf32, #tpu.memory_space<vmem>>, vector<16xf32>,
        %get3A_1019 = arith.index_cast %scan3A_967 : i32 to index
        %get3A_1020 = arith.constant 80 : index
        %get3A_1021 = tpu.vector_load %arg15[%get3A_1019, %get3A_1020] {strides = array<i32>} : memref<80x128xf32, #tpu.memory_space<vmem>>, vector<16xf32>,
        %get3A_1022 = arith.index_cast %scan3A_967 : i32 to index
        %get3A_1023 = arith.constant 80 : index
        %get3A_1024 = tpu.vector_load %arg16[%get3A_1022, %get3A_1023] {strides = array<i32>} : memref<80x128xf32, #tpu.memory_space<vmem>>, vector<16xf32>,
        %add3A_1025 = arith.addf %get3A_1021, %get3A_1024 : vector<16xf32>
        %swap3A_1026 = arith.index_cast %scan3A_967 : i32 to index
        %swap3A_1027 = arith.constant 80 : index
        %swap3A_1028 = tpu.vector_load %arg15[%swap3A_1026, %swap3A_1027] {strides = array<i32>} : memref<80x128xf32, #tpu.memory_space<vmem>>, vector<16xf32>,
        tpu.vector_store %arg15[%swap3A_1026, %swap3A_1027], %add3A_1025 {strides = array<i32>} : memref<80x128xf32, #tpu.memory_space<vmem>>, vector<16xf32>,
        %get3A_1029 = arith.index_cast %scan3A_967 : i32 to index
        %get3A_1030 = arith.constant 96 : index
        %get3A_1031 = tpu.vector_load %arg15[%get3A_1029, %get3A_1030] {strides = array<i32>} : memref<80x128xf32, #tpu.memory_space<vmem>>, vector<16xf32>,
        %get3A_1032 = arith.index_cast %scan3A_967 : i32 to index
        %get3A_1033 = arith.constant 96 : index
        %get3A_1034 = tpu.vector_load %arg16[%get3A_1032, %get3A_1033] {strides = array<i32>} : memref<80x128xf32, #tpu.memory_space<vmem>>, vector<16xf32>,
        %add3A_1035 = arith.addf %get3A_1031, %get3A_1034 : vector<16xf32>
        %swap3A_1036 = arith.index_cast %scan3A_967 : i32 to index
        %swap3A_1037 = arith.constant 96 : index
        %swap3A_1038 = tpu.vector_load %arg15[%swap3A_1036, %swap3A_1037] {strides = array<i32>} : memref<80x128xf32, #tpu.memory_space<vmem>>, vector<16xf32>,
        tpu.vector_store %arg15[%swap3A_1036, %swap3A_1037], %add3A_1035 {strides = array<i32>} : memref<80x128xf32, #tpu.memory_space<vmem>>, vector<16xf32>,
        %get3A_1039 = arith.index_cast %scan3A_967 : i32 to index
        %get3A_1040 = arith.constant 112 : index
        %get3A_1041 = tpu.vector_load %arg15[%get3A_1039, %get3A_1040] {strides = array<i32>} : memref<80x128xf32, #tpu.memory_space<vmem>>, vector<16xf32>,
        %get3A_1042 = arith.index_cast %scan3A_967 : i32 to index
        %get3A_1043 = arith.constant 112 : index
        %get3A_1044 = tpu.vector_load %arg16[%get3A_1042, %get3A_1043] {strides = array<i32>} : memref<80x128xf32, #tpu.memory_space<vmem>>, vector<16xf32>,
        %add3A_1045 = arith.addf %get3A_1041, %get3A_1044 : vector<16xf32>
        %swap3A_1046 = arith.index_cast %scan3A_967 : i32 to index
        %swap3A_1047 = arith.constant 112 : index
        %swap3A_1048 = tpu.vector_load %arg15[%swap3A_1046, %swap3A_1047] {strides = array<i32>} : memref<80x128xf32, #tpu.memory_space<vmem>>, vector<16xf32>,
        tpu.vector_store %arg15[%swap3A_1046, %swap3A_1047], %add3A_1045 {strides = array<i32>} : memref<80x128xf32, #tpu.memory_space<vmem>>, vector<16xf32>,
        %scan3A_1049 = arith.constant 0 : i32
        %scan3A_1050 = arith.constant 1 : i32
        %scan3A_1051 = arith.addi %scan3A_967, %scan3A_1050 : i32
        %get3A_1052 = arith.index_cast %scan3A_1051 : i32 to index
        %get3A_1053 = arith.constant 0 : index
        %get3A_1054 = tpu.vector_load %arg15[%get3A_1052, %get3A_1053] {strides = array<i32>} : memref<80x128xf32, #tpu.memory_space<vmem>>, vector<16xf32>,
        %get3A_1055 = arith.index_cast %scan3A_1051 : i32 to index
        %get3A_1056 = arith.constant 0 : index
        %get3A_1057 = tpu.vector_load %arg16[%get3A_1055, %get3A_1056] {strides = array<i32>} : memref<80x128xf32, #tpu.memory_space<vmem>>, vector<16xf32>,
        %add3A_1058 = arith.addf %get3A_1054, %get3A_1057 : vector<16xf32>
        %swap3A_1059 = arith.index_cast %scan3A_1051 : i32 to index
        %swap3A_1060 = arith.constant 0 : index
        %swap3A_1061 = tpu.vector_load %arg15[%swap3A_1059, %swap3A_1060] {strides = array<i32>} : memref<80x128xf32, #tpu.memory_space<vmem>>, vector<16xf32>,
        tpu.vector_store %arg15[%swap3A_1059, %swap3A_1060], %add3A_1058 {strides = array<i32>} : memref<80x128xf32, #tpu.memory_space<vmem>>, vector<16xf32>,
        %get3A_1062 = arith.index_cast %scan3A_1051 : i32 to index
        %get3A_1063 = arith.constant 16 : index
        %get3A_1064 = tpu.vector_load %arg15[%get3A_1062, %get3A_1063] {strides = array<i32>} : memref<80x128xf32, #tpu.memory_space<vmem>>, vector<16xf32>,
        %get3A_1065 = arith.index_cast %scan3A_1051 : i32 to index
        %get3A_1066 = arith.constant 16 : index
        %get3A_1067 = tpu.vector_load %arg16[%get3A_1065, %get3A_1066] {strides = array<i32>} : memref<80x128xf32, #tpu.memory_space<vmem>>, vector<16xf32>,
        %add3A_1068 = arith.addf %get3A_1064, %get3A_1067 : vector<16xf32>
        %swap3A_1069 = arith.index_cast %scan3A_1051 : i32 to index
        %swap3A_1070 = arith.constant 16 : index
        %swap3A_1071 = tpu.vector_load %arg15[%swap3A_1069, %swap3A_1070] {strides = array<i32>} : memref<80x128xf32, #tpu.memory_space<vmem>>, vector<16xf32>,
        tpu.vector_store %arg15[%swap3A_1069, %swap3A_1070], %add3A_1068 {strides = array<i32>} : memref<80x128xf32, #tpu.memory_space<vmem>>, vector<16xf32>,
        %get3A_1072 = arith.index_cast %scan3A_1051 : i32 to index
        %get3A_1073 = arith.constant 32 : index
        %get3A_1074 = tpu.vector_load %arg15[%get3A_1072, %get3A_1073] {strides = array<i32>} : memref<80x128xf32, #tpu.memory_space<vmem>>, vector<16xf32>,
        %get3A_1075 = arith.index_cast %scan3A_1051 : i32 to index
        %get3A_1076 = arith.constant 32 : index
        %get3A_1077 = tpu.vector_load %arg16[%get3A_1075, %get3A_1076] {strides = array<i32>} : memref<80x128xf32, #tpu.memory_space<vmem>>, vector<16xf32>,
        %add3A_1078 = arith.addf %get3A_1074, %get3A_1077 : vector<16xf32>
        %swap3A_1079 = arith.index_cast %scan3A_1051 : i32 to index
        %swap3A_1080 = arith.constant 32 : index
        %swap3A_1081 = tpu.vector_load %arg15[%swap3A_1079, %swap3A_1080] {strides = array<i32>} : memref<80x128xf32, #tpu.memory_space<vmem>>, vector<16xf32>,
        tpu.vector_store %arg15[%swap3A_1079, %swap3A_1080], %add3A_1078 {strides = array<i32>} : memref<80x128xf32, #tpu.memory_space<vmem>>, vector<16xf32>,
        %get3A_1082 = arith.index_cast %scan3A_1051 : i32 to index
        %get3A_1083 = arith.constant 48 : index
        %get3A_1084 = tpu.vector_load %arg15[%get3A_1082, %get3A_1083] {strides = array<i32>} : memref<80x128xf32, #tpu.memory_space<vmem>>, vector<16xf32>,
        %get3A_1085 = arith.index_cast %scan3A_1051 : i32 to index
        %get3A_1086 = arith.constant 48 : index
        %get3A_1087 = tpu.vector_load %arg16[%get3A_1085, %get3A_1086] {strides = array<i32>} : memref<80x128xf32, #tpu.memory_space<vmem>>, vector<16xf32>,
        %add3A_1088 = arith.addf %get3A_1084, %get3A_1087 : vector<16xf32>
        %swap3A_1089 = arith.index_cast %scan3A_1051 : i32 to index
        %swap3A_1090 = arith.constant 48 : index
        %swap3A_1091 = tpu.vector_load %arg15[%swap3A_1089, %swap3A_1090] {strides = array<i32>} : memref<80x128xf32, #tpu.memory_space<vmem>>, vector<16xf32>,
        tpu.vector_store %arg15[%swap3A_1089, %swap3A_1090], %add3A_1088 {strides = array<i32>} : memref<80x128xf32, #tpu.memory_space<vmem>>, vector<16xf32>,
        %get3A_1092 = arith.index_cast %scan3A_1051 : i32 to index
        %get3A_1093 = arith.constant 64 : index
        %get3A_1094 = tpu.vector_load %arg15[%get3A_1092, %get3A_1093] {strides = array<i32>} : memref<80x128xf32, #tpu.memory_space<vmem>>, vector<16xf32>,
        %get3A_1095 = arith.index_cast %scan3A_1051 : i32 to index
        %get3A_1096 = arith.constant 64 : index
        %get3A_1097 = tpu.vector_load %arg16[%get3A_1095, %get3A_1096] {strides = array<i32>} : memref<80x128xf32, #tpu.memory_space<vmem>>, vector<16xf32>,
        %add3A_1098 = arith.addf %get3A_1094, %get3A_1097 : vector<16xf32>
        %swap3A_1099 = arith.index_cast %scan3A_1051 : i32 to index
        %swap3A_1100 = arith.constant 64 : index
        %swap3A_1101 = tpu.vector_load %arg15[%swap3A_1099, %swap3A_1100] {strides = array<i32>} : memref<80x128xf32, #tpu.memory_space<vmem>>, vector<16xf32>,
        tpu.vector_store %arg15[%swap3A_1099, %swap3A_1100], %add3A_1098 {strides = array<i32>} : memref<80x128xf32, #tpu.memory_space<vmem>>, vector<16xf32>,
        %get3A_1102 = arith.index_cast %scan3A_1051 : i32 to index
        %get3A_1103 = arith.constant 80 : index
        %get3A_1104 = tpu.vector_load %arg15[%get3A_1102, %get3A_1103] {strides = array<i32>} : memref<80x128xf32, #tpu.memory_space<vmem>>, vector<16xf32>,
        %get3A_1105 = arith.index_cast %scan3A_1051 : i32 to index
        %get3A_1106 = arith.constant 80 : index
        %get3A_1107 = tpu.vector_load %arg16[%get3A_1105, %get3A_1106] {strides = array<i32>} : memref<80x128xf32, #tpu.memory_space<vmem>>, vector<16xf32>,
        %add3A_1108 = arith.addf %get3A_1104, %get3A_1107 : vector<16xf32>
        %swap3A_1109 = arith.index_cast %scan3A_1051 : i32 to index
        %swap3A_1110 = arith.constant 80 : index
        %swap3A_1111 = tpu.vector_load %arg15[%swap3A_1109, %swap3A_1110] {strides = array<i32>} : memref<80x128xf32, #tpu.memory_space<vmem>>, vector<16xf32>,
        tpu.vector_store %arg15[%swap3A_1109, %swap3A_1110], %add3A_1108 {strides = array<i32>} : memref<80x128xf32, #tpu.memory_space<vmem>>, vector<16xf32>,
        %get3A_1112 = arith.index_cast %scan3A_1051 : i32 to index
        %get3A_1113 = arith.constant 96 : index
        %get3A_1114 = tpu.vector_load %arg15[%get3A_1112, %get3A_1113] {strides = array<i32>} : memref<80x128xf32, #tpu.memory_space<vmem>>, vector<16xf32>,
        %get3A_1115 = arith.index_cast %scan3A_1051 : i32 to index
        %get3A_1116 = arith.constant 96 : index
        %get3A_1117 = tpu.vector_load %arg16[%get3A_1115, %get3A_1116] {strides = array<i32>} : memref<80x128xf32, #tpu.memory_space<vmem>>, vector<16xf32>,
        %add3A_1118 = arith.addf %get3A_1114, %get3A_1117 : vector<16xf32>
        %swap3A_1119 = arith.index_cast %scan3A_1051 : i32 to index
        %swap3A_1120 = arith.constant 96 : index
        %swap3A_1121 = tpu.vector_load %arg15[%swap3A_1119, %swap3A_1120] {strides = array<i32>} : memref<80x128xf32, #tpu.memory_space<vmem>>, vector<16xf32>,
        tpu.vector_store %arg15[%swap3A_1119, %swap3A_1120], %add3A_1118 {strides = array<i32>} : memref<80x128xf32, #tpu.memory_space<vmem>>, vector<16xf32>,
        %get3A_1122 = arith.index_cast %scan3A_1051 : i32 to index
        %get3A_1123 = arith.constant 112 : index
        %get3A_1124 = tpu.vector_load %arg15[%get3A_1122, %get3A_1123] {strides = array<i32>} : memref<80x128xf32, #tpu.memory_space<vmem>>, vector<16xf32>,
        %get3A_1125 = arith.index_cast %scan3A_1051 : i32 to index
        %get3A_1126 = arith.constant 112 : index
        %get3A_1127 = tpu.vector_load %arg16[%get3A_1125, %get3A_1126] {strides = array<i32>} : memref<80x128xf32, #tpu.memory_space<vmem>>, vector<16xf32>,
        %add3A_1128 = arith.addf %get3A_1124, %get3A_1127 : vector<16xf32>
        %swap3A_1129 = arith.index_cast %scan3A_1051 : i32 to index
        %swap3A_1130 = arith.constant 112 : index
        %swap3A_1131 = tpu.vector_load %arg15[%swap3A_1129, %swap3A_1130] {strides = array<i32>} : memref<80x128xf32, #tpu.memory_space<vmem>>, vector<16xf32>,
        tpu.vector_store %arg15[%swap3A_1129, %swap3A_1130], %add3A_1128 {strides = array<i32>} : memref<80x128xf32, #tpu.memory_space<vmem>>, vector<16xf32>,
        %scan3A_1132 = arith.constant 0 : i32
        scf.yield %scan3A_1132 : i32
      }
      %scan3A_611 = arith.constant 80 : i32
      %scan3A_612 = arith.constant 0 : i32
      %scan3A_613 = arith.constant 0 : i32
      %mul3A_614 = arith.constant 80 : i32
      %mul3A_615 = arith.muli %add3A_594, %mul3A_614 : i32
      %mul3A_616 = arith.constant 16 : i32
      %mul3A_617 = arith.muli %scan3A_613, %mul3A_616 : i32
      %add3A_618 = arith.addi %mul3A_615, %mul3A_617 : i32
      %get3A_619 = arith.index_cast %add3A_618 : i32 to index
      %get3A_620 = tpu.vector_load %arg11[%get3A_619] {strides = array<i32>} : memref<10000xi32, #tpu.memory_space<vmem>>, vector<16xi32>,
      %get3A_621 = arith.index_cast %add3A_618 : i32 to index
      %get3A_622 = tpu.vector_load %arg12[%get3A_621] {strides = array<i32>} : memref<10000xi32, #tpu.memory_space<vmem>>, vector<16xi32>,
      %gather3A_623 = tpu.vector_load_idx %arg22[%get3A_620] : memref<10000xf32, #tpu.memory_space<vmem>>[vector<16xi32>], vector<16xf32>,
      %gather3A_624 = tpu.vector_load_idx %arg22[%get3A_622] : memref<10000xf32, #tpu.memory_space<vmem>>[vector<16xi32>], vector<16xf32>,
      %sub3A_625 = arith.subf %gather3A_623, %gather3A_624 : vector<16xf32>
      %gather3A_626 = tpu.vector_load_idx %arg23[%get3A_620] : memref<10000xf32, #tpu.memory_space<vmem>>[vector<16xi32>], vector<16xf32>,
      %gather3A_627 = tpu.vector_load_idx %arg23[%get3A_622] : memref<10000xf32, #tpu.memory_space<vmem>>[vector<16xi32>], vector<16xf32>,
      %sub3A_628 = arith.subf %gather3A_626, %gather3A_627 : vector<16xf32>
      %gather3A_629 = tpu.vector_load_idx %arg24[%get3A_620] : memref<10000xf32, #tpu.memory_space<vmem>>[vector<16xi32>], vector<16xf32>,
      %gather3A_630 = tpu.vector_load_idx %arg24[%get3A_622] : memref<10000xf32, #tpu.memory_space<vmem>>[vector<16xi32>], vector<16xf32>,
      %sub3A_631 = arith.subf %gather3A_629, %gather3A_630 : vector<16xf32>
      %mul3A_632 = arith.mulf %sub3A_625, %sub3A_625 : vector<16xf32>
      %mul3A_633 = arith.mulf %sub3A_628, %sub3A_628 : vector<16xf32>
      %add3A_634 = arith.addf %mul3A_632, %mul3A_633 : vector<16xf32>
      %mul3A_635 = arith.mulf %sub3A_631, %sub3A_631 : vector<16xf32>
      %add3A_636 = arith.addf %add3A_634, %mul3A_635 : vector<16xf32>
      %mul3A_637 = arith.constant 16 : i32
      %mul3A_638 = arith.muli %scan3A_613, %mul3A_637 : i32
      %swap3A_639 = arith.index_cast %mul3A_638 : i32 to index
      %swap3A_640 = tpu.vector_load %arg20[%swap3A_639] {strides = array<i32>} : memref<80xf32, #tpu.memory_space<vmem>>, vector<16xf32>,
      tpu.vector_store %arg20[%swap3A_639], %add3A_636 {strides = array<i32>} : memref<80xf32, #tpu.memory_space<vmem>>, vector<16xf32>,
      %scan3A_641 = arith.constant 0 : i32
      %scan3A_642 = arith.constant 1 : i32
      %mul3A_643 = arith.constant 80 : i32
      %mul3A_644 = arith.muli %add3A_594, %mul3A_643 : i32
      %mul3A_645 = arith.constant 16 : i32
      %mul3A_646 = arith.muli %scan3A_642, %mul3A_645 : i32
      %add3A_647 = arith.addi %mul3A_644, %mul3A_646 : i32
      %get3A_648 = arith.index_cast %add3A_647 : i32 to index
      %get3A_649 = tpu.vector_load %arg11[%get3A_648] {strides = array<i32>} : memref<10000xi32, #tpu.memory_space<vmem>>, vector<16xi32>,
      %get3A_650 = arith.index_cast %add3A_647 : i32 to index
      %get3A_651 = tpu.vector_load %arg12[%get3A_650] {strides = array<i32>} : memref<10000xi32, #tpu.memory_space<vmem>>, vector<16xi32>,
      %gather3A_652 = tpu.vector_load_idx %arg22[%get3A_649] : memref<10000xf32, #tpu.memory_space<vmem>>[vector<16xi32>], vector<16xf32>,
      %gather3A_653 = tpu.vector_load_idx %arg22[%get3A_651] : memref<10000xf32, #tpu.memory_space<vmem>>[vector<16xi32>], vector<16xf32>,
      %sub3A_654 = arith.subf %gather3A_652, %gather3A_653 : vector<16xf32>
      %gather3A_655 = tpu.vector_load_idx %arg23[%get3A_649] : memref<10000xf32, #tpu.memory_space<vmem>>[vector<16xi32>], vector<16xf32>,
      %gather3A_656 = tpu.vector_load_idx %arg23[%get3A_651] : memref<10000xf32, #tpu.memory_space<vmem>>[vector<16xi32>], vector<16xf32>,
      %sub3A_657 = arith.subf %gather3A_655, %gather3A_656 : vector<16xf32>
      %gather3A_658 = tpu.vector_load_idx %arg24[%get3A_649] : memref<10000xf32, #tpu.memory_space<vmem>>[vector<16xi32>], vector<16xf32>,
      %gather3A_659 = tpu.vector_load_idx %arg24[%get3A_651] : memref<10000xf32, #tpu.memory_space<vmem>>[vector<16xi32>], vector<16xf32>,
      %sub3A_660 = arith.subf %gather3A_658, %gather3A_659 : vector<16xf32>
      %mul3A_661 = arith.mulf %sub3A_654, %sub3A_654 : vector<16xf32>
      %mul3A_662 = arith.mulf %sub3A_657, %sub3A_657 : vector<16xf32>
      %add3A_663 = arith.addf %mul3A_661, %mul3A_662 : vector<16xf32>
      %mul3A_664 = arith.mulf %sub3A_660, %sub3A_660 : vector<16xf32>
      %add3A_665 = arith.addf %add3A_663, %mul3A_664 : vector<16xf32>
      %mul3A_666 = arith.constant 16 : i32
      %mul3A_667 = arith.muli %scan3A_642, %mul3A_666 : i32
      %swap3A_668 = arith.index_cast %mul3A_667 : i32 to index
      %swap3A_669 = tpu.vector_load %arg20[%swap3A_668] {strides = array<i32>} : memref<80xf32, #tpu.memory_space<vmem>>, vector<16xf32>,
      tpu.vector_store %arg20[%swap3A_668], %add3A_665 {strides = array<i32>} : memref<80xf32, #tpu.memory_space<vmem>>, vector<16xf32>,
      %scan3A_670 = arith.constant 0 : i32
      %scan3A_671 = arith.constant 2 : i32
      %mul3A_672 = arith.constant 80 : i32
      %mul3A_673 = arith.muli %add3A_594, %mul3A_672 : i32
      %mul3A_674 = arith.constant 16 : i32
      %mul3A_675 = arith.muli %scan3A_671, %mul3A_674 : i32
      %add3A_676 = arith.addi %mul3A_673, %mul3A_675 : i32
      %get3A_677 = arith.index_cast %add3A_676 : i32 to index
      %get3A_678 = tpu.vector_load %arg11[%get3A_677] {strides = array<i32>} : memref<10000xi32, #tpu.memory_space<vmem>>, vector<16xi32>,
      %get3A_679 = arith.index_cast %add3A_676 : i32 to index
      %get3A_680 = tpu.vector_load %arg12[%get3A_679] {strides = array<i32>} : memref<10000xi32, #tpu.memory_space<vmem>>, vector<16xi32>,
      %gather3A_681 = tpu.vector_load_idx %arg22[%get3A_678] : memref<10000xf32, #tpu.memory_space<vmem>>[vector<16xi32>], vector<16xf32>,
      %gather3A_682 = tpu.vector_load_idx %arg22[%get3A_680] : memref<10000xf32, #tpu.memory_space<vmem>>[vector<16xi32>], vector<16xf32>,
      %sub3A_683 = arith.subf %gather3A_681, %gather3A_682 : vector<16xf32>
      %gather3A_684 = tpu.vector_load_idx %arg23[%get3A_678] : memref<10000xf32, #tpu.memory_space<vmem>>[vector<16xi32>], vector<16xf32>,
      %gather3A_685 = tpu.vector_load_idx %arg23[%get3A_680] : memref<10000xf32, #tpu.memory_space<vmem>>[vector<16xi32>], vector<16xf32>,
      %sub3A_686 = arith.subf %gather3A_684, %gather3A_685 : vector<16xf32>
      %gather3A_687 = tpu.vector_load_idx %arg24[%get3A_678] : memref<10000xf32, #tpu.memory_space<vmem>>[vector<16xi32>], vector<16xf32>,
      %gather3A_688 = tpu.vector_load_idx %arg24[%get3A_680] : memref<10000xf32, #tpu.memory_space<vmem>>[vector<16xi32>], vector<16xf32>,
      %sub3A_689 = arith.subf %gather3A_687, %gather3A_688 : vector<16xf32>
      %mul3A_690 = arith.mulf %sub3A_683, %sub3A_683 : vector<16xf32>
      %mul3A_691 = arith.mulf %sub3A_686, %sub3A_686 : vector<16xf32>
      %add3A_692 = arith.addf %mul3A_690, %mul3A_691 : vector<16xf32>
      %mul3A_693 = arith.mulf %sub3A_689, %sub3A_689 : vector<16xf32>
      %add3A_694 = arith.addf %add3A_692, %mul3A_693 : vector<16xf32>
      %mul3A_695 = arith.constant 16 : i32
      %mul3A_696 = arith.muli %scan3A_671, %mul3A_695 : i32
      %swap3A_697 = arith.index_cast %mul3A_696 : i32 to index
      %swap3A_698 = tpu.vector_load %arg20[%swap3A_697] {strides = array<i32>} : memref<80xf32, #tpu.memory_space<vmem>>, vector<16xf32>,
      tpu.vector_store %arg20[%swap3A_697], %add3A_694 {strides = array<i32>} : memref<80xf32, #tpu.memory_space<vmem>>, vector<16xf32>,
      %scan3A_699 = arith.constant 0 : i32
      %scan3A_700 = arith.constant 3 : i32
      %mul3A_701 = arith.constant 80 : i32
      %mul3A_702 = arith.muli %add3A_594, %mul3A_701 : i32
      %mul3A_703 = arith.constant 16 : i32
      %mul3A_704 = arith.muli %scan3A_700, %mul3A_703 : i32
      %add3A_705 = arith.addi %mul3A_702, %mul3A_704 : i32
      %get3A_706 = arith.index_cast %add3A_705 : i32 to index
      %get3A_707 = tpu.vector_load %arg11[%get3A_706] {strides = array<i32>} : memref<10000xi32, #tpu.memory_space<vmem>>, vector<16xi32>,
      %get3A_708 = arith.index_cast %add3A_705 : i32 to index
      %get3A_709 = tpu.vector_load %arg12[%get3A_708] {strides = array<i32>} : memref<10000xi32, #tpu.memory_space<vmem>>, vector<16xi32>,
      %gather3A_710 = tpu.vector_load_idx %arg22[%get3A_707] : memref<10000xf32, #tpu.memory_space<vmem>>[vector<16xi32>], vector<16xf32>,
      %gather3A_711 = tpu.vector_load_idx %arg22[%get3A_709] : memref<10000xf32, #tpu.memory_space<vmem>>[vector<16xi32>], vector<16xf32>,
      %sub3A_712 = arith.subf %gather3A_710, %gather3A_711 : vector<16xf32>
      %gather3A_713 = tpu.vector_load_idx %arg23[%get3A_707] : memref<10000xf32, #tpu.memory_space<vmem>>[vector<16xi32>], vector<16xf32>,
      %gather3A_714 = tpu.vector_load_idx %arg23[%get3A_709] : memref<10000xf32, #tpu.memory_space<vmem>>[vector<16xi32>], vector<16xf32>,
      %sub3A_715 = arith.subf %gather3A_713, %gather3A_714 : vector<16xf32>
      %gather3A_716 = tpu.vector_load_idx %arg24[%get3A_707] : memref<10000xf32, #tpu.memory_space<vmem>>[vector<16xi32>], vector<16xf32>,
      %gather3A_717 = tpu.vector_load_idx %arg24[%get3A_709] : memref<10000xf32, #tpu.memory_space<vmem>>[vector<16xi32>], vector<16xf32>,
      %sub3A_718 = arith.subf %gather3A_716, %gather3A_717 : vector<16xf32>
      %mul3A_719 = arith.mulf %sub3A_712, %sub3A_712 : vector<16xf32>
      %mul3A_720 = arith.mulf %sub3A_715, %sub3A_715 : vector<16xf32>
      %add3A_721 = arith.addf %mul3A_719, %mul3A_720 : vector<16xf32>
      %mul3A_722 = arith.mulf %sub3A_718, %sub3A_718 : vector<16xf32>
      %add3A_723 = arith.addf %add3A_721, %mul3A_722 : vector<16xf32>
      %mul3A_724 = arith.constant 16 : i32
      %mul3A_725 = arith.muli %scan3A_700, %mul3A_724 : i32
      %swap3A_726 = arith.index_cast %mul3A_725 : i32 to index
      %swap3A_727 = tpu.vector_load %arg20[%swap3A_726] {strides = array<i32>} : memref<80xf32, #tpu.memory_space<vmem>>, vector<16xf32>,
      tpu.vector_store %arg20[%swap3A_726], %add3A_723 {strides = array<i32>} : memref<80xf32, #tpu.memory_space<vmem>>, vector<16xf32>,
      %scan3A_728 = arith.constant 0 : i32
      %scan3A_729 = arith.constant 4 : i32
      %mul3A_730 = arith.constant 80 : i32
      %mul3A_731 = arith.muli %add3A_594, %mul3A_730 : i32
      %mul3A_732 = arith.constant 16 : i32
      %mul3A_733 = arith.muli %scan3A_729, %mul3A_732 : i32
      %add3A_734 = arith.addi %mul3A_731, %mul3A_733 : i32
      %get3A_735 = arith.index_cast %add3A_734 : i32 to index
      %get3A_736 = tpu.vector_load %arg11[%get3A_735] {strides = array<i32>} : memref<10000xi32, #tpu.memory_space<vmem>>, vector<16xi32>,
      %get3A_737 = arith.index_cast %add3A_734 : i32 to index
      %get3A_738 = tpu.vector_load %arg12[%get3A_737] {strides = array<i32>} : memref<10000xi32, #tpu.memory_space<vmem>>, vector<16xi32>,
      %gather3A_739 = tpu.vector_load_idx %arg22[%get3A_736] : memref<10000xf32, #tpu.memory_space<vmem>>[vector<16xi32>], vector<16xf32>,
      %gather3A_740 = tpu.vector_load_idx %arg22[%get3A_738] : memref<10000xf32, #tpu.memory_space<vmem>>[vector<16xi32>], vector<16xf32>,
      %sub3A_741 = arith.subf %gather3A_739, %gather3A_740 : vector<16xf32>
      %gather3A_742 = tpu.vector_load_idx %arg23[%get3A_736] : memref<10000xf32, #tpu.memory_space<vmem>>[vector<16xi32>], vector<16xf32>,
      %gather3A_743 = tpu.vector_load_idx %arg23[%get3A_738] : memref<10000xf32, #tpu.memory_space<vmem>>[vector<16xi32>], vector<16xf32>,
      %sub3A_744 = arith.subf %gather3A_742, %gather3A_743 : vector<16xf32>
      %gather3A_745 = tpu.vector_load_idx %arg24[%get3A_736] : memref<10000xf32, #tpu.memory_space<vmem>>[vector<16xi32>], vector<16xf32>,
      %gather3A_746 = tpu.vector_load_idx %arg24[%get3A_738] : memref<10000xf32, #tpu.memory_space<vmem>>[vector<16xi32>], vector<16xf32>,
      %sub3A_747 = arith.subf %gather3A_745, %gather3A_746 : vector<16xf32>
      %mul3A_748 = arith.mulf %sub3A_741, %sub3A_741 : vector<16xf32>
      %mul3A_749 = arith.mulf %sub3A_744, %sub3A_744 : vector<16xf32>
      %add3A_750 = arith.addf %mul3A_748, %mul3A_749 : vector<16xf32>
      %mul3A_751 = arith.mulf %sub3A_747, %sub3A_747 : vector<16xf32>
      %add3A_752 = arith.addf %add3A_750, %mul3A_751 : vector<16xf32>
      %mul3A_753 = arith.constant 16 : i32
      %mul3A_754 = arith.muli %scan3A_729, %mul3A_753 : i32
      %swap3A_755 = arith.index_cast %mul3A_754 : i32 to index
      %swap3A_756 = tpu.vector_load %arg20[%swap3A_755] {strides = array<i32>} : memref<80xf32, #tpu.memory_space<vmem>>, vector<16xf32>,
      tpu.vector_store %arg20[%swap3A_755], %add3A_752 {strides = array<i32>} : memref<80xf32, #tpu.memory_space<vmem>>, vector<16xf32>,
      %scan3A_757 = arith.constant 0 : i32
      %scan3A_758 = arith.constant 5 : i32
      %mul3A_759 = arith.constant 80 : i32
      %mul3A_760 = arith.muli %add3A_594, %mul3A_759 : i32
      %add3A_761 = arith.addi %mul3A_2, %mul3A_760 : i32
      %dma_start3A_762 = arith.constant 0 : i32
      %dma_start3A_763 = tpu.memref_slice %arg9[%add3A_761, %dma_start3A_762] : memref<320000x128xf32, #tpu.memory_space<hbm>> -> memref<80x128xf32, #tpu.memory_space<hbm>>
      %dma_start3A_764 = arith.constant 0 : i32
      %dma_start3A_765 = tpu.memref_slice %arg9[%add3A_761, %dma_start3A_764] : memref<320000x128xf32, #tpu.memory_space<hbm>> -> memref<80x128xf32, #tpu.memory_space<hbm>>
      tpu.enqueue_dma source(%arg15 : memref<80x128xf32, #tpu.memory_space<vmem>>) target(%dma_start3A_765 : memref<80x128xf32, #tpu.memory_space<hbm>>) target_semaphore(%arg29 : memref<!tpu.dma_semaphore, #tpu.memory_space<semaphore_mem>>)
      %dma_start3A_766 = tpu.memref_slice %arg10[%add3A_761] : memref<320000xf32, #tpu.memory_space<hbm>> -> memref<80xf32, #tpu.memory_space<hbm>>
      %dma_start3A_767 = tpu.memref_slice %arg10[%add3A_761] : memref<320000xf32, #tpu.memory_space<hbm>> -> memref<80xf32, #tpu.memory_space<hbm>>
      tpu.enqueue_dma source(%arg20 : memref<80xf32, #tpu.memory_space<vmem>>) target(%dma_start3A_767 : memref<80xf32, #tpu.memory_space<hbm>>) target_semaphore(%arg29 : memref<!tpu.dma_semaphore, #tpu.memory_space<semaphore_mem>>)
      %add3A_768 = arith.constant 1 : i32
      %add3A_769 = arith.addi %mul3A_384, %add3A_768 : i32
      %mul3A_770 = arith.constant 80 : i32
      %mul3A_771 = arith.muli %add3A_769, %mul3A_770 : i32
      %add3A_772 = arith.addi %mul3A_2, %mul3A_771 : i32
      %dma_wait3A_773 = arith.constant 0 : i32
      %dma_wait3A_774 = tpu.memref_slice %arg9[%add3A_772, %dma_wait3A_773] : memref<320000x128xf32, #tpu.memory_space<hbm>> -> memref<80x128xf32, #tpu.memory_space<hbm>>
      %dma_wait3A_775 = arith.constant 0 : i32
      %dma_wait3A_776 = tpu.memref_slice %arg9[%add3A_772, %dma_wait3A_775] : memref<320000x128xf32, #tpu.memory_space<hbm>> -> memref<80x128xf32, #tpu.memory_space<hbm>>
      tpu.wait_dma2 semaphore(%arg29 : memref<!tpu.dma_semaphore, #tpu.memory_space<semaphore_mem>>) src(%arg15 : memref<80x128xf32, #tpu.memory_space<vmem>>) dst(%dma_wait3A_776 : memref<80x128xf32, #tpu.memory_space<hbm>>)
      %dma_wait3A_777 = tpu.memref_slice %arg10[%add3A_772] : memref<320000xf32, #tpu.memory_space<hbm>> -> memref<80xf32, #tpu.memory_space<hbm>>
      %dma_wait3A_778 = tpu.memref_slice %arg10[%add3A_772] : memref<320000xf32, #tpu.memory_space<hbm>> -> memref<80xf32, #tpu.memory_space<hbm>>
      tpu.wait_dma2 semaphore(%arg29 : memref<!tpu.dma_semaphore, #tpu.memory_space<semaphore_mem>>) src(%arg20 : memref<80xf32, #tpu.memory_space<vmem>>) dst(%dma_wait3A_778 : memref<80xf32, #tpu.memory_space<hbm>>)
      %add3A_779 = arith.constant 4 : i32
      %add3A_780 = arith.addi %mul3A_384, %add3A_779 : i32
      %mul3A_781 = arith.constant 80 : i32
      %mul3A_782 = arith.muli %add3A_780, %mul3A_781 : i32
      %dma_start3A_783 = tpu.memref_slice %arg11[%mul3A_782] : memref<10000xi32, #tpu.memory_space<vmem>> -> memref<80xi32, #tpu.memory_space<vmem>>
      %dma_start3A_784 = arith.constant 0 : i32
      %dma_start3A_785 = arith.constant 0 : i32
      %dma_start3A_786 = tpu.memref_slice %arg2[%dma_start3A_784, %dma_start3A_785] : memref<10000x128xf32, #tpu.memory_space<hbm>> -> memref<10000x128xf32, #tpu.memory_space<hbm>>
      tpu.enqueue_indirect_dma source(%dma_start3A_786 : memref<10000x128xf32, #tpu.memory_space<hbm>>) target(%arg15 : memref<80x128xf32, #tpu.memory_space<vmem>>) offsets(%dma_start3A_783 : memref<80xi32, #tpu.memory_space<vmem>>) semaphore(%arg26 : memref<!tpu.dma_semaphore, #tpu.memory_space<semaphore_mem>>)
      %dma_start3A_787 = tpu.memref_slice %arg12[%mul3A_782] : memref<10000xi32, #tpu.memory_space<vmem>> -> memref<80xi32, #tpu.memory_space<vmem>>
      %dma_start3A_788 = arith.constant 0 : i32
      %dma_start3A_789 = arith.constant 0 : i32
      %dma_start3A_790 = tpu.memref_slice %arg3[%dma_start3A_788, %dma_start3A_789] : memref<10000x128xf32, #tpu.memory_space<hbm>> -> memref<10000x128xf32, #tpu.memory_space<hbm>>
      tpu.enqueue_indirect_dma source(%dma_start3A_790 : memref<10000x128xf32, #tpu.memory_space<hbm>>) target(%arg16 : memref<80x128xf32, #tpu.memory_space<vmem>>) offsets(%dma_start3A_787 : memref<80xi32, #tpu.memory_space<vmem>>) semaphore(%arg26 : memref<!tpu.dma_semaphore, #tpu.memory_space<semaphore_mem>>)
      %add3A_791 = arith.constant 2 : i32
      %add3A_792 = arith.addi %mul3A_384, %add3A_791 : i32
      %mul3A_793 = arith.constant 80 : i32
      %mul3A_794 = arith.muli %add3A_792, %mul3A_793 : i32
      %dma_wait3A_795 = tpu.memref_slice %arg11[%mul3A_794] : memref<10000xi32, #tpu.memory_space<vmem>> -> memref<80xi32, #tpu.memory_space<vmem>>
      %dma_wait3A_796 = arith.constant 0 : i32
      %dma_wait3A_797 = arith.constant 0 : i32
      %dma_wait3A_798 = tpu.memref_slice %arg2[%dma_wait3A_796, %dma_wait3A_797] : memref<10000x128xf32, #tpu.memory_space<hbm>> -> memref<10000x128xf32, #tpu.memory_space<hbm>>
      tpu.wait_indirect_dma semaphore(%arg27 : memref<!tpu.dma_semaphore, #tpu.memory_space<semaphore_mem>>) src(%dma_wait3A_798 : memref<10000x128xf32, #tpu.memory_space<hbm>>) dst(%arg17 : memref<80x128xf32, #tpu.memory_space<vmem>>)
      %dma_wait3A_799 = tpu.memref_slice %arg12[%mul3A_794] : memref<10000xi32, #tpu.memory_space<vmem>> -> memref<80xi32, #tpu.memory_space<vmem>>
      %dma_wait3A_800 = arith.constant 0 : i32
      %dma_wait3A_801 = arith.constant 0 : i32
      %dma_wait3A_802 = tpu.memref_slice %arg3[%dma_wait3A_800, %dma_wait3A_801] : memref<10000x128xf32, #tpu.memory_space<hbm>> -> memref<10000x128xf32, #tpu.memory_space<hbm>>
      tpu.wait_indirect_dma semaphore(%arg27 : memref<!tpu.dma_semaphore, #tpu.memory_space<semaphore_mem>>) src(%dma_wait3A_802 : memref<10000x128xf32, #tpu.memory_space<hbm>>) dst(%arg18 : memref<80x128xf32, #tpu.memory_space<vmem>>)
      %scan3A_803 = arith.constant 0 : i32
      %scan3A_804 = arith.constant 0 : i32
      %scan3A_805 = arith.constant 80 : i32
      %scan3A_806 = arith.addi %scan3A_804, %scan3A_805 : i32
      %scan3A_807 = arith.constant 2 : i32
      %scan3A_808 = scf.for %scan3A_967 = %scan3A_804 to %scan3A_806 step %scan3A_807 iter_args(%scan3A_968 = %scan3A_803) -> (i32)  : i32 {
        %get3A_969 = arith.index_cast %scan3A_967 : i32 to index
        %get3A_970 = arith.constant 0 : index
        %get3A_971 = tpu.vector_load %arg17[%get3A_969, %get3A_970] {strides = array<i32>} : memref<80x128xf32, #tpu.memory_space<vmem>>, vector<16xf32>,
        %get3A_972 = arith.index_cast %scan3A_967 : i32 to index
        %get3A_973 = arith.constant 0 : index
        %get3A_974 = tpu.vector_load %arg18[%get3A_972, %get3A_973] {strides = array<i32>} : memref<80x128xf32, #tpu.memory_space<vmem>>, vector<16xf32>,
        %add3A_975 = arith.addf %get3A_971, %get3A_974 : vector<16xf32>
        %swap3A_976 = arith.index_cast %scan3A_967 : i32 to index
        %swap3A_977 = arith.constant 0 : index
        %swap3A_978 = tpu.vector_load %arg17[%swap3A_976, %swap3A_977] {strides = array<i32>} : memref<80x128xf32, #tpu.memory_space<vmem>>, vector<16xf32>,
        tpu.vector_store %arg17[%swap3A_976, %swap3A_977], %add3A_975 {strides = array<i32>} : memref<80x128xf32, #tpu.memory_space<vmem>>, vector<16xf32>,
        %get3A_979 = arith.index_cast %scan3A_967 : i32 to index
        %get3A_980 = arith.constant 16 : index
        %get3A_981 = tpu.vector_load %arg17[%get3A_979, %get3A_980] {strides = array<i32>} : memref<80x128xf32, #tpu.memory_space<vmem>>, vector<16xf32>,
        %get3A_982 = arith.index_cast %scan3A_967 : i32 to index
        %get3A_983 = arith.constant 16 : index
        %get3A_984 = tpu.vector_load %arg18[%get3A_982, %get3A_983] {strides = array<i32>} : memref<80x128xf32, #tpu.memory_space<vmem>>, vector<16xf32>,
        %add3A_985 = arith.addf %get3A_981, %get3A_984 : vector<16xf32>
        %swap3A_986 = arith.index_cast %scan3A_967 : i32 to index
        %swap3A_987 = arith.constant 16 : index
        %swap3A_988 = tpu.vector_load %arg17[%swap3A_986, %swap3A_987] {strides = array<i32>} : memref<80x128xf32, #tpu.memory_space<vmem>>, vector<16xf32>,
        tpu.vector_store %arg17[%swap3A_986, %swap3A_987], %add3A_985 {strides = array<i32>} : memref<80x128xf32, #tpu.memory_space<vmem>>, vector<16xf32>,
        %get3A_989 = arith.index_cast %scan3A_967 : i32 to index
        %get3A_990 = arith.constant 32 : index
        %get3A_991 = tpu.vector_load %arg17[%get3A_989, %get3A_990] {strides = array<i32>} : memref<80x128xf32, #tpu.memory_space<vmem>>, vector<16xf32>,
        %get3A_992 = arith.index_cast %scan3A_967 : i32 to index
        %get3A_993 = arith.constant 32 : index
        %get3A_994 = tpu.vector_load %arg18[%get3A_992, %get3A_993] {strides = array<i32>} : memref<80x128xf32, #tpu.memory_space<vmem>>, vector<16xf32>,
        %add3A_995 = arith.addf %get3A_991, %get3A_994 : vector<16xf32>
        %swap3A_996 = arith.index_cast %scan3A_967 : i32 to index
        %swap3A_997 = arith.constant 32 : index
        %swap3A_998 = tpu.vector_load %arg17[%swap3A_996, %swap3A_997] {strides = array<i32>} : memref<80x128xf32, #tpu.memory_space<vmem>>, vector<16xf32>,
        tpu.vector_store %arg17[%swap3A_996, %swap3A_997], %add3A_995 {strides = array<i32>} : memref<80x128xf32, #tpu.memory_space<vmem>>, vector<16xf32>,
        %get3A_999 = arith.index_cast %scan3A_967 : i32 to index
        %get3A_1000 = arith.constant 48 : index
        %get3A_1001 = tpu.vector_load %arg17[%get3A_999, %get3A_1000] {strides = array<i32>} : memref<80x128xf32, #tpu.memory_space<vmem>>, vector<16xf32>,
        %get3A_1002 = arith.index_cast %scan3A_967 : i32 to index
        %get3A_1003 = arith.constant 48 : index
        %get3A_1004 = tpu.vector_load %arg18[%get3A_1002, %get3A_1003] {strides = array<i32>} : memref<80x128xf32, #tpu.memory_space<vmem>>, vector<16xf32>,
        %add3A_1005 = arith.addf %get3A_1001, %get3A_1004 : vector<16xf32>
        %swap3A_1006 = arith.index_cast %scan3A_967 : i32 to index
        %swap3A_1007 = arith.constant 48 : index
        %swap3A_1008 = tpu.vector_load %arg17[%swap3A_1006, %swap3A_1007] {strides = array<i32>} : memref<80x128xf32, #tpu.memory_space<vmem>>, vector<16xf32>,
        tpu.vector_store %arg17[%swap3A_1006, %swap3A_1007], %add3A_1005 {strides = array<i32>} : memref<80x128xf32, #tpu.memory_space<vmem>>, vector<16xf32>,
        %get3A_1009 = arith.index_cast %scan3A_967 : i32 to index
        %get3A_1010 = arith.constant 64 : index
        %get3A_1011 = tpu.vector_load %arg17[%get3A_1009, %get3A_1010] {strides = array<i32>} : memref<80x128xf32, #tpu.memory_space<vmem>>, vector<16xf32>,
        %get3A_1012 = arith.index_cast %scan3A_967 : i32 to index
        %get3A_1013 = arith.constant 64 : index
        %get3A_1014 = tpu.vector_load %arg18[%get3A_1012, %get3A_1013] {strides = array<i32>} : memref<80x128xf32, #tpu.memory_space<vmem>>, vector<16xf32>,
        %add3A_1015 = arith.addf %get3A_1011, %get3A_1014 : vector<16xf32>
        %swap3A_1016 = arith.index_cast %scan3A_967 : i32 to index
        %swap3A_1017 = arith.constant 64 : index
        %swap3A_1018 = tpu.vector_load %arg17[%swap3A_1016, %swap3A_1017] {strides = array<i32>} : memref<80x128xf32, #tpu.memory_space<vmem>>, vector<16xf32>,
        tpu.vector_store %arg17[%swap3A_1016, %swap3A_1017], %add3A_1015 {strides = array<i32>} : memref<80x128xf32, #tpu.memory_space<vmem>>, vector<16xf32>,
        %get3A_1019 = arith.index_cast %scan3A_967 : i32 to index
        %get3A_1020 = arith.constant 80 : index
        %get3A_1021 = tpu.vector_load %arg17[%get3A_1019, %get3A_1020] {strides = array<i32>} : memref<80x128xf32, #tpu.memory_space<vmem>>, vector<16xf32>,
        %get3A_1022 = arith.index_cast %scan3A_967 : i32 to index
        %get3A_1023 = arith.constant 80 : index
        %get3A_1024 = tpu.vector_load %arg18[%get3A_1022, %get3A_1023] {strides = array<i32>} : memref<80x128xf32, #tpu.memory_space<vmem>>, vector<16xf32>,
        %add3A_1025 = arith.addf %get3A_1021, %get3A_1024 : vector<16xf32>
        %swap3A_1026 = arith.index_cast %scan3A_967 : i32 to index
        %swap3A_1027 = arith.constant 80 : index
        %swap3A_1028 = tpu.vector_load %arg17[%swap3A_1026, %swap3A_1027] {strides = array<i32>} : memref<80x128xf32, #tpu.memory_space<vmem>>, vector<16xf32>,
        tpu.vector_store %arg17[%swap3A_1026, %swap3A_1027], %add3A_1025 {strides = array<i32>} : memref<80x128xf32, #tpu.memory_space<vmem>>, vector<16xf32>,
        %get3A_1029 = arith.index_cast %scan3A_967 : i32 to index
        %get3A_1030 = arith.constant 96 : index
        %get3A_1031 = tpu.vector_load %arg17[%get3A_1029, %get3A_1030] {strides = array<i32>} : memref<80x128xf32, #tpu.memory_space<vmem>>, vector<16xf32>,
        %get3A_1032 = arith.index_cast %scan3A_967 : i32 to index
        %get3A_1033 = arith.constant 96 : index
        %get3A_1034 = tpu.vector_load %arg18[%get3A_1032, %get3A_1033] {strides = array<i32>} : memref<80x128xf32, #tpu.memory_space<vmem>>, vector<16xf32>,
        %add3A_1035 = arith.addf %get3A_1031, %get3A_1034 : vector<16xf32>
        %swap3A_1036 = arith.index_cast %scan3A_967 : i32 to index
        %swap3A_1037 = arith.constant 96 : index
        %swap3A_1038 = tpu.vector_load %arg17[%swap3A_1036, %swap3A_1037] {strides = array<i32>} : memref<80x128xf32, #tpu.memory_space<vmem>>, vector<16xf32>,
        tpu.vector_store %arg17[%swap3A_1036, %swap3A_1037], %add3A_1035 {strides = array<i32>} : memref<80x128xf32, #tpu.memory_space<vmem>>, vector<16xf32>,
        %get3A_1039 = arith.index_cast %scan3A_967 : i32 to index
        %get3A_1040 = arith.constant 112 : index
        %get3A_1041 = tpu.vector_load %arg17[%get3A_1039, %get3A_1040] {strides = array<i32>} : memref<80x128xf32, #tpu.memory_space<vmem>>, vector<16xf32>,
        %get3A_1042 = arith.index_cast %scan3A_967 : i32 to index
        %get3A_1043 = arith.constant 112 : index
        %get3A_1044 = tpu.vector_load %arg18[%get3A_1042, %get3A_1043] {strides = array<i32>} : memref<80x128xf32, #tpu.memory_space<vmem>>, vector<16xf32>,
        %add3A_1045 = arith.addf %get3A_1041, %get3A_1044 : vector<16xf32>
        %swap3A_1046 = arith.index_cast %scan3A_967 : i32 to index
        %swap3A_1047 = arith.constant 112 : index
        %swap3A_1048 = tpu.vector_load %arg17[%swap3A_1046, %swap3A_1047] {strides = array<i32>} : memref<80x128xf32, #tpu.memory_space<vmem>>, vector<16xf32>,
        tpu.vector_store %arg17[%swap3A_1046, %swap3A_1047], %add3A_1045 {strides = array<i32>} : memref<80x128xf32, #tpu.memory_space<vmem>>, vector<16xf32>,
        %scan3A_1049 = arith.constant 0 : i32
        %scan3A_1050 = arith.constant 1 : i32
        %scan3A_1051 = arith.addi %scan3A_967, %scan3A_1050 : i32
        %get3A_1052 = arith.index_cast %scan3A_1051 : i32 to index
        %get3A_1053 = arith.constant 0 : index
        %get3A_1054 = tpu.vector_load %arg17[%get3A_1052, %get3A_1053] {strides = array<i32>} : memref<80x128xf32, #tpu.memory_space<vmem>>, vector<16xf32>,
        %get3A_1055 = arith.index_cast %scan3A_1051 : i32 to index
        %get3A_1056 = arith.constant 0 : index
        %get3A_1057 = tpu.vector_load %arg18[%get3A_1055, %get3A_1056] {strides = array<i32>} : memref<80x128xf32, #tpu.memory_space<vmem>>, vector<16xf32>,
        %add3A_1058 = arith.addf %get3A_1054, %get3A_1057 : vector<16xf32>
        %swap3A_1059 = arith.index_cast %scan3A_1051 : i32 to index
        %swap3A_1060 = arith.constant 0 : index
        %swap3A_1061 = tpu.vector_load %arg17[%swap3A_1059, %swap3A_1060] {strides = array<i32>} : memref<80x128xf32, #tpu.memory_space<vmem>>, vector<16xf32>,
        tpu.vector_store %arg17[%swap3A_1059, %swap3A_1060], %add3A_1058 {strides = array<i32>} : memref<80x128xf32, #tpu.memory_space<vmem>>, vector<16xf32>,
        %get3A_1062 = arith.index_cast %scan3A_1051 : i32 to index
        %get3A_1063 = arith.constant 16 : index
        %get3A_1064 = tpu.vector_load %arg17[%get3A_1062, %get3A_1063] {strides = array<i32>} : memref<80x128xf32, #tpu.memory_space<vmem>>, vector<16xf32>,
        %get3A_1065 = arith.index_cast %scan3A_1051 : i32 to index
        %get3A_1066 = arith.constant 16 : index
        %get3A_1067 = tpu.vector_load %arg18[%get3A_1065, %get3A_1066] {strides = array<i32>} : memref<80x128xf32, #tpu.memory_space<vmem>>, vector<16xf32>,
        %add3A_1068 = arith.addf %get3A_1064, %get3A_1067 : vector<16xf32>
        %swap3A_1069 = arith.index_cast %scan3A_1051 : i32 to index
        %swap3A_1070 = arith.constant 16 : index
        %swap3A_1071 = tpu.vector_load %arg17[%swap3A_1069, %swap3A_1070] {strides = array<i32>} : memref<80x128xf32, #tpu.memory_space<vmem>>, vector<16xf32>,
        tpu.vector_store %arg17[%swap3A_1069, %swap3A_1070], %add3A_1068 {strides = array<i32>} : memref<80x128xf32, #tpu.memory_space<vmem>>, vector<16xf32>,
        %get3A_1072 = arith.index_cast %scan3A_1051 : i32 to index
        %get3A_1073 = arith.constant 32 : index
        %get3A_1074 = tpu.vector_load %arg17[%get3A_1072, %get3A_1073] {strides = array<i32>} : memref<80x128xf32, #tpu.memory_space<vmem>>, vector<16xf32>,
        %get3A_1075 = arith.index_cast %scan3A_1051 : i32 to index
        %get3A_1076 = arith.constant 32 : index
        %get3A_1077 = tpu.vector_load %arg18[%get3A_1075, %get3A_1076] {strides = array<i32>} : memref<80x128xf32, #tpu.memory_space<vmem>>, vector<16xf32>,
        %add3A_1078 = arith.addf %get3A_1074, %get3A_1077 : vector<16xf32>
        %swap3A_1079 = arith.index_cast %scan3A_1051 : i32 to index
        %swap3A_1080 = arith.constant 32 : index
        %swap3A_1081 = tpu.vector_load %arg17[%swap3A_1079, %swap3A_1080] {strides = array<i32>} : memref<80x128xf32, #tpu.memory_space<vmem>>, vector<16xf32>,
        tpu.vector_store %arg17[%swap3A_1079, %swap3A_1080], %add3A_1078 {strides = array<i32>} : memref<80x128xf32, #tpu.memory_space<vmem>>, vector<16xf32>,
        %get3A_1082 = arith.index_cast %scan3A_1051 : i32 to index
        %get3A_1083 = arith.constant 48 : index
        %get3A_1084 = tpu.vector_load %arg17[%get3A_1082, %get3A_1083] {strides = array<i32>} : memref<80x128xf32, #tpu.memory_space<vmem>>, vector<16xf32>,
        %get3A_1085 = arith.index_cast %scan3A_1051 : i32 to index
        %get3A_1086 = arith.constant 48 : index
        %get3A_1087 = tpu.vector_load %arg18[%get3A_1085, %get3A_1086] {strides = array<i32>} : memref<80x128xf32, #tpu.memory_space<vmem>>, vector<16xf32>,
        %add3A_1088 = arith.addf %get3A_1084, %get3A_1087 : vector<16xf32>
        %swap3A_1089 = arith.index_cast %scan3A_1051 : i32 to index
        %swap3A_1090 = arith.constant 48 : index
        %swap3A_1091 = tpu.vector_load %arg17[%swap3A_1089, %swap3A_1090] {strides = array<i32>} : memref<80x128xf32, #tpu.memory_space<vmem>>, vector<16xf32>,
        tpu.vector_store %arg17[%swap3A_1089, %swap3A_1090], %add3A_1088 {strides = array<i32>} : memref<80x128xf32, #tpu.memory_space<vmem>>, vector<16xf32>,
        %get3A_1092 = arith.index_cast %scan3A_1051 : i32 to index
        %get3A_1093 = arith.constant 64 : index
        %get3A_1094 = tpu.vector_load %arg17[%get3A_1092, %get3A_1093] {strides = array<i32>} : memref<80x128xf32, #tpu.memory_space<vmem>>, vector<16xf32>,
        %get3A_1095 = arith.index_cast %scan3A_1051 : i32 to index
        %get3A_1096 = arith.constant 64 : index
        %get3A_1097 = tpu.vector_load %arg18[%get3A_1095, %get3A_1096] {strides = array<i32>} : memref<80x128xf32, #tpu.memory_space<vmem>>, vector<16xf32>,
        %add3A_1098 = arith.addf %get3A_1094, %get3A_1097 : vector<16xf32>
        %swap3A_1099 = arith.index_cast %scan3A_1051 : i32 to index
        %swap3A_1100 = arith.constant 64 : index
        %swap3A_1101 = tpu.vector_load %arg17[%swap3A_1099, %swap3A_1100] {strides = array<i32>} : memref<80x128xf32, #tpu.memory_space<vmem>>, vector<16xf32>,
        tpu.vector_store %arg17[%swap3A_1099, %swap3A_1100], %add3A_1098 {strides = array<i32>} : memref<80x128xf32, #tpu.memory_space<vmem>>, vector<16xf32>,
        %get3A_1102 = arith.index_cast %scan3A_1051 : i32 to index
        %get3A_1103 = arith.constant 80 : index
        %get3A_1104 = tpu.vector_load %arg17[%get3A_1102, %get3A_1103] {strides = array<i32>} : memref<80x128xf32, #tpu.memory_space<vmem>>, vector<16xf32>,
        %get3A_1105 = arith.index_cast %scan3A_1051 : i32 to index
        %get3A_1106 = arith.constant 80 : index
        %get3A_1107 = tpu.vector_load %arg18[%get3A_1105, %get3A_1106] {strides = array<i32>} : memref<80x128xf32, #tpu.memory_space<vmem>>, vector<16xf32>,
        %add3A_1108 = arith.addf %get3A_1104, %get3A_1107 : vector<16xf32>
        %swap3A_1109 = arith.index_cast %scan3A_1051 : i32 to index
        %swap3A_1110 = arith.constant 80 : index
        %swap3A_1111 = tpu.vector_load %arg17[%swap3A_1109, %swap3A_1110] {strides = array<i32>} : memref<80x128xf32, #tpu.memory_space<vmem>>, vector<16xf32>,
        tpu.vector_store %arg17[%swap3A_1109, %swap3A_1110], %add3A_1108 {strides = array<i32>} : memref<80x128xf32, #tpu.memory_space<vmem>>, vector<16xf32>,
        %get3A_1112 = arith.index_cast %scan3A_1051 : i32 to index
        %get3A_1113 = arith.constant 96 : index
        %get3A_1114 = tpu.vector_load %arg17[%get3A_1112, %get3A_1113] {strides = array<i32>} : memref<80x128xf32, #tpu.memory_space<vmem>>, vector<16xf32>,
        %get3A_1115 = arith.index_cast %scan3A_1051 : i32 to index
        %get3A_1116 = arith.constant 96 : index
        %get3A_1117 = tpu.vector_load %arg18[%get3A_1115, %get3A_1116] {strides = array<i32>} : memref<80x128xf32, #tpu.memory_space<vmem>>, vector<16xf32>,
        %add3A_1118 = arith.addf %get3A_1114, %get3A_1117 : vector<16xf32>
        %swap3A_1119 = arith.index_cast %scan3A_1051 : i32 to index
        %swap3A_1120 = arith.constant 96 : index
        %swap3A_1121 = tpu.vector_load %arg17[%swap3A_1119, %swap3A_1120] {strides = array<i32>} : memref<80x128xf32, #tpu.memory_space<vmem>>, vector<16xf32>,
        tpu.vector_store %arg17[%swap3A_1119, %swap3A_1120], %add3A_1118 {strides = array<i32>} : memref<80x128xf32, #tpu.memory_space<vmem>>, vector<16xf32>,
        %get3A_1122 = arith.index_cast %scan3A_1051 : i32 to index
        %get3A_1123 = arith.constant 112 : index
        %get3A_1124 = tpu.vector_load %arg17[%get3A_1122, %get3A_1123] {strides = array<i32>} : memref<80x128xf32, #tpu.memory_space<vmem>>, vector<16xf32>,
        %get3A_1125 = arith.index_cast %scan3A_1051 : i32 to index
        %get3A_1126 = arith.constant 112 : index
        %get3A_1127 = tpu.vector_load %arg18[%get3A_1125, %get3A_1126] {strides = array<i32>} : memref<80x128xf32, #tpu.memory_space<vmem>>, vector<16xf32>,
        %add3A_1128 = arith.addf %get3A_1124, %get3A_1127 : vector<16xf32>
        %swap3A_1129 = arith.index_cast %scan3A_1051 : i32 to index
        %swap3A_1130 = arith.constant 112 : index
        %swap3A_1131 = tpu.vector_load %arg17[%swap3A_1129, %swap3A_1130] {strides = array<i32>} : memref<80x128xf32, #tpu.memory_space<vmem>>, vector<16xf32>,
        tpu.vector_store %arg17[%swap3A_1129, %swap3A_1130], %add3A_1128 {strides = array<i32>} : memref<80x128xf32, #tpu.memory_space<vmem>>, vector<16xf32>,
        %scan3A_1132 = arith.constant 0 : i32
        scf.yield %scan3A_1132 : i32
      }
      %scan3A_809 = arith.constant 80 : i32
      %scan3A_810 = arith.constant 0 : i32
      %scan3A_811 = arith.constant 0 : i32
      %mul3A_812 = arith.constant 80 : i32
      %mul3A_813 = arith.muli %add3A_792, %mul3A_812 : i32
      %mul3A_814 = arith.constant 16 : i32
      %mul3A_815 = arith.muli %scan3A_811, %mul3A_814 : i32
      %add3A_816 = arith.addi %mul3A_813, %mul3A_815 : i32
      %get3A_817 = arith.index_cast %add3A_816 : i32 to index
      %get3A_818 = tpu.vector_load %arg11[%get3A_817] {strides = array<i32>} : memref<10000xi32, #tpu.memory_space<vmem>>, vector<16xi32>,
      %get3A_819 = arith.index_cast %add3A_816 : i32 to index
      %get3A_820 = tpu.vector_load %arg12[%get3A_819] {strides = array<i32>} : memref<10000xi32, #tpu.memory_space<vmem>>, vector<16xi32>,
      %gather3A_821 = tpu.vector_load_idx %arg22[%get3A_818] : memref<10000xf32, #tpu.memory_space<vmem>>[vector<16xi32>], vector<16xf32>,
      %gather3A_822 = tpu.vector_load_idx %arg22[%get3A_820] : memref<10000xf32, #tpu.memory_space<vmem>>[vector<16xi32>], vector<16xf32>,
      %sub3A_823 = arith.subf %gather3A_821, %gather3A_822 : vector<16xf32>
      %gather3A_824 = tpu.vector_load_idx %arg23[%get3A_818] : memref<10000xf32, #tpu.memory_space<vmem>>[vector<16xi32>], vector<16xf32>,
      %gather3A_825 = tpu.vector_load_idx %arg23[%get3A_820] : memref<10000xf32, #tpu.memory_space<vmem>>[vector<16xi32>], vector<16xf32>,
      %sub3A_826 = arith.subf %gather3A_824, %gather3A_825 : vector<16xf32>
      %gather3A_827 = tpu.vector_load_idx %arg24[%get3A_818] : memref<10000xf32, #tpu.memory_space<vmem>>[vector<16xi32>], vector<16xf32>,
      %gather3A_828 = tpu.vector_load_idx %arg24[%get3A_820] : memref<10000xf32, #tpu.memory_space<vmem>>[vector<16xi32>], vector<16xf32>,
      %sub3A_829 = arith.subf %gather3A_827, %gather3A_828 : vector<16xf32>
      %mul3A_830 = arith.mulf %sub3A_823, %sub3A_823 : vector<16xf32>
      %mul3A_831 = arith.mulf %sub3A_826, %sub3A_826 : vector<16xf32>
      %add3A_832 = arith.addf %mul3A_830, %mul3A_831 : vector<16xf32>
      %mul3A_833 = arith.mulf %sub3A_829, %sub3A_829 : vector<16xf32>
      %add3A_834 = arith.addf %add3A_832, %mul3A_833 : vector<16xf32>
      %mul3A_835 = arith.constant 16 : i32
      %mul3A_836 = arith.muli %scan3A_811, %mul3A_835 : i32
      %swap3A_837 = arith.index_cast %mul3A_836 : i32 to index
      %swap3A_838 = tpu.vector_load %arg21[%swap3A_837] {strides = array<i32>} : memref<80xf32, #tpu.memory_space<vmem>>, vector<16xf32>,
      tpu.vector_store %arg21[%swap3A_837], %add3A_834 {strides = array<i32>} : memref<80xf32, #tpu.memory_space<vmem>>, vector<16xf32>,
      %scan3A_839 = arith.constant 0 : i32
      %scan3A_840 = arith.constant 1 : i32
      %mul3A_841 = arith.constant 80 : i32
      %mul3A_842 = arith.muli %add3A_792, %mul3A_841 : i32
      %mul3A_843 = arith.constant 16 : i32
      %mul3A_844 = arith.muli %scan3A_840, %mul3A_843 : i32
      %add3A_845 = arith.addi %mul3A_842, %mul3A_844 : i32
      %get3A_846 = arith.index_cast %add3A_845 : i32 to index
      %get3A_847 = tpu.vector_load %arg11[%get3A_846] {strides = array<i32>} : memref<10000xi32, #tpu.memory_space<vmem>>, vector<16xi32>,
      %get3A_848 = arith.index_cast %add3A_845 : i32 to index
      %get3A_849 = tpu.vector_load %arg12[%get3A_848] {strides = array<i32>} : memref<10000xi32, #tpu.memory_space<vmem>>, vector<16xi32>,
      %gather3A_850 = tpu.vector_load_idx %arg22[%get3A_847] : memref<10000xf32, #tpu.memory_space<vmem>>[vector<16xi32>], vector<16xf32>,
      %gather3A_851 = tpu.vector_load_idx %arg22[%get3A_849] : memref<10000xf32, #tpu.memory_space<vmem>>[vector<16xi32>], vector<16xf32>,
      %sub3A_852 = arith.subf %gather3A_850, %gather3A_851 : vector<16xf32>
      %gather3A_853 = tpu.vector_load_idx %arg23[%get3A_847] : memref<10000xf32, #tpu.memory_space<vmem>>[vector<16xi32>], vector<16xf32>,
      %gather3A_854 = tpu.vector_load_idx %arg23[%get3A_849] : memref<10000xf32, #tpu.memory_space<vmem>>[vector<16xi32>], vector<16xf32>,
      %sub3A_855 = arith.subf %gather3A_853, %gather3A_854 : vector<16xf32>
      %gather3A_856 = tpu.vector_load_idx %arg24[%get3A_847] : memref<10000xf32, #tpu.memory_space<vmem>>[vector<16xi32>], vector<16xf32>,
      %gather3A_857 = tpu.vector_load_idx %arg24[%get3A_849] : memref<10000xf32, #tpu.memory_space<vmem>>[vector<16xi32>], vector<16xf32>,
      %sub3A_858 = arith.subf %gather3A_856, %gather3A_857 : vector<16xf32>
      %mul3A_859 = arith.mulf %sub3A_852, %sub3A_852 : vector<16xf32>
      %mul3A_860 = arith.mulf %sub3A_855, %sub3A_855 : vector<16xf32>
      %add3A_861 = arith.addf %mul3A_859, %mul3A_860 : vector<16xf32>
      %mul3A_862 = arith.mulf %sub3A_858, %sub3A_858 : vector<16xf32>
      %add3A_863 = arith.addf %add3A_861, %mul3A_862 : vector<16xf32>
      %mul3A_864 = arith.constant 16 : i32
      %mul3A_865 = arith.muli %scan3A_840, %mul3A_864 : i32
      %swap3A_866 = arith.index_cast %mul3A_865 : i32 to index
      %swap3A_867 = tpu.vector_load %arg21[%swap3A_866] {strides = array<i32>} : memref<80xf32, #tpu.memory_space<vmem>>, vector<16xf32>,
      tpu.vector_store %arg21[%swap3A_866], %add3A_863 {strides = array<i32>} : memref<80xf32, #tpu.memory_space<vmem>>, vector<16xf32>,
      %scan3A_868 = arith.constant 0 : i32
      %scan3A_869 = arith.constant 2 : i32
      %mul3A_870 = arith.constant 80 : i32
      %mul3A_871 = arith.muli %add3A_792, %mul3A_870 : i32
      %mul3A_872 = arith.constant 16 : i32
      %mul3A_873 = arith.muli %scan3A_869, %mul3A_872 : i32
      %add3A_874 = arith.addi %mul3A_871, %mul3A_873 : i32
      %get3A_875 = arith.index_cast %add3A_874 : i32 to index
      %get3A_876 = tpu.vector_load %arg11[%get3A_875] {strides = array<i32>} : memref<10000xi32, #tpu.memory_space<vmem>>, vector<16xi32>,
      %get3A_877 = arith.index_cast %add3A_874 : i32 to index
      %get3A_878 = tpu.vector_load %arg12[%get3A_877] {strides = array<i32>} : memref<10000xi32, #tpu.memory_space<vmem>>, vector<16xi32>,
      %gather3A_879 = tpu.vector_load_idx %arg22[%get3A_876] : memref<10000xf32, #tpu.memory_space<vmem>>[vector<16xi32>], vector<16xf32>,
      %gather3A_880 = tpu.vector_load_idx %arg22[%get3A_878] : memref<10000xf32, #tpu.memory_space<vmem>>[vector<16xi32>], vector<16xf32>,
      %sub3A_881 = arith.subf %gather3A_879, %gather3A_880 : vector<16xf32>
      %gather3A_882 = tpu.vector_load_idx %arg23[%get3A_876] : memref<10000xf32, #tpu.memory_space<vmem>>[vector<16xi32>], vector<16xf32>,
      %gather3A_883 = tpu.vector_load_idx %arg23[%get3A_878] : memref<10000xf32, #tpu.memory_space<vmem>>[vector<16xi32>], vector<16xf32>,
      %sub3A_884 = arith.subf %gather3A_882, %gather3A_883 : vector<16xf32>
      %gather3A_885 = tpu.vector_load_idx %arg24[%get3A_876] : memref<10000xf32, #tpu.memory_space<vmem>>[vector<16xi32>], vector<16xf32>,
      %gather3A_886 = tpu.vector_load_idx %arg24[%get3A_878] : memref<10000xf32, #tpu.memory_space<vmem>>[vector<16xi32>], vector<16xf32>,
      %sub3A_887 = arith.subf %gather3A_885, %gather3A_886 : vector<16xf32>
      %mul3A_888 = arith.mulf %sub3A_881, %sub3A_881 : vector<16xf32>
      %mul3A_889 = arith.mulf %sub3A_884, %sub3A_884 : vector<16xf32>
      %add3A_890 = arith.addf %mul3A_888, %mul3A_889 : vector<16xf32>
      %mul3A_891 = arith.mulf %sub3A_887, %sub3A_887 : vector<16xf32>
      %add3A_892 = arith.addf %add3A_890, %mul3A_891 : vector<16xf32>
      %mul3A_893 = arith.constant 16 : i32
      %mul3A_894 = arith.muli %scan3A_869, %mul3A_893 : i32
      %swap3A_895 = arith.index_cast %mul3A_894 : i32 to index
      %swap3A_896 = tpu.vector_load %arg21[%swap3A_895] {strides = array<i32>} : memref<80xf32, #tpu.memory_space<vmem>>, vector<16xf32>,
      tpu.vector_store %arg21[%swap3A_895], %add3A_892 {strides = array<i32>} : memref<80xf32, #tpu.memory_space<vmem>>, vector<16xf32>,
      %scan3A_897 = arith.constant 0 : i32
      %scan3A_898 = arith.constant 3 : i32
      %mul3A_899 = arith.constant 80 : i32
      %mul3A_900 = arith.muli %add3A_792, %mul3A_899 : i32
      %mul3A_901 = arith.constant 16 : i32
      %mul3A_902 = arith.muli %scan3A_898, %mul3A_901 : i32
      %add3A_903 = arith.addi %mul3A_900, %mul3A_902 : i32
      %get3A_904 = arith.index_cast %add3A_903 : i32 to index
      %get3A_905 = tpu.vector_load %arg11[%get3A_904] {strides = array<i32>} : memref<10000xi32, #tpu.memory_space<vmem>>, vector<16xi32>,
      %get3A_906 = arith.index_cast %add3A_903 : i32 to index
      %get3A_907 = tpu.vector_load %arg12[%get3A_906] {strides = array<i32>} : memref<10000xi32, #tpu.memory_space<vmem>>, vector<16xi32>,
      %gather3A_908 = tpu.vector_load_idx %arg22[%get3A_905] : memref<10000xf32, #tpu.memory_space<vmem>>[vector<16xi32>], vector<16xf32>,
      %gather3A_909 = tpu.vector_load_idx %arg22[%get3A_907] : memref<10000xf32, #tpu.memory_space<vmem>>[vector<16xi32>], vector<16xf32>,
      %sub3A_910 = arith.subf %gather3A_908, %gather3A_909 : vector<16xf32>
      %gather3A_911 = tpu.vector_load_idx %arg23[%get3A_905] : memref<10000xf32, #tpu.memory_space<vmem>>[vector<16xi32>], vector<16xf32>,
      %gather3A_912 = tpu.vector_load_idx %arg23[%get3A_907] : memref<10000xf32, #tpu.memory_space<vmem>>[vector<16xi32>], vector<16xf32>,
      %sub3A_913 = arith.subf %gather3A_911, %gather3A_912 : vector<16xf32>
      %gather3A_914 = tpu.vector_load_idx %arg24[%get3A_905] : memref<10000xf32, #tpu.memory_space<vmem>>[vector<16xi32>], vector<16xf32>,
      %gather3A_915 = tpu.vector_load_idx %arg24[%get3A_907] : memref<10000xf32, #tpu.memory_space<vmem>>[vector<16xi32>], vector<16xf32>,
      %sub3A_916 = arith.subf %gather3A_914, %gather3A_915 : vector<16xf32>
      %mul3A_917 = arith.mulf %sub3A_910, %sub3A_910 : vector<16xf32>
      %mul3A_918 = arith.mulf %sub3A_913, %sub3A_913 : vector<16xf32>
      %add3A_919 = arith.addf %mul3A_917, %mul3A_918 : vector<16xf32>
      %mul3A_920 = arith.mulf %sub3A_916, %sub3A_916 : vector<16xf32>
      %add3A_921 = arith.addf %add3A_919, %mul3A_920 : vector<16xf32>
      %mul3A_922 = arith.constant 16 : i32
      %mul3A_923 = arith.muli %scan3A_898, %mul3A_922 : i32
      %swap3A_924 = arith.index_cast %mul3A_923 : i32 to index
      %swap3A_925 = tpu.vector_load %arg21[%swap3A_924] {strides = array<i32>} : memref<80xf32, #tpu.memory_space<vmem>>, vector<16xf32>,
      tpu.vector_store %arg21[%swap3A_924], %add3A_921 {strides = array<i32>} : memref<80xf32, #tpu.memory_space<vmem>>, vector<16xf32>,
      %scan3A_926 = arith.constant 0 : i32
      %scan3A_927 = arith.constant 4 : i32
      %mul3A_928 = arith.constant 80 : i32
      %mul3A_929 = arith.muli %add3A_792, %mul3A_928 : i32
      %mul3A_930 = arith.constant 16 : i32
      %mul3A_931 = arith.muli %scan3A_927, %mul3A_930 : i32
      %add3A_932 = arith.addi %mul3A_929, %mul3A_931 : i32
      %get3A_933 = arith.index_cast %add3A_932 : i32 to index
      %get3A_934 = tpu.vector_load %arg11[%get3A_933] {strides = array<i32>} : memref<10000xi32, #tpu.memory_space<vmem>>, vector<16xi32>,
      %get3A_935 = arith.index_cast %add3A_932 : i32 to index
      %get3A_936 = tpu.vector_load %arg12[%get3A_935] {strides = array<i32>} : memref<10000xi32, #tpu.memory_space<vmem>>, vector<16xi32>,
      %gather3A_937 = tpu.vector_load_idx %arg22[%get3A_934] : memref<10000xf32, #tpu.memory_space<vmem>>[vector<16xi32>], vector<16xf32>,
      %gather3A_938 = tpu.vector_load_idx %arg22[%get3A_936] : memref<10000xf32, #tpu.memory_space<vmem>>[vector<16xi32>], vector<16xf32>,
      %sub3A_939 = arith.subf %gather3A_937, %gather3A_938 : vector<16xf32>
      %gather3A_940 = tpu.vector_load_idx %arg23[%get3A_934] : memref<10000xf32, #tpu.memory_space<vmem>>[vector<16xi32>], vector<16xf32>,
      %gather3A_941 = tpu.vector_load_idx %arg23[%get3A_936] : memref<10000xf32, #tpu.memory_space<vmem>>[vector<16xi32>], vector<16xf32>,
      %sub3A_942 = arith.subf %gather3A_940, %gather3A_941 : vector<16xf32>
      %gather3A_943 = tpu.vector_load_idx %arg24[%get3A_934] : memref<10000xf32, #tpu.memory_space<vmem>>[vector<16xi32>], vector<16xf32>,
      %gather3A_944 = tpu.vector_load_idx %arg24[%get3A_936] : memref<10000xf32, #tpu.memory_space<vmem>>[vector<16xi32>], vector<16xf32>,
      %sub3A_945 = arith.subf %gather3A_943, %gather3A_944 : vector<16xf32>
      %mul3A_946 = arith.mulf %sub3A_939, %sub3A_939 : vector<16xf32>
      %mul3A_947 = arith.mulf %sub3A_942, %sub3A_942 : vector<16xf32>
      %add3A_948 = arith.addf %mul3A_946, %mul3A_947 : vector<16xf32>
      %mul3A_949 = arith.mulf %sub3A_945, %sub3A_945 : vector<16xf32>
      %add3A_950 = arith.addf %add3A_948, %mul3A_949 : vector<16xf32>
      %mul3A_951 = arith.constant 16 : i32
      %mul3A_952 = arith.muli %scan3A_927, %mul3A_951 : i32
      %swap3A_953 = arith.index_cast %mul3A_952 : i32 to index
      %swap3A_954 = tpu.vector_load %arg21[%swap3A_953] {strides = array<i32>} : memref<80xf32, #tpu.memory_space<vmem>>, vector<16xf32>,
      tpu.vector_store %arg21[%swap3A_953], %add3A_950 {strides = array<i32>} : memref<80xf32, #tpu.memory_space<vmem>>, vector<16xf32>,
      %scan3A_955 = arith.constant 0 : i32
      %scan3A_956 = arith.constant 5 : i32
      %mul3A_957 = arith.constant 80 : i32
      %mul3A_958 = arith.muli %add3A_792, %mul3A_957 : i32
      %add3A_959 = arith.addi %mul3A_2, %mul3A_958 : i32
      %dma_start3A_960 = arith.constant 0 : i32
      %dma_start3A_961 = tpu.memref_slice %arg9[%add3A_959, %dma_start3A_960] : memref<320000x128xf32, #tpu.memory_space<hbm>> -> memref<80x128xf32, #tpu.memory_space<hbm>>
      %dma_start3A_962 = arith.constant 0 : i32
      %dma_start3A_963 = tpu.memref_slice %arg9[%add3A_959, %dma_start3A_962] : memref<320000x128xf32, #tpu.memory_space<hbm>> -> memref<80x128xf32, #tpu.memory_space<hbm>>
      tpu.enqueue_dma source(%arg17 : memref<80x128xf32, #tpu.memory_space<vmem>>) target(%dma_start3A_963 : memref<80x128xf32, #tpu.memory_space<hbm>>) target_semaphore(%arg30 : memref<!tpu.dma_semaphore, #tpu.memory_space<semaphore_mem>>)
      %dma_start3A_964 = tpu.memref_slice %arg10[%add3A_959] : memref<320000xf32, #tpu.memory_space<hbm>> -> memref<80xf32, #tpu.memory_space<hbm>>
      %dma_start3A_965 = tpu.memref_slice %arg10[%add3A_959] : memref<320000xf32, #tpu.memory_space<hbm>> -> memref<80xf32, #tpu.memory_space<hbm>>
      tpu.enqueue_dma source(%arg21 : memref<80xf32, #tpu.memory_space<vmem>>) target(%dma_start3A_965 : memref<80xf32, #tpu.memory_space<hbm>>) target_semaphore(%arg30 : memref<!tpu.dma_semaphore, #tpu.memory_space<semaphore_mem>>)
      %scan3A_966 = arith.constant 0 : i32
      scf.yield %scan3A_966 : i32
    }
    %scan3A_27 = arith.constant 41 : i32
    %dma_wait3A = arith.constant 9840 : i32
    %dma_wait3A_28 = tpu.memref_slice %arg11[%dma_wait3A] : memref<10000xi32, #tpu.memory_space<vmem>> -> memref<80xi32, #tpu.memory_space<vmem>>
    %dma_wait3A_29 = arith.constant 0 : i32
    %dma_wait3A_30 = arith.constant 0 : i32
    %dma_wait3A_31 = tpu.memref_slice %arg2[%dma_wait3A_29, %dma_wait3A_30] : memref<10000x128xf32, #tpu.memory_space<hbm>> -> memref<10000x128xf32, #tpu.memory_space<hbm>>
    tpu.wait_indirect_dma semaphore(%arg25 : memref<!tpu.dma_semaphore, #tpu.memory_space<semaphore_mem>>) src(%dma_wait3A_31 : memref<10000x128xf32, #tpu.memory_space<hbm>>) dst(%arg13 : memref<80x128xf32, #tpu.memory_space<vmem>>)
    %dma_wait3A_32 = arith.constant 9840 : i32
    %dma_wait3A_33 = tpu.memref_slice %arg12[%dma_wait3A_32] : memref<10000xi32, #tpu.memory_space<vmem>> -> memref<80xi32, #tpu.memory_space<vmem>>
    %dma_wait3A_34 = arith.constant 0 : i32
    %dma_wait3A_35 = arith.constant 0 : i32
    %dma_wait3A_36 = tpu.memref_slice %arg3[%dma_wait3A_34, %dma_wait3A_35] : memref<10000x128xf32, #tpu.memory_space<hbm>> -> memref<10000x128xf32, #tpu.memory_space<hbm>>
    tpu.wait_indirect_dma semaphore(%arg25 : memref<!tpu.dma_semaphore, #tpu.memory_space<semaphore_mem>>) src(%dma_wait3A_36 : memref<10000x128xf32, #tpu.memory_space<hbm>>) dst(%arg14 : memref<80x128xf32, #tpu.memory_space<vmem>>)
    %scan3A_37 = arith.constant 0 : i32
    %scan3A_38 = arith.constant 0 : i32
    %scan3A_39 = arith.constant 80 : i32
    %scan3A_40 = arith.addi %scan3A_38, %scan3A_39 : i32
    %scan3A_41 = arith.constant 2 : i32
    %scan3A_42 = scf.for %scan3A_381 = %scan3A_38 to %scan3A_40 step %scan3A_41 iter_args(%scan3A_382 = %scan3A_37) -> (i32)  : i32 {
      %get3A_383 = arith.index_cast %scan3A_381 : i32 to index
      %get3A_384 = arith.constant 0 : index
      %get3A_385 = tpu.vector_load %arg13[%get3A_383, %get3A_384] {strides = array<i32>} : memref<80x128xf32, #tpu.memory_space<vmem>>, vector<16xf32>,
      %get3A_386 = arith.index_cast %scan3A_381 : i32 to index
      %get3A_387 = arith.constant 0 : index
      %get3A_388 = tpu.vector_load %arg14[%get3A_386, %get3A_387] {strides = array<i32>} : memref<80x128xf32, #tpu.memory_space<vmem>>, vector<16xf32>,
      %add3A_389 = arith.addf %get3A_385, %get3A_388 : vector<16xf32>
      %swap3A_390 = arith.index_cast %scan3A_381 : i32 to index
      %swap3A_391 = arith.constant 0 : index
      %swap3A_392 = tpu.vector_load %arg13[%swap3A_390, %swap3A_391] {strides = array<i32>} : memref<80x128xf32, #tpu.memory_space<vmem>>, vector<16xf32>,
      tpu.vector_store %arg13[%swap3A_390, %swap3A_391], %add3A_389 {strides = array<i32>} : memref<80x128xf32, #tpu.memory_space<vmem>>, vector<16xf32>,
      %get3A_393 = arith.index_cast %scan3A_381 : i32 to index
      %get3A_394 = arith.constant 16 : index
      %get3A_395 = tpu.vector_load %arg13[%get3A_393, %get3A_394] {strides = array<i32>} : memref<80x128xf32, #tpu.memory_space<vmem>>, vector<16xf32>,
      %get3A_396 = arith.index_cast %scan3A_381 : i32 to index
      %get3A_397 = arith.constant 16 : index
      %get3A_398 = tpu.vector_load %arg14[%get3A_396, %get3A_397] {strides = array<i32>} : memref<80x128xf32, #tpu.memory_space<vmem>>, vector<16xf32>,
      %add3A_399 = arith.addf %get3A_395, %get3A_398 : vector<16xf32>
      %swap3A_400 = arith.index_cast %scan3A_381 : i32 to index
      %swap3A_401 = arith.constant 16 : index
      %swap3A_402 = tpu.vector_load %arg13[%swap3A_400, %swap3A_401] {strides = array<i32>} : memref<80x128xf32, #tpu.memory_space<vmem>>, vector<16xf32>,
      tpu.vector_store %arg13[%swap3A_400, %swap3A_401], %add3A_399 {strides = array<i32>} : memref<80x128xf32, #tpu.memory_space<vmem>>, vector<16xf32>,
      %get3A_403 = arith.index_cast %scan3A_381 : i32 to index
      %get3A_404 = arith.constant 32 : index
      %get3A_405 = tpu.vector_load %arg13[%get3A_403, %get3A_404] {strides = array<i32>} : memref<80x128xf32, #tpu.memory_space<vmem>>, vector<16xf32>,
      %get3A_406 = arith.index_cast %scan3A_381 : i32 to index
      %get3A_407 = arith.constant 32 : index
      %get3A_408 = tpu.vector_load %arg14[%get3A_406, %get3A_407] {strides = array<i32>} : memref<80x128xf32, #tpu.memory_space<vmem>>, vector<16xf32>,
      %add3A_409 = arith.addf %get3A_405, %get3A_408 : vector<16xf32>
      %swap3A_410 = arith.index_cast %scan3A_381 : i32 to index
      %swap3A_411 = arith.constant 32 : index
      %swap3A_412 = tpu.vector_load %arg13[%swap3A_410, %swap3A_411] {strides = array<i32>} : memref<80x128xf32, #tpu.memory_space<vmem>>, vector<16xf32>,
      tpu.vector_store %arg13[%swap3A_410, %swap3A_411], %add3A_409 {strides = array<i32>} : memref<80x128xf32, #tpu.memory_space<vmem>>, vector<16xf32>,
      %get3A_413 = arith.index_cast %scan3A_381 : i32 to index
      %get3A_414 = arith.constant 48 : index
      %get3A_415 = tpu.vector_load %arg13[%get3A_413, %get3A_414] {strides = array<i32>} : memref<80x128xf32, #tpu.memory_space<vmem>>, vector<16xf32>,
      %get3A_416 = arith.index_cast %scan3A_381 : i32 to index
      %get3A_417 = arith.constant 48 : index
      %get3A_418 = tpu.vector_load %arg14[%get3A_416, %get3A_417] {strides = array<i32>} : memref<80x128xf32, #tpu.memory_space<vmem>>, vector<16xf32>,
      %add3A_419 = arith.addf %get3A_415, %get3A_418 : vector<16xf32>
      %swap3A_420 = arith.index_cast %scan3A_381 : i32 to index
      %swap3A_421 = arith.constant 48 : index
      %swap3A_422 = tpu.vector_load %arg13[%swap3A_420, %swap3A_421] {strides = array<i32>} : memref<80x128xf32, #tpu.memory_space<vmem>>, vector<16xf32>,
      tpu.vector_store %arg13[%swap3A_420, %swap3A_421], %add3A_419 {strides = array<i32>} : memref<80x128xf32, #tpu.memory_space<vmem>>, vector<16xf32>,
      %get3A_423 = arith.index_cast %scan3A_381 : i32 to index
      %get3A_424 = arith.constant 64 : index
      %get3A_425 = tpu.vector_load %arg13[%get3A_423, %get3A_424] {strides = array<i32>} : memref<80x128xf32, #tpu.memory_space<vmem>>, vector<16xf32>,
      %get3A_426 = arith.index_cast %scan3A_381 : i32 to index
      %get3A_427 = arith.constant 64 : index
      %get3A_428 = tpu.vector_load %arg14[%get3A_426, %get3A_427] {strides = array<i32>} : memref<80x128xf32, #tpu.memory_space<vmem>>, vector<16xf32>,
      %add3A_429 = arith.addf %get3A_425, %get3A_428 : vector<16xf32>
      %swap3A_430 = arith.index_cast %scan3A_381 : i32 to index
      %swap3A_431 = arith.constant 64 : index
      %swap3A_432 = tpu.vector_load %arg13[%swap3A_430, %swap3A_431] {strides = array<i32>} : memref<80x128xf32, #tpu.memory_space<vmem>>, vector<16xf32>,
      tpu.vector_store %arg13[%swap3A_430, %swap3A_431], %add3A_429 {strides = array<i32>} : memref<80x128xf32, #tpu.memory_space<vmem>>, vector<16xf32>,
      %get3A_433 = arith.index_cast %scan3A_381 : i32 to index
      %get3A_434 = arith.constant 80 : index
      %get3A_435 = tpu.vector_load %arg13[%get3A_433, %get3A_434] {strides = array<i32>} : memref<80x128xf32, #tpu.memory_space<vmem>>, vector<16xf32>,
      %get3A_436 = arith.index_cast %scan3A_381 : i32 to index
      %get3A_437 = arith.constant 80 : index
      %get3A_438 = tpu.vector_load %arg14[%get3A_436, %get3A_437] {strides = array<i32>} : memref<80x128xf32, #tpu.memory_space<vmem>>, vector<16xf32>,
      %add3A_439 = arith.addf %get3A_435, %get3A_438 : vector<16xf32>
      %swap3A_440 = arith.index_cast %scan3A_381 : i32 to index
      %swap3A_441 = arith.constant 80 : index
      %swap3A_442 = tpu.vector_load %arg13[%swap3A_440, %swap3A_441] {strides = array<i32>} : memref<80x128xf32, #tpu.memory_space<vmem>>, vector<16xf32>,
      tpu.vector_store %arg13[%swap3A_440, %swap3A_441], %add3A_439 {strides = array<i32>} : memref<80x128xf32, #tpu.memory_space<vmem>>, vector<16xf32>,
      %get3A_443 = arith.index_cast %scan3A_381 : i32 to index
      %get3A_444 = arith.constant 96 : index
      %get3A_445 = tpu.vector_load %arg13[%get3A_443, %get3A_444] {strides = array<i32>} : memref<80x128xf32, #tpu.memory_space<vmem>>, vector<16xf32>,
      %get3A_446 = arith.index_cast %scan3A_381 : i32 to index
      %get3A_447 = arith.constant 96 : index
      %get3A_448 = tpu.vector_load %arg14[%get3A_446, %get3A_447] {strides = array<i32>} : memref<80x128xf32, #tpu.memory_space<vmem>>, vector<16xf32>,
      %add3A_449 = arith.addf %get3A_445, %get3A_448 : vector<16xf32>
      %swap3A_450 = arith.index_cast %scan3A_381 : i32 to index
      %swap3A_451 = arith.constant 96 : index
      %swap3A_452 = tpu.vector_load %arg13[%swap3A_450, %swap3A_451] {strides = array<i32>} : memref<80x128xf32, #tpu.memory_space<vmem>>, vector<16xf32>,
      tpu.vector_store %arg13[%swap3A_450, %swap3A_451], %add3A_449 {strides = array<i32>} : memref<80x128xf32, #tpu.memory_space<vmem>>, vector<16xf32>,
      %get3A_453 = arith.index_cast %scan3A_381 : i32 to index
      %get3A_454 = arith.constant 112 : index
      %get3A_455 = tpu.vector_load %arg13[%get3A_453, %get3A_454] {strides = array<i32>} : memref<80x128xf32, #tpu.memory_space<vmem>>, vector<16xf32>,
      %get3A_456 = arith.index_cast %scan3A_381 : i32 to index
      %get3A_457 = arith.constant 112 : index
      %get3A_458 = tpu.vector_load %arg14[%get3A_456, %get3A_457] {strides = array<i32>} : memref<80x128xf32, #tpu.memory_space<vmem>>, vector<16xf32>,
      %add3A_459 = arith.addf %get3A_455, %get3A_458 : vector<16xf32>
      %swap3A_460 = arith.index_cast %scan3A_381 : i32 to index
      %swap3A_461 = arith.constant 112 : index
      %swap3A_462 = tpu.vector_load %arg13[%swap3A_460, %swap3A_461] {strides = array<i32>} : memref<80x128xf32, #tpu.memory_space<vmem>>, vector<16xf32>,
      tpu.vector_store %arg13[%swap3A_460, %swap3A_461], %add3A_459 {strides = array<i32>} : memref<80x128xf32, #tpu.memory_space<vmem>>, vector<16xf32>,
      %scan3A_463 = arith.constant 0 : i32
      %scan3A_464 = arith.constant 1 : i32
      %scan3A_465 = arith.addi %scan3A_381, %scan3A_464 : i32
      %get3A_466 = arith.index_cast %scan3A_465 : i32 to index
      %get3A_467 = arith.constant 0 : index
      %get3A_468 = tpu.vector_load %arg13[%get3A_466, %get3A_467] {strides = array<i32>} : memref<80x128xf32, #tpu.memory_space<vmem>>, vector<16xf32>,
      %get3A_469 = arith.index_cast %scan3A_465 : i32 to index
      %get3A_470 = arith.constant 0 : index
      %get3A_471 = tpu.vector_load %arg14[%get3A_469, %get3A_470] {strides = array<i32>} : memref<80x128xf32, #tpu.memory_space<vmem>>, vector<16xf32>,
      %add3A_472 = arith.addf %get3A_468, %get3A_471 : vector<16xf32>
      %swap3A_473 = arith.index_cast %scan3A_465 : i32 to index
      %swap3A_474 = arith.constant 0 : index
      %swap3A_475 = tpu.vector_load %arg13[%swap3A_473, %swap3A_474] {strides = array<i32>} : memref<80x128xf32, #tpu.memory_space<vmem>>, vector<16xf32>,
      tpu.vector_store %arg13[%swap3A_473, %swap3A_474], %add3A_472 {strides = array<i32>} : memref<80x128xf32, #tpu.memory_space<vmem>>, vector<16xf32>,
      %get3A_476 = arith.index_cast %scan3A_465 : i32 to index
      %get3A_477 = arith.constant 16 : index
      %get3A_478 = tpu.vector_load %arg13[%get3A_476, %get3A_477] {strides = array<i32>} : memref<80x128xf32, #tpu.memory_space<vmem>>, vector<16xf32>,
      %get3A_479 = arith.index_cast %scan3A_465 : i32 to index
      %get3A_480 = arith.constant 16 : index
      %get3A_481 = tpu.vector_load %arg14[%get3A_479, %get3A_480] {strides = array<i32>} : memref<80x128xf32, #tpu.memory_space<vmem>>, vector<16xf32>,
      %add3A_482 = arith.addf %get3A_478, %get3A_481 : vector<16xf32>
      %swap3A_483 = arith.index_cast %scan3A_465 : i32 to index
      %swap3A_484 = arith.constant 16 : index
      %swap3A_485 = tpu.vector_load %arg13[%swap3A_483, %swap3A_484] {strides = array<i32>} : memref<80x128xf32, #tpu.memory_space<vmem>>, vector<16xf32>,
      tpu.vector_store %arg13[%swap3A_483, %swap3A_484], %add3A_482 {strides = array<i32>} : memref<80x128xf32, #tpu.memory_space<vmem>>, vector<16xf32>,
      %get3A_486 = arith.index_cast %scan3A_465 : i32 to index
      %get3A_487 = arith.constant 32 : index
      %get3A_488 = tpu.vector_load %arg13[%get3A_486, %get3A_487] {strides = array<i32>} : memref<80x128xf32, #tpu.memory_space<vmem>>, vector<16xf32>,
      %get3A_489 = arith.index_cast %scan3A_465 : i32 to index
      %get3A_490 = arith.constant 32 : index
      %get3A_491 = tpu.vector_load %arg14[%get3A_489, %get3A_490] {strides = array<i32>} : memref<80x128xf32, #tpu.memory_space<vmem>>, vector<16xf32>,
      %add3A_492 = arith.addf %get3A_488, %get3A_491 : vector<16xf32>
      %swap3A_493 = arith.index_cast %scan3A_465 : i32 to index
      %swap3A_494 = arith.constant 32 : index
      %swap3A_495 = tpu.vector_load %arg13[%swap3A_493, %swap3A_494] {strides = array<i32>} : memref<80x128xf32, #tpu.memory_space<vmem>>, vector<16xf32>,
      tpu.vector_store %arg13[%swap3A_493, %swap3A_494], %add3A_492 {strides = array<i32>} : memref<80x128xf32, #tpu.memory_space<vmem>>, vector<16xf32>,
      %get3A_496 = arith.index_cast %scan3A_465 : i32 to index
      %get3A_497 = arith.constant 48 : index
      %get3A_498 = tpu.vector_load %arg13[%get3A_496, %get3A_497] {strides = array<i32>} : memref<80x128xf32, #tpu.memory_space<vmem>>, vector<16xf32>,
      %get3A_499 = arith.index_cast %scan3A_465 : i32 to index
      %get3A_500 = arith.constant 48 : index
      %get3A_501 = tpu.vector_load %arg14[%get3A_499, %get3A_500] {strides = array<i32>} : memref<80x128xf32, #tpu.memory_space<vmem>>, vector<16xf32>,
      %add3A_502 = arith.addf %get3A_498, %get3A_501 : vector<16xf32>
      %swap3A_503 = arith.index_cast %scan3A_465 : i32 to index
      %swap3A_504 = arith.constant 48 : index
      %swap3A_505 = tpu.vector_load %arg13[%swap3A_503, %swap3A_504] {strides = array<i32>} : memref<80x128xf32, #tpu.memory_space<vmem>>, vector<16xf32>,
      tpu.vector_store %arg13[%swap3A_503, %swap3A_504], %add3A_502 {strides = array<i32>} : memref<80x128xf32, #tpu.memory_space<vmem>>, vector<16xf32>,
      %get3A_506 = arith.index_cast %scan3A_465 : i32 to index
      %get3A_507 = arith.constant 64 : index
      %get3A_508 = tpu.vector_load %arg13[%get3A_506, %get3A_507] {strides = array<i32>} : memref<80x128xf32, #tpu.memory_space<vmem>>, vector<16xf32>,
      %get3A_509 = arith.index_cast %scan3A_465 : i32 to index
      %get3A_510 = arith.constant 64 : index
      %get3A_511 = tpu.vector_load %arg14[%get3A_509, %get3A_510] {strides = array<i32>} : memref<80x128xf32, #tpu.memory_space<vmem>>, vector<16xf32>,
      %add3A_512 = arith.addf %get3A_508, %get3A_511 : vector<16xf32>
      %swap3A_513 = arith.index_cast %scan3A_465 : i32 to index
      %swap3A_514 = arith.constant 64 : index
      %swap3A_515 = tpu.vector_load %arg13[%swap3A_513, %swap3A_514] {strides = array<i32>} : memref<80x128xf32, #tpu.memory_space<vmem>>, vector<16xf32>,
      tpu.vector_store %arg13[%swap3A_513, %swap3A_514], %add3A_512 {strides = array<i32>} : memref<80x128xf32, #tpu.memory_space<vmem>>, vector<16xf32>,
      %get3A_516 = arith.index_cast %scan3A_465 : i32 to index
      %get3A_517 = arith.constant 80 : index
      %get3A_518 = tpu.vector_load %arg13[%get3A_516, %get3A_517] {strides = array<i32>} : memref<80x128xf32, #tpu.memory_space<vmem>>, vector<16xf32>,
      %get3A_519 = arith.index_cast %scan3A_465 : i32 to index
      %get3A_520 = arith.constant 80 : index
      %get3A_521 = tpu.vector_load %arg14[%get3A_519, %get3A_520] {strides = array<i32>} : memref<80x128xf32, #tpu.memory_space<vmem>>, vector<16xf32>,
      %add3A_522 = arith.addf %get3A_518, %get3A_521 : vector<16xf32>
      %swap3A_523 = arith.index_cast %scan3A_465 : i32 to index
      %swap3A_524 = arith.constant 80 : index
      %swap3A_525 = tpu.vector_load %arg13[%swap3A_523, %swap3A_524] {strides = array<i32>} : memref<80x128xf32, #tpu.memory_space<vmem>>, vector<16xf32>,
      tpu.vector_store %arg13[%swap3A_523, %swap3A_524], %add3A_522 {strides = array<i32>} : memref<80x128xf32, #tpu.memory_space<vmem>>, vector<16xf32>,
      %get3A_526 = arith.index_cast %scan3A_465 : i32 to index
      %get3A_527 = arith.constant 96 : index
      %get3A_528 = tpu.vector_load %arg13[%get3A_526, %get3A_527] {strides = array<i32>} : memref<80x128xf32, #tpu.memory_space<vmem>>, vector<16xf32>,
      %get3A_529 = arith.index_cast %scan3A_465 : i32 to index
      %get3A_530 = arith.constant 96 : index
      %get3A_531 = tpu.vector_load %arg14[%get3A_529, %get3A_530] {strides = array<i32>} : memref<80x128xf32, #tpu.memory_space<vmem>>, vector<16xf32>,
      %add3A_532 = arith.addf %get3A_528, %get3A_531 : vector<16xf32>
      %swap3A_533 = arith.index_cast %scan3A_465 : i32 to index
      %swap3A_534 = arith.constant 96 : index
      %swap3A_535 = tpu.vector_load %arg13[%swap3A_533, %swap3A_534] {strides = array<i32>} : memref<80x128xf32, #tpu.memory_space<vmem>>, vector<16xf32>,
      tpu.vector_store %arg13[%swap3A_533, %swap3A_534], %add3A_532 {strides = array<i32>} : memref<80x128xf32, #tpu.memory_space<vmem>>, vector<16xf32>,
      %get3A_536 = arith.index_cast %scan3A_465 : i32 to index
      %get3A_537 = arith.constant 112 : index
      %get3A_538 = tpu.vector_load %arg13[%get3A_536, %get3A_537] {strides = array<i32>} : memref<80x128xf32, #tpu.memory_space<vmem>>, vector<16xf32>,
      %get3A_539 = arith.index_cast %scan3A_465 : i32 to index
      %get3A_540 = arith.constant 112 : index
      %get3A_541 = tpu.vector_load %arg14[%get3A_539, %get3A_540] {strides = array<i32>} : memref<80x128xf32, #tpu.memory_space<vmem>>, vector<16xf32>,
      %add3A_542 = arith.addf %get3A_538, %get3A_541 : vector<16xf32>
      %swap3A_543 = arith.index_cast %scan3A_465 : i32 to index
      %swap3A_544 = arith.constant 112 : index
      %swap3A_545 = tpu.vector_load %arg13[%swap3A_543, %swap3A_544] {strides = array<i32>} : memref<80x128xf32, #tpu.memory_space<vmem>>, vector<16xf32>,
      tpu.vector_store %arg13[%swap3A_543, %swap3A_544], %add3A_542 {strides = array<i32>} : memref<80x128xf32, #tpu.memory_space<vmem>>, vector<16xf32>,
      %scan3A_546 = arith.constant 0 : i32
      scf.yield %scan3A_546 : i32
    }
    %scan3A_43 = arith.constant 80 : i32
    %scan3A_44 = arith.constant 0 : i32
    %scan3A_45 = arith.constant 0 : i32
    %mul3A_46 = arith.constant 16 : i32
    %mul3A_47 = arith.muli %scan3A_45, %mul3A_46 : i32
    %add3A_48 = arith.constant 9840 : i32
    %add3A_49 = arith.addi %add3A_48, %mul3A_47 : i32
    %get3A = arith.index_cast %add3A_49 : i32 to index
    %get3A_50 = tpu.vector_load %arg11[%get3A] {strides = array<i32>} : memref<10000xi32, #tpu.memory_space<vmem>>, vector<16xi32>,
    %get3A_51 = arith.index_cast %add3A_49 : i32 to index
    %get3A_52 = tpu.vector_load %arg12[%get3A_51] {strides = array<i32>} : memref<10000xi32, #tpu.memory_space<vmem>>, vector<16xi32>,
    %gather3A = tpu.vector_load_idx %arg22[%get3A_50] : memref<10000xf32, #tpu.memory_space<vmem>>[vector<16xi32>], vector<16xf32>,
    %gather3A_53 = tpu.vector_load_idx %arg22[%get3A_52] : memref<10000xf32, #tpu.memory_space<vmem>>[vector<16xi32>], vector<16xf32>,
    %sub3A = arith.subf %gather3A, %gather3A_53 : vector<16xf32>
    %gather3A_54 = tpu.vector_load_idx %arg23[%get3A_50] : memref<10000xf32, #tpu.memory_space<vmem>>[vector<16xi32>], vector<16xf32>,
    %gather3A_55 = tpu.vector_load_idx %arg23[%get3A_52] : memref<10000xf32, #tpu.memory_space<vmem>>[vector<16xi32>], vector<16xf32>,
    %sub3A_56 = arith.subf %gather3A_54, %gather3A_55 : vector<16xf32>
    %gather3A_57 = tpu.vector_load_idx %arg24[%get3A_50] : memref<10000xf32, #tpu.memory_space<vmem>>[vector<16xi32>], vector<16xf32>,
    %gather3A_58 = tpu.vector_load_idx %arg24[%get3A_52] : memref<10000xf32, #tpu.memory_space<vmem>>[vector<16xi32>], vector<16xf32>,
    %sub3A_59 = arith.subf %gather3A_57, %gather3A_58 : vector<16xf32>
    %mul3A_60 = arith.mulf %sub3A, %sub3A : vector<16xf32>
    %mul3A_61 = arith.mulf %sub3A_56, %sub3A_56 : vector<16xf32>
    %add3A_62 = arith.addf %mul3A_60, %mul3A_61 : vector<16xf32>
    %mul3A_63 = arith.mulf %sub3A_59, %sub3A_59 : vector<16xf32>
    %add3A_64 = arith.addf %add3A_62, %mul3A_63 : vector<16xf32>
    %mul3A_65 = arith.constant 16 : i32
    %mul3A_66 = arith.muli %scan3A_45, %mul3A_65 : i32
    %swap3A = arith.index_cast %mul3A_66 : i32 to index
    %swap3A_67 = tpu.vector_load %arg19[%swap3A] {strides = array<i32>} : memref<80xf32, #tpu.memory_space<vmem>>, vector<16xf32>,
    tpu.vector_store %arg19[%swap3A], %add3A_64 {strides = array<i32>} : memref<80xf32, #tpu.memory_space<vmem>>, vector<16xf32>,
    %scan3A_68 = arith.constant 0 : i32
    %scan3A_69 = arith.constant 1 : i32
    %mul3A_70 = arith.constant 16 : i32
    %mul3A_71 = arith.muli %scan3A_69, %mul3A_70 : i32
    %add3A_72 = arith.constant 9840 : i32
    %add3A_73 = arith.addi %add3A_72, %mul3A_71 : i32
    %get3A_74 = arith.index_cast %add3A_73 : i32 to index
    %get3A_75 = tpu.vector_load %arg11[%get3A_74] {strides = array<i32>} : memref<10000xi32, #tpu.memory_space<vmem>>, vector<16xi32>,
    %get3A_76 = arith.index_cast %add3A_73 : i32 to index
    %get3A_77 = tpu.vector_load %arg12[%get3A_76] {strides = array<i32>} : memref<10000xi32, #tpu.memory_space<vmem>>, vector<16xi32>,
    %gather3A_78 = tpu.vector_load_idx %arg22[%get3A_75] : memref<10000xf32, #tpu.memory_space<vmem>>[vector<16xi32>], vector<16xf32>,
    %gather3A_79 = tpu.vector_load_idx %arg22[%get3A_77] : memref<10000xf32, #tpu.memory_space<vmem>>[vector<16xi32>], vector<16xf32>,
    %sub3A_80 = arith.subf %gather3A_78, %gather3A_79 : vector<16xf32>
    %gather3A_81 = tpu.vector_load_idx %arg23[%get3A_75] : memref<10000xf32, #tpu.memory_space<vmem>>[vector<16xi32>], vector<16xf32>,
    %gather3A_82 = tpu.vector_load_idx %arg23[%get3A_77] : memref<10000xf32, #tpu.memory_space<vmem>>[vector<16xi32>], vector<16xf32>,
    %sub3A_83 = arith.subf %gather3A_81, %gather3A_82 : vector<16xf32>
    %gather3A_84 = tpu.vector_load_idx %arg24[%get3A_75] : memref<10000xf32, #tpu.memory_space<vmem>>[vector<16xi32>], vector<16xf32>,
    %gather3A_85 = tpu.vector_load_idx %arg24[%get3A_77] : memref<10000xf32, #tpu.memory_space<vmem>>[vector<16xi32>], vector<16xf32>,
    %sub3A_86 = arith.subf %gather3A_84, %gather3A_85 : vector<16xf32>
    %mul3A_87 = arith.mulf %sub3A_80, %sub3A_80 : vector<16xf32>
    %mul3A_88 = arith.mulf %sub3A_83, %sub3A_83 : vector<16xf32>
    %add3A_89 = arith.addf %mul3A_87, %mul3A_88 : vector<16xf32>
    %mul3A_90 = arith.mulf %sub3A_86, %sub3A_86 : vector<16xf32>
    %add3A_91 = arith.addf %add3A_89, %mul3A_90 : vector<16xf32>
    %mul3A_92 = arith.constant 16 : i32
    %mul3A_93 = arith.muli %scan3A_69, %mul3A_92 : i32
    %swap3A_94 = arith.index_cast %mul3A_93 : i32 to index
    %swap3A_95 = tpu.vector_load %arg19[%swap3A_94] {strides = array<i32>} : memref<80xf32, #tpu.memory_space<vmem>>, vector<16xf32>,
    tpu.vector_store %arg19[%swap3A_94], %add3A_91 {strides = array<i32>} : memref<80xf32, #tpu.memory_space<vmem>>, vector<16xf32>,
    %scan3A_96 = arith.constant 0 : i32
    %scan3A_97 = arith.constant 2 : i32
    %mul3A_98 = arith.constant 16 : i32
    %mul3A_99 = arith.muli %scan3A_97, %mul3A_98 : i32
    %add3A_100 = arith.constant 9840 : i32
    %add3A_101 = arith.addi %add3A_100, %mul3A_99 : i32
    %get3A_102 = arith.index_cast %add3A_101 : i32 to index
    %get3A_103 = tpu.vector_load %arg11[%get3A_102] {strides = array<i32>} : memref<10000xi32, #tpu.memory_space<vmem>>, vector<16xi32>,
    %get3A_104 = arith.index_cast %add3A_101 : i32 to index
    %get3A_105 = tpu.vector_load %arg12[%get3A_104] {strides = array<i32>} : memref<10000xi32, #tpu.memory_space<vmem>>, vector<16xi32>,
    %gather3A_106 = tpu.vector_load_idx %arg22[%get3A_103] : memref<10000xf32, #tpu.memory_space<vmem>>[vector<16xi32>], vector<16xf32>,
    %gather3A_107 = tpu.vector_load_idx %arg22[%get3A_105] : memref<10000xf32, #tpu.memory_space<vmem>>[vector<16xi32>], vector<16xf32>,
    %sub3A_108 = arith.subf %gather3A_106, %gather3A_107 : vector<16xf32>
    %gather3A_109 = tpu.vector_load_idx %arg23[%get3A_103] : memref<10000xf32, #tpu.memory_space<vmem>>[vector<16xi32>], vector<16xf32>,
    %gather3A_110 = tpu.vector_load_idx %arg23[%get3A_105] : memref<10000xf32, #tpu.memory_space<vmem>>[vector<16xi32>], vector<16xf32>,
    %sub3A_111 = arith.subf %gather3A_109, %gather3A_110 : vector<16xf32>
    %gather3A_112 = tpu.vector_load_idx %arg24[%get3A_103] : memref<10000xf32, #tpu.memory_space<vmem>>[vector<16xi32>], vector<16xf32>,
    %gather3A_113 = tpu.vector_load_idx %arg24[%get3A_105] : memref<10000xf32, #tpu.memory_space<vmem>>[vector<16xi32>], vector<16xf32>,
    %sub3A_114 = arith.subf %gather3A_112, %gather3A_113 : vector<16xf32>
    %mul3A_115 = arith.mulf %sub3A_108, %sub3A_108 : vector<16xf32>
    %mul3A_116 = arith.mulf %sub3A_111, %sub3A_111 : vector<16xf32>
    %add3A_117 = arith.addf %mul3A_115, %mul3A_116 : vector<16xf32>
    %mul3A_118 = arith.mulf %sub3A_114, %sub3A_114 : vector<16xf32>
    %add3A_119 = arith.addf %add3A_117, %mul3A_118 : vector<16xf32>
    %mul3A_120 = arith.constant 16 : i32
    %mul3A_121 = arith.muli %scan3A_97, %mul3A_120 : i32
    %swap3A_122 = arith.index_cast %mul3A_121 : i32 to index
    %swap3A_123 = tpu.vector_load %arg19[%swap3A_122] {strides = array<i32>} : memref<80xf32, #tpu.memory_space<vmem>>, vector<16xf32>,
    tpu.vector_store %arg19[%swap3A_122], %add3A_119 {strides = array<i32>} : memref<80xf32, #tpu.memory_space<vmem>>, vector<16xf32>,
    %scan3A_124 = arith.constant 0 : i32
    %scan3A_125 = arith.constant 3 : i32
    %mul3A_126 = arith.constant 16 : i32
    %mul3A_127 = arith.muli %scan3A_125, %mul3A_126 : i32
    %add3A_128 = arith.constant 9840 : i32
    %add3A_129 = arith.addi %add3A_128, %mul3A_127 : i32
    %get3A_130 = arith.index_cast %add3A_129 : i32 to index
    %get3A_131 = tpu.vector_load %arg11[%get3A_130] {strides = array<i32>} : memref<10000xi32, #tpu.memory_space<vmem>>, vector<16xi32>,
    %get3A_132 = arith.index_cast %add3A_129 : i32 to index
    %get3A_133 = tpu.vector_load %arg12[%get3A_132] {strides = array<i32>} : memref<10000xi32, #tpu.memory_space<vmem>>, vector<16xi32>,
    %gather3A_134 = tpu.vector_load_idx %arg22[%get3A_131] : memref<10000xf32, #tpu.memory_space<vmem>>[vector<16xi32>], vector<16xf32>,
    %gather3A_135 = tpu.vector_load_idx %arg22[%get3A_133] : memref<10000xf32, #tpu.memory_space<vmem>>[vector<16xi32>], vector<16xf32>,
    %sub3A_136 = arith.subf %gather3A_134, %gather3A_135 : vector<16xf32>
    %gather3A_137 = tpu.vector_load_idx %arg23[%get3A_131] : memref<10000xf32, #tpu.memory_space<vmem>>[vector<16xi32>], vector<16xf32>,
    %gather3A_138 = tpu.vector_load_idx %arg23[%get3A_133] : memref<10000xf32, #tpu.memory_space<vmem>>[vector<16xi32>], vector<16xf32>,
    %sub3A_139 = arith.subf %gather3A_137, %gather3A_138 : vector<16xf32>
    %gather3A_140 = tpu.vector_load_idx %arg24[%get3A_131] : memref<10000xf32, #tpu.memory_space<vmem>>[vector<16xi32>], vector<16xf32>,
    %gather3A_141 = tpu.vector_load_idx %arg24[%get3A_133] : memref<10000xf32, #tpu.memory_space<vmem>>[vector<16xi32>], vector<16xf32>,
    %sub3A_142 = arith.subf %gather3A_140, %gather3A_141 : vector<16xf32>
    %mul3A_143 = arith.mulf %sub3A_136, %sub3A_136 : vector<16xf32>
    %mul3A_144 = arith.mulf %sub3A_139, %sub3A_139 : vector<16xf32>
    %add3A_145 = arith.addf %mul3A_143, %mul3A_144 : vector<16xf32>
    %mul3A_146 = arith.mulf %sub3A_142, %sub3A_142 : vector<16xf32>
    %add3A_147 = arith.addf %add3A_145, %mul3A_146 : vector<16xf32>
    %mul3A_148 = arith.constant 16 : i32
    %mul3A_149 = arith.muli %scan3A_125, %mul3A_148 : i32
    %swap3A_150 = arith.index_cast %mul3A_149 : i32 to index
    %swap3A_151 = tpu.vector_load %arg19[%swap3A_150] {strides = array<i32>} : memref<80xf32, #tpu.memory_space<vmem>>, vector<16xf32>,
    tpu.vector_store %arg19[%swap3A_150], %add3A_147 {strides = array<i32>} : memref<80xf32, #tpu.memory_space<vmem>>, vector<16xf32>,
    %scan3A_152 = arith.constant 0 : i32
    %scan3A_153 = arith.constant 4 : i32
    %mul3A_154 = arith.constant 16 : i32
    %mul3A_155 = arith.muli %scan3A_153, %mul3A_154 : i32
    %add3A_156 = arith.constant 9840 : i32
    %add3A_157 = arith.addi %add3A_156, %mul3A_155 : i32
    %get3A_158 = arith.index_cast %add3A_157 : i32 to index
    %get3A_159 = tpu.vector_load %arg11[%get3A_158] {strides = array<i32>} : memref<10000xi32, #tpu.memory_space<vmem>>, vector<16xi32>,
    %get3A_160 = arith.index_cast %add3A_157 : i32 to index
    %get3A_161 = tpu.vector_load %arg12[%get3A_160] {strides = array<i32>} : memref<10000xi32, #tpu.memory_space<vmem>>, vector<16xi32>,
    %gather3A_162 = tpu.vector_load_idx %arg22[%get3A_159] : memref<10000xf32, #tpu.memory_space<vmem>>[vector<16xi32>], vector<16xf32>,
    %gather3A_163 = tpu.vector_load_idx %arg22[%get3A_161] : memref<10000xf32, #tpu.memory_space<vmem>>[vector<16xi32>], vector<16xf32>,
    %sub3A_164 = arith.subf %gather3A_162, %gather3A_163 : vector<16xf32>
    %gather3A_165 = tpu.vector_load_idx %arg23[%get3A_159] : memref<10000xf32, #tpu.memory_space<vmem>>[vector<16xi32>], vector<16xf32>,
    %gather3A_166 = tpu.vector_load_idx %arg23[%get3A_161] : memref<10000xf32, #tpu.memory_space<vmem>>[vector<16xi32>], vector<16xf32>,
    %sub3A_167 = arith.subf %gather3A_165, %gather3A_166 : vector<16xf32>
    %gather3A_168 = tpu.vector_load_idx %arg24[%get3A_159] : memref<10000xf32, #tpu.memory_space<vmem>>[vector<16xi32>], vector<16xf32>,
    %gather3A_169 = tpu.vector_load_idx %arg24[%get3A_161] : memref<10000xf32, #tpu.memory_space<vmem>>[vector<16xi32>], vector<16xf32>,
    %sub3A_170 = arith.subf %gather3A_168, %gather3A_169 : vector<16xf32>
    %mul3A_171 = arith.mulf %sub3A_164, %sub3A_164 : vector<16xf32>
    %mul3A_172 = arith.mulf %sub3A_167, %sub3A_167 : vector<16xf32>
    %add3A_173 = arith.addf %mul3A_171, %mul3A_172 : vector<16xf32>
    %mul3A_174 = arith.mulf %sub3A_170, %sub3A_170 : vector<16xf32>
    %add3A_175 = arith.addf %add3A_173, %mul3A_174 : vector<16xf32>
    %mul3A_176 = arith.constant 16 : i32
    %mul3A_177 = arith.muli %scan3A_153, %mul3A_176 : i32
    %swap3A_178 = arith.index_cast %mul3A_177 : i32 to index
    %swap3A_179 = tpu.vector_load %arg19[%swap3A_178] {strides = array<i32>} : memref<80xf32, #tpu.memory_space<vmem>>, vector<16xf32>,
    tpu.vector_store %arg19[%swap3A_178], %add3A_175 {strides = array<i32>} : memref<80xf32, #tpu.memory_space<vmem>>, vector<16xf32>,
    %scan3A_180 = arith.constant 0 : i32
    %scan3A_181 = arith.constant 5 : i32
    %add3A_182 = arith.constant 9840 : i32
    %add3A_183 = arith.addi %mul3A_2, %add3A_182 : i32
    %dma_start3A_184 = arith.constant 0 : i32
    %dma_start3A_185 = tpu.memref_slice %arg9[%add3A_183, %dma_start3A_184] : memref<320000x128xf32, #tpu.memory_space<hbm>> -> memref<80x128xf32, #tpu.memory_space<hbm>>
    %dma_start3A_186 = arith.constant 0 : i32
    %dma_start3A_187 = tpu.memref_slice %arg9[%add3A_183, %dma_start3A_186] : memref<320000x128xf32, #tpu.memory_space<hbm>> -> memref<80x128xf32, #tpu.memory_space<hbm>>
    tpu.enqueue_dma source(%arg13 : memref<80x128xf32, #tpu.memory_space<vmem>>) target(%dma_start3A_187 : memref<80x128xf32, #tpu.memory_space<hbm>>) target_semaphore(%arg28 : memref<!tpu.dma_semaphore, #tpu.memory_space<semaphore_mem>>)
    %dma_start3A_188 = tpu.memref_slice %arg10[%add3A_183] : memref<320000xf32, #tpu.memory_space<hbm>> -> memref<80xf32, #tpu.memory_space<hbm>>
    %dma_start3A_189 = tpu.memref_slice %arg10[%add3A_183] : memref<320000xf32, #tpu.memory_space<hbm>> -> memref<80xf32, #tpu.memory_space<hbm>>
    tpu.enqueue_dma source(%arg19 : memref<80xf32, #tpu.memory_space<vmem>>) target(%dma_start3A_189 : memref<80xf32, #tpu.memory_space<hbm>>) target_semaphore(%arg28 : memref<!tpu.dma_semaphore, #tpu.memory_space<semaphore_mem>>)
    %dma_wait3A_190 = arith.constant 9920 : i32
    %dma_wait3A_191 = tpu.memref_slice %arg11[%dma_wait3A_190] : memref<10000xi32, #tpu.memory_space<vmem>> -> memref<80xi32, #tpu.memory_space<vmem>>
    %dma_wait3A_192 = arith.constant 0 : i32
    %dma_wait3A_193 = arith.constant 0 : i32
    %dma_wait3A_194 = tpu.memref_slice %arg2[%dma_wait3A_192, %dma_wait3A_193] : memref<10000x128xf32, #tpu.memory_space<hbm>> -> memref<10000x128xf32, #tpu.memory_space<hbm>>
    tpu.wait_indirect_dma semaphore(%arg26 : memref<!tpu.dma_semaphore, #tpu.memory_space<semaphore_mem>>) src(%dma_wait3A_194 : memref<10000x128xf32, #tpu.memory_space<hbm>>) dst(%arg15 : memref<80x128xf32, #tpu.memory_space<vmem>>)
    %dma_wait3A_195 = arith.constant 9920 : i32
    %dma_wait3A_196 = tpu.memref_slice %arg12[%dma_wait3A_195] : memref<10000xi32, #tpu.memory_space<vmem>> -> memref<80xi32, #tpu.memory_space<vmem>>
    %dma_wait3A_197 = arith.constant 0 : i32
    %dma_wait3A_198 = arith.constant 0 : i32
    %dma_wait3A_199 = tpu.memref_slice %arg3[%dma_wait3A_197, %dma_wait3A_198] : memref<10000x128xf32, #tpu.memory_space<hbm>> -> memref<10000x128xf32, #tpu.memory_space<hbm>>
    tpu.wait_indirect_dma semaphore(%arg26 : memref<!tpu.dma_semaphore, #tpu.memory_space<semaphore_mem>>) src(%dma_wait3A_199 : memref<10000x128xf32, #tpu.memory_space<hbm>>) dst(%arg16 : memref<80x128xf32, #tpu.memory_space<vmem>>)
    %scan3A_200 = arith.constant 0 : i32
    %scan3A_201 = arith.constant 0 : i32
    %scan3A_202 = arith.constant 80 : i32
    %scan3A_203 = arith.addi %scan3A_201, %scan3A_202 : i32
    %scan3A_204 = arith.constant 2 : i32
    %scan3A_205 = scf.for %scan3A_381 = %scan3A_201 to %scan3A_203 step %scan3A_204 iter_args(%scan3A_382 = %scan3A_200) -> (i32)  : i32 {
      %get3A_383 = arith.index_cast %scan3A_381 : i32 to index
      %get3A_384 = arith.constant 0 : index
      %get3A_385 = tpu.vector_load %arg15[%get3A_383, %get3A_384] {strides = array<i32>} : memref<80x128xf32, #tpu.memory_space<vmem>>, vector<16xf32>,
      %get3A_386 = arith.index_cast %scan3A_381 : i32 to index
      %get3A_387 = arith.constant 0 : index
      %get3A_388 = tpu.vector_load %arg16[%get3A_386, %get3A_387] {strides = array<i32>} : memref<80x128xf32, #tpu.memory_space<vmem>>, vector<16xf32>,
      %add3A_389 = arith.addf %get3A_385, %get3A_388 : vector<16xf32>
      %swap3A_390 = arith.index_cast %scan3A_381 : i32 to index
      %swap3A_391 = arith.constant 0 : index
      %swap3A_392 = tpu.vector_load %arg15[%swap3A_390, %swap3A_391] {strides = array<i32>} : memref<80x128xf32, #tpu.memory_space<vmem>>, vector<16xf32>,
      tpu.vector_store %arg15[%swap3A_390, %swap3A_391], %add3A_389 {strides = array<i32>} : memref<80x128xf32, #tpu.memory_space<vmem>>, vector<16xf32>,
      %get3A_393 = arith.index_cast %scan3A_381 : i32 to index
      %get3A_394 = arith.constant 16 : index
      %get3A_395 = tpu.vector_load %arg15[%get3A_393, %get3A_394] {strides = array<i32>} : memref<80x128xf32, #tpu.memory_space<vmem>>, vector<16xf32>,
      %get3A_396 = arith.index_cast %scan3A_381 : i32 to index
      %get3A_397 = arith.constant 16 : index
      %get3A_398 = tpu.vector_load %arg16[%get3A_396, %get3A_397] {strides = array<i32>} : memref<80x128xf32, #tpu.memory_space<vmem>>, vector<16xf32>,
      %add3A_399 = arith.addf %get3A_395, %get3A_398 : vector<16xf32>
      %swap3A_400 = arith.index_cast %scan3A_381 : i32 to index
      %swap3A_401 = arith.constant 16 : index
      %swap3A_402 = tpu.vector_load %arg15[%swap3A_400, %swap3A_401] {strides = array<i32>} : memref<80x128xf32, #tpu.memory_space<vmem>>, vector<16xf32>,
      tpu.vector_store %arg15[%swap3A_400, %swap3A_401], %add3A_399 {strides = array<i32>} : memref<80x128xf32, #tpu.memory_space<vmem>>, vector<16xf32>,
      %get3A_403 = arith.index_cast %scan3A_381 : i32 to index
      %get3A_404 = arith.constant 32 : index
      %get3A_405 = tpu.vector_load %arg15[%get3A_403, %get3A_404] {strides = array<i32>} : memref<80x128xf32, #tpu.memory_space<vmem>>, vector<16xf32>,
      %get3A_406 = arith.index_cast %scan3A_381 : i32 to index
      %get3A_407 = arith.constant 32 : index
      %get3A_408 = tpu.vector_load %arg16[%get3A_406, %get3A_407] {strides = array<i32>} : memref<80x128xf32, #tpu.memory_space<vmem>>, vector<16xf32>,
      %add3A_409 = arith.addf %get3A_405, %get3A_408 : vector<16xf32>
      %swap3A_410 = arith.index_cast %scan3A_381 : i32 to index
      %swap3A_411 = arith.constant 32 : index
      %swap3A_412 = tpu.vector_load %arg15[%swap3A_410, %swap3A_411] {strides = array<i32>} : memref<80x128xf32, #tpu.memory_space<vmem>>, vector<16xf32>,
      tpu.vector_store %arg15[%swap3A_410, %swap3A_411], %add3A_409 {strides = array<i32>} : memref<80x128xf32, #tpu.memory_space<vmem>>, vector<16xf32>,
      %get3A_413 = arith.index_cast %scan3A_381 : i32 to index
      %get3A_414 = arith.constant 48 : index
      %get3A_415 = tpu.vector_load %arg15[%get3A_413, %get3A_414] {strides = array<i32>} : memref<80x128xf32, #tpu.memory_space<vmem>>, vector<16xf32>,
      %get3A_416 = arith.index_cast %scan3A_381 : i32 to index
      %get3A_417 = arith.constant 48 : index
      %get3A_418 = tpu.vector_load %arg16[%get3A_416, %get3A_417] {strides = array<i32>} : memref<80x128xf32, #tpu.memory_space<vmem>>, vector<16xf32>,
      %add3A_419 = arith.addf %get3A_415, %get3A_418 : vector<16xf32>
      %swap3A_420 = arith.index_cast %scan3A_381 : i32 to index
      %swap3A_421 = arith.constant 48 : index
      %swap3A_422 = tpu.vector_load %arg15[%swap3A_420, %swap3A_421] {strides = array<i32>} : memref<80x128xf32, #tpu.memory_space<vmem>>, vector<16xf32>,
      tpu.vector_store %arg15[%swap3A_420, %swap3A_421], %add3A_419 {strides = array<i32>} : memref<80x128xf32, #tpu.memory_space<vmem>>, vector<16xf32>,
      %get3A_423 = arith.index_cast %scan3A_381 : i32 to index
      %get3A_424 = arith.constant 64 : index
      %get3A_425 = tpu.vector_load %arg15[%get3A_423, %get3A_424] {strides = array<i32>} : memref<80x128xf32, #tpu.memory_space<vmem>>, vector<16xf32>,
      %get3A_426 = arith.index_cast %scan3A_381 : i32 to index
      %get3A_427 = arith.constant 64 : index
      %get3A_428 = tpu.vector_load %arg16[%get3A_426, %get3A_427] {strides = array<i32>} : memref<80x128xf32, #tpu.memory_space<vmem>>, vector<16xf32>,
      %add3A_429 = arith.addf %get3A_425, %get3A_428 : vector<16xf32>
      %swap3A_430 = arith.index_cast %scan3A_381 : i32 to index
      %swap3A_431 = arith.constant 64 : index
      %swap3A_432 = tpu.vector_load %arg15[%swap3A_430, %swap3A_431] {strides = array<i32>} : memref<80x128xf32, #tpu.memory_space<vmem>>, vector<16xf32>,
      tpu.vector_store %arg15[%swap3A_430, %swap3A_431], %add3A_429 {strides = array<i32>} : memref<80x128xf32, #tpu.memory_space<vmem>>, vector<16xf32>,
      %get3A_433 = arith.index_cast %scan3A_381 : i32 to index
      %get3A_434 = arith.constant 80 : index
      %get3A_435 = tpu.vector_load %arg15[%get3A_433, %get3A_434] {strides = array<i32>} : memref<80x128xf32, #tpu.memory_space<vmem>>, vector<16xf32>,
      %get3A_436 = arith.index_cast %scan3A_381 : i32 to index
      %get3A_437 = arith.constant 80 : index
      %get3A_438 = tpu.vector_load %arg16[%get3A_436, %get3A_437] {strides = array<i32>} : memref<80x128xf32, #tpu.memory_space<vmem>>, vector<16xf32>,
      %add3A_439 = arith.addf %get3A_435, %get3A_438 : vector<16xf32>
      %swap3A_440 = arith.index_cast %scan3A_381 : i32 to index
      %swap3A_441 = arith.constant 80 : index
      %swap3A_442 = tpu.vector_load %arg15[%swap3A_440, %swap3A_441] {strides = array<i32>} : memref<80x128xf32, #tpu.memory_space<vmem>>, vector<16xf32>,
      tpu.vector_store %arg15[%swap3A_440, %swap3A_441], %add3A_439 {strides = array<i32>} : memref<80x128xf32, #tpu.memory_space<vmem>>, vector<16xf32>,
      %get3A_443 = arith.index_cast %scan3A_381 : i32 to index
      %get3A_444 = arith.constant 96 : index
      %get3A_445 = tpu.vector_load %arg15[%get3A_443, %get3A_444] {strides = array<i32>} : memref<80x128xf32, #tpu.memory_space<vmem>>, vector<16xf32>,
      %get3A_446 = arith.index_cast %scan3A_381 : i32 to index
      %get3A_447 = arith.constant 96 : index
      %get3A_448 = tpu.vector_load %arg16[%get3A_446, %get3A_447] {strides = array<i32>} : memref<80x128xf32, #tpu.memory_space<vmem>>, vector<16xf32>,
      %add3A_449 = arith.addf %get3A_445, %get3A_448 : vector<16xf32>
      %swap3A_450 = arith.index_cast %scan3A_381 : i32 to index
      %swap3A_451 = arith.constant 96 : index
      %swap3A_452 = tpu.vector_load %arg15[%swap3A_450, %swap3A_451] {strides = array<i32>} : memref<80x128xf32, #tpu.memory_space<vmem>>, vector<16xf32>,
      tpu.vector_store %arg15[%swap3A_450, %swap3A_451], %add3A_449 {strides = array<i32>} : memref<80x128xf32, #tpu.memory_space<vmem>>, vector<16xf32>,
      %get3A_453 = arith.index_cast %scan3A_381 : i32 to index
      %get3A_454 = arith.constant 112 : index
      %get3A_455 = tpu.vector_load %arg15[%get3A_453, %get3A_454] {strides = array<i32>} : memref<80x128xf32, #tpu.memory_space<vmem>>, vector<16xf32>,
      %get3A_456 = arith.index_cast %scan3A_381 : i32 to index
      %get3A_457 = arith.constant 112 : index
      %get3A_458 = tpu.vector_load %arg16[%get3A_456, %get3A_457] {strides = array<i32>} : memref<80x128xf32, #tpu.memory_space<vmem>>, vector<16xf32>,
      %add3A_459 = arith.addf %get3A_455, %get3A_458 : vector<16xf32>
      %swap3A_460 = arith.index_cast %scan3A_381 : i32 to index
      %swap3A_461 = arith.constant 112 : index
      %swap3A_462 = tpu.vector_load %arg15[%swap3A_460, %swap3A_461] {strides = array<i32>} : memref<80x128xf32, #tpu.memory_space<vmem>>, vector<16xf32>,
      tpu.vector_store %arg15[%swap3A_460, %swap3A_461], %add3A_459 {strides = array<i32>} : memref<80x128xf32, #tpu.memory_space<vmem>>, vector<16xf32>,
      %scan3A_463 = arith.constant 0 : i32
      %scan3A_464 = arith.constant 1 : i32
      %scan3A_465 = arith.addi %scan3A_381, %scan3A_464 : i32
      %get3A_466 = arith.index_cast %scan3A_465 : i32 to index
      %get3A_467 = arith.constant 0 : index
      %get3A_468 = tpu.vector_load %arg15[%get3A_466, %get3A_467] {strides = array<i32>} : memref<80x128xf32, #tpu.memory_space<vmem>>, vector<16xf32>,
      %get3A_469 = arith.index_cast %scan3A_465 : i32 to index
      %get3A_470 = arith.constant 0 : index
      %get3A_471 = tpu.vector_load %arg16[%get3A_469, %get3A_470] {strides = array<i32>} : memref<80x128xf32, #tpu.memory_space<vmem>>, vector<16xf32>,
      %add3A_472 = arith.addf %get3A_468, %get3A_471 : vector<16xf32>
      %swap3A_473 = arith.index_cast %scan3A_465 : i32 to index
      %swap3A_474 = arith.constant 0 : index
      %swap3A_475 = tpu.vector_load %arg15[%swap3A_473, %swap3A_474] {strides = array<i32>} : memref<80x128xf32, #tpu.memory_space<vmem>>, vector<16xf32>,
      tpu.vector_store %arg15[%swap3A_473, %swap3A_474], %add3A_472 {strides = array<i32>} : memref<80x128xf32, #tpu.memory_space<vmem>>, vector<16xf32>,
      %get3A_476 = arith.index_cast %scan3A_465 : i32 to index
      %get3A_477 = arith.constant 16 : index
      %get3A_478 = tpu.vector_load %arg15[%get3A_476, %get3A_477] {strides = array<i32>} : memref<80x128xf32, #tpu.memory_space<vmem>>, vector<16xf32>,
      %get3A_479 = arith.index_cast %scan3A_465 : i32 to index
      %get3A_480 = arith.constant 16 : index
      %get3A_481 = tpu.vector_load %arg16[%get3A_479, %get3A_480] {strides = array<i32>} : memref<80x128xf32, #tpu.memory_space<vmem>>, vector<16xf32>,
      %add3A_482 = arith.addf %get3A_478, %get3A_481 : vector<16xf32>
      %swap3A_483 = arith.index_cast %scan3A_465 : i32 to index
      %swap3A_484 = arith.constant 16 : index
      %swap3A_485 = tpu.vector_load %arg15[%swap3A_483, %swap3A_484] {strides = array<i32>} : memref<80x128xf32, #tpu.memory_space<vmem>>, vector<16xf32>,
      tpu.vector_store %arg15[%swap3A_483, %swap3A_484], %add3A_482 {strides = array<i32>} : memref<80x128xf32, #tpu.memory_space<vmem>>, vector<16xf32>,
      %get3A_486 = arith.index_cast %scan3A_465 : i32 to index
      %get3A_487 = arith.constant 32 : index
      %get3A_488 = tpu.vector_load %arg15[%get3A_486, %get3A_487] {strides = array<i32>} : memref<80x128xf32, #tpu.memory_space<vmem>>, vector<16xf32>,
      %get3A_489 = arith.index_cast %scan3A_465 : i32 to index
      %get3A_490 = arith.constant 32 : index
      %get3A_491 = tpu.vector_load %arg16[%get3A_489, %get3A_490] {strides = array<i32>} : memref<80x128xf32, #tpu.memory_space<vmem>>, vector<16xf32>,
      %add3A_492 = arith.addf %get3A_488, %get3A_491 : vector<16xf32>
      %swap3A_493 = arith.index_cast %scan3A_465 : i32 to index
      %swap3A_494 = arith.constant 32 : index
      %swap3A_495 = tpu.vector_load %arg15[%swap3A_493, %swap3A_494] {strides = array<i32>} : memref<80x128xf32, #tpu.memory_space<vmem>>, vector<16xf32>,
      tpu.vector_store %arg15[%swap3A_493, %swap3A_494], %add3A_492 {strides = array<i32>} : memref<80x128xf32, #tpu.memory_space<vmem>>, vector<16xf32>,
      %get3A_496 = arith.index_cast %scan3A_465 : i32 to index
      %get3A_497 = arith.constant 48 : index
      %get3A_498 = tpu.vector_load %arg15[%get3A_496, %get3A_497] {strides = array<i32>} : memref<80x128xf32, #tpu.memory_space<vmem>>, vector<16xf32>,
      %get3A_499 = arith.index_cast %scan3A_465 : i32 to index
      %get3A_500 = arith.constant 48 : index
      %get3A_501 = tpu.vector_load %arg16[%get3A_499, %get3A_500] {strides = array<i32>} : memref<80x128xf32, #tpu.memory_space<vmem>>, vector<16xf32>,
      %add3A_502 = arith.addf %get3A_498, %get3A_501 : vector<16xf32>
      %swap3A_503 = arith.index_cast %scan3A_465 : i32 to index
      %swap3A_504 = arith.constant 48 : index
      %swap3A_505 = tpu.vector_load %arg15[%swap3A_503, %swap3A_504] {strides = array<i32>} : memref<80x128xf32, #tpu.memory_space<vmem>>, vector<16xf32>,
      tpu.vector_store %arg15[%swap3A_503, %swap3A_504], %add3A_502 {strides = array<i32>} : memref<80x128xf32, #tpu.memory_space<vmem>>, vector<16xf32>,
      %get3A_506 = arith.index_cast %scan3A_465 : i32 to index
      %get3A_507 = arith.constant 64 : index
      %get3A_508 = tpu.vector_load %arg15[%get3A_506, %get3A_507] {strides = array<i32>} : memref<80x128xf32, #tpu.memory_space<vmem>>, vector<16xf32>,
      %get3A_509 = arith.index_cast %scan3A_465 : i32 to index
      %get3A_510 = arith.constant 64 : index
      %get3A_511 = tpu.vector_load %arg16[%get3A_509, %get3A_510] {strides = array<i32>} : memref<80x128xf32, #tpu.memory_space<vmem>>, vector<16xf32>,
      %add3A_512 = arith.addf %get3A_508, %get3A_511 : vector<16xf32>
      %swap3A_513 = arith.index_cast %scan3A_465 : i32 to index
      %swap3A_514 = arith.constant 64 : index
      %swap3A_515 = tpu.vector_load %arg15[%swap3A_513, %swap3A_514] {strides = array<i32>} : memref<80x128xf32, #tpu.memory_space<vmem>>, vector<16xf32>,
      tpu.vector_store %arg15[%swap3A_513, %swap3A_514], %add3A_512 {strides = array<i32>} : memref<80x128xf32, #tpu.memory_space<vmem>>, vector<16xf32>,
      %get3A_516 = arith.index_cast %scan3A_465 : i32 to index
      %get3A_517 = arith.constant 80 : index
      %get3A_518 = tpu.vector_load %arg15[%get3A_516, %get3A_517] {strides = array<i32>} : memref<80x128xf32, #tpu.memory_space<vmem>>, vector<16xf32>,
      %get3A_519 = arith.index_cast %scan3A_465 : i32 to index
      %get3A_520 = arith.constant 80 : index
      %get3A_521 = tpu.vector_load %arg16[%get3A_519, %get3A_520] {strides = array<i32>} : memref<80x128xf32, #tpu.memory_space<vmem>>, vector<16xf32>,
      %add3A_522 = arith.addf %get3A_518, %get3A_521 : vector<16xf32>
      %swap3A_523 = arith.index_cast %scan3A_465 : i32 to index
      %swap3A_524 = arith.constant 80 : index
      %swap3A_525 = tpu.vector_load %arg15[%swap3A_523, %swap3A_524] {strides = array<i32>} : memref<80x128xf32, #tpu.memory_space<vmem>>, vector<16xf32>,
      tpu.vector_store %arg15[%swap3A_523, %swap3A_524], %add3A_522 {strides = array<i32>} : memref<80x128xf32, #tpu.memory_space<vmem>>, vector<16xf32>,
      %get3A_526 = arith.index_cast %scan3A_465 : i32 to index
      %get3A_527 = arith.constant 96 : index
      %get3A_528 = tpu.vector_load %arg15[%get3A_526, %get3A_527] {strides = array<i32>} : memref<80x128xf32, #tpu.memory_space<vmem>>, vector<16xf32>,
      %get3A_529 = arith.index_cast %scan3A_465 : i32 to index
      %get3A_530 = arith.constant 96 : index
      %get3A_531 = tpu.vector_load %arg16[%get3A_529, %get3A_530] {strides = array<i32>} : memref<80x128xf32, #tpu.memory_space<vmem>>, vector<16xf32>,
      %add3A_532 = arith.addf %get3A_528, %get3A_531 : vector<16xf32>
      %swap3A_533 = arith.index_cast %scan3A_465 : i32 to index
      %swap3A_534 = arith.constant 96 : index
      %swap3A_535 = tpu.vector_load %arg15[%swap3A_533, %swap3A_534] {strides = array<i32>} : memref<80x128xf32, #tpu.memory_space<vmem>>, vector<16xf32>,
      tpu.vector_store %arg15[%swap3A_533, %swap3A_534], %add3A_532 {strides = array<i32>} : memref<80x128xf32, #tpu.memory_space<vmem>>, vector<16xf32>,
      %get3A_536 = arith.index_cast %scan3A_465 : i32 to index
      %get3A_537 = arith.constant 112 : index
      %get3A_538 = tpu.vector_load %arg15[%get3A_536, %get3A_537] {strides = array<i32>} : memref<80x128xf32, #tpu.memory_space<vmem>>, vector<16xf32>,
      %get3A_539 = arith.index_cast %scan3A_465 : i32 to index
      %get3A_540 = arith.constant 112 : index
      %get3A_541 = tpu.vector_load %arg16[%get3A_539, %get3A_540] {strides = array<i32>} : memref<80x128xf32, #tpu.memory_space<vmem>>, vector<16xf32>,
      %add3A_542 = arith.addf %get3A_538, %get3A_541 : vector<16xf32>
      %swap3A_543 = arith.index_cast %scan3A_465 : i32 to index
      %swap3A_544 = arith.constant 112 : index
      %swap3A_545 = tpu.vector_load %arg15[%swap3A_543, %swap3A_544] {strides = array<i32>} : memref<80x128xf32, #tpu.memory_space<vmem>>, vector<16xf32>,
      tpu.vector_store %arg15[%swap3A_543, %swap3A_544], %add3A_542 {strides = array<i32>} : memref<80x128xf32, #tpu.memory_space<vmem>>, vector<16xf32>,
      %scan3A_546 = arith.constant 0 : i32
      scf.yield %scan3A_546 : i32
    }
    %scan3A_206 = arith.constant 80 : i32
    %scan3A_207 = arith.constant 0 : i32
    %scan3A_208 = arith.constant 0 : i32
    %mul3A_209 = arith.constant 16 : i32
    %mul3A_210 = arith.muli %scan3A_208, %mul3A_209 : i32
    %add3A_211 = arith.constant 9920 : i32
    %add3A_212 = arith.addi %add3A_211, %mul3A_210 : i32
    %get3A_213 = arith.index_cast %add3A_212 : i32 to index
    %get3A_214 = tpu.vector_load %arg11[%get3A_213] {strides = array<i32>} : memref<10000xi32, #tpu.memory_space<vmem>>, vector<16xi32>,
    %get3A_215 = arith.index_cast %add3A_212 : i32 to index
    %get3A_216 = tpu.vector_load %arg12[%get3A_215] {strides = array<i32>} : memref<10000xi32, #tpu.memory_space<vmem>>, vector<16xi32>,
    %gather3A_217 = tpu.vector_load_idx %arg22[%get3A_214] : memref<10000xf32, #tpu.memory_space<vmem>>[vector<16xi32>], vector<16xf32>,
    %gather3A_218 = tpu.vector_load_idx %arg22[%get3A_216] : memref<10000xf32, #tpu.memory_space<vmem>>[vector<16xi32>], vector<16xf32>,
    %sub3A_219 = arith.subf %gather3A_217, %gather3A_218 : vector<16xf32>
    %gather3A_220 = tpu.vector_load_idx %arg23[%get3A_214] : memref<10000xf32, #tpu.memory_space<vmem>>[vector<16xi32>], vector<16xf32>,
    %gather3A_221 = tpu.vector_load_idx %arg23[%get3A_216] : memref<10000xf32, #tpu.memory_space<vmem>>[vector<16xi32>], vector<16xf32>,
    %sub3A_222 = arith.subf %gather3A_220, %gather3A_221 : vector<16xf32>
    %gather3A_223 = tpu.vector_load_idx %arg24[%get3A_214] : memref<10000xf32, #tpu.memory_space<vmem>>[vector<16xi32>], vector<16xf32>,
    %gather3A_224 = tpu.vector_load_idx %arg24[%get3A_216] : memref<10000xf32, #tpu.memory_space<vmem>>[vector<16xi32>], vector<16xf32>,
    %sub3A_225 = arith.subf %gather3A_223, %gather3A_224 : vector<16xf32>
    %mul3A_226 = arith.mulf %sub3A_219, %sub3A_219 : vector<16xf32>
    %mul3A_227 = arith.mulf %sub3A_222, %sub3A_222 : vector<16xf32>
    %add3A_228 = arith.addf %mul3A_226, %mul3A_227 : vector<16xf32>
    %mul3A_229 = arith.mulf %sub3A_225, %sub3A_225 : vector<16xf32>
    %add3A_230 = arith.addf %add3A_228, %mul3A_229 : vector<16xf32>
    %mul3A_231 = arith.constant 16 : i32
    %mul3A_232 = arith.muli %scan3A_208, %mul3A_231 : i32
    %swap3A_233 = arith.index_cast %mul3A_232 : i32 to index
    %swap3A_234 = tpu.vector_load %arg20[%swap3A_233] {strides = array<i32>} : memref<80xf32, #tpu.memory_space<vmem>>, vector<16xf32>,
    tpu.vector_store %arg20[%swap3A_233], %add3A_230 {strides = array<i32>} : memref<80xf32, #tpu.memory_space<vmem>>, vector<16xf32>,
    %scan3A_235 = arith.constant 0 : i32
    %scan3A_236 = arith.constant 1 : i32
    %mul3A_237 = arith.constant 16 : i32
    %mul3A_238 = arith.muli %scan3A_236, %mul3A_237 : i32
    %add3A_239 = arith.constant 9920 : i32
    %add3A_240 = arith.addi %add3A_239, %mul3A_238 : i32
    %get3A_241 = arith.index_cast %add3A_240 : i32 to index
    %get3A_242 = tpu.vector_load %arg11[%get3A_241] {strides = array<i32>} : memref<10000xi32, #tpu.memory_space<vmem>>, vector<16xi32>,
    %get3A_243 = arith.index_cast %add3A_240 : i32 to index
    %get3A_244 = tpu.vector_load %arg12[%get3A_243] {strides = array<i32>} : memref<10000xi32, #tpu.memory_space<vmem>>, vector<16xi32>,
    %gather3A_245 = tpu.vector_load_idx %arg22[%get3A_242] : memref<10000xf32, #tpu.memory_space<vmem>>[vector<16xi32>], vector<16xf32>,
    %gather3A_246 = tpu.vector_load_idx %arg22[%get3A_244] : memref<10000xf32, #tpu.memory_space<vmem>>[vector<16xi32>], vector<16xf32>,
    %sub3A_247 = arith.subf %gather3A_245, %gather3A_246 : vector<16xf32>
    %gather3A_248 = tpu.vector_load_idx %arg23[%get3A_242] : memref<10000xf32, #tpu.memory_space<vmem>>[vector<16xi32>], vector<16xf32>,
    %gather3A_249 = tpu.vector_load_idx %arg23[%get3A_244] : memref<10000xf32, #tpu.memory_space<vmem>>[vector<16xi32>], vector<16xf32>,
    %sub3A_250 = arith.subf %gather3A_248, %gather3A_249 : vector<16xf32>
    %gather3A_251 = tpu.vector_load_idx %arg24[%get3A_242] : memref<10000xf32, #tpu.memory_space<vmem>>[vector<16xi32>], vector<16xf32>,
    %gather3A_252 = tpu.vector_load_idx %arg24[%get3A_244] : memref<10000xf32, #tpu.memory_space<vmem>>[vector<16xi32>], vector<16xf32>,
    %sub3A_253 = arith.subf %gather3A_251, %gather3A_252 : vector<16xf32>
    %mul3A_254 = arith.mulf %sub3A_247, %sub3A_247 : vector<16xf32>
    %mul3A_255 = arith.mulf %sub3A_250, %sub3A_250 : vector<16xf32>
    %add3A_256 = arith.addf %mul3A_254, %mul3A_255 : vector<16xf32>
    %mul3A_257 = arith.mulf %sub3A_253, %sub3A_253 : vector<16xf32>
    %add3A_258 = arith.addf %add3A_256, %mul3A_257 : vector<16xf32>
    %mul3A_259 = arith.constant 16 : i32
    %mul3A_260 = arith.muli %scan3A_236, %mul3A_259 : i32
    %swap3A_261 = arith.index_cast %mul3A_260 : i32 to index
    %swap3A_262 = tpu.vector_load %arg20[%swap3A_261] {strides = array<i32>} : memref<80xf32, #tpu.memory_space<vmem>>, vector<16xf32>,
    tpu.vector_store %arg20[%swap3A_261], %add3A_258 {strides = array<i32>} : memref<80xf32, #tpu.memory_space<vmem>>, vector<16xf32>,
    %scan3A_263 = arith.constant 0 : i32
    %scan3A_264 = arith.constant 2 : i32
    %mul3A_265 = arith.constant 16 : i32
    %mul3A_266 = arith.muli %scan3A_264, %mul3A_265 : i32
    %add3A_267 = arith.constant 9920 : i32
    %add3A_268 = arith.addi %add3A_267, %mul3A_266 : i32
    %get3A_269 = arith.index_cast %add3A_268 : i32 to index
    %get3A_270 = tpu.vector_load %arg11[%get3A_269] {strides = array<i32>} : memref<10000xi32, #tpu.memory_space<vmem>>, vector<16xi32>,
    %get3A_271 = arith.index_cast %add3A_268 : i32 to index
    %get3A_272 = tpu.vector_load %arg12[%get3A_271] {strides = array<i32>} : memref<10000xi32, #tpu.memory_space<vmem>>, vector<16xi32>,
    %gather3A_273 = tpu.vector_load_idx %arg22[%get3A_270] : memref<10000xf32, #tpu.memory_space<vmem>>[vector<16xi32>], vector<16xf32>,
    %gather3A_274 = tpu.vector_load_idx %arg22[%get3A_272] : memref<10000xf32, #tpu.memory_space<vmem>>[vector<16xi32>], vector<16xf32>,
    %sub3A_275 = arith.subf %gather3A_273, %gather3A_274 : vector<16xf32>
    %gather3A_276 = tpu.vector_load_idx %arg23[%get3A_270] : memref<10000xf32, #tpu.memory_space<vmem>>[vector<16xi32>], vector<16xf32>,
    %gather3A_277 = tpu.vector_load_idx %arg23[%get3A_272] : memref<10000xf32, #tpu.memory_space<vmem>>[vector<16xi32>], vector<16xf32>,
    %sub3A_278 = arith.subf %gather3A_276, %gather3A_277 : vector<16xf32>
    %gather3A_279 = tpu.vector_load_idx %arg24[%get3A_270] : memref<10000xf32, #tpu.memory_space<vmem>>[vector<16xi32>], vector<16xf32>,
    %gather3A_280 = tpu.vector_load_idx %arg24[%get3A_272] : memref<10000xf32, #tpu.memory_space<vmem>>[vector<16xi32>], vector<16xf32>,
    %sub3A_281 = arith.subf %gather3A_279, %gather3A_280 : vector<16xf32>
    %mul3A_282 = arith.mulf %sub3A_275, %sub3A_275 : vector<16xf32>
    %mul3A_283 = arith.mulf %sub3A_278, %sub3A_278 : vector<16xf32>
    %add3A_284 = arith.addf %mul3A_282, %mul3A_283 : vector<16xf32>
    %mul3A_285 = arith.mulf %sub3A_281, %sub3A_281 : vector<16xf32>
    %add3A_286 = arith.addf %add3A_284, %mul3A_285 : vector<16xf32>
    %mul3A_287 = arith.constant 16 : i32
    %mul3A_288 = arith.muli %scan3A_264, %mul3A_287 : i32
    %swap3A_289 = arith.index_cast %mul3A_288 : i32 to index
    %swap3A_290 = tpu.vector_load %arg20[%swap3A_289] {strides = array<i32>} : memref<80xf32, #tpu.memory_space<vmem>>, vector<16xf32>,
    tpu.vector_store %arg20[%swap3A_289], %add3A_286 {strides = array<i32>} : memref<80xf32, #tpu.memory_space<vmem>>, vector<16xf32>,
    %scan3A_291 = arith.constant 0 : i32
    %scan3A_292 = arith.constant 3 : i32
    %mul3A_293 = arith.constant 16 : i32
    %mul3A_294 = arith.muli %scan3A_292, %mul3A_293 : i32
    %add3A_295 = arith.constant 9920 : i32
    %add3A_296 = arith.addi %add3A_295, %mul3A_294 : i32
    %get3A_297 = arith.index_cast %add3A_296 : i32 to index
    %get3A_298 = tpu.vector_load %arg11[%get3A_297] {strides = array<i32>} : memref<10000xi32, #tpu.memory_space<vmem>>, vector<16xi32>,
    %get3A_299 = arith.index_cast %add3A_296 : i32 to index
    %get3A_300 = tpu.vector_load %arg12[%get3A_299] {strides = array<i32>} : memref<10000xi32, #tpu.memory_space<vmem>>, vector<16xi32>,
    %gather3A_301 = tpu.vector_load_idx %arg22[%get3A_298] : memref<10000xf32, #tpu.memory_space<vmem>>[vector<16xi32>], vector<16xf32>,
    %gather3A_302 = tpu.vector_load_idx %arg22[%get3A_300] : memref<10000xf32, #tpu.memory_space<vmem>>[vector<16xi32>], vector<16xf32>,
    %sub3A_303 = arith.subf %gather3A_301, %gather3A_302 : vector<16xf32>
    %gather3A_304 = tpu.vector_load_idx %arg23[%get3A_298] : memref<10000xf32, #tpu.memory_space<vmem>>[vector<16xi32>], vector<16xf32>,
    %gather3A_305 = tpu.vector_load_idx %arg23[%get3A_300] : memref<10000xf32, #tpu.memory_space<vmem>>[vector<16xi32>], vector<16xf32>,
    %sub3A_306 = arith.subf %gather3A_304, %gather3A_305 : vector<16xf32>
    %gather3A_307 = tpu.vector_load_idx %arg24[%get3A_298] : memref<10000xf32, #tpu.memory_space<vmem>>[vector<16xi32>], vector<16xf32>,
    %gather3A_308 = tpu.vector_load_idx %arg24[%get3A_300] : memref<10000xf32, #tpu.memory_space<vmem>>[vector<16xi32>], vector<16xf32>,
    %sub3A_309 = arith.subf %gather3A_307, %gather3A_308 : vector<16xf32>
    %mul3A_310 = arith.mulf %sub3A_303, %sub3A_303 : vector<16xf32>
    %mul3A_311 = arith.mulf %sub3A_306, %sub3A_306 : vector<16xf32>
    %add3A_312 = arith.addf %mul3A_310, %mul3A_311 : vector<16xf32>
    %mul3A_313 = arith.mulf %sub3A_309, %sub3A_309 : vector<16xf32>
    %add3A_314 = arith.addf %add3A_312, %mul3A_313 : vector<16xf32>
    %mul3A_315 = arith.constant 16 : i32
    %mul3A_316 = arith.muli %scan3A_292, %mul3A_315 : i32
    %swap3A_317 = arith.index_cast %mul3A_316 : i32 to index
    %swap3A_318 = tpu.vector_load %arg20[%swap3A_317] {strides = array<i32>} : memref<80xf32, #tpu.memory_space<vmem>>, vector<16xf32>,
    tpu.vector_store %arg20[%swap3A_317], %add3A_314 {strides = array<i32>} : memref<80xf32, #tpu.memory_space<vmem>>, vector<16xf32>,
    %scan3A_319 = arith.constant 0 : i32
    %scan3A_320 = arith.constant 4 : i32
    %mul3A_321 = arith.constant 16 : i32
    %mul3A_322 = arith.muli %scan3A_320, %mul3A_321 : i32
    %add3A_323 = arith.constant 9920 : i32
    %add3A_324 = arith.addi %add3A_323, %mul3A_322 : i32
    %get3A_325 = arith.index_cast %add3A_324 : i32 to index
    %get3A_326 = tpu.vector_load %arg11[%get3A_325] {strides = array<i32>} : memref<10000xi32, #tpu.memory_space<vmem>>, vector<16xi32>,
    %get3A_327 = arith.index_cast %add3A_324 : i32 to index
    %get3A_328 = tpu.vector_load %arg12[%get3A_327] {strides = array<i32>} : memref<10000xi32, #tpu.memory_space<vmem>>, vector<16xi32>,
    %gather3A_329 = tpu.vector_load_idx %arg22[%get3A_326] : memref<10000xf32, #tpu.memory_space<vmem>>[vector<16xi32>], vector<16xf32>,
    %gather3A_330 = tpu.vector_load_idx %arg22[%get3A_328] : memref<10000xf32, #tpu.memory_space<vmem>>[vector<16xi32>], vector<16xf32>,
    %sub3A_331 = arith.subf %gather3A_329, %gather3A_330 : vector<16xf32>
    %gather3A_332 = tpu.vector_load_idx %arg23[%get3A_326] : memref<10000xf32, #tpu.memory_space<vmem>>[vector<16xi32>], vector<16xf32>,
    %gather3A_333 = tpu.vector_load_idx %arg23[%get3A_328] : memref<10000xf32, #tpu.memory_space<vmem>>[vector<16xi32>], vector<16xf32>,
    %sub3A_334 = arith.subf %gather3A_332, %gather3A_333 : vector<16xf32>
    %gather3A_335 = tpu.vector_load_idx %arg24[%get3A_326] : memref<10000xf32, #tpu.memory_space<vmem>>[vector<16xi32>], vector<16xf32>,
    %gather3A_336 = tpu.vector_load_idx %arg24[%get3A_328] : memref<10000xf32, #tpu.memory_space<vmem>>[vector<16xi32>], vector<16xf32>,
    %sub3A_337 = arith.subf %gather3A_335, %gather3A_336 : vector<16xf32>
    %mul3A_338 = arith.mulf %sub3A_331, %sub3A_331 : vector<16xf32>
    %mul3A_339 = arith.mulf %sub3A_334, %sub3A_334 : vector<16xf32>
    %add3A_340 = arith.addf %mul3A_338, %mul3A_339 : vector<16xf32>
    %mul3A_341 = arith.mulf %sub3A_337, %sub3A_337 : vector<16xf32>
    %add3A_342 = arith.addf %add3A_340, %mul3A_341 : vector<16xf32>
    %mul3A_343 = arith.constant 16 : i32
    %mul3A_344 = arith.muli %scan3A_320, %mul3A_343 : i32
    %swap3A_345 = arith.index_cast %mul3A_344 : i32 to index
    %swap3A_346 = tpu.vector_load %arg20[%swap3A_345] {strides = array<i32>} : memref<80xf32, #tpu.memory_space<vmem>>, vector<16xf32>,
    tpu.vector_store %arg20[%swap3A_345], %add3A_342 {strides = array<i32>} : memref<80xf32, #tpu.memory_space<vmem>>, vector<16xf32>,
    %scan3A_347 = arith.constant 0 : i32
    %scan3A_348 = arith.constant 5 : i32
    %add3A_349 = arith.constant 9920 : i32
    %add3A_350 = arith.addi %mul3A_2, %add3A_349 : i32
    %dma_start3A_351 = arith.constant 0 : i32
    %dma_start3A_352 = tpu.memref_slice %arg9[%add3A_350, %dma_start3A_351] : memref<320000x128xf32, #tpu.memory_space<hbm>> -> memref<80x128xf32, #tpu.memory_space<hbm>>
    %dma_start3A_353 = arith.constant 0 : i32
    %dma_start3A_354 = tpu.memref_slice %arg9[%add3A_350, %dma_start3A_353] : memref<320000x128xf32, #tpu.memory_space<hbm>> -> memref<80x128xf32, #tpu.memory_space<hbm>>
    tpu.enqueue_dma source(%arg15 : memref<80x128xf32, #tpu.memory_space<vmem>>) target(%dma_start3A_354 : memref<80x128xf32, #tpu.memory_space<hbm>>) target_semaphore(%arg29 : memref<!tpu.dma_semaphore, #tpu.memory_space<semaphore_mem>>)
    %dma_start3A_355 = tpu.memref_slice %arg10[%add3A_350] : memref<320000xf32, #tpu.memory_space<hbm>> -> memref<80xf32, #tpu.memory_space<hbm>>
    %dma_start3A_356 = tpu.memref_slice %arg10[%add3A_350] : memref<320000xf32, #tpu.memory_space<hbm>> -> memref<80xf32, #tpu.memory_space<hbm>>
    tpu.enqueue_dma source(%arg20 : memref<80xf32, #tpu.memory_space<vmem>>) target(%dma_start3A_356 : memref<80xf32, #tpu.memory_space<hbm>>) target_semaphore(%arg29 : memref<!tpu.dma_semaphore, #tpu.memory_space<semaphore_mem>>)
    %add3A_357 = arith.constant 9760 : i32
    %add3A_358 = arith.addi %mul3A_2, %add3A_357 : i32
    %dma_wait3A_359 = arith.constant 0 : i32
    %dma_wait3A_360 = tpu.memref_slice %arg9[%add3A_358, %dma_wait3A_359] : memref<320000x128xf32, #tpu.memory_space<hbm>> -> memref<80x128xf32, #tpu.memory_space<hbm>>
    %dma_wait3A_361 = arith.constant 0 : i32
    %dma_wait3A_362 = tpu.memref_slice %arg9[%add3A_358, %dma_wait3A_361] : memref<320000x128xf32, #tpu.memory_space<hbm>> -> memref<80x128xf32, #tpu.memory_space<hbm>>
    tpu.wait_dma2 semaphore(%arg30 : memref<!tpu.dma_semaphore, #tpu.memory_space<semaphore_mem>>) src(%arg17 : memref<80x128xf32, #tpu.memory_space<vmem>>) dst(%dma_wait3A_362 : memref<80x128xf32, #tpu.memory_space<hbm>>)
    %dma_wait3A_363 = tpu.memref_slice %arg10[%add3A_358] : memref<320000xf32, #tpu.memory_space<hbm>> -> memref<80xf32, #tpu.memory_space<hbm>>
    %dma_wait3A_364 = tpu.memref_slice %arg10[%add3A_358] : memref<320000xf32, #tpu.memory_space<hbm>> -> memref<80xf32, #tpu.memory_space<hbm>>
    tpu.wait_dma2 semaphore(%arg30 : memref<!tpu.dma_semaphore, #tpu.memory_space<semaphore_mem>>) src(%arg21 : memref<80xf32, #tpu.memory_space<vmem>>) dst(%dma_wait3A_364 : memref<80xf32, #tpu.memory_space<hbm>>)
    %add3A_365 = arith.constant 9840 : i32
    %add3A_366 = arith.addi %mul3A_2, %add3A_365 : i32
    %dma_wait3A_367 = arith.constant 0 : i32
    %dma_wait3A_368 = tpu.memref_slice %arg9[%add3A_366, %dma_wait3A_367] : memref<320000x128xf32, #tpu.memory_space<hbm>> -> memref<80x128xf32, #tpu.memory_space<hbm>>
    %dma_wait3A_369 = arith.constant 0 : i32
    %dma_wait3A_370 = tpu.memref_slice %arg9[%add3A_366, %dma_wait3A_369] : memref<320000x128xf32, #tpu.memory_space<hbm>> -> memref<80x128xf32, #tpu.memory_space<hbm>>
    tpu.wait_dma2 semaphore(%arg28 : memref<!tpu.dma_semaphore, #tpu.memory_space<semaphore_mem>>) src(%arg13 : memref<80x128xf32, #tpu.memory_space<vmem>>) dst(%dma_wait3A_370 : memref<80x128xf32, #tpu.memory_space<hbm>>)
    %dma_wait3A_371 = tpu.memref_slice %arg10[%add3A_366] : memref<320000xf32, #tpu.memory_space<hbm>> -> memref<80xf32, #tpu.memory_space<hbm>>
    %dma_wait3A_372 = tpu.memref_slice %arg10[%add3A_366] : memref<320000xf32, #tpu.memory_space<hbm>> -> memref<80xf32, #tpu.memory_space<hbm>>
    tpu.wait_dma2 semaphore(%arg28 : memref<!tpu.dma_semaphore, #tpu.memory_space<semaphore_mem>>) src(%arg19 : memref<80xf32, #tpu.memory_space<vmem>>) dst(%dma_wait3A_372 : memref<80xf32, #tpu.memory_space<hbm>>)
    %add3A_373 = arith.constant 9920 : i32
    %add3A_374 = arith.addi %mul3A_2, %add3A_373 : i32
    %dma_wait3A_375 = arith.constant 0 : i32
    %dma_wait3A_376 = tpu.memref_slice %arg9[%add3A_374, %dma_wait3A_375] : memref<320000x128xf32, #tpu.memory_space<hbm>> -> memref<80x128xf32, #tpu.memory_space<hbm>>
    %dma_wait3A_377 = arith.constant 0 : i32
    %dma_wait3A_378 = tpu.memref_slice %arg9[%add3A_374, %dma_wait3A_377] : memref<320000x128xf32, #tpu.memory_space<hbm>> -> memref<80x128xf32, #tpu.memory_space<hbm>>
    tpu.wait_dma2 semaphore(%arg29 : memref<!tpu.dma_semaphore, #tpu.memory_space<semaphore_mem>>) src(%arg15 : memref<80x128xf32, #tpu.memory_space<vmem>>) dst(%dma_wait3A_378 : memref<80x128xf32, #tpu.memory_space<hbm>>)
    %dma_wait3A_379 = tpu.memref_slice %arg10[%add3A_374] : memref<320000xf32, #tpu.memory_space<hbm>> -> memref<80xf32, #tpu.memory_space<hbm>>
    %dma_wait3A_380 = tpu.memref_slice %arg10[%add3A_374] : memref<320000xf32, #tpu.memory_space<hbm>> -> memref<80xf32, #tpu.memory_space<hbm>>
    tpu.wait_dma2 semaphore(%arg29 : memref<!tpu.dma_semaphore, #tpu.memory_space<semaphore_mem>>) src(%arg20 : memref<80xf32, #tpu.memory_space<vmem>>) dst(%dma_wait3A_380 : memref<80xf32, #tpu.memory_space<hbm>>)
    return
  }
}

#map = affine_map<(d0, d1) -> (0, 0)>
#map1 = affine_map<(d0, d1) -> (0)>
#map2 = affine_map<(d0, d1) -> (0, 0, 0)>
module attributes {stable_mosaic.version = 14 : i64} {
  func.func @_scatter_body(%arg0: i32, %arg1: i32, %arg2: memref<320000x128xf32, #tpu.memory_space<hbm>>, %arg3: memref<320000xi32, #tpu.memory_space<hbm>>, %arg4: memref<2x10000x128xf32, #tpu.memory_space<hbm>>, %arg5: memref<80x128xf32, #tpu.memory_space<vmem>>, %arg6: memref<80xi32, #tpu.memory_space<vmem>>, %arg7: memref<80x128xf32, #tpu.memory_space<vmem>>, %arg8: memref<80xi32, #tpu.memory_space<vmem>>, %arg9: memref<16x128xf32, #tpu.memory_space<vmem>>, %arg10: memref<10000x128xf32, #tpu.memory_space<vmem_shared>>, %arg11: memref<!tpu.dma_semaphore, #tpu.memory_space<semaphore_mem>>, %arg12: memref<!tpu.dma_semaphore, #tpu.memory_space<semaphore_mem>>) attributes {dimension_semantics = [#tpu.dimension_semantics<core_parallel>, #tpu.dimension_semantics<subcore_parallel>], iteration_bounds = array<i64: 2, 16>, scalar_prefetch = 0 : i64, scratch_operands = 8 : i64, tpu.core_type = #tpu.core_type<sc_vector_subcore>, window_params = [{transform_indices = #map}, {transform_indices = #map1}, {transform_indices = #map2}]} {
    %mul3A = arith.constant 624 : i32
    %mul3A_0 = arith.muli %arg1, %mul3A : i32
    %scan3A = arith.constant 0 : i32
    %scan3A_1 = arith.constant 0 : i32
    %scan3A_2 = arith.constant 16 : i32
    %scan3A_3 = arith.addi %scan3A_1, %scan3A_2 : i32
    %scan3A_4 = arith.constant 1 : i32
    %scan3A_5 = scf.for %scan3A_55 = %scan3A_1 to %scan3A_3 step %scan3A_4 iter_args(%scan3A_56 = %scan3A) -> (i32)  : i32 {
      %broadcast_in_dim3A = arith.constant 0.000000e+00 : f32
      %broadcast_in_dim3A_57 = vector.broadcast %broadcast_in_dim3A : f32 to vector<16xf32>
      %swap3A = arith.index_cast %scan3A_55 : i32 to index
      %swap3A_58 = arith.constant 0 : index
      %swap3A_59 = tpu.vector_load %arg9[%swap3A, %swap3A_58] {strides = array<i32>} : memref<16x128xf32, #tpu.memory_space<vmem>>, vector<16xf32>,
      tpu.vector_store %arg9[%swap3A, %swap3A_58], %broadcast_in_dim3A_57 {strides = array<i32>} : memref<16x128xf32, #tpu.memory_space<vmem>>, vector<16xf32>,
      %broadcast_in_dim3A_60 = arith.constant 0.000000e+00 : f32
      %broadcast_in_dim3A_61 = vector.broadcast %broadcast_in_dim3A_60 : f32 to vector<16xf32>
      %swap3A_62 = arith.index_cast %scan3A_55 : i32 to index
      %swap3A_63 = arith.constant 16 : index
      %swap3A_64 = tpu.vector_load %arg9[%swap3A_62, %swap3A_63] {strides = array<i32>} : memref<16x128xf32, #tpu.memory_space<vmem>>, vector<16xf32>,
      tpu.vector_store %arg9[%swap3A_62, %swap3A_63], %broadcast_in_dim3A_61 {strides = array<i32>} : memref<16x128xf32, #tpu.memory_space<vmem>>, vector<16xf32>,
      %broadcast_in_dim3A_65 = arith.constant 0.000000e+00 : f32
      %broadcast_in_dim3A_66 = vector.broadcast %broadcast_in_dim3A_65 : f32 to vector<16xf32>
      %swap3A_67 = arith.index_cast %scan3A_55 : i32 to index
      %swap3A_68 = arith.constant 32 : index
      %swap3A_69 = tpu.vector_load %arg9[%swap3A_67, %swap3A_68] {strides = array<i32>} : memref<16x128xf32, #tpu.memory_space<vmem>>, vector<16xf32>,
      tpu.vector_store %arg9[%swap3A_67, %swap3A_68], %broadcast_in_dim3A_66 {strides = array<i32>} : memref<16x128xf32, #tpu.memory_space<vmem>>, vector<16xf32>,
      %broadcast_in_dim3A_70 = arith.constant 0.000000e+00 : f32
      %broadcast_in_dim3A_71 = vector.broadcast %broadcast_in_dim3A_70 : f32 to vector<16xf32>
      %swap3A_72 = arith.index_cast %scan3A_55 : i32 to index
      %swap3A_73 = arith.constant 48 : index
      %swap3A_74 = tpu.vector_load %arg9[%swap3A_72, %swap3A_73] {strides = array<i32>} : memref<16x128xf32, #tpu.memory_space<vmem>>, vector<16xf32>,
      tpu.vector_store %arg9[%swap3A_72, %swap3A_73], %broadcast_in_dim3A_71 {strides = array<i32>} : memref<16x128xf32, #tpu.memory_space<vmem>>, vector<16xf32>,
      %broadcast_in_dim3A_75 = arith.constant 0.000000e+00 : f32
      %broadcast_in_dim3A_76 = vector.broadcast %broadcast_in_dim3A_75 : f32 to vector<16xf32>
      %swap3A_77 = arith.index_cast %scan3A_55 : i32 to index
      %swap3A_78 = arith.constant 64 : index
      %swap3A_79 = tpu.vector_load %arg9[%swap3A_77, %swap3A_78] {strides = array<i32>} : memref<16x128xf32, #tpu.memory_space<vmem>>, vector<16xf32>,
      tpu.vector_store %arg9[%swap3A_77, %swap3A_78], %broadcast_in_dim3A_76 {strides = array<i32>} : memref<16x128xf32, #tpu.memory_space<vmem>>, vector<16xf32>,
      %broadcast_in_dim3A_80 = arith.constant 0.000000e+00 : f32
      %broadcast_in_dim3A_81 = vector.broadcast %broadcast_in_dim3A_80 : f32 to vector<16xf32>
      %swap3A_82 = arith.index_cast %scan3A_55 : i32 to index
      %swap3A_83 = arith.constant 80 : index
      %swap3A_84 = tpu.vector_load %arg9[%swap3A_82, %swap3A_83] {strides = array<i32>} : memref<16x128xf32, #tpu.memory_space<vmem>>, vector<16xf32>,
      tpu.vector_store %arg9[%swap3A_82, %swap3A_83], %broadcast_in_dim3A_81 {strides = array<i32>} : memref<16x128xf32, #tpu.memory_space<vmem>>, vector<16xf32>,
      %broadcast_in_dim3A_85 = arith.constant 0.000000e+00 : f32
      %broadcast_in_dim3A_86 = vector.broadcast %broadcast_in_dim3A_85 : f32 to vector<16xf32>
      %swap3A_87 = arith.index_cast %scan3A_55 : i32 to index
      %swap3A_88 = arith.constant 96 : index
      %swap3A_89 = tpu.vector_load %arg9[%swap3A_87, %swap3A_88] {strides = array<i32>} : memref<16x128xf32, #tpu.memory_space<vmem>>, vector<16xf32>,
      tpu.vector_store %arg9[%swap3A_87, %swap3A_88], %broadcast_in_dim3A_86 {strides = array<i32>} : memref<16x128xf32, #tpu.memory_space<vmem>>, vector<16xf32>,
      %broadcast_in_dim3A_90 = arith.constant 0.000000e+00 : f32
      %broadcast_in_dim3A_91 = vector.broadcast %broadcast_in_dim3A_90 : f32 to vector<16xf32>
      %swap3A_92 = arith.index_cast %scan3A_55 : i32 to index
      %swap3A_93 = arith.constant 112 : index
      %swap3A_94 = tpu.vector_load %arg9[%swap3A_92, %swap3A_93] {strides = array<i32>} : memref<16x128xf32, #tpu.memory_space<vmem>>, vector<16xf32>,
      tpu.vector_store %arg9[%swap3A_92, %swap3A_93], %broadcast_in_dim3A_91 {strides = array<i32>} : memref<16x128xf32, #tpu.memory_space<vmem>>, vector<16xf32>,
      %scan3A_95 = arith.constant 0 : i32
      scf.yield %scan3A_95 : i32
    }
    %scan3A_6 = arith.constant 16 : i32
    %scan3A_7 = arith.constant 0 : i32
    %scan3A_8 = arith.constant 0 : i32
    %scan3A_9 = arith.constant 39 : i32
    %scan3A_10 = arith.addi %scan3A_8, %scan3A_9 : i32
    %scan3A_11 = arith.constant 1 : i32
    %scan3A_12 = scf.for %scan3A_55 = %scan3A_8 to %scan3A_10 step %scan3A_11 iter_args(%scan3A_56 = %scan3A_7) -> (i32)  : i32 {
      %mul3A_57 = arith.constant 16 : i32
      %mul3A_58 = arith.muli %scan3A_55, %mul3A_57 : i32
      %add3A_59 = arith.addi %mul3A_0, %mul3A_58 : i32
      "tpu.region"() ({
        %run_scoped3A = tpu.sem_alloc : memref<!tpu.dma_semaphore, #tpu.memory_space<semaphore_mem>>
        %dma_start3A_61 = arith.constant 0 : i32
        %dma_start3A_62 = tpu.memref_slice %arg10[%add3A_59, %dma_start3A_61] : memref<10000x128xf32, #tpu.memory_space<vmem_shared>> -> memref<16x128xf32, #tpu.memory_space<vmem_shared>>
        %dma_start3A_63 = arith.constant 0 : i32
        %dma_start3A_64 = tpu.memref_slice %arg10[%add3A_59, %dma_start3A_63] : memref<10000x128xf32, #tpu.memory_space<vmem_shared>> -> memref<16x128xf32, #tpu.memory_space<vmem_shared>>
        tpu.enqueue_dma source(%arg9 : memref<16x128xf32, #tpu.memory_space<vmem>>) target(%dma_start3A_64 : memref<16x128xf32, #tpu.memory_space<vmem_shared>>) target_semaphore(%run_scoped3A : memref<!tpu.dma_semaphore, #tpu.memory_space<semaphore_mem>>)
        %dma_wait3A_65 = arith.constant 0 : i32
        %dma_wait3A_66 = tpu.memref_slice %arg10[%add3A_59, %dma_wait3A_65] : memref<10000x128xf32, #tpu.memory_space<vmem_shared>> -> memref<16x128xf32, #tpu.memory_space<vmem_shared>>
        %dma_wait3A_67 = arith.constant 0 : i32
        %dma_wait3A_68 = tpu.memref_slice %arg10[%add3A_59, %dma_wait3A_67] : memref<10000x128xf32, #tpu.memory_space<vmem_shared>> -> memref<16x128xf32, #tpu.memory_space<vmem_shared>>
        tpu.wait_dma2 semaphore(%run_scoped3A : memref<!tpu.dma_semaphore, #tpu.memory_space<semaphore_mem>>) src(%arg9 : memref<16x128xf32, #tpu.memory_space<vmem>>) dst(%dma_wait3A_68 : memref<16x128xf32, #tpu.memory_space<vmem_shared>>)
        tpu.yield
      }) : () -> ()
      %scan3A_60 = arith.constant 0 : i32
      scf.yield %scan3A_60 : i32
    }
    %scan3A_13 = arith.constant 39 : i32
    %eq3A = arith.constant 15 : i32
    %eq3A_14 = arith.cmpi eq, %arg1, %eq3A : i32
    %convert_element_type3A = arith.extui %eq3A_14 : i1 to i32
    %cond3A = arith.constant 0 : i32
    %cond3A_15 = arith.cmpi ne, %convert_element_type3A, %cond3A : i32
    scf.if %cond3A_15 {
      "tpu.region"() ({
        %run_scoped3A = tpu.sem_alloc : memref<!tpu.dma_semaphore, #tpu.memory_space<semaphore_mem>>
        %dma_start3A_55 = arith.constant 9984 : i32
        %dma_start3A_56 = arith.constant 0 : i32
        %dma_start3A_57 = tpu.memref_slice %arg10[%dma_start3A_55, %dma_start3A_56] : memref<10000x128xf32, #tpu.memory_space<vmem_shared>> -> memref<16x128xf32, #tpu.memory_space<vmem_shared>>
        %dma_start3A_58 = arith.constant 9984 : i32
        %dma_start3A_59 = arith.constant 0 : i32
        %dma_start3A_60 = tpu.memref_slice %arg10[%dma_start3A_58, %dma_start3A_59] : memref<10000x128xf32, #tpu.memory_space<vmem_shared>> -> memref<16x128xf32, #tpu.memory_space<vmem_shared>>
        tpu.enqueue_dma source(%arg9 : memref<16x128xf32, #tpu.memory_space<vmem>>) target(%dma_start3A_60 : memref<16x128xf32, #tpu.memory_space<vmem_shared>>) target_semaphore(%run_scoped3A : memref<!tpu.dma_semaphore, #tpu.memory_space<semaphore_mem>>)
        %dma_wait3A_61 = arith.constant 9984 : i32
        %dma_wait3A_62 = arith.constant 0 : i32
        %dma_wait3A_63 = tpu.memref_slice %arg10[%dma_wait3A_61, %dma_wait3A_62] : memref<10000x128xf32, #tpu.memory_space<vmem_shared>> -> memref<16x128xf32, #tpu.memory_space<vmem_shared>>
        %dma_wait3A_64 = arith.constant 9984 : i32
        %dma_wait3A_65 = arith.constant 0 : i32
        %dma_wait3A_66 = tpu.memref_slice %arg10[%dma_wait3A_64, %dma_wait3A_65] : memref<10000x128xf32, #tpu.memory_space<vmem_shared>> -> memref<16x128xf32, #tpu.memory_space<vmem_shared>>
        tpu.wait_dma2 semaphore(%run_scoped3A : memref<!tpu.dma_semaphore, #tpu.memory_space<semaphore_mem>>) src(%arg9 : memref<16x128xf32, #tpu.memory_space<vmem>>) dst(%dma_wait3A_66 : memref<16x128xf32, #tpu.memory_space<vmem_shared>>)
        tpu.yield
      }) : () -> ()
    } else {
    }
    %barrier3A = arith.constant 0 : index
    tpu.barrier barrier_id(%barrier3A)
    %mul3A_16 = arith.constant 160000 : i32
    %mul3A_17 = arith.muli %arg0, %mul3A_16 : i32
    %mul3A_18 = arith.constant 10000 : i32
    %mul3A_19 = arith.muli %arg1, %mul3A_18 : i32
    %add3A = arith.addi %mul3A_17, %mul3A_19 : i32
    %add3A_20 = arith.constant 0 : i32
    %add3A_21 = arith.addi %add3A, %add3A_20 : i32
    %dma_start3A = arith.constant 0 : i32
    %dma_start3A_22 = tpu.memref_slice %arg2[%add3A_21, %dma_start3A] : memref<320000x128xf32, #tpu.memory_space<hbm>> -> memref<80x128xf32, #tpu.memory_space<hbm>>
    %dma_start3A_23 = arith.constant 0 : i32
    %dma_start3A_24 = tpu.memref_slice %arg2[%add3A_21, %dma_start3A_23] : memref<320000x128xf32, #tpu.memory_space<hbm>> -> memref<80x128xf32, #tpu.memory_space<hbm>>
    tpu.enqueue_dma source(%dma_start3A_24 : memref<80x128xf32, #tpu.memory_space<hbm>>) target(%arg5 : memref<80x128xf32, #tpu.memory_space<vmem>>) target_semaphore(%arg11 : memref<!tpu.dma_semaphore, #tpu.memory_space<semaphore_mem>>)
    %dma_start3A_25 = tpu.memref_slice %arg3[%add3A_21] : memref<320000xi32, #tpu.memory_space<hbm>> -> memref<80xi32, #tpu.memory_space<hbm>>
    %dma_start3A_26 = tpu.memref_slice %arg3[%add3A_21] : memref<320000xi32, #tpu.memory_space<hbm>> -> memref<80xi32, #tpu.memory_space<hbm>>
    tpu.enqueue_dma source(%dma_start3A_26 : memref<80xi32, #tpu.memory_space<hbm>>) target(%arg6 : memref<80xi32, #tpu.memory_space<vmem>>) target_semaphore(%arg11 : memref<!tpu.dma_semaphore, #tpu.memory_space<semaphore_mem>>)
    %add3A_27 = arith.constant 80 : i32
    %add3A_28 = arith.addi %add3A, %add3A_27 : i32
    %dma_start3A_29 = arith.constant 0 : i32
    %dma_start3A_30 = tpu.memref_slice %arg2[%add3A_28, %dma_start3A_29] : memref<320000x128xf32, #tpu.memory_space<hbm>> -> memref<80x128xf32, #tpu.memory_space<hbm>>
    %dma_start3A_31 = arith.constant 0 : i32
    %dma_start3A_32 = tpu.memref_slice %arg2[%add3A_28, %dma_start3A_31] : memref<320000x128xf32, #tpu.memory_space<hbm>> -> memref<80x128xf32, #tpu.memory_space<hbm>>
    tpu.enqueue_dma source(%dma_start3A_32 : memref<80x128xf32, #tpu.memory_space<hbm>>) target(%arg7 : memref<80x128xf32, #tpu.memory_space<vmem>>) target_semaphore(%arg12 : memref<!tpu.dma_semaphore, #tpu.memory_space<semaphore_mem>>)
    %dma_start3A_33 = tpu.memref_slice %arg3[%add3A_28] : memref<320000xi32, #tpu.memory_space<hbm>> -> memref<80xi32, #tpu.memory_space<hbm>>
    %dma_start3A_34 = tpu.memref_slice %arg3[%add3A_28] : memref<320000xi32, #tpu.memory_space<hbm>> -> memref<80xi32, #tpu.memory_space<hbm>>
    tpu.enqueue_dma source(%dma_start3A_34 : memref<80xi32, #tpu.memory_space<hbm>>) target(%arg8 : memref<80xi32, #tpu.memory_space<vmem>>) target_semaphore(%arg12 : memref<!tpu.dma_semaphore, #tpu.memory_space<semaphore_mem>>)
    %scan3A_35 = arith.constant 0 : i32
    %scan3A_36 = arith.constant 0 : i32
    %scan3A_37 = arith.constant 62 : i32
    %scan3A_38 = arith.addi %scan3A_36, %scan3A_37 : i32
    %scan3A_39 = arith.constant 1 : i32
    %scan3A_40 = scf.for %scan3A_55 = %scan3A_36 to %scan3A_38 step %scan3A_39 iter_args(%scan3A_56 = %scan3A_35) -> (i32)  : i32 {
      %mul3A_57 = arith.constant 2 : i32
      %mul3A_58 = arith.muli %mul3A_57, %scan3A_55 : i32
      %mul3A_59 = arith.constant 80 : i32
      %mul3A_60 = arith.muli %mul3A_58, %mul3A_59 : i32
      %add3A_61 = arith.addi %add3A, %mul3A_60 : i32
      %dma_wait3A_62 = arith.constant 0 : i32
      %dma_wait3A_63 = tpu.memref_slice %arg2[%add3A_61, %dma_wait3A_62] : memref<320000x128xf32, #tpu.memory_space<hbm>> -> memref<80x128xf32, #tpu.memory_space<hbm>>
      %dma_wait3A_64 = arith.constant 0 : i32
      %dma_wait3A_65 = tpu.memref_slice %arg2[%add3A_61, %dma_wait3A_64] : memref<320000x128xf32, #tpu.memory_space<hbm>> -> memref<80x128xf32, #tpu.memory_space<hbm>>
      tpu.wait_dma2 semaphore(%arg11 : memref<!tpu.dma_semaphore, #tpu.memory_space<semaphore_mem>>) src(%dma_wait3A_65 : memref<80x128xf32, #tpu.memory_space<hbm>>) dst(%arg5 : memref<80x128xf32, #tpu.memory_space<vmem>>)
      %dma_wait3A_66 = tpu.memref_slice %arg3[%add3A_61] : memref<320000xi32, #tpu.memory_space<hbm>> -> memref<80xi32, #tpu.memory_space<hbm>>
      %dma_wait3A_67 = tpu.memref_slice %arg3[%add3A_61] : memref<320000xi32, #tpu.memory_space<hbm>> -> memref<80xi32, #tpu.memory_space<hbm>>
      tpu.wait_dma2 semaphore(%arg11 : memref<!tpu.dma_semaphore, #tpu.memory_space<semaphore_mem>>) src(%dma_wait3A_67 : memref<80xi32, #tpu.memory_space<hbm>>) dst(%arg6 : memref<80xi32, #tpu.memory_space<vmem>>)
      "tpu.region"() ({
        %run_scoped3A = tpu.sem_alloc : memref<!tpu.dma_semaphore, #tpu.memory_space<semaphore_mem>>
        %dma_start3A_95 = arith.constant 0 : i32
        %dma_start3A_96 = arith.constant 0 : i32
        %dma_start3A_97 = tpu.memref_slice %arg10[%dma_start3A_95, %dma_start3A_96] : memref<10000x128xf32, #tpu.memory_space<vmem_shared>> -> memref<10000x128xf32, #tpu.memory_space<vmem_shared>>
        tpu.enqueue_indirect_dma source(%arg5 : memref<80x128xf32, #tpu.memory_space<vmem>>) target(%dma_start3A_97 : memref<10000x128xf32, #tpu.memory_space<vmem_shared>>) offsets(%arg6 : memref<80xi32, #tpu.memory_space<vmem>>) semaphore(%run_scoped3A : memref<!tpu.dma_semaphore, #tpu.memory_space<semaphore_mem>>) {add = true}
        %dma_wait3A_98 = arith.constant 0 : i32
        %dma_wait3A_99 = arith.constant 0 : i32
        %dma_wait3A_100 = tpu.memref_slice %arg10[%dma_wait3A_98, %dma_wait3A_99] : memref<10000x128xf32, #tpu.memory_space<vmem_shared>> -> memref<10000x128xf32, #tpu.memory_space<vmem_shared>>
        tpu.wait_indirect_dma semaphore(%run_scoped3A : memref<!tpu.dma_semaphore, #tpu.memory_space<semaphore_mem>>) src(%arg5 : memref<80x128xf32, #tpu.memory_space<vmem>>) dst(%dma_wait3A_100 : memref<10000x128xf32, #tpu.memory_space<vmem_shared>>)
        tpu.yield
      }) : () -> ()
      %add3A_68 = arith.constant 2 : i32
      %add3A_69 = arith.addi %mul3A_58, %add3A_68 : i32
      %lt3A = arith.constant 125 : i32
      %lt3A_70 = arith.cmpi slt, %add3A_69, %lt3A : i32
      %convert_element_type3A_71 = arith.extui %lt3A_70 : i1 to i32
      %cond3A_72 = arith.constant 0 : i32
      %cond3A_73 = arith.cmpi ne, %convert_element_type3A_71, %cond3A_72 : i32
      scf.if %cond3A_73 {
        %add3A_95 = arith.constant 2 : i32
        %add3A_96 = arith.addi %mul3A_58, %add3A_95 : i32
        %mul3A_97 = arith.constant 80 : i32
        %mul3A_98 = arith.muli %add3A_96, %mul3A_97 : i32
        %add3A_99 = arith.addi %add3A, %mul3A_98 : i32
        %dma_start3A_100 = arith.constant 0 : i32
        %dma_start3A_101 = tpu.memref_slice %arg2[%add3A_99, %dma_start3A_100] : memref<320000x128xf32, #tpu.memory_space<hbm>> -> memref<80x128xf32, #tpu.memory_space<hbm>>
        %dma_start3A_102 = arith.constant 0 : i32
        %dma_start3A_103 = tpu.memref_slice %arg2[%add3A_99, %dma_start3A_102] : memref<320000x128xf32, #tpu.memory_space<hbm>> -> memref<80x128xf32, #tpu.memory_space<hbm>>
        tpu.enqueue_dma source(%dma_start3A_103 : memref<80x128xf32, #tpu.memory_space<hbm>>) target(%arg5 : memref<80x128xf32, #tpu.memory_space<vmem>>) target_semaphore(%arg11 : memref<!tpu.dma_semaphore, #tpu.memory_space<semaphore_mem>>)
        %dma_start3A_104 = tpu.memref_slice %arg3[%add3A_99] : memref<320000xi32, #tpu.memory_space<hbm>> -> memref<80xi32, #tpu.memory_space<hbm>>
        %dma_start3A_105 = tpu.memref_slice %arg3[%add3A_99] : memref<320000xi32, #tpu.memory_space<hbm>> -> memref<80xi32, #tpu.memory_space<hbm>>
        tpu.enqueue_dma source(%dma_start3A_105 : memref<80xi32, #tpu.memory_space<hbm>>) target(%arg6 : memref<80xi32, #tpu.memory_space<vmem>>) target_semaphore(%arg11 : memref<!tpu.dma_semaphore, #tpu.memory_space<semaphore_mem>>)
      } else {
      }
      %mul3A_74 = arith.constant 2 : i32
      %mul3A_75 = arith.muli %mul3A_74, %scan3A_55 : i32
      %add3A_76 = arith.constant 1 : i32
      %add3A_77 = arith.addi %mul3A_75, %add3A_76 : i32
      %mul3A_78 = arith.constant 80 : i32
      %mul3A_79 = arith.muli %add3A_77, %mul3A_78 : i32
      %add3A_80 = arith.addi %add3A, %mul3A_79 : i32
      %dma_wait3A_81 = arith.constant 0 : i32
      %dma_wait3A_82 = tpu.memref_slice %arg2[%add3A_80, %dma_wait3A_81] : memref<320000x128xf32, #tpu.memory_space<hbm>> -> memref<80x128xf32, #tpu.memory_space<hbm>>
      %dma_wait3A_83 = arith.constant 0 : i32
      %dma_wait3A_84 = tpu.memref_slice %arg2[%add3A_80, %dma_wait3A_83] : memref<320000x128xf32, #tpu.memory_space<hbm>> -> memref<80x128xf32, #tpu.memory_space<hbm>>
      tpu.wait_dma2 semaphore(%arg12 : memref<!tpu.dma_semaphore, #tpu.memory_space<semaphore_mem>>) src(%dma_wait3A_84 : memref<80x128xf32, #tpu.memory_space<hbm>>) dst(%arg7 : memref<80x128xf32, #tpu.memory_space<vmem>>)
      %dma_wait3A_85 = tpu.memref_slice %arg3[%add3A_80] : memref<320000xi32, #tpu.memory_space<hbm>> -> memref<80xi32, #tpu.memory_space<hbm>>
      %dma_wait3A_86 = tpu.memref_slice %arg3[%add3A_80] : memref<320000xi32, #tpu.memory_space<hbm>> -> memref<80xi32, #tpu.memory_space<hbm>>
      tpu.wait_dma2 semaphore(%arg12 : memref<!tpu.dma_semaphore, #tpu.memory_space<semaphore_mem>>) src(%dma_wait3A_86 : memref<80xi32, #tpu.memory_space<hbm>>) dst(%arg8 : memref<80xi32, #tpu.memory_space<vmem>>)
      "tpu.region"() ({
        %run_scoped3A = tpu.sem_alloc : memref<!tpu.dma_semaphore, #tpu.memory_space<semaphore_mem>>
        %dma_start3A_95 = arith.constant 0 : i32
        %dma_start3A_96 = arith.constant 0 : i32
        %dma_start3A_97 = tpu.memref_slice %arg10[%dma_start3A_95, %dma_start3A_96] : memref<10000x128xf32, #tpu.memory_space<vmem_shared>> -> memref<10000x128xf32, #tpu.memory_space<vmem_shared>>
        tpu.enqueue_indirect_dma source(%arg7 : memref<80x128xf32, #tpu.memory_space<vmem>>) target(%dma_start3A_97 : memref<10000x128xf32, #tpu.memory_space<vmem_shared>>) offsets(%arg8 : memref<80xi32, #tpu.memory_space<vmem>>) semaphore(%run_scoped3A : memref<!tpu.dma_semaphore, #tpu.memory_space<semaphore_mem>>) {add = true}
        %dma_wait3A_98 = arith.constant 0 : i32
        %dma_wait3A_99 = arith.constant 0 : i32
        %dma_wait3A_100 = tpu.memref_slice %arg10[%dma_wait3A_98, %dma_wait3A_99] : memref<10000x128xf32, #tpu.memory_space<vmem_shared>> -> memref<10000x128xf32, #tpu.memory_space<vmem_shared>>
        tpu.wait_indirect_dma semaphore(%run_scoped3A : memref<!tpu.dma_semaphore, #tpu.memory_space<semaphore_mem>>) src(%arg7 : memref<80x128xf32, #tpu.memory_space<vmem>>) dst(%dma_wait3A_100 : memref<10000x128xf32, #tpu.memory_space<vmem_shared>>)
        tpu.yield
      }) : () -> ()
      %add3A_87 = arith.constant 2 : i32
      %add3A_88 = arith.addi %add3A_77, %add3A_87 : i32
      %lt3A_89 = arith.constant 125 : i32
      %lt3A_90 = arith.cmpi slt, %add3A_88, %lt3A_89 : i32
      %convert_element_type3A_91 = arith.extui %lt3A_90 : i1 to i32
      %cond3A_92 = arith.constant 0 : i32
      %cond3A_93 = arith.cmpi ne, %convert_element_type3A_91, %cond3A_92 : i32
      scf.if %cond3A_93 {
        %add3A_95 = arith.constant 2 : i32
        %add3A_96 = arith.addi %add3A_77, %add3A_95 : i32
        %mul3A_97 = arith.constant 80 : i32
        %mul3A_98 = arith.muli %add3A_96, %mul3A_97 : i32
        %add3A_99 = arith.addi %add3A, %mul3A_98 : i32
        %dma_start3A_100 = arith.constant 0 : i32
        %dma_start3A_101 = tpu.memref_slice %arg2[%add3A_99, %dma_start3A_100] : memref<320000x128xf32, #tpu.memory_space<hbm>> -> memref<80x128xf32, #tpu.memory_space<hbm>>
        %dma_start3A_102 = arith.constant 0 : i32
        %dma_start3A_103 = tpu.memref_slice %arg2[%add3A_99, %dma_start3A_102] : memref<320000x128xf32, #tpu.memory_space<hbm>> -> memref<80x128xf32, #tpu.memory_space<hbm>>
        tpu.enqueue_dma source(%dma_start3A_103 : memref<80x128xf32, #tpu.memory_space<hbm>>) target(%arg7 : memref<80x128xf32, #tpu.memory_space<vmem>>) target_semaphore(%arg12 : memref<!tpu.dma_semaphore, #tpu.memory_space<semaphore_mem>>)
        %dma_start3A_104 = tpu.memref_slice %arg3[%add3A_99] : memref<320000xi32, #tpu.memory_space<hbm>> -> memref<80xi32, #tpu.memory_space<hbm>>
        %dma_start3A_105 = tpu.memref_slice %arg3[%add3A_99] : memref<320000xi32, #tpu.memory_space<hbm>> -> memref<80xi32, #tpu.memory_space<hbm>>
        tpu.enqueue_dma source(%dma_start3A_105 : memref<80xi32, #tpu.memory_space<hbm>>) target(%arg8 : memref<80xi32, #tpu.memory_space<vmem>>) target_semaphore(%arg12 : memref<!tpu.dma_semaphore, #tpu.memory_space<semaphore_mem>>)
      } else {
      }
      %scan3A_94 = arith.constant 0 : i32
      scf.yield %scan3A_94 : i32
    }
    %scan3A_41 = arith.constant 62 : i32
    %add3A_42 = arith.constant 9920 : i32
    %add3A_43 = arith.addi %add3A, %add3A_42 : i32
    %dma_wait3A = arith.constant 0 : i32
    %dma_wait3A_44 = tpu.memref_slice %arg2[%add3A_43, %dma_wait3A] : memref<320000x128xf32, #tpu.memory_space<hbm>> -> memref<80x128xf32, #tpu.memory_space<hbm>>
    %dma_wait3A_45 = arith.constant 0 : i32
    %dma_wait3A_46 = tpu.memref_slice %arg2[%add3A_43, %dma_wait3A_45] : memref<320000x128xf32, #tpu.memory_space<hbm>> -> memref<80x128xf32, #tpu.memory_space<hbm>>
    tpu.wait_dma2 semaphore(%arg11 : memref<!tpu.dma_semaphore, #tpu.memory_space<semaphore_mem>>) src(%dma_wait3A_46 : memref<80x128xf32, #tpu.memory_space<hbm>>) dst(%arg5 : memref<80x128xf32, #tpu.memory_space<vmem>>)
    %dma_wait3A_47 = tpu.memref_slice %arg3[%add3A_43] : memref<320000xi32, #tpu.memory_space<hbm>> -> memref<80xi32, #tpu.memory_space<hbm>>
    %dma_wait3A_48 = tpu.memref_slice %arg3[%add3A_43] : memref<320000xi32, #tpu.memory_space<hbm>> -> memref<80xi32, #tpu.memory_space<hbm>>
    tpu.wait_dma2 semaphore(%arg11 : memref<!tpu.dma_semaphore, #tpu.memory_space<semaphore_mem>>) src(%dma_wait3A_48 : memref<80xi32, #tpu.memory_space<hbm>>) dst(%arg6 : memref<80xi32, #tpu.memory_space<vmem>>)
    "tpu.region"() ({
      %run_scoped3A = tpu.sem_alloc : memref<!tpu.dma_semaphore, #tpu.memory_space<semaphore_mem>>
      %dma_start3A_55 = arith.constant 0 : i32
      %dma_start3A_56 = arith.constant 0 : i32
      %dma_start3A_57 = tpu.memref_slice %arg10[%dma_start3A_55, %dma_start3A_56] : memref<10000x128xf32, #tpu.memory_space<vmem_shared>> -> memref<10000x128xf32, #tpu.memory_space<vmem_shared>>
      tpu.enqueue_indirect_dma source(%arg5 : memref<80x128xf32, #tpu.memory_space<vmem>>) target(%dma_start3A_57 : memref<10000x128xf32, #tpu.memory_space<vmem_shared>>) offsets(%arg6 : memref<80xi32, #tpu.memory_space<vmem>>) semaphore(%run_scoped3A : memref<!tpu.dma_semaphore, #tpu.memory_space<semaphore_mem>>) {add = true}
      %dma_wait3A_58 = arith.constant 0 : i32
      %dma_wait3A_59 = arith.constant 0 : i32
      %dma_wait3A_60 = tpu.memref_slice %arg10[%dma_wait3A_58, %dma_wait3A_59] : memref<10000x128xf32, #tpu.memory_space<vmem_shared>> -> memref<10000x128xf32, #tpu.memory_space<vmem_shared>>
      tpu.wait_indirect_dma semaphore(%run_scoped3A : memref<!tpu.dma_semaphore, #tpu.memory_space<semaphore_mem>>) src(%arg5 : memref<80x128xf32, #tpu.memory_space<vmem>>) dst(%dma_wait3A_60 : memref<10000x128xf32, #tpu.memory_space<vmem_shared>>)
      tpu.yield
    }) : () -> ()
    %barrier3A_49 = arith.constant 0 : index
    tpu.barrier barrier_id(%barrier3A_49)
    "tpu.region"() ({
      %run_scoped3A = tpu.sem_alloc : memref<!tpu.dma_semaphore, #tpu.memory_space<semaphore_mem>>
      %dma_start3A_55 = arith.constant 0 : i32
      %dma_start3A_56 = tpu.memref_slice %arg4[%arg0, %mul3A_0, %dma_start3A_55] : memref<2x10000x128xf32, #tpu.memory_space<hbm>> -> memref<1x624x128xf32, #tpu.memory_space<hbm>>
      %dma_start3A_57 = tpu.memref_squeeze %dma_start3A_56 : memref<1x624x128xf32, #tpu.memory_space<hbm>> -> memref<624x128xf32, #tpu.memory_space<hbm>>
      %dma_start3A_58 = arith.constant 0 : i32
      %dma_start3A_59 = tpu.memref_slice %arg10[%mul3A_0, %dma_start3A_58] : memref<10000x128xf32, #tpu.memory_space<vmem_shared>> -> memref<624x128xf32, #tpu.memory_space<vmem_shared>>
      tpu.enqueue_dma source(%dma_start3A_59 : memref<624x128xf32, #tpu.memory_space<vmem_shared>>) target(%dma_start3A_57 : memref<624x128xf32, #tpu.memory_space<hbm>>) target_semaphore(%run_scoped3A : memref<!tpu.dma_semaphore, #tpu.memory_space<semaphore_mem>>)
      %dma_wait3A_60 = arith.constant 0 : i32
      %dma_wait3A_61 = tpu.memref_slice %arg4[%arg0, %mul3A_0, %dma_wait3A_60] : memref<2x10000x128xf32, #tpu.memory_space<hbm>> -> memref<1x624x128xf32, #tpu.memory_space<hbm>>
      %dma_wait3A_62 = tpu.memref_squeeze %dma_wait3A_61 : memref<1x624x128xf32, #tpu.memory_space<hbm>> -> memref<624x128xf32, #tpu.memory_space<hbm>>
      %dma_wait3A_63 = arith.constant 0 : i32
      %dma_wait3A_64 = tpu.memref_slice %arg10[%mul3A_0, %dma_wait3A_63] : memref<10000x128xf32, #tpu.memory_space<vmem_shared>> -> memref<624x128xf32, #tpu.memory_space<vmem_shared>>
      tpu.wait_dma2 semaphore(%run_scoped3A : memref<!tpu.dma_semaphore, #tpu.memory_space<semaphore_mem>>) src(%dma_wait3A_64 : memref<624x128xf32, #tpu.memory_space<vmem_shared>>) dst(%dma_wait3A_62 : memref<624x128xf32, #tpu.memory_space<hbm>>)
      tpu.yield
    }) : () -> ()
    %eq3A_50 = arith.constant 15 : i32
    %eq3A_51 = arith.cmpi eq, %arg1, %eq3A_50 : i32
    %convert_element_type3A_52 = arith.extui %eq3A_51 : i1 to i32
    %cond3A_53 = arith.constant 0 : i32
    %cond3A_54 = arith.cmpi ne, %convert_element_type3A_52, %cond3A_53 : i32
    scf.if %cond3A_54 {
      "tpu.region"() ({
        %run_scoped3A = tpu.sem_alloc : memref<!tpu.dma_semaphore, #tpu.memory_space<semaphore_mem>>
        %dma_start3A_55 = arith.constant 9984 : i32
        %dma_start3A_56 = arith.constant 0 : i32
        %dma_start3A_57 = tpu.memref_slice %arg4[%arg0, %dma_start3A_55, %dma_start3A_56] : memref<2x10000x128xf32, #tpu.memory_space<hbm>> -> memref<1x16x128xf32, #tpu.memory_space<hbm>>
        %dma_start3A_58 = tpu.memref_squeeze %dma_start3A_57 : memref<1x16x128xf32, #tpu.memory_space<hbm>> -> memref<16x128xf32, #tpu.memory_space<hbm>>
        %dma_start3A_59 = arith.constant 9984 : i32
        %dma_start3A_60 = arith.constant 0 : i32
        %dma_start3A_61 = tpu.memref_slice %arg10[%dma_start3A_59, %dma_start3A_60] : memref<10000x128xf32, #tpu.memory_space<vmem_shared>> -> memref<16x128xf32, #tpu.memory_space<vmem_shared>>
        tpu.enqueue_dma source(%dma_start3A_61 : memref<16x128xf32, #tpu.memory_space<vmem_shared>>) target(%dma_start3A_58 : memref<16x128xf32, #tpu.memory_space<hbm>>) target_semaphore(%run_scoped3A : memref<!tpu.dma_semaphore, #tpu.memory_space<semaphore_mem>>)
        %dma_wait3A_62 = arith.constant 9984 : i32
        %dma_wait3A_63 = arith.constant 0 : i32
        %dma_wait3A_64 = tpu.memref_slice %arg4[%arg0, %dma_wait3A_62, %dma_wait3A_63] : memref<2x10000x128xf32, #tpu.memory_space<hbm>> -> memref<1x16x128xf32, #tpu.memory_space<hbm>>
        %dma_wait3A_65 = tpu.memref_squeeze %dma_wait3A_64 : memref<1x16x128xf32, #tpu.memory_space<hbm>> -> memref<16x128xf32, #tpu.memory_space<hbm>>
        %dma_wait3A_66 = arith.constant 9984 : i32
        %dma_wait3A_67 = arith.constant 0 : i32
        %dma_wait3A_68 = tpu.memref_slice %arg10[%dma_wait3A_66, %dma_wait3A_67] : memref<10000x128xf32, #tpu.memory_space<vmem_shared>> -> memref<16x128xf32, #tpu.memory_space<vmem_shared>>
        tpu.wait_dma2 semaphore(%run_scoped3A : memref<!tpu.dma_semaphore, #tpu.memory_space<semaphore_mem>>) src(%dma_wait3A_68 : memref<16x128xf32, #tpu.memory_space<vmem_shared>>) dst(%dma_wait3A_65 : memref<16x128xf32, #tpu.memory_space<hbm>>)
        tpu.yield
      }) : () -> ()
    } else {
    }
    return
  }
}

module attributes {stable_mosaic.version = 14 : i64} {
  func.func @_pq_body(%arg0: i32, %arg1: memref<1000x128xf32, #tpu.memory_space<vmem>>, %arg2: memref<128x128xf32, #tpu.memory_space<vmem>>, %arg3: memref<128x128xf32, #tpu.memory_space<vmem>>, %arg4: memref<1000x128xf32, #tpu.memory_space<vmem>>, %arg5: memref<1000x128xf32, #tpu.memory_space<vmem>>) attributes {dimension_semantics = [#tpu.dimension_semantics<arbitrary>], iteration_bounds = array<i64: 10>, scalar_prefetch = 0 : i64, scratch_operands = 0 : i64, tpu.core_type = #tpu.core_type<tc>, window_params = [{transform_indices = @transform_0, window_bounds = array<i64: 1000, 128>}, {pipeline_mode = #tpu.pipeline_mode<synchronous>, transform_indices = @transform_1, window_bounds = array<i64: 128, 128>}, {pipeline_mode = #tpu.pipeline_mode<synchronous>, transform_indices = @transform_2, window_bounds = array<i64: 128, 128>}, {transform_indices = @transform_3, window_bounds = array<i64: 1000, 128>}, {transform_indices = @transform_4, window_bounds = array<i64: 1000, 128>}]} {
    %get3A = arith.constant 0 : index
    %get3A_0 = arith.constant 0 : index
    %get3A_1 = vector.load %arg1[%get3A, %get3A_0] : memref<1000x128xf32, #tpu.memory_space<vmem>>, vector<1000x128xf32>
    %get3A_2 = arith.constant 0 : index
    %get3A_3 = arith.constant 0 : index
    %get3A_4 = vector.load %arg2[%get3A_2, %get3A_3] : memref<128x128xf32, #tpu.memory_space<vmem>>, vector<128x128xf32>
    %dot_general3A = arith.constant dense<0.000000e+00> : vector<1000x128xf32>
    %dot_general3A_5 = tpu.matmul %get3A_1, %get3A_4, %dot_general3A {dimension_numbers = #tpu.dot_dimension_numbers<[1], [0], [0], [1], [0, 0, 1, 1], [], []>, transpose_lhs_hint = false} : vector<1000x128xf32>, vector<128x128xf32>, vector<1000x128xf32> -> vector<1000x128xf32>
    %swap3A = arith.constant 0 : index
    %swap3A_6 = arith.constant 0 : index
    %swap3A_7 = vector.load %arg4[%swap3A, %swap3A_6] : memref<1000x128xf32, #tpu.memory_space<vmem>>, vector<1000x128xf32>
    tpu.vector_store %arg4[%swap3A, %swap3A_6], %dot_general3A_5 {strides = array<i32>} : memref<1000x128xf32, #tpu.memory_space<vmem>>, vector<1000x128xf32>,
    %get3A_8 = arith.constant 0 : index
    %get3A_9 = arith.constant 0 : index
    %get3A_10 = vector.load %arg3[%get3A_8, %get3A_9] : memref<128x128xf32, #tpu.memory_space<vmem>>, vector<128x128xf32>
    %dot_general3A_11 = arith.constant dense<0.000000e+00> : vector<1000x128xf32>
    %dot_general3A_12 = tpu.matmul %get3A_1, %get3A_10, %dot_general3A_11 {dimension_numbers = #tpu.dot_dimension_numbers<[1], [0], [0], [1], [0, 0, 1, 1], [], []>, transpose_lhs_hint = false} : vector<1000x128xf32>, vector<128x128xf32>, vector<1000x128xf32> -> vector<1000x128xf32>
    %swap3A_13 = arith.constant 0 : index
    %swap3A_14 = arith.constant 0 : index
    %swap3A_15 = vector.load %arg5[%swap3A_13, %swap3A_14] : memref<1000x128xf32, #tpu.memory_space<vmem>>, vector<1000x128xf32>
    tpu.vector_store %arg5[%swap3A_13, %swap3A_14], %dot_general3A_12 {strides = array<i32>} : memref<1000x128xf32, #tpu.memory_space<vmem>>, vector<1000x128xf32>,
    return
  }
  func.func @transform_0(%arg0: i32) -> (i32, i32) {
    %c0_i32 = arith.constant 0 : i32
    %c0_i32_0 = arith.constant 0 : i32
    return %arg0, %c0_i32 : i32, i32
  }
  func.func @transform_1(%arg0: i32) -> (i32, i32) {
    %c0_i32 = arith.constant 0 : i32
    %c0_i32_0 = arith.constant 0 : i32
    %c0_i32_1 = arith.constant 0 : i32
    return %c0_i32, %c0_i32_0 : i32, i32
  }
  func.func @transform_2(%arg0: i32) -> (i32, i32) {
    %c0_i32 = arith.constant 0 : i32
    %c0_i32_0 = arith.constant 0 : i32
    %c0_i32_1 = arith.constant 0 : i32
    return %c0_i32, %c0_i32_0 : i32, i32
  }
  func.func @transform_3(%arg0: i32) -> (i32, i32) {
    %c0_i32 = arith.constant 0 : i32
    %c0_i32_0 = arith.constant 0 : i32
    return %arg0, %c0_i32 : i32, i32
  }
  func.func @transform_4(%arg0: i32) -> (i32, i32) {
    %c0_i32 = arith.constant 0 : i32
    %c0_i32_0 = arith.constant 0 : i32
    return %arg0, %c0_i32 : i32, i32
  }
}

module attributes {stable_mosaic.version = 14 : i64} {
  func.func @_edge_body(%arg0: i32, %arg1: memref<2560x128xf32, #tpu.memory_space<vmem>>, %arg2: memref<20x1x128xf32, #tpu.memory_space<vmem>>, %arg3: memref<2560x16xf32, #tpu.memory_space<vmem>>, %arg4: memref<16x128xf32, #tpu.memory_space<vmem>>, %arg5: memref<16x128xf32, #tpu.memory_space<vmem>>, %arg6: memref<128x128xf32, #tpu.memory_space<vmem>>, %arg7: memref<128x128xf32, #tpu.memory_space<vmem>>, %arg8: memref<1x128xf32, #tpu.memory_space<vmem>>, %arg9: memref<1x128xf32, #tpu.memory_space<vmem>>, %arg10: memref<1x128xf32, #tpu.memory_space<vmem>>, %arg11: memref<16x128xf32, #tpu.memory_space<vmem>>, %arg12: memref<2560x128xf32, #tpu.memory_space<vmem>>) attributes {dimension_semantics = [#tpu.dimension_semantics<arbitrary>], iteration_bounds = array<i64: 125>, scalar_prefetch = 0 : i64, scratch_operands = 0 : i64, tpu.core_type = #tpu.core_type<tc>, window_params = [{transform_indices = @transform_0, window_bounds = array<i64: 2560, 128>}, {transform_indices = @transform_1, window_bounds = array<i64: 20, 1, 128>}, {transform_indices = @transform_2, window_bounds = array<i64: 2560, 16>}, {pipeline_mode = #tpu.pipeline_mode<synchronous>, transform_indices = @transform_3, window_bounds = array<i64: 16, 128>}, {pipeline_mode = #tpu.pipeline_mode<synchronous>, transform_indices = @transform_4, window_bounds = array<i64: 16, 128>}, {pipeline_mode = #tpu.pipeline_mode<synchronous>, transform_indices = @transform_5, window_bounds = array<i64: 128, 128>}, {pipeline_mode = #tpu.pipeline_mode<synchronous>, transform_indices = @transform_6, window_bounds = array<i64: 128, 128>}, {pipeline_mode = #tpu.pipeline_mode<synchronous>, transform_indices = @transform_7, window_bounds = array<i64: 1, 128>}, {pipeline_mode = #tpu.pipeline_mode<synchronous>, transform_indices = @transform_8, window_bounds = array<i64: 1, 128>}, {pipeline_mode = #tpu.pipeline_mode<synchronous>, transform_indices = @transform_9, window_bounds = array<i64: 1, 128>}, {pipeline_mode = #tpu.pipeline_mode<synchronous>, transform_indices = @transform_10, window_bounds = array<i64: 16, 128>}, {transform_indices = @transform_11, window_bounds = array<i64: 2560, 128>}]} {
    %get3A = arith.constant 0 : index
    %get3A_0 = arith.constant 0 : index
    %get3A_1 = arith.constant 0 : index
    %get3A_2 = vector.load %arg2[%get3A, %get3A_0, %get3A_1] : memref<20x1x128xf32, #tpu.memory_space<vmem>>, vector<1x1x128xf32>
    %get3A_3 = vector.shape_cast %get3A_2 : vector<1x1x128xf32> to vector<1x128xf32>
    %max3A = arith.constant 9.99999996E-13 : f32
    %max3A_4 = vector.broadcast %max3A : f32 to vector<1x128xf32>
    %max3A_5 = arith.maximumf %get3A_3, %max3A_4 : vector<1x128xf32>
    %sqrt3A = math.sqrt %max3A_5 : vector<1x128xf32>
    %get3A_6 = arith.constant 0 : index
    %get3A_7 = arith.constant 0 : index
    %get3A_8 = vector.load %arg11[%get3A_6, %get3A_7] : memref<16x128xf32, #tpu.memory_space<vmem>>, vector<16x128xf32>
    %sub3A = vector.broadcast %sqrt3A : vector<1x128xf32> to vector<16x128xf32>
    %sub3A_9 = arith.subf %sub3A, %get3A_8 : vector<16x128xf32>
    %integer_pow3A = arith.mulf %sub3A_9, %sub3A_9 : vector<16x128xf32>
    %mul3A = arith.constant -1.125000e-02 : f32
    %mul3A_10 = vector.broadcast %mul3A : f32 to vector<16x128xf32>
    %mul3A_11 = arith.mulf %mul3A_10, %integer_pow3A : vector<16x128xf32>
    %exp3A = math.exp %mul3A_11 : vector<16x128xf32>
    %get3A_12 = arith.constant 0 : index
    %get3A_13 = arith.constant 0 : index
    %get3A_14 = vector.load %arg5[%get3A_12, %get3A_13] : memref<16x128xf32, #tpu.memory_space<vmem>>, vector<16x128xf32>
    %dot_general3A = arith.constant dense<0.000000e+00> : vector<128x128xf32>
    %dot_general3A_15 = tpu.matmul %exp3A, %get3A_14, %dot_general3A {dimension_numbers = #tpu.dot_dimension_numbers<[0], [0], [1], [1], [0, 1, 1, 1], [], []>, transpose_lhs_hint = false} : vector<16x128xf32>, vector<16x128xf32>, vector<128x128xf32> -> vector<128x128xf32>
    %get3A_16 = arith.constant 1 : index
    %get3A_17 = arith.constant 0 : index
    %get3A_18 = arith.constant 0 : index
    %get3A_19 = vector.load %arg2[%get3A_16, %get3A_17, %get3A_18] : memref<20x1x128xf32, #tpu.memory_space<vmem>>, vector<1x1x128xf32>
    %get3A_20 = vector.shape_cast %get3A_19 : vector<1x1x128xf32> to vector<1x128xf32>
    %max3A_21 = arith.constant 9.99999996E-13 : f32
    %max3A_22 = vector.broadcast %max3A_21 : f32 to vector<1x128xf32>
    %max3A_23 = arith.maximumf %get3A_20, %max3A_22 : vector<1x128xf32>
    %sqrt3A_24 = math.sqrt %max3A_23 : vector<1x128xf32>
    %get3A_25 = arith.constant 0 : index
    %get3A_26 = arith.constant 0 : index
    %get3A_27 = vector.load %arg11[%get3A_25, %get3A_26] : memref<16x128xf32, #tpu.memory_space<vmem>>, vector<16x128xf32>
    %sub3A_28 = vector.broadcast %sqrt3A_24 : vector<1x128xf32> to vector<16x128xf32>
    %sub3A_29 = arith.subf %sub3A_28, %get3A_27 : vector<16x128xf32>
    %integer_pow3A_30 = arith.mulf %sub3A_29, %sub3A_29 : vector<16x128xf32>
    %mul3A_31 = arith.constant -1.125000e-02 : f32
    %mul3A_32 = vector.broadcast %mul3A_31 : f32 to vector<16x128xf32>
    %mul3A_33 = arith.mulf %mul3A_32, %integer_pow3A_30 : vector<16x128xf32>
    %exp3A_34 = math.exp %mul3A_33 : vector<16x128xf32>
    %get3A_35 = arith.constant 0 : index
    %get3A_36 = arith.constant 0 : index
    %get3A_37 = vector.load %arg5[%get3A_35, %get3A_36] : memref<16x128xf32, #tpu.memory_space<vmem>>, vector<16x128xf32>
    %dot_general3A_38 = arith.constant dense<0.000000e+00> : vector<128x128xf32>
    %dot_general3A_39 = tpu.matmul %exp3A_34, %get3A_37, %dot_general3A_38 {dimension_numbers = #tpu.dot_dimension_numbers<[0], [0], [1], [1], [0, 1, 1, 1], [], []>, transpose_lhs_hint = false} : vector<16x128xf32>, vector<16x128xf32>, vector<128x128xf32> -> vector<128x128xf32>
    %get3A_40 = arith.constant 2 : index
    %get3A_41 = arith.constant 0 : index
    %get3A_42 = arith.constant 0 : index
    %get3A_43 = vector.load %arg2[%get3A_40, %get3A_41, %get3A_42] : memref<20x1x128xf32, #tpu.memory_space<vmem>>, vector<1x1x128xf32>
    %get3A_44 = vector.shape_cast %get3A_43 : vector<1x1x128xf32> to vector<1x128xf32>
    %max3A_45 = arith.constant 9.99999996E-13 : f32
    %max3A_46 = vector.broadcast %max3A_45 : f32 to vector<1x128xf32>
    %max3A_47 = arith.maximumf %get3A_44, %max3A_46 : vector<1x128xf32>
    %sqrt3A_48 = math.sqrt %max3A_47 : vector<1x128xf32>
    %get3A_49 = arith.constant 0 : index
    %get3A_50 = arith.constant 0 : index
    %get3A_51 = vector.load %arg11[%get3A_49, %get3A_50] : memref<16x128xf32, #tpu.memory_space<vmem>>, vector<16x128xf32>
    %sub3A_52 = vector.broadcast %sqrt3A_48 : vector<1x128xf32> to vector<16x128xf32>
    %sub3A_53 = arith.subf %sub3A_52, %get3A_51 : vector<16x128xf32>
    %integer_pow3A_54 = arith.mulf %sub3A_53, %sub3A_53 : vector<16x128xf32>
    %mul3A_55 = arith.constant -1.125000e-02 : f32
    %mul3A_56 = vector.broadcast %mul3A_55 : f32 to vector<16x128xf32>
    %mul3A_57 = arith.mulf %mul3A_56, %integer_pow3A_54 : vector<16x128xf32>
    %exp3A_58 = math.exp %mul3A_57 : vector<16x128xf32>
    %get3A_59 = arith.constant 0 : index
    %get3A_60 = arith.constant 0 : index
    %get3A_61 = vector.load %arg5[%get3A_59, %get3A_60] : memref<16x128xf32, #tpu.memory_space<vmem>>, vector<16x128xf32>
    %dot_general3A_62 = arith.constant dense<0.000000e+00> : vector<128x128xf32>
    %dot_general3A_63 = tpu.matmul %exp3A_58, %get3A_61, %dot_general3A_62 {dimension_numbers = #tpu.dot_dimension_numbers<[0], [0], [1], [1], [0, 1, 1, 1], [], []>, transpose_lhs_hint = false} : vector<16x128xf32>, vector<16x128xf32>, vector<128x128xf32> -> vector<128x128xf32>
    %get3A_64 = arith.constant 3 : index
    %get3A_65 = arith.constant 0 : index
    %get3A_66 = arith.constant 0 : index
    %get3A_67 = vector.load %arg2[%get3A_64, %get3A_65, %get3A_66] : memref<20x1x128xf32, #tpu.memory_space<vmem>>, vector<1x1x128xf32>
    %get3A_68 = vector.shape_cast %get3A_67 : vector<1x1x128xf32> to vector<1x128xf32>
    %max3A_69 = arith.constant 9.99999996E-13 : f32
    %max3A_70 = vector.broadcast %max3A_69 : f32 to vector<1x128xf32>
    %max3A_71 = arith.maximumf %get3A_68, %max3A_70 : vector<1x128xf32>
    %sqrt3A_72 = math.sqrt %max3A_71 : vector<1x128xf32>
    %get3A_73 = arith.constant 0 : index
    %get3A_74 = arith.constant 0 : index
    %get3A_75 = vector.load %arg11[%get3A_73, %get3A_74] : memref<16x128xf32, #tpu.memory_space<vmem>>, vector<16x128xf32>
    %sub3A_76 = vector.broadcast %sqrt3A_72 : vector<1x128xf32> to vector<16x128xf32>
    %sub3A_77 = arith.subf %sub3A_76, %get3A_75 : vector<16x128xf32>
    %integer_pow3A_78 = arith.mulf %sub3A_77, %sub3A_77 : vector<16x128xf32>
    %mul3A_79 = arith.constant -1.125000e-02 : f32
    %mul3A_80 = vector.broadcast %mul3A_79 : f32 to vector<16x128xf32>
    %mul3A_81 = arith.mulf %mul3A_80, %integer_pow3A_78 : vector<16x128xf32>
    %exp3A_82 = math.exp %mul3A_81 : vector<16x128xf32>
    %get3A_83 = arith.constant 0 : index
    %get3A_84 = arith.constant 0 : index
    %get3A_85 = vector.load %arg5[%get3A_83, %get3A_84] : memref<16x128xf32, #tpu.memory_space<vmem>>, vector<16x128xf32>
    %dot_general3A_86 = arith.constant dense<0.000000e+00> : vector<128x128xf32>
    %dot_general3A_87 = tpu.matmul %exp3A_82, %get3A_85, %dot_general3A_86 {dimension_numbers = #tpu.dot_dimension_numbers<[0], [0], [1], [1], [0, 1, 1, 1], [], []>, transpose_lhs_hint = false} : vector<16x128xf32>, vector<16x128xf32>, vector<128x128xf32> -> vector<128x128xf32>
    %get3A_88 = arith.constant 4 : index
    %get3A_89 = arith.constant 0 : index
    %get3A_90 = arith.constant 0 : index
    %get3A_91 = vector.load %arg2[%get3A_88, %get3A_89, %get3A_90] : memref<20x1x128xf32, #tpu.memory_space<vmem>>, vector<1x1x128xf32>
    %get3A_92 = vector.shape_cast %get3A_91 : vector<1x1x128xf32> to vector<1x128xf32>
    %max3A_93 = arith.constant 9.99999996E-13 : f32
    %max3A_94 = vector.broadcast %max3A_93 : f32 to vector<1x128xf32>
    %max3A_95 = arith.maximumf %get3A_92, %max3A_94 : vector<1x128xf32>
    %sqrt3A_96 = math.sqrt %max3A_95 : vector<1x128xf32>
    %get3A_97 = arith.constant 0 : index
    %get3A_98 = arith.constant 0 : index
    %get3A_99 = vector.load %arg11[%get3A_97, %get3A_98] : memref<16x128xf32, #tpu.memory_space<vmem>>, vector<16x128xf32>
    %sub3A_100 = vector.broadcast %sqrt3A_96 : vector<1x128xf32> to vector<16x128xf32>
    %sub3A_101 = arith.subf %sub3A_100, %get3A_99 : vector<16x128xf32>
    %integer_pow3A_102 = arith.mulf %sub3A_101, %sub3A_101 : vector<16x128xf32>
    %mul3A_103 = arith.constant -1.125000e-02 : f32
    %mul3A_104 = vector.broadcast %mul3A_103 : f32 to vector<16x128xf32>
    %mul3A_105 = arith.mulf %mul3A_104, %integer_pow3A_102 : vector<16x128xf32>
    %exp3A_106 = math.exp %mul3A_105 : vector<16x128xf32>
    %get3A_107 = arith.constant 0 : index
    %get3A_108 = arith.constant 0 : index
    %get3A_109 = vector.load %arg5[%get3A_107, %get3A_108] : memref<16x128xf32, #tpu.memory_space<vmem>>, vector<16x128xf32>
    %dot_general3A_110 = arith.constant dense<0.000000e+00> : vector<128x128xf32>
    %dot_general3A_111 = tpu.matmul %exp3A_106, %get3A_109, %dot_general3A_110 {dimension_numbers = #tpu.dot_dimension_numbers<[0], [0], [1], [1], [0, 1, 1, 1], [], []>, transpose_lhs_hint = false} : vector<16x128xf32>, vector<16x128xf32>, vector<128x128xf32> -> vector<128x128xf32>
    %get3A_112 = arith.constant 5 : index
    %get3A_113 = arith.constant 0 : index
    %get3A_114 = arith.constant 0 : index
    %get3A_115 = vector.load %arg2[%get3A_112, %get3A_113, %get3A_114] : memref<20x1x128xf32, #tpu.memory_space<vmem>>, vector<1x1x128xf32>
    %get3A_116 = vector.shape_cast %get3A_115 : vector<1x1x128xf32> to vector<1x128xf32>
    %max3A_117 = arith.constant 9.99999996E-13 : f32
    %max3A_118 = vector.broadcast %max3A_117 : f32 to vector<1x128xf32>
    %max3A_119 = arith.maximumf %get3A_116, %max3A_118 : vector<1x128xf32>
    %sqrt3A_120 = math.sqrt %max3A_119 : vector<1x128xf32>
    %get3A_121 = arith.constant 0 : index
    %get3A_122 = arith.constant 0 : index
    %get3A_123 = vector.load %arg11[%get3A_121, %get3A_122] : memref<16x128xf32, #tpu.memory_space<vmem>>, vector<16x128xf32>
    %sub3A_124 = vector.broadcast %sqrt3A_120 : vector<1x128xf32> to vector<16x128xf32>
    %sub3A_125 = arith.subf %sub3A_124, %get3A_123 : vector<16x128xf32>
    %integer_pow3A_126 = arith.mulf %sub3A_125, %sub3A_125 : vector<16x128xf32>
    %mul3A_127 = arith.constant -1.125000e-02 : f32
    %mul3A_128 = vector.broadcast %mul3A_127 : f32 to vector<16x128xf32>
    %mul3A_129 = arith.mulf %mul3A_128, %integer_pow3A_126 : vector<16x128xf32>
    %exp3A_130 = math.exp %mul3A_129 : vector<16x128xf32>
    %get3A_131 = arith.constant 0 : index
    %get3A_132 = arith.constant 0 : index
    %get3A_133 = vector.load %arg5[%get3A_131, %get3A_132] : memref<16x128xf32, #tpu.memory_space<vmem>>, vector<16x128xf32>
    %dot_general3A_134 = arith.constant dense<0.000000e+00> : vector<128x128xf32>
    %dot_general3A_135 = tpu.matmul %exp3A_130, %get3A_133, %dot_general3A_134 {dimension_numbers = #tpu.dot_dimension_numbers<[0], [0], [1], [1], [0, 1, 1, 1], [], []>, transpose_lhs_hint = false} : vector<16x128xf32>, vector<16x128xf32>, vector<128x128xf32> -> vector<128x128xf32>
    %get3A_136 = arith.constant 6 : index
    %get3A_137 = arith.constant 0 : index
    %get3A_138 = arith.constant 0 : index
    %get3A_139 = vector.load %arg2[%get3A_136, %get3A_137, %get3A_138] : memref<20x1x128xf32, #tpu.memory_space<vmem>>, vector<1x1x128xf32>
    %get3A_140 = vector.shape_cast %get3A_139 : vector<1x1x128xf32> to vector<1x128xf32>
    %max3A_141 = arith.constant 9.99999996E-13 : f32
    %max3A_142 = vector.broadcast %max3A_141 : f32 to vector<1x128xf32>
    %max3A_143 = arith.maximumf %get3A_140, %max3A_142 : vector<1x128xf32>
    %sqrt3A_144 = math.sqrt %max3A_143 : vector<1x128xf32>
    %get3A_145 = arith.constant 0 : index
    %get3A_146 = arith.constant 0 : index
    %get3A_147 = vector.load %arg11[%get3A_145, %get3A_146] : memref<16x128xf32, #tpu.memory_space<vmem>>, vector<16x128xf32>
    %sub3A_148 = vector.broadcast %sqrt3A_144 : vector<1x128xf32> to vector<16x128xf32>
    %sub3A_149 = arith.subf %sub3A_148, %get3A_147 : vector<16x128xf32>
    %integer_pow3A_150 = arith.mulf %sub3A_149, %sub3A_149 : vector<16x128xf32>
    %mul3A_151 = arith.constant -1.125000e-02 : f32
    %mul3A_152 = vector.broadcast %mul3A_151 : f32 to vector<16x128xf32>
    %mul3A_153 = arith.mulf %mul3A_152, %integer_pow3A_150 : vector<16x128xf32>
    %exp3A_154 = math.exp %mul3A_153 : vector<16x128xf32>
    %get3A_155 = arith.constant 0 : index
    %get3A_156 = arith.constant 0 : index
    %get3A_157 = vector.load %arg5[%get3A_155, %get3A_156] : memref<16x128xf32, #tpu.memory_space<vmem>>, vector<16x128xf32>
    %dot_general3A_158 = arith.constant dense<0.000000e+00> : vector<128x128xf32>
    %dot_general3A_159 = tpu.matmul %exp3A_154, %get3A_157, %dot_general3A_158 {dimension_numbers = #tpu.dot_dimension_numbers<[0], [0], [1], [1], [0, 1, 1, 1], [], []>, transpose_lhs_hint = false} : vector<16x128xf32>, vector<16x128xf32>, vector<128x128xf32> -> vector<128x128xf32>
    %get3A_160 = arith.constant 7 : index
    %get3A_161 = arith.constant 0 : index
    %get3A_162 = arith.constant 0 : index
    %get3A_163 = vector.load %arg2[%get3A_160, %get3A_161, %get3A_162] : memref<20x1x128xf32, #tpu.memory_space<vmem>>, vector<1x1x128xf32>
    %get3A_164 = vector.shape_cast %get3A_163 : vector<1x1x128xf32> to vector<1x128xf32>
    %max3A_165 = arith.constant 9.99999996E-13 : f32
    %max3A_166 = vector.broadcast %max3A_165 : f32 to vector<1x128xf32>
    %max3A_167 = arith.maximumf %get3A_164, %max3A_166 : vector<1x128xf32>
    %sqrt3A_168 = math.sqrt %max3A_167 : vector<1x128xf32>
    %get3A_169 = arith.constant 0 : index
    %get3A_170 = arith.constant 0 : index
    %get3A_171 = vector.load %arg11[%get3A_169, %get3A_170] : memref<16x128xf32, #tpu.memory_space<vmem>>, vector<16x128xf32>
    %sub3A_172 = vector.broadcast %sqrt3A_168 : vector<1x128xf32> to vector<16x128xf32>
    %sub3A_173 = arith.subf %sub3A_172, %get3A_171 : vector<16x128xf32>
    %integer_pow3A_174 = arith.mulf %sub3A_173, %sub3A_173 : vector<16x128xf32>
    %mul3A_175 = arith.constant -1.125000e-02 : f32
    %mul3A_176 = vector.broadcast %mul3A_175 : f32 to vector<16x128xf32>
    %mul3A_177 = arith.mulf %mul3A_176, %integer_pow3A_174 : vector<16x128xf32>
    %exp3A_178 = math.exp %mul3A_177 : vector<16x128xf32>
    %get3A_179 = arith.constant 0 : index
    %get3A_180 = arith.constant 0 : index
    %get3A_181 = vector.load %arg5[%get3A_179, %get3A_180] : memref<16x128xf32, #tpu.memory_space<vmem>>, vector<16x128xf32>
    %dot_general3A_182 = arith.constant dense<0.000000e+00> : vector<128x128xf32>
    %dot_general3A_183 = tpu.matmul %exp3A_178, %get3A_181, %dot_general3A_182 {dimension_numbers = #tpu.dot_dimension_numbers<[0], [0], [1], [1], [0, 1, 1, 1], [], []>, transpose_lhs_hint = false} : vector<16x128xf32>, vector<16x128xf32>, vector<128x128xf32> -> vector<128x128xf32>
    %get3A_184 = arith.constant 8 : index
    %get3A_185 = arith.constant 0 : index
    %get3A_186 = arith.constant 0 : index
    %get3A_187 = vector.load %arg2[%get3A_184, %get3A_185, %get3A_186] : memref<20x1x128xf32, #tpu.memory_space<vmem>>, vector<1x1x128xf32>
    %get3A_188 = vector.shape_cast %get3A_187 : vector<1x1x128xf32> to vector<1x128xf32>
    %max3A_189 = arith.constant 9.99999996E-13 : f32
    %max3A_190 = vector.broadcast %max3A_189 : f32 to vector<1x128xf32>
    %max3A_191 = arith.maximumf %get3A_188, %max3A_190 : vector<1x128xf32>
    %sqrt3A_192 = math.sqrt %max3A_191 : vector<1x128xf32>
    %get3A_193 = arith.constant 0 : index
    %get3A_194 = arith.constant 0 : index
    %get3A_195 = vector.load %arg11[%get3A_193, %get3A_194] : memref<16x128xf32, #tpu.memory_space<vmem>>, vector<16x128xf32>
    %sub3A_196 = vector.broadcast %sqrt3A_192 : vector<1x128xf32> to vector<16x128xf32>
    %sub3A_197 = arith.subf %sub3A_196, %get3A_195 : vector<16x128xf32>
    %integer_pow3A_198 = arith.mulf %sub3A_197, %sub3A_197 : vector<16x128xf32>
    %mul3A_199 = arith.constant -1.125000e-02 : f32
    %mul3A_200 = vector.broadcast %mul3A_199 : f32 to vector<16x128xf32>
    %mul3A_201 = arith.mulf %mul3A_200, %integer_pow3A_198 : vector<16x128xf32>
    %exp3A_202 = math.exp %mul3A_201 : vector<16x128xf32>
    %get3A_203 = arith.constant 0 : index
    %get3A_204 = arith.constant 0 : index
    %get3A_205 = vector.load %arg5[%get3A_203, %get3A_204] : memref<16x128xf32, #tpu.memory_space<vmem>>, vector<16x128xf32>
    %dot_general3A_206 = arith.constant dense<0.000000e+00> : vector<128x128xf32>
    %dot_general3A_207 = tpu.matmul %exp3A_202, %get3A_205, %dot_general3A_206 {dimension_numbers = #tpu.dot_dimension_numbers<[0], [0], [1], [1], [0, 1, 1, 1], [], []>, transpose_lhs_hint = false} : vector<16x128xf32>, vector<16x128xf32>, vector<128x128xf32> -> vector<128x128xf32>
    %get3A_208 = arith.constant 9 : index
    %get3A_209 = arith.constant 0 : index
    %get3A_210 = arith.constant 0 : index
    %get3A_211 = vector.load %arg2[%get3A_208, %get3A_209, %get3A_210] : memref<20x1x128xf32, #tpu.memory_space<vmem>>, vector<1x1x128xf32>
    %get3A_212 = vector.shape_cast %get3A_211 : vector<1x1x128xf32> to vector<1x128xf32>
    %max3A_213 = arith.constant 9.99999996E-13 : f32
    %max3A_214 = vector.broadcast %max3A_213 : f32 to vector<1x128xf32>
    %max3A_215 = arith.maximumf %get3A_212, %max3A_214 : vector<1x128xf32>
    %sqrt3A_216 = math.sqrt %max3A_215 : vector<1x128xf32>
    %get3A_217 = arith.constant 0 : index
    %get3A_218 = arith.constant 0 : index
    %get3A_219 = vector.load %arg11[%get3A_217, %get3A_218] : memref<16x128xf32, #tpu.memory_space<vmem>>, vector<16x128xf32>
    %sub3A_220 = vector.broadcast %sqrt3A_216 : vector<1x128xf32> to vector<16x128xf32>
    %sub3A_221 = arith.subf %sub3A_220, %get3A_219 : vector<16x128xf32>
    %integer_pow3A_222 = arith.mulf %sub3A_221, %sub3A_221 : vector<16x128xf32>
    %mul3A_223 = arith.constant -1.125000e-02 : f32
    %mul3A_224 = vector.broadcast %mul3A_223 : f32 to vector<16x128xf32>
    %mul3A_225 = arith.mulf %mul3A_224, %integer_pow3A_222 : vector<16x128xf32>
    %exp3A_226 = math.exp %mul3A_225 : vector<16x128xf32>
    %get3A_227 = arith.constant 0 : index
    %get3A_228 = arith.constant 0 : index
    %get3A_229 = vector.load %arg5[%get3A_227, %get3A_228] : memref<16x128xf32, #tpu.memory_space<vmem>>, vector<16x128xf32>
    %dot_general3A_230 = arith.constant dense<0.000000e+00> : vector<128x128xf32>
    %dot_general3A_231 = tpu.matmul %exp3A_226, %get3A_229, %dot_general3A_230 {dimension_numbers = #tpu.dot_dimension_numbers<[0], [0], [1], [1], [0, 1, 1, 1], [], []>, transpose_lhs_hint = false} : vector<16x128xf32>, vector<16x128xf32>, vector<128x128xf32> -> vector<128x128xf32>
    %get3A_232 = arith.constant 10 : index
    %get3A_233 = arith.constant 0 : index
    %get3A_234 = arith.constant 0 : index
    %get3A_235 = vector.load %arg2[%get3A_232, %get3A_233, %get3A_234] : memref<20x1x128xf32, #tpu.memory_space<vmem>>, vector<1x1x128xf32>
    %get3A_236 = vector.shape_cast %get3A_235 : vector<1x1x128xf32> to vector<1x128xf32>
    %max3A_237 = arith.constant 9.99999996E-13 : f32
    %max3A_238 = vector.broadcast %max3A_237 : f32 to vector<1x128xf32>
    %max3A_239 = arith.maximumf %get3A_236, %max3A_238 : vector<1x128xf32>
    %sqrt3A_240 = math.sqrt %max3A_239 : vector<1x128xf32>
    %get3A_241 = arith.constant 0 : index
    %get3A_242 = arith.constant 0 : index
    %get3A_243 = vector.load %arg11[%get3A_241, %get3A_242] : memref<16x128xf32, #tpu.memory_space<vmem>>, vector<16x128xf32>
    %sub3A_244 = vector.broadcast %sqrt3A_240 : vector<1x128xf32> to vector<16x128xf32>
    %sub3A_245 = arith.subf %sub3A_244, %get3A_243 : vector<16x128xf32>
    %integer_pow3A_246 = arith.mulf %sub3A_245, %sub3A_245 : vector<16x128xf32>
    %mul3A_247 = arith.constant -1.125000e-02 : f32
    %mul3A_248 = vector.broadcast %mul3A_247 : f32 to vector<16x128xf32>
    %mul3A_249 = arith.mulf %mul3A_248, %integer_pow3A_246 : vector<16x128xf32>
    %exp3A_250 = math.exp %mul3A_249 : vector<16x128xf32>
    %get3A_251 = arith.constant 0 : index
    %get3A_252 = arith.constant 0 : index
    %get3A_253 = vector.load %arg5[%get3A_251, %get3A_252] : memref<16x128xf32, #tpu.memory_space<vmem>>, vector<16x128xf32>
    %dot_general3A_254 = arith.constant dense<0.000000e+00> : vector<128x128xf32>
    %dot_general3A_255 = tpu.matmul %exp3A_250, %get3A_253, %dot_general3A_254 {dimension_numbers = #tpu.dot_dimension_numbers<[0], [0], [1], [1], [0, 1, 1, 1], [], []>, transpose_lhs_hint = false} : vector<16x128xf32>, vector<16x128xf32>, vector<128x128xf32> -> vector<128x128xf32>
    %get3A_256 = arith.constant 11 : index
    %get3A_257 = arith.constant 0 : index
    %get3A_258 = arith.constant 0 : index
    %get3A_259 = vector.load %arg2[%get3A_256, %get3A_257, %get3A_258] : memref<20x1x128xf32, #tpu.memory_space<vmem>>, vector<1x1x128xf32>
    %get3A_260 = vector.shape_cast %get3A_259 : vector<1x1x128xf32> to vector<1x128xf32>
    %max3A_261 = arith.constant 9.99999996E-13 : f32
    %max3A_262 = vector.broadcast %max3A_261 : f32 to vector<1x128xf32>
    %max3A_263 = arith.maximumf %get3A_260, %max3A_262 : vector<1x128xf32>
    %sqrt3A_264 = math.sqrt %max3A_263 : vector<1x128xf32>
    %get3A_265 = arith.constant 0 : index
    %get3A_266 = arith.constant 0 : index
    %get3A_267 = vector.load %arg11[%get3A_265, %get3A_266] : memref<16x128xf32, #tpu.memory_space<vmem>>, vector<16x128xf32>
    %sub3A_268 = vector.broadcast %sqrt3A_264 : vector<1x128xf32> to vector<16x128xf32>
    %sub3A_269 = arith.subf %sub3A_268, %get3A_267 : vector<16x128xf32>
    %integer_pow3A_270 = arith.mulf %sub3A_269, %sub3A_269 : vector<16x128xf32>
    %mul3A_271 = arith.constant -1.125000e-02 : f32
    %mul3A_272 = vector.broadcast %mul3A_271 : f32 to vector<16x128xf32>
    %mul3A_273 = arith.mulf %mul3A_272, %integer_pow3A_270 : vector<16x128xf32>
    %exp3A_274 = math.exp %mul3A_273 : vector<16x128xf32>
    %get3A_275 = arith.constant 0 : index
    %get3A_276 = arith.constant 0 : index
    %get3A_277 = vector.load %arg5[%get3A_275, %get3A_276] : memref<16x128xf32, #tpu.memory_space<vmem>>, vector<16x128xf32>
    %dot_general3A_278 = arith.constant dense<0.000000e+00> : vector<128x128xf32>
    %dot_general3A_279 = tpu.matmul %exp3A_274, %get3A_277, %dot_general3A_278 {dimension_numbers = #tpu.dot_dimension_numbers<[0], [0], [1], [1], [0, 1, 1, 1], [], []>, transpose_lhs_hint = false} : vector<16x128xf32>, vector<16x128xf32>, vector<128x128xf32> -> vector<128x128xf32>
    %get3A_280 = arith.constant 12 : index
    %get3A_281 = arith.constant 0 : index
    %get3A_282 = arith.constant 0 : index
    %get3A_283 = vector.load %arg2[%get3A_280, %get3A_281, %get3A_282] : memref<20x1x128xf32, #tpu.memory_space<vmem>>, vector<1x1x128xf32>
    %get3A_284 = vector.shape_cast %get3A_283 : vector<1x1x128xf32> to vector<1x128xf32>
    %max3A_285 = arith.constant 9.99999996E-13 : f32
    %max3A_286 = vector.broadcast %max3A_285 : f32 to vector<1x128xf32>
    %max3A_287 = arith.maximumf %get3A_284, %max3A_286 : vector<1x128xf32>
    %sqrt3A_288 = math.sqrt %max3A_287 : vector<1x128xf32>
    %get3A_289 = arith.constant 0 : index
    %get3A_290 = arith.constant 0 : index
    %get3A_291 = vector.load %arg11[%get3A_289, %get3A_290] : memref<16x128xf32, #tpu.memory_space<vmem>>, vector<16x128xf32>
    %sub3A_292 = vector.broadcast %sqrt3A_288 : vector<1x128xf32> to vector<16x128xf32>
    %sub3A_293 = arith.subf %sub3A_292, %get3A_291 : vector<16x128xf32>
    %integer_pow3A_294 = arith.mulf %sub3A_293, %sub3A_293 : vector<16x128xf32>
    %mul3A_295 = arith.constant -1.125000e-02 : f32
    %mul3A_296 = vector.broadcast %mul3A_295 : f32 to vector<16x128xf32>
    %mul3A_297 = arith.mulf %mul3A_296, %integer_pow3A_294 : vector<16x128xf32>
    %exp3A_298 = math.exp %mul3A_297 : vector<16x128xf32>
    %get3A_299 = arith.constant 0 : index
    %get3A_300 = arith.constant 0 : index
    %get3A_301 = vector.load %arg5[%get3A_299, %get3A_300] : memref<16x128xf32, #tpu.memory_space<vmem>>, vector<16x128xf32>
    %dot_general3A_302 = arith.constant dense<0.000000e+00> : vector<128x128xf32>
    %dot_general3A_303 = tpu.matmul %exp3A_298, %get3A_301, %dot_general3A_302 {dimension_numbers = #tpu.dot_dimension_numbers<[0], [0], [1], [1], [0, 1, 1, 1], [], []>, transpose_lhs_hint = false} : vector<16x128xf32>, vector<16x128xf32>, vector<128x128xf32> -> vector<128x128xf32>
    %get3A_304 = arith.constant 13 : index
    %get3A_305 = arith.constant 0 : index
    %get3A_306 = arith.constant 0 : index
    %get3A_307 = vector.load %arg2[%get3A_304, %get3A_305, %get3A_306] : memref<20x1x128xf32, #tpu.memory_space<vmem>>, vector<1x1x128xf32>
    %get3A_308 = vector.shape_cast %get3A_307 : vector<1x1x128xf32> to vector<1x128xf32>
    %max3A_309 = arith.constant 9.99999996E-13 : f32
    %max3A_310 = vector.broadcast %max3A_309 : f32 to vector<1x128xf32>
    %max3A_311 = arith.maximumf %get3A_308, %max3A_310 : vector<1x128xf32>
    %sqrt3A_312 = math.sqrt %max3A_311 : vector<1x128xf32>
    %get3A_313 = arith.constant 0 : index
    %get3A_314 = arith.constant 0 : index
    %get3A_315 = vector.load %arg11[%get3A_313, %get3A_314] : memref<16x128xf32, #tpu.memory_space<vmem>>, vector<16x128xf32>
    %sub3A_316 = vector.broadcast %sqrt3A_312 : vector<1x128xf32> to vector<16x128xf32>
    %sub3A_317 = arith.subf %sub3A_316, %get3A_315 : vector<16x128xf32>
    %integer_pow3A_318 = arith.mulf %sub3A_317, %sub3A_317 : vector<16x128xf32>
    %mul3A_319 = arith.constant -1.125000e-02 : f32
    %mul3A_320 = vector.broadcast %mul3A_319 : f32 to vector<16x128xf32>
    %mul3A_321 = arith.mulf %mul3A_320, %integer_pow3A_318 : vector<16x128xf32>
    %exp3A_322 = math.exp %mul3A_321 : vector<16x128xf32>
    %get3A_323 = arith.constant 0 : index
    %get3A_324 = arith.constant 0 : index
    %get3A_325 = vector.load %arg5[%get3A_323, %get3A_324] : memref<16x128xf32, #tpu.memory_space<vmem>>, vector<16x128xf32>
    %dot_general3A_326 = arith.constant dense<0.000000e+00> : vector<128x128xf32>
    %dot_general3A_327 = tpu.matmul %exp3A_322, %get3A_325, %dot_general3A_326 {dimension_numbers = #tpu.dot_dimension_numbers<[0], [0], [1], [1], [0, 1, 1, 1], [], []>, transpose_lhs_hint = false} : vector<16x128xf32>, vector<16x128xf32>, vector<128x128xf32> -> vector<128x128xf32>
    %get3A_328 = arith.constant 14 : index
    %get3A_329 = arith.constant 0 : index
    %get3A_330 = arith.constant 0 : index
    %get3A_331 = vector.load %arg2[%get3A_328, %get3A_329, %get3A_330] : memref<20x1x128xf32, #tpu.memory_space<vmem>>, vector<1x1x128xf32>
    %get3A_332 = vector.shape_cast %get3A_331 : vector<1x1x128xf32> to vector<1x128xf32>
    %max3A_333 = arith.constant 9.99999996E-13 : f32
    %max3A_334 = vector.broadcast %max3A_333 : f32 to vector<1x128xf32>
    %max3A_335 = arith.maximumf %get3A_332, %max3A_334 : vector<1x128xf32>
    %sqrt3A_336 = math.sqrt %max3A_335 : vector<1x128xf32>
    %get3A_337 = arith.constant 0 : index
    %get3A_338 = arith.constant 0 : index
    %get3A_339 = vector.load %arg11[%get3A_337, %get3A_338] : memref<16x128xf32, #tpu.memory_space<vmem>>, vector<16x128xf32>
    %sub3A_340 = vector.broadcast %sqrt3A_336 : vector<1x128xf32> to vector<16x128xf32>
    %sub3A_341 = arith.subf %sub3A_340, %get3A_339 : vector<16x128xf32>
    %integer_pow3A_342 = arith.mulf %sub3A_341, %sub3A_341 : vector<16x128xf32>
    %mul3A_343 = arith.constant -1.125000e-02 : f32
    %mul3A_344 = vector.broadcast %mul3A_343 : f32 to vector<16x128xf32>
    %mul3A_345 = arith.mulf %mul3A_344, %integer_pow3A_342 : vector<16x128xf32>
    %exp3A_346 = math.exp %mul3A_345 : vector<16x128xf32>
    %get3A_347 = arith.constant 0 : index
    %get3A_348 = arith.constant 0 : index
    %get3A_349 = vector.load %arg5[%get3A_347, %get3A_348] : memref<16x128xf32, #tpu.memory_space<vmem>>, vector<16x128xf32>
    %dot_general3A_350 = arith.constant dense<0.000000e+00> : vector<128x128xf32>
    %dot_general3A_351 = tpu.matmul %exp3A_346, %get3A_349, %dot_general3A_350 {dimension_numbers = #tpu.dot_dimension_numbers<[0], [0], [1], [1], [0, 1, 1, 1], [], []>, transpose_lhs_hint = false} : vector<16x128xf32>, vector<16x128xf32>, vector<128x128xf32> -> vector<128x128xf32>
    %get3A_352 = arith.constant 15 : index
    %get3A_353 = arith.constant 0 : index
    %get3A_354 = arith.constant 0 : index
    %get3A_355 = vector.load %arg2[%get3A_352, %get3A_353, %get3A_354] : memref<20x1x128xf32, #tpu.memory_space<vmem>>, vector<1x1x128xf32>
    %get3A_356 = vector.shape_cast %get3A_355 : vector<1x1x128xf32> to vector<1x128xf32>
    %max3A_357 = arith.constant 9.99999996E-13 : f32
    %max3A_358 = vector.broadcast %max3A_357 : f32 to vector<1x128xf32>
    %max3A_359 = arith.maximumf %get3A_356, %max3A_358 : vector<1x128xf32>
    %sqrt3A_360 = math.sqrt %max3A_359 : vector<1x128xf32>
    %get3A_361 = arith.constant 0 : index
    %get3A_362 = arith.constant 0 : index
    %get3A_363 = vector.load %arg11[%get3A_361, %get3A_362] : memref<16x128xf32, #tpu.memory_space<vmem>>, vector<16x128xf32>
    %sub3A_364 = vector.broadcast %sqrt3A_360 : vector<1x128xf32> to vector<16x128xf32>
    %sub3A_365 = arith.subf %sub3A_364, %get3A_363 : vector<16x128xf32>
    %integer_pow3A_366 = arith.mulf %sub3A_365, %sub3A_365 : vector<16x128xf32>
    %mul3A_367 = arith.constant -1.125000e-02 : f32
    %mul3A_368 = vector.broadcast %mul3A_367 : f32 to vector<16x128xf32>
    %mul3A_369 = arith.mulf %mul3A_368, %integer_pow3A_366 : vector<16x128xf32>
    %exp3A_370 = math.exp %mul3A_369 : vector<16x128xf32>
    %get3A_371 = arith.constant 0 : index
    %get3A_372 = arith.constant 0 : index
    %get3A_373 = vector.load %arg5[%get3A_371, %get3A_372] : memref<16x128xf32, #tpu.memory_space<vmem>>, vector<16x128xf32>
    %dot_general3A_374 = arith.constant dense<0.000000e+00> : vector<128x128xf32>
    %dot_general3A_375 = tpu.matmul %exp3A_370, %get3A_373, %dot_general3A_374 {dimension_numbers = #tpu.dot_dimension_numbers<[0], [0], [1], [1], [0, 1, 1, 1], [], []>, transpose_lhs_hint = false} : vector<16x128xf32>, vector<16x128xf32>, vector<128x128xf32> -> vector<128x128xf32>
    %get3A_376 = arith.constant 16 : index
    %get3A_377 = arith.constant 0 : index
    %get3A_378 = arith.constant 0 : index
    %get3A_379 = vector.load %arg2[%get3A_376, %get3A_377, %get3A_378] : memref<20x1x128xf32, #tpu.memory_space<vmem>>, vector<1x1x128xf32>
    %get3A_380 = vector.shape_cast %get3A_379 : vector<1x1x128xf32> to vector<1x128xf32>
    %max3A_381 = arith.constant 9.99999996E-13 : f32
    %max3A_382 = vector.broadcast %max3A_381 : f32 to vector<1x128xf32>
    %max3A_383 = arith.maximumf %get3A_380, %max3A_382 : vector<1x128xf32>
    %sqrt3A_384 = math.sqrt %max3A_383 : vector<1x128xf32>
    %get3A_385 = arith.constant 0 : index
    %get3A_386 = arith.constant 0 : index
    %get3A_387 = vector.load %arg11[%get3A_385, %get3A_386] : memref<16x128xf32, #tpu.memory_space<vmem>>, vector<16x128xf32>
    %sub3A_388 = vector.broadcast %sqrt3A_384 : vector<1x128xf32> to vector<16x128xf32>
    %sub3A_389 = arith.subf %sub3A_388, %get3A_387 : vector<16x128xf32>
    %integer_pow3A_390 = arith.mulf %sub3A_389, %sub3A_389 : vector<16x128xf32>
    %mul3A_391 = arith.constant -1.125000e-02 : f32
    %mul3A_392 = vector.broadcast %mul3A_391 : f32 to vector<16x128xf32>
    %mul3A_393 = arith.mulf %mul3A_392, %integer_pow3A_390 : vector<16x128xf32>
    %exp3A_394 = math.exp %mul3A_393 : vector<16x128xf32>
    %get3A_395 = arith.constant 0 : index
    %get3A_396 = arith.constant 0 : index
    %get3A_397 = vector.load %arg5[%get3A_395, %get3A_396] : memref<16x128xf32, #tpu.memory_space<vmem>>, vector<16x128xf32>
    %dot_general3A_398 = arith.constant dense<0.000000e+00> : vector<128x128xf32>
    %dot_general3A_399 = tpu.matmul %exp3A_394, %get3A_397, %dot_general3A_398 {dimension_numbers = #tpu.dot_dimension_numbers<[0], [0], [1], [1], [0, 1, 1, 1], [], []>, transpose_lhs_hint = false} : vector<16x128xf32>, vector<16x128xf32>, vector<128x128xf32> -> vector<128x128xf32>
    %get3A_400 = arith.constant 17 : index
    %get3A_401 = arith.constant 0 : index
    %get3A_402 = arith.constant 0 : index
    %get3A_403 = vector.load %arg2[%get3A_400, %get3A_401, %get3A_402] : memref<20x1x128xf32, #tpu.memory_space<vmem>>, vector<1x1x128xf32>
    %get3A_404 = vector.shape_cast %get3A_403 : vector<1x1x128xf32> to vector<1x128xf32>
    %max3A_405 = arith.constant 9.99999996E-13 : f32
    %max3A_406 = vector.broadcast %max3A_405 : f32 to vector<1x128xf32>
    %max3A_407 = arith.maximumf %get3A_404, %max3A_406 : vector<1x128xf32>
    %sqrt3A_408 = math.sqrt %max3A_407 : vector<1x128xf32>
    %get3A_409 = arith.constant 0 : index
    %get3A_410 = arith.constant 0 : index
    %get3A_411 = vector.load %arg11[%get3A_409, %get3A_410] : memref<16x128xf32, #tpu.memory_space<vmem>>, vector<16x128xf32>
    %sub3A_412 = vector.broadcast %sqrt3A_408 : vector<1x128xf32> to vector<16x128xf32>
    %sub3A_413 = arith.subf %sub3A_412, %get3A_411 : vector<16x128xf32>
    %integer_pow3A_414 = arith.mulf %sub3A_413, %sub3A_413 : vector<16x128xf32>
    %mul3A_415 = arith.constant -1.125000e-02 : f32
    %mul3A_416 = vector.broadcast %mul3A_415 : f32 to vector<16x128xf32>
    %mul3A_417 = arith.mulf %mul3A_416, %integer_pow3A_414 : vector<16x128xf32>
    %exp3A_418 = math.exp %mul3A_417 : vector<16x128xf32>
    %get3A_419 = arith.constant 0 : index
    %get3A_420 = arith.constant 0 : index
    %get3A_421 = vector.load %arg5[%get3A_419, %get3A_420] : memref<16x128xf32, #tpu.memory_space<vmem>>, vector<16x128xf32>
    %dot_general3A_422 = arith.constant dense<0.000000e+00> : vector<128x128xf32>
    %dot_general3A_423 = tpu.matmul %exp3A_418, %get3A_421, %dot_general3A_422 {dimension_numbers = #tpu.dot_dimension_numbers<[0], [0], [1], [1], [0, 1, 1, 1], [], []>, transpose_lhs_hint = false} : vector<16x128xf32>, vector<16x128xf32>, vector<128x128xf32> -> vector<128x128xf32>
    %get3A_424 = arith.constant 18 : index
    %get3A_425 = arith.constant 0 : index
    %get3A_426 = arith.constant 0 : index
    %get3A_427 = vector.load %arg2[%get3A_424, %get3A_425, %get3A_426] : memref<20x1x128xf32, #tpu.memory_space<vmem>>, vector<1x1x128xf32>
    %get3A_428 = vector.shape_cast %get3A_427 : vector<1x1x128xf32> to vector<1x128xf32>
    %max3A_429 = arith.constant 9.99999996E-13 : f32
    %max3A_430 = vector.broadcast %max3A_429 : f32 to vector<1x128xf32>
    %max3A_431 = arith.maximumf %get3A_428, %max3A_430 : vector<1x128xf32>
    %sqrt3A_432 = math.sqrt %max3A_431 : vector<1x128xf32>
    %get3A_433 = arith.constant 0 : index
    %get3A_434 = arith.constant 0 : index
    %get3A_435 = vector.load %arg11[%get3A_433, %get3A_434] : memref<16x128xf32, #tpu.memory_space<vmem>>, vector<16x128xf32>
    %sub3A_436 = vector.broadcast %sqrt3A_432 : vector<1x128xf32> to vector<16x128xf32>
    %sub3A_437 = arith.subf %sub3A_436, %get3A_435 : vector<16x128xf32>
    %integer_pow3A_438 = arith.mulf %sub3A_437, %sub3A_437 : vector<16x128xf32>
    %mul3A_439 = arith.constant -1.125000e-02 : f32
    %mul3A_440 = vector.broadcast %mul3A_439 : f32 to vector<16x128xf32>
    %mul3A_441 = arith.mulf %mul3A_440, %integer_pow3A_438 : vector<16x128xf32>
    %exp3A_442 = math.exp %mul3A_441 : vector<16x128xf32>
    %get3A_443 = arith.constant 0 : index
    %get3A_444 = arith.constant 0 : index
    %get3A_445 = vector.load %arg5[%get3A_443, %get3A_444] : memref<16x128xf32, #tpu.memory_space<vmem>>, vector<16x128xf32>
    %dot_general3A_446 = arith.constant dense<0.000000e+00> : vector<128x128xf32>
    %dot_general3A_447 = tpu.matmul %exp3A_442, %get3A_445, %dot_general3A_446 {dimension_numbers = #tpu.dot_dimension_numbers<[0], [0], [1], [1], [0, 1, 1, 1], [], []>, transpose_lhs_hint = false} : vector<16x128xf32>, vector<16x128xf32>, vector<128x128xf32> -> vector<128x128xf32>
    %get3A_448 = arith.constant 19 : index
    %get3A_449 = arith.constant 0 : index
    %get3A_450 = arith.constant 0 : index
    %get3A_451 = vector.load %arg2[%get3A_448, %get3A_449, %get3A_450] : memref<20x1x128xf32, #tpu.memory_space<vmem>>, vector<1x1x128xf32>
    %get3A_452 = vector.shape_cast %get3A_451 : vector<1x1x128xf32> to vector<1x128xf32>
    %max3A_453 = arith.constant 9.99999996E-13 : f32
    %max3A_454 = vector.broadcast %max3A_453 : f32 to vector<1x128xf32>
    %max3A_455 = arith.maximumf %get3A_452, %max3A_454 : vector<1x128xf32>
    %sqrt3A_456 = math.sqrt %max3A_455 : vector<1x128xf32>
    %get3A_457 = arith.constant 0 : index
    %get3A_458 = arith.constant 0 : index
    %get3A_459 = vector.load %arg11[%get3A_457, %get3A_458] : memref<16x128xf32, #tpu.memory_space<vmem>>, vector<16x128xf32>
    %sub3A_460 = vector.broadcast %sqrt3A_456 : vector<1x128xf32> to vector<16x128xf32>
    %sub3A_461 = arith.subf %sub3A_460, %get3A_459 : vector<16x128xf32>
    %integer_pow3A_462 = arith.mulf %sub3A_461, %sub3A_461 : vector<16x128xf32>
    %mul3A_463 = arith.constant -1.125000e-02 : f32
    %mul3A_464 = vector.broadcast %mul3A_463 : f32 to vector<16x128xf32>
    %mul3A_465 = arith.mulf %mul3A_464, %integer_pow3A_462 : vector<16x128xf32>
    %exp3A_466 = math.exp %mul3A_465 : vector<16x128xf32>
    %get3A_467 = arith.constant 0 : index
    %get3A_468 = arith.constant 0 : index
    %get3A_469 = vector.load %arg5[%get3A_467, %get3A_468] : memref<16x128xf32, #tpu.memory_space<vmem>>, vector<16x128xf32>
    %dot_general3A_470 = arith.constant dense<0.000000e+00> : vector<128x128xf32>
    %dot_general3A_471 = tpu.matmul %exp3A_466, %get3A_469, %dot_general3A_470 {dimension_numbers = #tpu.dot_dimension_numbers<[0], [0], [1], [1], [0, 1, 1, 1], [], []>, transpose_lhs_hint = false} : vector<16x128xf32>, vector<16x128xf32>, vector<128x128xf32> -> vector<128x128xf32>
    %concatenate3A = tpu.concatenate %dot_general3A_15, %dot_general3A_39, %dot_general3A_63, %dot_general3A_87, %dot_general3A_111, %dot_general3A_135, %dot_general3A_159, %dot_general3A_183, %dot_general3A_207, %dot_general3A_231, %dot_general3A_255, %dot_general3A_279, %dot_general3A_303, %dot_general3A_327, %dot_general3A_351, %dot_general3A_375, %dot_general3A_399, %dot_general3A_423, %dot_general3A_447, %dot_general3A_471 in 0 : vector<128x128xf32>, vector<128x128xf32>, vector<128x128xf32>, vector<128x128xf32>, vector<128x128xf32>, vector<128x128xf32>, vector<128x128xf32>, vector<128x128xf32>, vector<128x128xf32>, vector<128x128xf32>, vector<128x128xf32>, vector<128x128xf32>, vector<128x128xf32>, vector<128x128xf32>, vector<128x128xf32>, vector<128x128xf32>, vector<128x128xf32>, vector<128x128xf32>, vector<128x128xf32>, vector<128x128xf32> -> vector<2560x128xf32>
    %get3A_472 = arith.constant 0 : index
    %get3A_473 = arith.constant 0 : index
    %get3A_474 = vector.load %arg3[%get3A_472, %get3A_473] : memref<2560x16xf32, #tpu.memory_space<vmem>>, vector<2560x16xf32>
    %get3A_475 = arith.constant 0 : index
    %get3A_476 = arith.constant 0 : index
    %get3A_477 = vector.load %arg4[%get3A_475, %get3A_476] : memref<16x128xf32, #tpu.memory_space<vmem>>, vector<16x128xf32>
    %dot_general3A_478 = arith.constant dense<0.000000e+00> : vector<2560x128xf32>
    %dot_general3A_479 = tpu.matmul %get3A_474, %get3A_477, %dot_general3A_478 {dimension_numbers = #tpu.dot_dimension_numbers<[1], [0], [0], [1], [0, 0, 1, 1], [], []>, transpose_lhs_hint = false} : vector<2560x16xf32>, vector<16x128xf32>, vector<2560x128xf32> -> vector<2560x128xf32>
    %add3A = arith.addf %dot_general3A_479, %concatenate3A : vector<2560x128xf32>
    %get3A_480 = arith.constant 0 : index
    %get3A_481 = arith.constant 0 : index
    %get3A_482 = vector.load %arg1[%get3A_480, %get3A_481] : memref<2560x128xf32, #tpu.memory_space<vmem>>, vector<2560x128xf32>
    %add3A_483 = arith.addf %add3A, %get3A_482 : vector<2560x128xf32>
    %get3A_484 = arith.constant 0 : index
    %get3A_485 = arith.constant 0 : index
    %get3A_486 = vector.load %arg8[%get3A_484, %get3A_485] : memref<1x128xf32, #tpu.memory_space<vmem>>, vector<1x128xf32>
    %add3A_487 = vector.broadcast %get3A_486 : vector<1x128xf32> to vector<2560x128xf32>
    %add3A_488 = arith.addf %add3A_483, %add3A_487 : vector<2560x128xf32>
    %max3A_489 = arith.constant 0.000000e+00 : f32
    %max3A_490 = vector.broadcast %max3A_489 : f32 to vector<2560x128xf32>
    %max3A_491 = arith.maximumf %add3A_488, %max3A_490 : vector<2560x128xf32>
    %get3A_492 = arith.constant 0 : index
    %get3A_493 = arith.constant 0 : index
    %get3A_494 = vector.load %arg6[%get3A_492, %get3A_493] : memref<128x128xf32, #tpu.memory_space<vmem>>, vector<128x128xf32>
    %dot_general3A_495 = arith.constant dense<0.000000e+00> : vector<2560x128xf32>
    %dot_general3A_496 = tpu.matmul %max3A_491, %get3A_494, %dot_general3A_495 {dimension_numbers = #tpu.dot_dimension_numbers<[1], [0], [0], [1], [0, 0, 1, 1], [], []>, transpose_lhs_hint = false} : vector<2560x128xf32>, vector<128x128xf32>, vector<2560x128xf32> -> vector<2560x128xf32>
    %get3A_497 = arith.constant 0 : index
    %get3A_498 = arith.constant 0 : index
    %get3A_499 = vector.load %arg9[%get3A_497, %get3A_498] : memref<1x128xf32, #tpu.memory_space<vmem>>, vector<1x128xf32>
    %add3A_500 = vector.broadcast %get3A_499 : vector<1x128xf32> to vector<2560x128xf32>
    %add3A_501 = arith.addf %dot_general3A_496, %add3A_500 : vector<2560x128xf32>
    %max3A_502 = arith.constant 0.000000e+00 : f32
    %max3A_503 = vector.broadcast %max3A_502 : f32 to vector<2560x128xf32>
    %max3A_504 = arith.maximumf %add3A_501, %max3A_503 : vector<2560x128xf32>
    %get3A_505 = arith.constant 0 : index
    %get3A_506 = arith.constant 0 : index
    %get3A_507 = vector.load %arg7[%get3A_505, %get3A_506] : memref<128x128xf32, #tpu.memory_space<vmem>>, vector<128x128xf32>
    %dot_general3A_508 = arith.constant dense<0.000000e+00> : vector<2560x128xf32>
    %dot_general3A_509 = tpu.matmul %max3A_504, %get3A_507, %dot_general3A_508 {dimension_numbers = #tpu.dot_dimension_numbers<[1], [0], [0], [1], [0, 0, 1, 1], [], []>, transpose_lhs_hint = false} : vector<2560x128xf32>, vector<128x128xf32>, vector<2560x128xf32> -> vector<2560x128xf32>
    %get3A_510 = arith.constant 0 : index
    %get3A_511 = arith.constant 0 : index
    %get3A_512 = vector.load %arg10[%get3A_510, %get3A_511] : memref<1x128xf32, #tpu.memory_space<vmem>>, vector<1x128xf32>
    %add3A_513 = vector.broadcast %get3A_512 : vector<1x128xf32> to vector<2560x128xf32>
    %add3A_514 = arith.addf %dot_general3A_509, %add3A_513 : vector<2560x128xf32>
    %logistic3A = arith.negf %add3A_514 : vector<2560x128xf32>
    %logistic3A_515 = math.exp %logistic3A : vector<2560x128xf32>
    %logistic3A_516 = arith.constant 1.000000e+00 : f32
    %logistic3A_517 = vector.broadcast %logistic3A_516 : f32 to vector<2560x128xf32>
    %logistic3A_518 = arith.addf %logistic3A_517, %logistic3A_515 : vector<2560x128xf32>
    %logistic3A_519 = arith.divf %logistic3A_517, %logistic3A_518 : vector<2560x128xf32>
    %mul3A_520 = arith.mulf %max3A_504, %logistic3A_519 : vector<2560x128xf32>
    %swap3A = arith.constant 0 : index
    %swap3A_521 = arith.constant 0 : index
    %swap3A_522 = vector.load %arg12[%swap3A, %swap3A_521] : memref<2560x128xf32, #tpu.memory_space<vmem>>, vector<2560x128xf32>
    tpu.vector_store %arg12[%swap3A, %swap3A_521], %mul3A_520 {strides = array<i32>} : memref<2560x128xf32, #tpu.memory_space<vmem>>, vector<2560x128xf32>,
    return
  }
  func.func @transform_0(%arg0: i32) -> (i32, i32) {
    %c0_i32 = arith.constant 0 : i32
    %c0_i32_0 = arith.constant 0 : i32
    return %arg0, %c0_i32 : i32, i32
  }
  func.func @transform_1(%arg0: i32) -> (i32, i32, i32) {
    %c0_i32 = arith.constant 0 : i32
    %c0_i32_0 = arith.constant 0 : i32
    %c0_i32_1 = arith.constant 0 : i32
    return %arg0, %c0_i32, %c0_i32_0 : i32, i32, i32
  }
  func.func @transform_2(%arg0: i32) -> (i32, i32) {
    %c0_i32 = arith.constant 0 : i32
    %c0_i32_0 = arith.constant 0 : i32
    return %arg0, %c0_i32 : i32, i32
  }
  func.func @transform_3(%arg0: i32) -> (i32, i32) {
    %c0_i32 = arith.constant 0 : i32
    %c0_i32_0 = arith.constant 0 : i32
    %c0_i32_1 = arith.constant 0 : i32
    return %c0_i32, %c0_i32_0 : i32, i32
  }
  func.func @transform_4(%arg0: i32) -> (i32, i32) {
    %c0_i32 = arith.constant 0 : i32
    %c0_i32_0 = arith.constant 0 : i32
    %c0_i32_1 = arith.constant 0 : i32
    return %c0_i32, %c0_i32_0 : i32, i32
  }
  func.func @transform_5(%arg0: i32) -> (i32, i32) {
    %c0_i32 = arith.constant 0 : i32
    %c0_i32_0 = arith.constant 0 : i32
    %c0_i32_1 = arith.constant 0 : i32
    return %c0_i32, %c0_i32_0 : i32, i32
  }
  func.func @transform_6(%arg0: i32) -> (i32, i32) {
    %c0_i32 = arith.constant 0 : i32
    %c0_i32_0 = arith.constant 0 : i32
    %c0_i32_1 = arith.constant 0 : i32
    return %c0_i32, %c0_i32_0 : i32, i32
  }
  func.func @transform_7(%arg0: i32) -> (i32, i32) {
    %c0_i32 = arith.constant 0 : i32
    %c0_i32_0 = arith.constant 0 : i32
    %c0_i32_1 = arith.constant 0 : i32
    return %c0_i32, %c0_i32_0 : i32, i32
  }
  func.func @transform_8(%arg0: i32) -> (i32, i32) {
    %c0_i32 = arith.constant 0 : i32
    %c0_i32_0 = arith.constant 0 : i32
    %c0_i32_1 = arith.constant 0 : i32
    return %c0_i32, %c0_i32_0 : i32, i32
  }
  func.func @transform_9(%arg0: i32) -> (i32, i32) {
    %c0_i32 = arith.constant 0 : i32
    %c0_i32_0 = arith.constant 0 : i32
    %c0_i32_1 = arith.constant 0 : i32
    return %c0_i32, %c0_i32_0 : i32, i32
  }
  func.func @transform_10(%arg0: i32) -> (i32, i32) {
    %c0_i32 = arith.constant 0 : i32
    %c0_i32_0 = arith.constant 0 : i32
    %c0_i32_1 = arith.constant 0 : i32
    return %c0_i32, %c0_i32_0 : i32, i32
  }
  func.func @transform_11(%arg0: i32) -> (i32, i32) {
    %c0_i32 = arith.constant 0 : i32
    %c0_i32_0 = arith.constant 0 : i32
    return %arg0, %c0_i32 : i32, i32
  }
}

module attributes {stable_mosaic.version = 14 : i64} {
  func.func @_node_body(%arg0: i32, %arg1: memref<2x1000x128xf32, #tpu.memory_space<vmem>>, %arg2: memref<1000x128xf32, #tpu.memory_space<vmem>>, %arg3: memref<128x128xf32, #tpu.memory_space<vmem>>, %arg4: memref<128x128xf32, #tpu.memory_space<vmem>>, %arg5: memref<128x128xf32, #tpu.memory_space<vmem>>, %arg6: memref<1x128xf32, #tpu.memory_space<vmem>>, %arg7: memref<1x128xf32, #tpu.memory_space<vmem>>, %arg8: memref<1000x128xf32, #tpu.memory_space<vmem>>) attributes {dimension_semantics = [#tpu.dimension_semantics<arbitrary>], iteration_bounds = array<i64: 10>, scalar_prefetch = 0 : i64, scratch_operands = 0 : i64, tpu.core_type = #tpu.core_type<tc>, window_params = [{transform_indices = @transform_0, window_bounds = array<i64: 2, 1000, 128>}, {transform_indices = @transform_1, window_bounds = array<i64: 1000, 128>}, {pipeline_mode = #tpu.pipeline_mode<synchronous>, transform_indices = @transform_2, window_bounds = array<i64: 128, 128>}, {pipeline_mode = #tpu.pipeline_mode<synchronous>, transform_indices = @transform_3, window_bounds = array<i64: 128, 128>}, {pipeline_mode = #tpu.pipeline_mode<synchronous>, transform_indices = @transform_4, window_bounds = array<i64: 128, 128>}, {pipeline_mode = #tpu.pipeline_mode<synchronous>, transform_indices = @transform_5, window_bounds = array<i64: 1, 128>}, {pipeline_mode = #tpu.pipeline_mode<synchronous>, transform_indices = @transform_6, window_bounds = array<i64: 1, 128>}, {transform_indices = @transform_7, window_bounds = array<i64: 1000, 128>}]} {
    %get3A = arith.constant 0 : index
    %get3A_0 = arith.constant 0 : index
    %get3A_1 = arith.constant 0 : index
    %get3A_2 = vector.load %arg1[%get3A, %get3A_0, %get3A_1] : memref<2x1000x128xf32, #tpu.memory_space<vmem>>, vector<1x1000x128xf32>
    %get3A_3 = vector.shape_cast %get3A_2 : vector<1x1000x128xf32> to vector<1000x128xf32>
    %get3A_4 = arith.constant 1 : index
    %get3A_5 = arith.constant 0 : index
    %get3A_6 = arith.constant 0 : index
    %get3A_7 = vector.load %arg1[%get3A_4, %get3A_5, %get3A_6] : memref<2x1000x128xf32, #tpu.memory_space<vmem>>, vector<1x1000x128xf32>
    %get3A_8 = vector.shape_cast %get3A_7 : vector<1x1000x128xf32> to vector<1000x128xf32>
    %add3A = arith.addf %get3A_3, %get3A_8 : vector<1000x128xf32>
    %get3A_9 = arith.constant 0 : index
    %get3A_10 = arith.constant 0 : index
    %get3A_11 = vector.load %arg3[%get3A_9, %get3A_10] : memref<128x128xf32, #tpu.memory_space<vmem>>, vector<128x128xf32>
    %dot_general3A = arith.constant dense<0.000000e+00> : vector<1000x128xf32>
    %dot_general3A_12 = tpu.matmul %add3A, %get3A_11, %dot_general3A {dimension_numbers = #tpu.dot_dimension_numbers<[1], [0], [0], [1], [0, 0, 1, 1], [], []>, transpose_lhs_hint = false} : vector<1000x128xf32>, vector<128x128xf32>, vector<1000x128xf32> -> vector<1000x128xf32>
    %get3A_13 = arith.constant 0 : index
    %get3A_14 = arith.constant 0 : index
    %get3A_15 = vector.load %arg2[%get3A_13, %get3A_14] : memref<1000x128xf32, #tpu.memory_space<vmem>>, vector<1000x128xf32>
    %get3A_16 = arith.constant 0 : index
    %get3A_17 = arith.constant 0 : index
    %get3A_18 = vector.load %arg4[%get3A_16, %get3A_17] : memref<128x128xf32, #tpu.memory_space<vmem>>, vector<128x128xf32>
    %dot_general3A_19 = arith.constant dense<0.000000e+00> : vector<1000x128xf32>
    %dot_general3A_20 = tpu.matmul %get3A_15, %get3A_18, %dot_general3A_19 {dimension_numbers = #tpu.dot_dimension_numbers<[1], [0], [0], [1], [0, 0, 1, 1], [], []>, transpose_lhs_hint = false} : vector<1000x128xf32>, vector<128x128xf32>, vector<1000x128xf32> -> vector<1000x128xf32>
    %add3A_21 = arith.addf %dot_general3A_12, %dot_general3A_20 : vector<1000x128xf32>
    %get3A_22 = arith.constant 0 : index
    %get3A_23 = arith.constant 0 : index
    %get3A_24 = vector.load %arg6[%get3A_22, %get3A_23] : memref<1x128xf32, #tpu.memory_space<vmem>>, vector<1x128xf32>
    %add3A_25 = vector.broadcast %get3A_24 : vector<1x128xf32> to vector<1000x128xf32>
    %add3A_26 = arith.addf %add3A_21, %add3A_25 : vector<1000x128xf32>
    %max3A = arith.constant 0.000000e+00 : f32
    %max3A_27 = vector.broadcast %max3A : f32 to vector<1000x128xf32>
    %max3A_28 = arith.maximumf %add3A_26, %max3A_27 : vector<1000x128xf32>
    %get3A_29 = arith.constant 0 : index
    %get3A_30 = arith.constant 0 : index
    %get3A_31 = vector.load %arg5[%get3A_29, %get3A_30] : memref<128x128xf32, #tpu.memory_space<vmem>>, vector<128x128xf32>
    %dot_general3A_32 = arith.constant dense<0.000000e+00> : vector<1000x128xf32>
    %dot_general3A_33 = tpu.matmul %max3A_28, %get3A_31, %dot_general3A_32 {dimension_numbers = #tpu.dot_dimension_numbers<[1], [0], [0], [1], [0, 0, 1, 1], [], []>, transpose_lhs_hint = false} : vector<1000x128xf32>, vector<128x128xf32>, vector<1000x128xf32> -> vector<1000x128xf32>
    %get3A_34 = arith.constant 0 : index
    %get3A_35 = arith.constant 0 : index
    %get3A_36 = vector.load %arg7[%get3A_34, %get3A_35] : memref<1x128xf32, #tpu.memory_space<vmem>>, vector<1x128xf32>
    %add3A_37 = vector.broadcast %get3A_36 : vector<1x128xf32> to vector<1000x128xf32>
    %add3A_38 = arith.addf %dot_general3A_33, %add3A_37 : vector<1000x128xf32>
    %swap3A = arith.constant 0 : index
    %swap3A_39 = arith.constant 0 : index
    %swap3A_40 = vector.load %arg8[%swap3A, %swap3A_39] : memref<1000x128xf32, #tpu.memory_space<vmem>>, vector<1000x128xf32>
    tpu.vector_store %arg8[%swap3A, %swap3A_39], %add3A_38 {strides = array<i32>} : memref<1000x128xf32, #tpu.memory_space<vmem>>, vector<1000x128xf32>,
    return
  }
  func.func @transform_0(%arg0: i32) -> (i32, i32, i32) {
    %c0_i32 = arith.constant 0 : i32
    %c0_i32_0 = arith.constant 0 : i32
    %c0_i32_1 = arith.constant 0 : i32
    return %c0_i32, %arg0, %c0_i32_0 : i32, i32, i32
  }
  func.func @transform_1(%arg0: i32) -> (i32, i32) {
    %c0_i32 = arith.constant 0 : i32
    %c0_i32_0 = arith.constant 0 : i32
    return %arg0, %c0_i32 : i32, i32
  }
  func.func @transform_2(%arg0: i32) -> (i32, i32) {
    %c0_i32 = arith.constant 0 : i32
    %c0_i32_0 = arith.constant 0 : i32
    %c0_i32_1 = arith.constant 0 : i32
    return %c0_i32, %c0_i32_0 : i32, i32
  }
  func.func @transform_3(%arg0: i32) -> (i32, i32) {
    %c0_i32 = arith.constant 0 : i32
    %c0_i32_0 = arith.constant 0 : i32
    %c0_i32_1 = arith.constant 0 : i32
    return %c0_i32, %c0_i32_0 : i32, i32
  }
  func.func @transform_4(%arg0: i32) -> (i32, i32) {
    %c0_i32 = arith.constant 0 : i32
    %c0_i32_0 = arith.constant 0 : i32
    %c0_i32_1 = arith.constant 0 : i32
    return %c0_i32, %c0_i32_0 : i32, i32
  }
  func.func @transform_5(%arg0: i32) -> (i32, i32) {
    %c0_i32 = arith.constant 0 : i32
    %c0_i32_0 = arith.constant 0 : i32
    %c0_i32_1 = arith.constant 0 : i32
    return %c0_i32, %c0_i32_0 : i32, i32
  }
  func.func @transform_6(%arg0: i32) -> (i32, i32) {
    %c0_i32 = arith.constant 0 : i32
    %c0_i32_0 = arith.constant 0 : i32
    %c0_i32_1 = arith.constant 0 : i32
    return %c0_i32, %c0_i32_0 : i32, i32
  }
  func.func @transform_7(%arg0: i32) -> (i32, i32) {
    %c0_i32 = arith.constant 0 : i32
    %c0_i32_0 = arith.constant 0 : i32
    return %arg0, %c0_i32 : i32, i32
  }
}

</mosaic_0001>

<sc_bundles>
// kernel: kernel.10.cloned.1.call-start
scs
__scs_entry_jumppad:
0x0: {  	(pc) =	sbr.rel $0x88, $3  }
0x1: {  	(tag) =	ssettag $0x0;
	lr =	simm.s32 $0x1  }
0x2: {  	[smem:$0x3F93] =	sst lr;
	_ =	strace $0xD0000000  }
0x3: {  	_ = 	snop  }
0x4: {  	_ = 	snop  }
0x5: {  	_ = 	snop  }
0x6: {  	_ = 	snop  }
0x7: {  	_ = 	snop  }
__scs_overlays_trampoline_lowered:
0x8: {  	[smem:$0x3FA2] =	sst s0  }
0x9: {  	[smem:$0x3FA3] =	sst s1  }
0xa: {  	[smem:$0x3FA4] =	sst s2  }
0xb: {  	[smem:$0x3FA5] =	sst s3  }
0xc: {  	[smem:$0x3FA6] =	sst s4  }
0xd: {  	[smem:$0x3FA7] =	sst s5  }
0xe: {  	[smem:$0x3FA8] =	sst s6  }
0xf: {  	[smem:$0x3FA9] =	sst s7  }
0x10: {  	[smem:$0x3FAA] =	sst s8  }
0x11: {  	[smem:$0x3FAB] =	sst s9;
	s0 =	simm.s32 @!p0 $0x0  }
0x12: {  	s1 =	sld [smem:$0x3F91];
	s0 =	simm.s32 @p0 $0x1  }
0x13: {  	[smem:$0x3FAC] =	sst s0;
	s0 =	simm.s32 @!p1 $0x0  }
0x14: {  	s2 =	sld [smem:$0x3F90];
	s0 =	simm.s32 @p1 $0x1  }
0x15: {  	[smem:$0x3FAD] =	sst s0;
	s0 =	simm.s32 @!p2 $0x0  }
0x16: {  	s3 =	sld [smem:$0x3FDB];
	s0 =	simm.s32 @p2 $0x1  }
0x17: {  	s4 =	simm.s32 $0x1BF5;
	[smem:$0x3FAF] =	sst s0  }
0x18: {  	s0 =	sld [smem:$0x3F92];
	_ =	swait.ge [sflag:s4], $0x0  }
0x19: {  	s7 =	sld [smem:$0x3F93]  }
0x1a: {  	s8 =	sadd.s32 $0xFFFFE003, lr  }
0x1b: {  	s9 =	sadd.s32 $0xFFFFFEF7, lr;
	s5 =	simm.s32 $0xFFFFFFFF;
	p2 =	slt.u32 s8, $0xFFFFF086  }
0x1c: {  	p1 =	slt.u32 s9, $0xF7A;
	s5 =	simm.s32 @!p2 $0x0  }
0x1d: {  	s5 =	simm.s32 @p1 $0x1;
	p0 =	seq.s32 s7, s2  }
0x1e: {  	s7 =	smul.u32 @!p0 $0xF7A, s2;
	p2 =	seq.s32 @!p0 s5, $0x0  }
0x1f: {  	s9 =	smul.u32 $0xF7A, s1;
	s8 =	simm.s32 @!p0 $0x1BF5;
	p2 =	por !p2, p0  }
0x20: {  	[sflag:s8] =	ssyncset.s32 @!p0 $0xFFFFF086;
	s6 =	sadd.s32 @!p0 s3, s7;
	s7 =	simm.s32 @!p0 $0x108  }
0x21: {  	s3 =	sadd.s32 s3, s9;
	s6 =	sadd.s32 @!p0 $0x88, s6;
	s7 =	simm.s32 @p2 $0x1082  }
0x22: {  	[simem:s7], [sflag:s8] =	dma.local @!p0 [hbm:s6], $0xF7A  }
0x23: {  	s9 =	sor.u32 $0xD0000000, s2;
	s6 =	simm.s32 $0x108;
	_ =	swait.ge @!p0 [sflag:s8], $0x0  }
0x24: {  	s3 =	sadd.s32 $0x88, s3;
	s6 =	simm.s32 @!p1 $0x1082;
	[sflag:s4] =	ssyncset.s32 $0xFFFFF086  }
0x25: {  	[simem:s6], [sflag:s4] =	dma.local [hbm:s3], $0xF7A  }
0x26: {  	[smem:$0x3F93] =	sst s1;
	(tag) =	ssettag s2;
	_ =	strace s9  }
0x27: {  	s1 =	sld [smem:$0x3FA3]  }
0x28: {  	s2 =	sld [smem:$0x3FA4]  }
0x29: {  	s4 =	sld [smem:$0x3FA6]  }
0x2a: {  	p0 =	seq.s32 s5, $0x0;
	s5 =	sld [smem:$0x3FA7]  }
0x2b: {  	s6 =	sld [smem:$0x3FA8]  }
0x2c: {  	s7 =	sld [smem:$0x3FA9]  }
0x2d: {  	s3 =	simm.s32 $0x108;
	s8 =	sld [smem:$0x3FAA]  }
0x2e: {  	s3 =	simm.s32 @!p0 $0x1082;
	s9 =	sld [smem:$0x3FAB]  }
0x2f: {  	lr =	sadd.s32 s0, s3;
	s0 =	sld [smem:$0x3FA2]  }
0x30: {  	s3 =	sld [smem:$0x3FA5]  }
0x31: {  	[smem:$0x3FAE] =	sst s10  }
0x32: {  	s10 =	sld [smem:$0x3FAC];
	_ =	sdelay $0x3  }
0x33: {  	p0 =	seq.s32 s10, $0x1;
	s10 =	sld [smem:$0x3FAE];
	_ =	sdelay $0x3  }
0x34: {  	[smem:$0x3FAE] =	sst s10  }
0x35: {  	s10 =	sld [smem:$0x3FAD];
	_ =	sdelay $0x3  }
0x36: {  	p1 =	seq.s32 s10, $0x1;
	s10 =	sld [smem:$0x3FAE];
	_ =	sdelay $0x3  }
0x37: {  	[smem:$0x3FAE] =	sst s10  }
0x38: {  	s10 =	sld [smem:$0x3FAF]  }
0x39: {  	_ = 	snop;
	(pc) =	sbr.ind lr, $3  }
0x3a: {  	_ = 	snop  }
0x3b: {  	_ = 	snop  }
0x3c: {  	p2 =	seq.s32 s10, $0x1;
	s10 =	sld [smem:$0x3FAE]  }
0x3d: {  	_ =	shalt  }
0x3e: {  	_ =	shalt  }
0x3f: {  	_ =	shalt  }
0x40: {  	_ =	shalt  }
0x41: {  	_ =	shalt  }
0x42: {  	_ =	shalt  }
0x43: {  	_ =	shalt  }
0x44: {  	_ =	shalt  }
0x45: {  	_ =	shalt  }
0x46: {  	_ =	shalt  }
0x47: {  	_ =	shalt  }
0x48: {  	_ =	shalt  }
0x49: {  	_ =	shalt  }
0x4a: {  	_ =	shalt  }
0x4b: {  	_ =	shalt  }
0x4c: {  	_ =	shalt  }
0x4d: {  	_ =	shalt  }
0x4e: {  	_ =	shalt  }
0x4f: {  	_ =	shalt  }
0x50: {  	_ =	shalt  }
0x51: {  	_ =	shalt  }
0x52: {  	_ =	shalt  }
0x53: {  	_ =	shalt  }
0x54: {  	_ =	shalt  }
0x55: {  	_ =	shalt  }
0x56: {  	_ =	shalt  }
0x57: {  	_ =	shalt  }
0x58: {  	_ =	shalt  }
0x59: {  	_ =	shalt  }
0x5a: {  	_ =	shalt  }
0x5b: {  	_ =	shalt  }
0x5c: {  	_ =	shalt  }
0x5d: {  	_ =	shalt  }
0x5e: {  	_ =	shalt  }
0x5f: {  	_ =	shalt  }
0x60: {  	_ =	shalt  }
0x61: {  	_ =	shalt  }
0x62: {  	_ =	shalt  }
0x63: {  	_ =	shalt  }
0x64: {  	_ =	shalt  }
0x65: {  	_ =	shalt  }
0x66: {  	_ =	shalt  }
0x67: {  	_ =	shalt  }
0x68: {  	_ =	shalt  }
0x69: {  	_ =	shalt  }
0x6a: {  	_ =	shalt  }
0x6b: {  	_ =	shalt  }
0x6c: {  	_ =	shalt  }
0x6d: {  	_ =	shalt  }
0x6e: {  	_ =	shalt  }
0x6f: {  	_ =	shalt  }
0x70: {  	_ =	shalt  }
0x71: {  	_ =	shalt  }
0x72: {  	_ =	shalt  }
0x73: {  	_ =	shalt  }
0x74: {  	_ =	shalt  }
0x75: {  	_ =	shalt  }
0x76: {  	_ =	shalt  }
0x77: {  	_ =	shalt  }
0x78: {  	_ =	shalt  }
0x79: {  	_ =	shalt  }
0x7a: {  	_ =	shalt  }
0x7b: {  	_ =	shalt  }
0x7c: {  	_ =	shalt  }
0x7d: {  	_ =	shalt  }
0x7e: {  	_ =	shalt  }
0x7f: {  	_ =	shalt  }
0x80: {  	_ =	shalt  }
0x81: {  	_ =	shalt  }
0x82: {  	_ =	shalt  }
0x83: {  	_ =	shalt  }
0x84: {  	_ =	shalt  }
0x85: {  	_ =	shalt  }
0x86: {  	_ =	shalt  }
0x87: {  	_ =	shalt  }
.Lfunc_end0:
.L_simem_size_0:
called_computation.1_lowered:
.L_overlay_start_0:
0x88: {  	s2 =	sld [smem:$0x3FD9]  }
0x89: {  	s3 =	sld [smem:$0x3FFE];
	_ =	sdelay $0x1  }
0x8a: {  	s1 =	srdreg.scid  }
0x8b: {  	s0 =	sand.u32 $0x1, s1  }
0x8c: {  	s16 =	sshll.u32 s0, $0xA;
	s2 =	sadd.s32 s3, s2  }
0x8d: {  	s2 =	sadd.s32 s2, s16  }
0x8e: {  	[smem:$0x3FBA] =	sst s2  }
0x8f: {  	_ = 	snop  }
0x90: {  	(tm) =	ssettm $0x1  }
0x91: {  	s17 =	sld [smem:$0x3FFB];
	_ =	sdelay $0x3  }
0x92: {  	_ =	strace s17  }
0x93: {  	s2 =	sld [smem:$0x3FFC];
	_ =	sdelay $0x3  }
0x94: {  	_ =	strace s2  }
0x95: {  	s2 =	sld [smem:$0x3FFD];
	_ =	sdelay $0x3  }
0x96: {  	_ =	strace s2  }
0x97: {  	_ =	strace $0x8FFFFFFF  }
0x98: {  	s18 =	sld [smem:$0x3FDB];
	_ =	sdelay $0x1  }
0x99: {  	s19 =	simm.s32 $_scs_section_size  }
0x9a: {  	s4 =	simm.s32 $_size__tile_overlayer_lowered;
	s5 =	simm.s32 $_tile_overlayer_lowered  }
0x9b: {  	s22 =	simm.s32 $0x1BFF;
	s21 =	sshll.u32 s5, $0x1;
	s2 =	sadd.s32 s19, s18  }
0x9c: {  	s6 =	simm.s32 $0x0;
	s20 =	sshll.u32 s4, $0x1;
	s4 =	sadd.s32 s21, s2  }
0x9d: {  	[timem:s6], [sflag:s22] =	dma.local [hbm:s4], s20  }
0x9e: {  	_ =	swait.ge [sflag:s22], s20  }
0x9f: {  	s3 =	ssub.s32 $0x0, s20;
	[sflag:s22] =	ssyncset.done $0x0  }
0xa0: {  	[sflag:s22] =	ssyncadd.s32 s3;
	_ =	sdelay $0x1  }
0xa1: {  	s23 =	simm.s32 $0x1B8B  }
0xa2: {  	_ =	swait.ge [sflag:s23], $0x1  }
0xa3: {  	[sflag:s23] =	ssyncset.done $0x0  }
0xa4: {  	s25 =	simm.s32 $0x1B8E;
	s24 =	sld [smem:$0x3FFE];
	[sflag:s23] =	ssyncadd.s32 $0xFFFFFFFF  }
0xa5: {  	s26 =	simm.s32 $execute0_lowered;
	[smem:$0x3FD2] =	sst s25  }
0xa6: {  	s4 =	sshll.u32 s26, $0x1;
	_ =	strace $0x80000049;
	[dreg:$0x1] =	wrdreg $0xFFFFFFFF  }
0xa7: {  	s28 =	simm.s32 $_size_execute0_lowered;
	s2 =	sadd.s32 s2, s4;
	[dreg:$0x0] =	wrdreg $0x0  }
0xa8: {  	s4 =	sshll.u32 s28, $0x1;
	[dreg:$0x2] =	wrdreg s2  }
0xa9: {  	[dreg:$0x3] =	wrdreg s4  }
0xaa: {  	[dreg:$0x4] =	wrdreg $0xC0  }
0xab: {  	_ =	task [dreg:s6], $0x5FFFF  }
0xac: {  	[dreg:$0x1] =	wrdreg $0xFFFFFFFF  }
0xad: {  	[dreg:$0x0] =	wrdreg $0x60  }
0xae: {  	[dreg:$0x2] =	wrdreg s24  }
0xaf: {  	[dreg:$0x3] =	wrdreg $0x59000  }
0xb0: {  	[dreg:$0x4] =	wrdreg $0x9  }
0xb1: {  	_ =	task.clear_ibuf [dreg:s6], $0x5FFFF;
	_ =	strace $0x90000049  }
0xb2: {  	s29 =	simm.s32 $0x9;
	_ =	strace $0x8000004B  }
0xb3: {  	_ =	swait.ge [sflag:s29], $0x1  }
0xb4: {  	[sflag:s29] =	ssyncadd.s32 $0xFFFFFFFF  }
0xb5: {  	_ =	strace $0x9000004B  }
0xb6: {  	_ =	sfence  }
0xb7: {  	s30 =	sld [smem:$0x0];
	_ =	sdelay $0x2  }
0xb8: {  	s31 =	sshll.u32 s1, $0xD;
	s1 =	sshrl.u32 s1, $0x2  }
0xb9: {  	s3 =	sand.u32 $0x4000, s31;
	s1 =	sadd.s32 s1, s30  }
0xba: {  	s0 =	sor.u32 s3, s0;
	s1 =	sshll.u32 s1, $0x11  }
0xbb: {  	s0 =	sor.u32 s1, s0  }
0xbc: {  	s0 =	sadd.s32 $0x8F2B, s0  }
0xbd: {  	[sflag:s0] =	ssyncadd.remote.s32 $0x1  }
0xbe: {  	_ =	sfence.sel $0xFFFF  }
0xbf: {  	[dreg:$0x0] =	wrdreg $0xFFFFFFFF;
	(pc) =	sbr.abs _section_cstart, $3  }
0xc0: {  	[dreg:$0x1] =	wrdreg $0xFFFFFFFF  }
0xc1: {  	_ =	task.clear_ibuf [dreg:s6], $0x2FFFF;
	_ =	strace $0x9FFFFFFF  }
0xc2: {  	(tm) =	ssettm $0x7FFFFFFF  }
0xc3: {  	_ =	shalt  }
tec
execute0_lowered:
.L_overlay_start_1:
0x0: {  	(tag) =	ssettag $0x1  }
0x1: {  	s0 =	rddreg [dreg:$0x0]  }
0x2: {  	s1 =	rddreg [dreg:$0x1];
	s3 =	simm.s32 $0x0;
	s2 =	stileid.u32  }
0x3: {  	s4 =	srdreg.scid;
	s20 =	simm.s32 $0x3;
	s5 =	smul.u32 $0x4E000, s2  }
0x4: {  	s28 =	simm.s32 $0x0;
	[smem:$0x7FF] =	sst s3;
	s9 =	smul.u32 $0x2710, s2  }
0x5: {  	s12 =	sand.u32 $0x1, s4;
	s15 =	sadd.s32 $0xA0C800, s0;
	s21 =	smul.u32 $0x13800, s2  }
0x6: {  	s4 =	sadd.s32 $0xCE00, s0;
	s0 =	sadd.s32 $0x16C00, s0;
	s19 =	smul.u32 $0x27100, s2  }
0x7: {  	p0 =	sne.s32 s2, $0xF;
	s6 =	ssub.s32 $0x2, s12;
	s7 =	smul.u32 $0x27100, s12  }
0x8: {  	_ =	strace $0x8000004A;
	s14 =	smul.u32 $0x138800, s12;
	s8 =	sshrl.u32 s6, $0x1  }
0x9: {  	s17 =	smul.u32 $0x271000, s12;
	s5 =	sshrl.u32 s5, $0x2;
	s13 =	ssub.s32 s6, s8  }
0xa: {  	s5 =	sadd.s32 s5, s1;
	s18 =	sadd.s32 s9, s7;
	s6 =	sadd.s32 $0x138000, s1  }
0xb: {  	s16 =	sadd.s32 s21, s14;
	s14 =	sshrl.u32 s14, $0x3;
	s26 =	sadd.s32 s17, s15  }
0xc: {  	s21 =	simm.s32 $0x2800;
	s7 =	sshll.u32 s18, $0x4;
	s22 =	sshrl.u32 s18, $0x3  }
0xd: {  	s10 =	sadd.s32 $0x50, s18;
	s23 =	sshrl.u32 s16, $0x3;
	s24 =	sadd.s32 $0x26C0, s18  }
0xe: {  	s13 =	smax.u32 s13, $0x1;
	s30 =	sadd.s32 $0xF0, s18;
	s18 =	sadd.s32 $0xA0, s18  }
0xf: {  	s7 =	sadd.s32 s15, s7;
	s8 =	sadd.s32 s4, s22;
	s11 =	sshll.u32 s10, $0x4  }
0x10: {  	s10 =	sshrl.u32 s10, $0x3;
	s25 =	sshll.u32 s24, $0x4;
	s29 =	sshrl.u32 s24, $0x3  }
0x11: {  	s31 =	sshrl.u32 s30, $0x3;
	s22 =	simm.s32 $0x2880;
	s24 =	simm.s32 $0x1  }
0x12: {  	[dreg:$0x3] =	wrdreg s7;
	s9 =	sadd.s32 s15, s11;
	s10 =	sadd.s32 s4, s10  }
0x13: {  	s11 =	sadd.s32 s0, s23;
	s0 =	sadd.s32 s0, s14;
	s14 =	sadd.s32 s15, s25  }
0x14: {  	s15 =	sadd.s32 s4, s29;
	s17 =	sadd.s32 s31, s4;
	s23 =	simm.s32 $0x5080  }
0x15: {  	s25 =	simm.s32 $0x50;
	s12 =	sadd.s32 $0x27000, s0;
	s0 =	sadd.s32 s19, s26  }
0x16: {  	v0 =	vimm.f32 $0.0e+00;
	s19 =	simm.s32 $0x5100;
	s26 =	simm.s32 $0x2;
	s16 =	sadd.s32 $0xF00, s0  }
.LBB2_1:
0x17: {  	s29 =	simm.s32 $0x0;
	s30 =	simm.s32 $0x200  }
.LBB2_2:
0x18: {  	p1 =	sne.s32 s30, $0x1E00;
	[tilespmem:s29+$0x5170] =	vst v0  }
0x19: {  	[tilespmem:s29+$0x5100] =	vst v0  }
0x1a: {  	[tilespmem:s29+$0x5110] =	vst v0  }
.Ltmp0:
0x1b: {  	[tilespmem:s29+$0x5120] =	vst v0;
	(pc) =	sbr.rel @p1 .LBB2_2-.Ltmp0, $4  }
0x1c: {  	[tilespmem:s29+$0x5130] =	vst v0  }
0x1d: {  	[tilespmem:s29+$0x5140] =	vst v0  }
0x1e: {  	[tilespmem:s29+$0x5150] =	vst v0  }
0x1f: {  	[tilespmem:s29+$0x5160] =	vst v0;
	s29 =	sshra.s32 s30, $0x2;
	s30 =	sadd.s32 $0x200, s30  }
0x20: {  	[tilespmem:s29+$0x5170] =	vst v0  }
0x21: {  	[tilespmem:s29+$0x5100] =	vst v0  }
0x22: {  	[tilespmem:s29+$0x5110] =	vst v0  }
0x23: {  	[tilespmem:s29+$0x5120] =	vst v0  }
0x24: {  	[tilespmem:s29+$0x5130] =	vst v0  }
0x25: {  	[tilespmem:s29+$0x5140] =	vst v0  }
0x26: {  	[tilespmem:s29+$0x5150] =	vst v0  }
0x27: {  	[tilespmem:s29+$0x5160] =	vst v0;
	s0 =	sadd.s32 $0x0, s5  }
0x28: {  	[spmem:s0] =	stream.linear.scatter [tilespmem:s19], [sflag:$0x3], $0x800, $0x38;
	[tilespmem:$0x19180] =	vst v63  }
0x29: {  	s29 =	simm.s32 $0x2000;
	_ =	swait.ge [sflag:s20], $0x800  }
.LBB2_4:
0x2a: {  	s0 =	sshra.s32 s29, $0x2;
	[sflag:s20] =	ssyncset.done $0x0;
	p1 =	sne.s32 s29, $0x4C000  }
.Ltmp1:
0x2b: {  	s0 =	sadd.s32 s0, s5;
	[sflag:s20] =	ssyncadd.s32 $0xFFFFF800;
	(pc) =	sbr.rel @p1 .LBB2_4-.Ltmp1, $3  }
0x2c: {  	[spmem:s0] =	stream.linear.scatter [tilespmem:s19], [sflag:$0x3], $0x800, $0x38;
	[tilespmem:$0x19180] =	vst v63  }
0x2d: {  	s29 =	sadd.s32 $0x2000, s29;
	_ =	sdelay $0x1  }
0x2e: {  	_ =	swait.ge [sflag:s20], $0x800  }
0x2f: {  	[sflag:s20] =	ssyncset.done $0x0  }
0x30: {  	s0 =	simm.s32 @!p0 $0x5100;
	[sflag:s20] =	ssyncadd.s32 $0xFFFFF800  }
0x31: {  	[spmem:s6] =	stream.linear.scatter @!p0 [tilespmem:s0], [sflag:$0x3], $0x800, $0x38;
	[tilespmem:$0x19180] =	vst v63  }
0x32: {  	s0 =	simm.s32 @!p0 $0x3  }
0x33: {  	_ =	swait.ge @!p0 [sflag:s0], $0x800  }
0x34: {  	[sflag:s0] =	ssyncset.done @!p0 $0x0  }
0x35: {  	[sflag:s0] =	ssyncadd.s32 @!p0 $0xFFFFF800  }
0x36: {  	[bflag:$0x0] =	sbarrier.arrive $0xFFFF  }
0x37: {  	s7 =	simm.s32 $0x0;
	s2 =	rddreg [dreg:$0x3]  }
0x38: {  	[tilespmem:s7], [sflag:$0x1] =	stream.linear.gather [hbm4b:s2+s7], $0x2800, $0x38;
	[tilespmem:$0x19180] =	vst v63  }
0x39: {  	_ = 	snop  }
0x3a: {  	[tilespmem:s21], [sflag:$0x1] =	stream.linear.gather [hbm4b:s8+s7], $0x50, $0x38;
	[tilespmem:$0x19180] =	vst v63  }
0x3b: {  	_ = 	snop  }
0x3c: {  	[tilespmem:s22], [sflag:$0x2] =	stream.linear.gather [hbm4b:s9+s7], $0x2800, $0x38;
	[tilespmem:$0x19180] =	vst v63  }
0x3d: {  	_ = 	snop  }
0x3e: {  	[tilespmem:s23], [sflag:$0x2] =	stream.linear.gather [hbm4b:s10+s7], $0x50, $0x38;
	[tilespmem:$0x19180] =	vst v63  }
0x3f: {  	_ =	swait.ge [sflag:s24], $0x2800  }
0x40: {  	[sflag:s24] =	ssyncset.done $0x0  }
0x41: {  	[sflag:s24] =	ssyncadd.s32 $0xFFFFD800  }
0x42: {  	_ =	swait.ge [sflag:s24], $0x50  }
0x43: {  	[sflag:s24] =	ssyncset.done $0x0  }
0x44: {  	[sflag:s24] =	ssyncadd.s32 $0xFFFFFFB0  }
0x45: {  	[spmem:s1] =	stream.indirect.scatter.add.f32 [tilespmem:s3], [sflag:$0x3], $0x80, s21, s25, $0xb8;
	[tilespmem:$0x19180] =	vst v63  }
0x46: {  	_ =	swait.ge [sflag:s20], $0x2800  }
0x47: {  	[sflag:s20] =	ssyncset.done $0x0  }
0x48: {  	s29 =	sshrl.u32 s18, $0x3;
	s2 =	sadd.s32 $0xFFFFFB00, s16;
	[sflag:s20] =	ssyncadd.s32 $0xFFFFD800  }
0x49: {  	[tilespmem:s3], [sflag:$0x1] =	stream.linear.gather [hbm4b:s2+s3], $0x2800, $0x38;
	[tilespmem:$0x19180] =	vst v63  }
0x4a: {  	s7 =	sadd.s32 s4, s29  }
0x4b: {  	[tilespmem:s21], [sflag:$0x1] =	stream.linear.gather [hbm4b:s7+s3], $0x50, $0x38;
	[tilespmem:$0x19180] =	vst v63  }
0x4c: {  	_ =	swait.ge [sflag:s26], $0x2800  }
0x4d: {  	[sflag:s26] =	ssyncset.done $0x0  }
0x4e: {  	[sflag:s26] =	ssyncadd.s32 $0xFFFFD800  }
0x4f: {  	_ =	swait.ge [sflag:s26], $0x50  }
0x50: {  	[sflag:s26] =	ssyncset.done $0x0  }
0x51: {  	[sflag:s26] =	ssyncadd.s32 $0xFFFFFFB0  }
0x52: {  	[spmem:s1] =	stream.indirect.scatter.add.f32 [tilespmem:s22], [sflag:$0x3], $0x80, s23, s25, $0xb8;
	[tilespmem:$0x19180] =	vst v63  }
0x53: {  	_ =	swait.ge [sflag:s20], $0x2800  }
0x54: {  	s30 =	sadd.s32 $0xA00, s16;
	s31 =	sadd.s32 $0xA0, s18;
	[sflag:s20] =	ssyncset.done $0x0  }
0x55: {  	s0 =	sadd.s32 $0x0, s17;
	s29 =	simm.s32 $0x14;
	[sflag:s20] =	ssyncadd.s32 $0xFFFFD800  }
0x56: {  	[tilespmem:s22], [sflag:$0x2] =	stream.linear.gather [hbm4b:s16+s3], $0x2800, $0x38;
	[tilespmem:$0x19180] =	vst v63  }
.LBB2_6:
0x57: {  	[tilespmem:s23], [sflag:$0x2] =	stream.linear.gather [hbm4b:s0+s3], $0x50, $0x38;
	[tilespmem:$0x19180] =	vst v63  }
0x58: {  	s0 =	smov.u32 s29  }
0x59: {  	p1 =	sne.s32 s29, $0x4B0;
	s29 =	sadd.s32 $0x14, s29;
	_ =	swait.ge [sflag:s24], $0x2800  }
0x5a: {  	[sflag:s24] =	ssyncset.done $0x0  }
0x5b: {  	[sflag:s24] =	ssyncadd.s32 $0xFFFFD800  }
0x5c: {  	_ =	swait.ge [sflag:s24], $0x50  }
0x5d: {  	[sflag:s24] =	ssyncset.done $0x0  }
0x5e: {  	[sflag:s24] =	ssyncadd.s32 $0xFFFFFFB0  }
0x5f: {  	[spmem:s1] =	stream.indirect.scatter.add.f32 [tilespmem:s3], [sflag:$0x3], $0x80, s21, s25, $0xb8;
	[tilespmem:$0x19180] =	vst v63  }
0x60: {  	_ =	swait.ge [sflag:s20], $0x2800  }
0x61: {  	[sflag:s20] =	ssyncset.done $0x0  }
0x62: {  	s2 =	sadd.s32 $0xFFFFFB00, s30;
	s7 =	sshrl.u32 s31, $0x3;
	[sflag:s20] =	ssyncadd.s32 $0xFFFFD800  }
0x63: {  	[tilespmem:s3], [sflag:$0x1] =	stream.linear.gather [hbm4b:s2+s3], $0x2800, $0x38;
	[tilespmem:$0x19180] =	vst v63  }
0x64: {  	s2 =	sadd.s32 s4, s7  }
0x65: {  	[tilespmem:s21], [sflag:$0x1] =	stream.linear.gather [hbm4b:s2+s3], $0x50, $0x38;
	[tilespmem:$0x19180] =	vst v63  }
0x66: {  	_ =	swait.ge [sflag:s26], $0x2800  }
0x67: {  	[sflag:s26] =	ssyncset.done $0x0  }
0x68: {  	[sflag:s26] =	ssyncadd.s32 $0xFFFFD800  }
0x69: {  	_ =	swait.ge [sflag:s26], $0x50  }
0x6a: {  	[sflag:s26] =	ssyncset.done $0x0  }
0x6b: {  	[sflag:s26] =	ssyncadd.s32 $0xFFFFFFB0  }
0x6c: {  	[spmem:s1] =	stream.indirect.scatter.add.f32 [tilespmem:s22], [sflag:$0x3], $0x80, s23, s25, $0xb8;
	[tilespmem:$0x19180] =	vst v63  }
.Ltmp2:
0x6d: {  	_ =	swait.ge [sflag:s20], $0x2800;
	(pc) =	sbr.rel @p1 .LBB2_6-.Ltmp2, $4  }
0x6e: {  	[sflag:s20] =	ssyncset.done $0x0  }
0x6f: {  	[sflag:s20] =	ssyncadd.s32 $0xFFFFD800  }
0x70: {  	[tilespmem:s22], [sflag:$0x2] =	stream.linear.gather [hbm4b:s30+s3], $0x2800, $0x38;
	[tilespmem:$0x19180] =	vst v63  }
0x71: {  	s31 =	sadd.s32 $0xA0, s31;
	s0 =	sadd.s32 s0, s17;
	s30 =	sadd.s32 $0xA00, s30  }
0x72: {  	[tilespmem:s23], [sflag:$0x2] =	stream.linear.gather [hbm4b:s0+s3], $0x50, $0x38;
	[tilespmem:$0x19180] =	vst v63  }
0x73: {  	_ =	swait.ge [sflag:s24], $0x2800  }
0x74: {  	[sflag:s24] =	ssyncset.done $0x0  }
0x75: {  	[sflag:s24] =	ssyncadd.s32 $0xFFFFD800  }
0x76: {  	_ =	swait.ge [sflag:s24], $0x50  }
0x77: {  	[sflag:s24] =	ssyncset.done $0x0  }
0x78: {  	[sflag:s24] =	ssyncadd.s32 $0xFFFFFFB0  }
0x79: {  	[spmem:s1] =	stream.indirect.scatter.add.f32 [tilespmem:s3], [sflag:$0x3], $0x80, s21, s25, $0xb8;
	[tilespmem:$0x19180] =	vst v63  }
0x7a: {  	_ =	swait.ge [sflag:s20], $0x2800  }
0x7b: {  	[sflag:s20] =	ssyncset.done $0x0  }
0x7c: {  	[sflag:s20] =	ssyncadd.s32 $0xFFFFD800  }
0x7d: {  	[tilespmem:s3], [sflag:$0x1] =	stream.linear.gather [hbm4b:s14+s3], $0x2800, $0x38;
	[tilespmem:$0x19180] =	vst v63  }
0x7e: {  	_ = 	snop  }
0x7f: {  	[tilespmem:s21], [sflag:$0x1] =	stream.linear.gather [hbm4b:s15+s3], $0x50, $0x38;
	[tilespmem:$0x19180] =	vst v63  }
0x80: {  	_ =	swait.ge [sflag:s26], $0x2800  }
0x81: {  	[sflag:s26] =	ssyncset.done $0x0  }
0x82: {  	[sflag:s26] =	ssyncadd.s32 $0xFFFFD800  }
0x83: {  	_ =	swait.ge [sflag:s26], $0x50  }
0x84: {  	[sflag:s26] =	ssyncset.done $0x0  }
0x85: {  	[sflag:s26] =	ssyncadd.s32 $0xFFFFFFB0  }
0x86: {  	[spmem:s1] =	stream.indirect.scatter.add.f32 [tilespmem:s22], [sflag:$0x3], $0x80, s23, s25, $0xb8;
	[tilespmem:$0x19180] =	vst v63  }
0x87: {  	_ =	swait.ge [sflag:s20], $0x2800  }
0x88: {  	[sflag:s20] =	ssyncset.done $0x0  }
0x89: {  	[sflag:s20] =	ssyncadd.s32 $0xFFFFD800  }
0x8a: {  	_ =	swait.ge [sflag:s24], $0x2800  }
0x8b: {  	[sflag:s24] =	ssyncset.done $0x0  }
0x8c: {  	[sflag:s24] =	ssyncadd.s32 $0xFFFFD800  }
0x8d: {  	_ =	swait.ge [sflag:s24], $0x50  }
0x8e: {  	[sflag:s24] =	ssyncset.done $0x0  }
0x8f: {  	[sflag:s24] =	ssyncadd.s32 $0xFFFFFFB0  }
0x90: {  	[spmem:s1] =	stream.indirect.scatter.add.f32 [tilespmem:s3], [sflag:$0x3], $0x80, s21, s25, $0xb8;
	[tilespmem:$0x19180] =	vst v63  }
0x91: {  	_ =	swait.ge [sflag:s20], $0x2800  }
0x92: {  	s31 =	stileid.u32;
	[sflag:s20] =	ssyncset.done $0x0  }
0x93: {  	s0 =	sshll.u32 s31, $0x6;
	[sflag:s20] =	ssyncadd.s32 $0xFFFFD800  }
0x94: {  	s2 =	sshrl.u32 s5, $0x3;
	s0 =	sor.u32 $0x1C03, s0;
	[bflag:$0x0] =	sbarrier.arrive $0xFFFF  }
0x95: {  	[hbm:s11], [sflag:s0] =	dma.local [spmem:s2], $0x2700  }
0x96: {  	_ =	swait.ge [sflag:s20], $0x2700  }
0x97: {  	s28 =	sadd.s32 $0x1, s28;
	[sflag:s20] =	ssyncset.done $0x0  }
0x98: {  	p1 =	sne.s32 s28, s13;
	s2 =	sshrl.u32 @!p0 s6, $0x3;
	[sflag:s20] =	ssyncadd.s32 $0xFFFFD900  }
0x99: {  	[hbm:s12], [sflag:s0] =	dma.local @!p0 [spmem:s2], $0x100  }
.Ltmp3:
0x9a: {  	_ = 	snop;
	(pc) =	sbr.rel @p1 .LBB2_1-.Ltmp3, $4  }
0x9b: {  	s0 =	simm.s32 @!p0 $0x3  }
0x9c: {  	_ =	swait.ge @!p0 [sflag:s0], $0x100  }
0x9d: {  	[sflag:s0] =	ssyncset.done @!p0 $0x0  }
0x9e: {  	[sflag:s0] =	ssyncadd.s32 @!p0 $0xFFFFFF00  }
0x9f: {  	_ =	sfence.sel $0x180000  }
0xa0: {  	[bflag:$0x0] =	sbarrier.arrive $0xFFFF  }
0xa1: {  	_ =	strace $0x9000004A  }
0xa2: {  	s0 =	stileid.u32;
	[bflag:$0x2] =	sbarrier.arrive $0xFFFF  }
0xa3: {  	p0 =	sne.s32 s0, $0x0;
	s0 =	rddreg [dreg:$0x2]  }
0xa4: {  	s0 =	sadd.s32 @!p0 $0x100000, s0  }
0xa5: {  	[sflag:s0] =	ssyncadd.tile.s32 @!p0 $0x1;
	_ =	shalt  }
.Lfunc_end2:
_tile_overlayer_lowered:
.L_overlay_start_2:
0xa6: {  	(tag) =	ssettag $0x2  }
0xa7: {  	s0 =	rddreg [dreg:$0x0];
	s2 =	stileid.u32  }
0xa8: {  	s1 =	rddreg [dreg:$0x1];
	p0 =	sne.s32 s2, $0x0  }
0xa9: {  	s3 =	rddreg [dreg:$0x2];
	[bflag:$0x3] =	sbarrier.arrive $0xFFFF;
	s2 =	simm.s32 @!p0 $0x1C03  }
0xaa: {  	[timem:s3], [sflag:s2] =	dma.local @!p0 [hbm:s0], s1  }
0xab: {  	s0 =	simm.s32 @!p0 $0x3  }
0xac: {  	_ =	swait.ge @!p0 [sflag:s0], s1  }
0xad: {  	s1 =	ssub.s32 @!p0 $0x0, s1;
	[sflag:s0] =	ssyncset.done @!p0 $0x0  }
0xae: {  	[sflag:s0] =	ssyncadd.s32 @!p0 s1  }
0xaf: {  	[bflag:$0x3] =	sbarrier.arrive $0xFFFF  }
0xb0: {  	_ =	shalt  }

// kernel: kernel.7.cloned.1.call-start
scs
__scs_entry_jumppad:
0x0: {  	(pc) =	sbr.rel $0x88, $3  }
0x1: {  	(tag) =	ssettag $0x0;
	lr =	simm.s32 $0x1  }
0x2: {  	[smem:$0x3F93] =	sst lr;
	_ =	strace $0xD0000000  }
0x3: {  	_ = 	snop  }
0x4: {  	_ = 	snop  }
0x5: {  	_ = 	snop  }
0x6: {  	_ = 	snop  }
0x7: {  	_ = 	snop  }
__scs_overlays_trampoline_lowered:
0x8: {  	[smem:$0x3FA2] =	sst s0  }
0x9: {  	[smem:$0x3FA3] =	sst s1  }
0xa: {  	[smem:$0x3FA4] =	sst s2  }
0xb: {  	[smem:$0x3FA5] =	sst s3  }
0xc: {  	[smem:$0x3FA6] =	sst s4  }
0xd: {  	[smem:$0x3FA7] =	sst s5  }
0xe: {  	[smem:$0x3FA8] =	sst s6  }
0xf: {  	[smem:$0x3FA9] =	sst s7  }
0x10: {  	[smem:$0x3FAA] =	sst s8  }
0x11: {  	[smem:$0x3FAB] =	sst s9;
	s0 =	simm.s32 @!p0 $0x0  }
0x12: {  	s1 =	sld [smem:$0x3F91];
	s0 =	simm.s32 @p0 $0x1  }
0x13: {  	[smem:$0x3FAC] =	sst s0;
	s0 =	simm.s32 @!p1 $0x0  }
0x14: {  	s2 =	sld [smem:$0x3F90];
	s0 =	simm.s32 @p1 $0x1  }
0x15: {  	[smem:$0x3FAD] =	sst s0;
	s0 =	simm.s32 @!p2 $0x0  }
0x16: {  	s3 =	sld [smem:$0x3FDB];
	s0 =	simm.s32 @p2 $0x1  }
0x17: {  	s4 =	simm.s32 $0x1BF5;
	[smem:$0x3FAF] =	sst s0  }
0x18: {  	s0 =	sld [smem:$0x3F92];
	_ =	swait.ge [sflag:s4], $0x0  }
0x19: {  	s7 =	sld [smem:$0x3F93]  }
0x1a: {  	s8 =	sadd.s32 $0xFFFFE003, lr  }
0x1b: {  	s9 =	sadd.s32 $0xFFFFFEF7, lr;
	s5 =	simm.s32 $0xFFFFFFFF;
	p2 =	slt.u32 s8, $0xFFFFF086  }
0x1c: {  	p1 =	slt.u32 s9, $0xF7A;
	s5 =	simm.s32 @!p2 $0x0  }
0x1d: {  	s5 =	simm.s32 @p1 $0x1;
	p0 =	seq.s32 s7, s2  }
0x1e: {  	s7 =	smul.u32 @!p0 $0xF7A, s2;
	p2 =	seq.s32 @!p0 s5, $0x0  }
0x1f: {  	s9 =	smul.u32 $0xF7A, s1;
	s8 =	simm.s32 @!p0 $0x1BF5;
	p2 =	por !p2, p0  }
0x20: {  	[sflag:s8] =	ssyncset.s32 @!p0 $0xFFFFF086;
	s6 =	sadd.s32 @!p0 s3, s7;
	s7 =	simm.s32 @!p0 $0x108  }
0x21: {  	s3 =	sadd.s32 s3, s9;
	s6 =	sadd.s32 @!p0 $0x88, s6;
	s7 =	simm.s32 @p2 $0x1082  }
0x22: {  	[simem:s7], [sflag:s8] =	dma.local @!p0 [hbm:s6], $0xF7A  }
0x23: {  	s9 =	sor.u32 $0xD0000000, s2;
	s6 =	simm.s32 $0x108;
	_ =	swait.ge @!p0 [sflag:s8], $0x0  }
0x24: {  	s3 =	sadd.s32 $0x88, s3;
	s6 =	simm.s32 @!p1 $0x1082;
	[sflag:s4] =	ssyncset.s32 $0xFFFFF086  }
0x25: {  	[simem:s6], [sflag:s4] =	dma.local [hbm:s3], $0xF7A  }
0x26: {  	[smem:$0x3F93] =	sst s1;
	(tag) =	ssettag s2;
	_ =	strace s9  }
0x27: {  	s1 =	sld [smem:$0x3FA3]  }
0x28: {  	s2 =	sld [smem:$0x3FA4]  }
0x29: {  	s4 =	sld [smem:$0x3FA6]  }
0x2a: {  	p0 =	seq.s32 s5, $0x0;
	s5 =	sld [smem:$0x3FA7]  }
0x2b: {  	s6 =	sld [smem:$0x3FA8]  }
0x2c: {  	s7 =	sld [smem:$0x3FA9]  }
0x2d: {  	s3 =	simm.s32 $0x108;
	s8 =	sld [smem:$0x3FAA]  }
0x2e: {  	s3 =	simm.s32 @!p0 $0x1082;
	s9 =	sld [smem:$0x3FAB]  }
0x2f: {  	lr =	sadd.s32 s0, s3;
	s0 =	sld [smem:$0x3FA2]  }
0x30: {  	s3 =	sld [smem:$0x3FA5]  }
0x31: {  	[smem:$0x3FAE] =	sst s10  }
0x32: {  	s10 =	sld [smem:$0x3FAC];
	_ =	sdelay $0x3  }
0x33: {  	p0 =	seq.s32 s10, $0x1;
	s10 =	sld [smem:$0x3FAE];
	_ =	sdelay $0x3  }
0x34: {  	[smem:$0x3FAE] =	sst s10  }
0x35: {  	s10 =	sld [smem:$0x3FAD];
	_ =	sdelay $0x3  }
0x36: {  	p1 =	seq.s32 s10, $0x1;
	s10 =	sld [smem:$0x3FAE];
	_ =	sdelay $0x3  }
0x37: {  	[smem:$0x3FAE] =	sst s10  }
0x38: {  	s10 =	sld [smem:$0x3FAF]  }
0x39: {  	_ = 	snop;
	(pc) =	sbr.ind lr, $3  }
0x3a: {  	_ = 	snop  }
0x3b: {  	_ = 	snop  }
0x3c: {  	p2 =	seq.s32 s10, $0x1;
	s10 =	sld [smem:$0x3FAE]  }
0x3d: {  	_ =	shalt  }
0x3e: {  	_ =	shalt  }
0x3f: {  	_ =	shalt  }
0x40: {  	_ =	shalt  }
0x41: {  	_ =	shalt  }
0x42: {  	_ =	shalt  }
0x43: {  	_ =	shalt  }
0x44: {  	_ =	shalt  }
0x45: {  	_ =	shalt  }
0x46: {  	_ =	shalt  }
0x47: {  	_ =	shalt  }
0x48: {  	_ =	shalt  }
0x49: {  	_ =	shalt  }
0x4a: {  	_ =	shalt  }
0x4b: {  	_ =	shalt  }
0x4c: {  	_ =	shalt  }
0x4d: {  	_ =	shalt  }
0x4e: {  	_ =	shalt  }
0x4f: {  	_ =	shalt  }
0x50: {  	_ =	shalt  }
0x51: {  	_ =	shalt  }
0x52: {  	_ =	shalt  }
0x53: {  	_ =	shalt  }
0x54: {  	_ =	shalt  }
0x55: {  	_ =	shalt  }
0x56: {  	_ =	shalt  }
0x57: {  	_ =	shalt  }
0x58: {  	_ =	shalt  }
0x59: {  	_ =	shalt  }
0x5a: {  	_ =	shalt  }
0x5b: {  	_ =	shalt  }
0x5c: {  	_ =	shalt  }
0x5d: {  	_ =	shalt  }
0x5e: {  	_ =	shalt  }
0x5f: {  	_ =	shalt  }
0x60: {  	_ =	shalt  }
0x61: {  	_ =	shalt  }
0x62: {  	_ =	shalt  }
0x63: {  	_ =	shalt  }
0x64: {  	_ =	shalt  }
0x65: {  	_ =	shalt  }
0x66: {  	_ =	shalt  }
0x67: {  	_ =	shalt  }
0x68: {  	_ =	shalt  }
0x69: {  	_ =	shalt  }
0x6a: {  	_ =	shalt  }
0x6b: {  	_ =	shalt  }
0x6c: {  	_ =	shalt  }
0x6d: {  	_ =	shalt  }
0x6e: {  	_ =	shalt  }
0x6f: {  	_ =	shalt  }
0x70: {  	_ =	shalt  }
0x71: {  	_ =	shalt  }
0x72: {  	_ =	shalt  }
0x73: {  	_ =	shalt  }
0x74: {  	_ =	shalt  }
0x75: {  	_ =	shalt  }
0x76: {  	_ =	shalt  }
0x77: {  	_ =	shalt  }
0x78: {  	_ =	shalt  }
0x79: {  	_ =	shalt  }
0x7a: {  	_ =	shalt  }
0x7b: {  	_ =	shalt  }
0x7c: {  	_ =	shalt  }
0x7d: {  	_ =	shalt  }
0x7e: {  	_ =	shalt  }
0x7f: {  	_ =	shalt  }
0x80: {  	_ =	shalt  }
0x81: {  	_ =	shalt  }
0x82: {  	_ =	shalt  }
0x83: {  	_ =	shalt  }
0x84: {  	_ =	shalt  }
0x85: {  	_ =	shalt  }
0x86: {  	_ =	shalt  }
0x87: {  	_ =	shalt  }
.Lfunc_end0:
.L_simem_size_0:
called_computation_lowered:
.L_overlay_start_0:
0x88: {  	s2 =	sld [smem:$0x3FD9]  }
0x89: {  	s3 =	sld [smem:$0x3FFE];
	_ =	sdelay $0x1  }
0x8a: {  	s1 =	srdreg.scid  }
0x8b: {  	s0 =	sand.u32 $0x1, s1  }
0x8c: {  	s14 =	sshll.u32 s0, $0xA;
	s2 =	sadd.s32 s3, s2  }
0x8d: {  	s2 =	sadd.s32 s2, s14  }
0x8e: {  	[smem:$0x3FBA] =	sst s2  }
0x8f: {  	_ = 	snop  }
0x90: {  	s2 =	sld [smem:$0x3FD0];
	_ =	sdelay $0x2  }
0x91: {  	s15 =	simm.s32 $0xA;
	s4 =	simm.s32 $0x10  }
0x92: {  	[smem:s4], [sflag:s15] =	dma.local [hbm:s2], $0x1  }
0x93: {  	_ =	swait.eq [sflag:s15], $0x1  }
0x94: {  	[sflag:s15] =	ssyncset.done $0x0  }
0x95: {  	s16 =	sld [smem:$0x10];
	[sflag:s15] =	ssyncadd.s32 $0xFFFFFFFF  }
0x96: {  	s17 =	sld [smem:$0x11];
	(tm) =	ssettm $0x1  }
0x97: {  	s18 =	sld [smem:$0x3FFB];
	_ =	sdelay $0x3  }
0x98: {  	_ =	strace s18  }
0x99: {  	s4 =	sld [smem:$0x3FFC];
	_ =	sdelay $0x3  }
0x9a: {  	_ =	strace s4  }
0x9b: {  	s4 =	sld [smem:$0x3FFD];
	_ =	sdelay $0x3  }
0x9c: {  	_ =	strace s4  }
0x9d: {  	_ =	strace $0x8FFFFFFF  }
0x9e: {  	s19 =	sld [smem:$0x3FDB];
	_ =	sdelay $0x1  }
0x9f: {  	s5 =	simm.s32 $_scs_section_size  }
0xa0: {  	s6 =	simm.s32 $_size__tile_overlayer_lowered;
	s7 =	simm.s32 $_tile_overlayer_lowered  }
0xa1: {  	s22 =	simm.s32 $0x1BFF;
	s21 =	sshll.u32 s7, $0x1;
	s4 =	sadd.s32 s5, s19  }
0xa2: {  	s8 =	simm.s32 $0x0;
	s20 =	sshll.u32 s6, $0x1;
	s6 =	sadd.s32 s21, s4  }
0xa3: {  	[timem:s8], [sflag:s22] =	dma.local [hbm:s6], s20  }
0xa4: {  	_ =	swait.ge [sflag:s22], s20  }
0xa5: {  	s5 =	ssub.s32 $0x0, s20;
	[sflag:s22] =	ssyncset.done $0x0  }
0xa6: {  	[sflag:s22] =	ssyncadd.s32 s5;
	_ =	sdelay $0x1  }
0xa7: {  	s23 =	simm.s32 $0x1B8B  }
0xa8: {  	_ =	swait.ge [sflag:s23], $0x1  }
0xa9: {  	[sflag:s23] =	ssyncset.done $0x0  }
0xaa: {  	s25 =	simm.s32 $0x1B8E;
	s24 =	sld [smem:$0x3FFE];
	[sflag:s23] =	ssyncadd.s32 $0xFFFFFFFF  }
0xab: {  	s26 =	simm.s32 $execute0_lowered;
	[smem:$0x3FD2] =	sst s25  }
0xac: {  	s6 =	sshll.u32 s26, $0x1;
	_ =	strace $0x80000046;
	[dreg:$0x1] =	wrdreg $0xFFFFFFFF  }
0xad: {  	s28 =	simm.s32 $_size_execute0_lowered;
	s4 =	sadd.s32 s4, s6;
	[dreg:$0x0] =	wrdreg $0x0  }
0xae: {  	s6 =	sshll.u32 s28, $0x1;
	[dreg:$0x2] =	wrdreg s4  }
0xaf: {  	[dreg:$0x3] =	wrdreg s6  }
0xb0: {  	[dreg:$0x4] =	wrdreg $0xC0  }
0xb1: {  	_ =	task [dreg:s8], $0x5FFFF  }
0xb2: {  	[dreg:$0x1] =	wrdreg $0xFFFFFFFF  }
0xb3: {  	[dreg:$0x0] =	wrdreg $0x60  }
0xb4: {  	[dreg:$0x2] =	wrdreg s16  }
0xb5: {  	[dreg:$0x3] =	wrdreg s24  }
0xb6: {  	[dreg:$0x4] =	wrdreg s17  }
0xb7: {  	[dreg:$0x5] =	wrdreg $0x9  }
0xb8: {  	_ =	task.clear_ibuf [dreg:s8], $0x6FFFF;
	_ =	strace $0x90000046  }
0xb9: {  	s29 =	simm.s32 $0x9;
	_ =	strace $0x80000048  }
0xba: {  	_ =	swait.ge [sflag:s29], $0x1  }
0xbb: {  	[sflag:s29] =	ssyncadd.s32 $0xFFFFFFFF  }
0xbc: {  	_ =	strace $0x90000048  }
0xbd: {  	_ =	sfence  }
0xbe: {  	s30 =	sld [smem:$0x0];
	_ =	sdelay $0x2  }
0xbf: {  	s31 =	sshll.u32 s1, $0xD;
	s1 =	sshrl.u32 s1, $0x2  }
0xc0: {  	s3 =	sand.u32 $0x4000, s31;
	s1 =	sadd.s32 s1, s30  }
0xc1: {  	s0 =	sor.u32 s3, s0;
	s1 =	sshll.u32 s1, $0x11  }
0xc2: {  	s0 =	sor.u32 s1, s0  }
0xc3: {  	s0 =	sadd.s32 $0x8F2B, s0  }
0xc4: {  	[sflag:s0] =	ssyncadd.remote.s32 $0x1  }
0xc5: {  	_ =	sfence.sel $0xFFFF  }
0xc6: {  	[dreg:$0x0] =	wrdreg $0xFFFFFFFF;
	(pc) =	sbr.abs _section_cstart, $3  }
0xc7: {  	[dreg:$0x1] =	wrdreg $0xFFFFFFFF  }
0xc8: {  	_ =	task.clear_ibuf [dreg:s8], $0x2FFFF;
	_ =	strace $0x9FFFFFFF  }
0xc9: {  	(tm) =	ssettm $0x7FFFFFFF  }
tec
execute0_lowered:
.L_overlay_start_1:
0x0: {  	(tag) =	ssettag $0x1  }
0x1: {  	s1 =	rddreg [dreg:$0x0]  }
0x2: {  	s0 =	rddreg [dreg:$0x1]  }
0x3: {  	s2 =	srdreg.scid;
	s3 =	stileid.u32;
	s4 =	simm.s32 $0x0  }
0x4: {  	s29 =	simm.s32 $0xC700;
	s30 =	simm.s32 $0xEF00;
	s31 =	simm.s32 $0x11700  }
0x5: {  	s28 =	simm.s32 $0x2;
	s8 =	simm.s32 $0x3;
	s11 =	simm.s32 $0x14000  }
0x6: {  	s13 =	simm.s32 $0x0;
	s2 =	sand.u32 $0x1, s2;
	s3 =	sshll.u32 s3, $0x1  }
0x7: {  	[smem:$0x7FF] =	sst s4;
	s6 =	sadd.s32 $0x17800, s0;
	s17 =	sadd.s32 $0x17200, s0  }
0x8: {  	s18 =	sadd.s32 $0x16C00, s0;
	s9 =	sadd.s32 $0x48800, s0;
	s3 =	sor.u32 s2, s3  }
0x9: {  	_ =	strace $0x80000047;
	[dreg:$0x4] =	wrdreg s17;
	s5 =	smul.u32 $0x2710, s3  }
0xa: {  	s10 =	sadd.s32 $0x3EA00, s0;
	[dreg:$0x5] =	wrdreg s18;
	s2 =	ssub.s32 $0x2, s2  }
0xb: {  	s18 =	simm.s32 $0x14080;
	s20 =	sshrl.u32 s2, $0x1;
	s19 =	sshrl.u32 s5, $0x3  }
0xc: {  	s7 =	sadd.s32 $0x2670, s5;
	s23 =	sadd.s32 $0x26C0, s5;
	s3 =	sadd.s32 s19, s0  }
0xd: {  	s0 =	ssub.s32 s2, s20;
	s22 =	sshll.u32 s7, $0x4;
	s24 =	sshrl.u32 s7, $0x3  }
0xe: {  	s25 =	sshll.u32 s23, $0x4;
	s20 =	simm.s32 $0x16800;
	s21 =	sadd.s32 $0xCE00, s3  }
0xf: {  	s7 =	simm.s32 $0x5;
	s3 =	sadd.s32 $0x3000, s3;
	[dreg:$0x6] =	wrdreg s21  }
0x10: {  	s2 =	sadd.s32 s9, s22;
	s26 =	sadd.s32 s9, s25;
	[dreg:$0x7] =	wrdreg s3  }
0x11: {  	s0 =	smax.u32 s0, $0x1;
	s25 =	simm.s32 $0x7700;
	[dreg:$0x8] =	wrdreg s2  }
0x12: {  	s22 =	simm.s32 $0x13F80;
	s2 =	sshrl.u32 s23, $0x3;
	[dreg:$0xa] =	wrdreg s26  }
0x13: {  	s3 =	sadd.s32 s10, s24;
	[dreg:$0xc] =	wrdreg s0;
	s21 =	simm.s32 $0x18F80  }
0x14: {  	s23 =	simm.s32 $0x50;
	s24 =	simm.s32 $0x4F00;
	s26 =	simm.s32 $0x9F00  }
0x15: {  	s0 =	simm.s32 $0x13F00;
	[dreg:$0x9] =	wrdreg s3;
	s2 =	sadd.s32 s10, s2  }
0x16: {  	s3 =	simm.s32 $0x4;
	[dreg:$0xb] =	wrdreg s2;
	s2 =	simm.s32 $0x1  }
.LBB2_1:
0x17: {  	[dreg:$0xd] =	wrdreg s13  }
0x18: {  	s12 =	rddreg [dreg:$0x4];
	s19 =	simm.s32 $0x7  }
0x19: {  	[tilespmem:s18], [sflag:$0x7] =	stream.linear.gather [hbm4b:s12+s4], $0x2780, $0x38;
	[tilespmem:$0x1B700] =	vst v63  }
0x1a: {  	_ =	swait.ge [sflag:s19], $0x2780  }
0x1b: {  	[sflag:s19] =	ssyncset.done $0x0  }
0x1c: {  	s14 =	rddreg [dreg:$0x5];
	[sflag:s19] =	ssyncadd.s32 $0xFFFFD880  }
0x1d: {  	[tilespmem:s20], [sflag:$0x7] =	stream.linear.gather [hbm4b:s14+s4], $0x2780, $0x38;
	[tilespmem:$0x1B700] =	vst v63  }
0x1e: {  	_ =	swait.ge [sflag:s19], $0x2780  }
0x1f: {  	[sflag:s19] =	ssyncset.done $0x0  }
0x20: {  	[sflag:s19] =	ssyncadd.s32 $0xFFFFD880  }
0x21: {  	s15 =	rddreg [dreg:$0x2]  }
0x22: {  	[tilespmem:s21], [sflag:$0x7] =	stream.linear.gather [hbm4b:s15+s4], $0x2780, $0x38;
	[tilespmem:$0x1B700] =	vst v63  }
0x23: {  	_ =	swait.ge [sflag:s19], $0x2780  }
0x24: {  	[sflag:s19] =	ssyncset.done $0x0  }
0x25: {  	s16 =	rddreg [dreg:$0x6];
	[sflag:s19] =	ssyncadd.s32 $0xFFFFD880  }
0x26: {  	[tilespmem:s4], [sflag:$0x7] =	stream.linear.gather [hbm4b:s16+s4], $0x2710, $0x38;
	[tilespmem:$0x1B700] =	vst v63  }
0x27: {  	_ =	swait.ge [sflag:s19], $0x2710  }
0x28: {  	[sflag:s19] =	ssyncset.done $0x0  }
0x29: {  	s14 =	simm.s32 $0x2780;
	s17 =	rddreg [dreg:$0x7];
	[sflag:s19] =	ssyncadd.s32 $0xFFFFD8F0  }
0x2a: {  	[tilespmem:s14], [sflag:$0x7] =	stream.linear.gather [hbm4b:s17+s4], $0x2710, $0x38;
	[tilespmem:$0x1B700] =	vst v63  }
0x2b: {  	_ =	swait.ge [sflag:s19], $0x2710  }
0x2c: {  	[sflag:s19] =	ssyncset.done $0x0  }
0x2d: {  	[sflag:s19] =	ssyncadd.s32 $0xFFFFD8F0  }
0x2e: {  	[tilespmem:s24], [sflag:$0x1] =	stream.indirect.gather [hbm4b:s1+s23], $0x80, s4, s23, $0xb8;
	[tilespmem:$0x1B700] =	vst v63  }
0x2f: {  	_ = 	snop  }
0x30: {  	[tilespmem:s25], [sflag:$0x1] =	stream.indirect.gather [hbm4b:s6+s23], $0x80, s14, s23, $0xb8;
	[tilespmem:$0x1B700] =	vst v63  }
0x31: {  	_ = 	snop  }
0x32: {  	[tilespmem:s26], [sflag:$0x2] =	stream.indirect.gather [hbm4b:s1+s23], $0x80, s23, s23, $0xb8;
	[tilespmem:$0x1B700] =	vst v63  }
0x33: {  	s19 =	simm.s32 $0x27D0;
	s14 =	simm.s32 $0x0  }
0x34: {  	[tilespmem:s29], [sflag:$0x2] =	stream.indirect.gather [hbm4b:s6+s23], $0x80, s19, s23, $0xb8;
	[tilespmem:$0x1B700] =	vst v63  }
.LBB2_2:
0x35: {  	p0 =	seq.s32 s14, $0x0  }
0x36: {  	s12 =	simm.s32 @!p0 $0x6  }
0x37: {  	_ =	swait.ge @!p0 [sflag:s12], $0x2800  }
0x38: {  	[sflag:s12] =	ssyncset.done @!p0 $0x0  }
0x39: {  	[sflag:s12] =	ssyncadd.s32 @!p0 $0xFFFFD800  }
0x3a: {  	s16 =	smul.u32 $0xF0, s14;
	_ =	swait.ge @!p0 [sflag:s12], $0x50  }
0x3b: {  	[sflag:s12] =	ssyncset.done @!p0 $0x0  }
0x3c: {  	s15 =	sadd.s32 $0xA0, s16;
	[sflag:s12] =	ssyncadd.s32 @!p0 $0xFFFFFFB0  }
0x3d: {  	[tilespmem:s30], [sflag:$0x3] =	stream.indirect.gather [hbm4b:s1+s23], $0x80, s15, s23, $0xb8;
	[tilespmem:$0x1B700] =	vst v63  }
0x3e: {  	s19 =	sadd.s32 $0x2820, s16  }
0x3f: {  	[tilespmem:s31], [sflag:$0x3] =	stream.indirect.gather [hbm4b:s6+s23], $0x80, s19, s23, $0xb8;
	[tilespmem:$0x1B700] =	vst v63  }
0x40: {  	_ =	swait.ge [sflag:s2], $0x2800  }
0x41: {  	[sflag:s2] =	ssyncset.done $0x0  }
0x42: {  	[sflag:s2] =	ssyncadd.s32 $0xFFFFD800  }
0x43: {  	_ =	swait.ge [sflag:s2], $0x2800  }
0x44: {  	[sflag:s2] =	ssyncset.done $0x0  }
0x45: {  	s17 =	simm.s32 $0x4F80;
	[sflag:s2] =	ssyncadd.s32 $0xFFFFD800  }
0x46: {  	s12 =	simm.s32 $0x7780;
	v0 =	vld [tilespmem:s17+$0xFFFFFF80]  }
0x47: {  	v1 =	vld [tilespmem:s12+$0xFFFFFF80];
	_ =	sdelay $0x4  }
0x48: {  	v0 =	vadd.f32 v1, v0;
	_ =	sdelay $0x1  }
0x49: {  	[tilespmem:s17+$0xFFFFFF80] =	vst v0;
	v0 =	vld [tilespmem:s17+$0xFFFFFF90]  }
0x4a: {  	v1 =	vld [tilespmem:s12+$0xFFFFFF90];
	_ =	sdelay $0x4  }
0x4b: {  	v0 =	vadd.f32 v1, v0;
	_ =	sdelay $0x1  }
0x4c: {  	[tilespmem:s17+$0xFFFFFF90] =	vst v0;
	v0 =	vld [tilespmem:s17+$0xFFFFFFA0]  }
0x4d: {  	v1 =	vld [tilespmem:s12+$0xFFFFFFA0];
	_ =	sdelay $0x4  }
0x4e: {  	v0 =	vadd.f32 v1, v0;
	_ =	sdelay $0x1  }
0x4f: {  	[tilespmem:s17+$0xFFFFFFA0] =	vst v0;
	v0 =	vld [tilespmem:s17+$0xFFFFFFB0]  }
0x50: {  	v1 =	vld [tilespmem:s12+$0xFFFFFFB0];
	_ =	sdelay $0x4  }
0x51: {  	v0 =	vadd.f32 v1, v0;
	_ =	sdelay $0x1  }
0x52: {  	[tilespmem:s17+$0xFFFFFFB0] =	vst v0;
	v0 =	vld [tilespmem:s17+$0xFFFFFFC0]  }
0x53: {  	v1 =	vld [tilespmem:s12+$0xFFFFFFC0];
	_ =	sdelay $0x4  }
0x54: {  	v0 =	vadd.f32 v1, v0;
	_ =	sdelay $0x1  }
0x55: {  	[tilespmem:s17+$0xFFFFFFC0] =	vst v0;
	v0 =	vld [tilespmem:s17+$0xFFFFFFD0]  }
0x56: {  	v1 =	vld [tilespmem:s12+$0xFFFFFFD0];
	_ =	sdelay $0x4  }
0x57: {  	v0 =	vadd.f32 v1, v0;
	_ =	sdelay $0x1  }
0x58: {  	[tilespmem:s17+$0xFFFFFFD0] =	vst v0;
	v0 =	vld [tilespmem:s17+$0xFFFFFFE0]  }
0x59: {  	v1 =	vld [tilespmem:s12+$0xFFFFFFE0];
	_ =	sdelay $0x4  }
0x5a: {  	v0 =	vadd.f32 v1, v0;
	_ =	sdelay $0x1  }
0x5b: {  	[tilespmem:s17+$0xFFFFFFE0] =	vst v0;
	v0 =	vld [tilespmem:s17+$0xFFFFFFF0]  }
0x5c: {  	v1 =	vld [tilespmem:s12+$0xFFFFFFF0];
	_ =	sdelay $0x4  }
0x5d: {  	v0 =	vadd.f32 v1, v0;
	_ =	sdelay $0x1  }
0x5e: {  	[tilespmem:s17+$0xFFFFFFF0] =	vst v0;
	v0 =	vld [tilespmem:s17+$0x0]  }
0x5f: {  	v1 =	vld [tilespmem:s12+$0x0];
	_ =	sdelay $0x4  }
0x60: {  	v0 =	vadd.f32 v1, v0;
	_ =	sdelay $0x1  }
0x61: {  	[tilespmem:s17+$0x0] =	vst v0;
	v0 =	vld [tilespmem:s17+$0x10]  }
0x62: {  	v1 =	vld [tilespmem:s12+$0x10];
	_ =	sdelay $0x4  }
0x63: {  	v0 =	vadd.f32 v1, v0;
	_ =	sdelay $0x1  }
0x64: {  	[tilespmem:s17+$0x10] =	vst v0;
	v0 =	vld [tilespmem:s17+$0x20]  }
0x65: {  	v1 =	vld [tilespmem:s12+$0x20];
	_ =	sdelay $0x4  }
0x66: {  	v0 =	vadd.f32 v1, v0;
	_ =	sdelay $0x1  }
0x67: {  	[tilespmem:s17+$0x20] =	vst v0;
	v0 =	vld [tilespmem:s17+$0x30]  }
0x68: {  	v1 =	vld [tilespmem:s12+$0x30];
	_ =	sdelay $0x4  }
0x69: {  	v0 =	vadd.f32 v1, v0;
	_ =	sdelay $0x1  }
0x6a: {  	[tilespmem:s17+$0x30] =	vst v0;
	v0 =	vld [tilespmem:s17+$0x40]  }
0x6b: {  	v1 =	vld [tilespmem:s12+$0x40];
	_ =	sdelay $0x4  }
0x6c: {  	v0 =	vadd.f32 v1, v0;
	_ =	sdelay $0x1  }
0x6d: {  	[tilespmem:s17+$0x40] =	vst v0;
	v0 =	vld [tilespmem:s17+$0x50]  }
0x6e: {  	v1 =	vld [tilespmem:s12+$0x50];
	_ =	sdelay $0x4  }
0x6f: {  	v0 =	vadd.f32 v1, v0;
	_ =	sdelay $0x1  }
0x70: {  	[tilespmem:s17+$0x50] =	vst v0;
	v0 =	vld [tilespmem:s17+$0x60]  }
0x71: {  	v1 =	vld [tilespmem:s12+$0x60];
	_ =	sdelay $0x4  }
0x72: {  	v0 =	vadd.f32 v1, v0;
	_ =	sdelay $0x1  }
0x73: {  	[tilespmem:s17+$0x60] =	vst v0;
	v0 =	vld [tilespmem:s17+$0x70]  }
0x74: {  	v1 =	vld [tilespmem:s12+$0x70];
	_ =	sdelay $0x4  }
0x75: {  	v0 =	vadd.f32 v1, v0  }
0x76: {  	s13 =	simm.s32 $0x0;
	s19 =	simm.s32 $0x5080  }
.LBB2_3:
0x77: {  	v1 =	vld [tilespmem:s19+$0xFFFFFF80];
	[tilespmem:s17+$0x70] =	vst v0;
	s12 =	sadd.s32 $0x100, s12;
	s17 =	smov.u32 s19  }
0x78: {  	s13 =	sadd.s32 $0x2, s13;
	v0 =	vld [tilespmem:s12+$0xFFFFFF80]  }
0x79: {  	p0 =	slt.u32 s13, $0x4E;
	_ =	sdelay $0x3  }
0x7a: {  	v0 =	vadd.f32 v0, v1;
	_ =	sdelay $0x1  }
0x7b: {  	[tilespmem:s19+$0xFFFFFF80] =	vst v0;
	v0 =	vld [tilespmem:s19+$0xFFFFFF90]  }
0x7c: {  	v1 =	vld [tilespmem:s12+$0xFFFFFF90];
	_ =	sdelay $0x4  }
0x7d: {  	v0 =	vadd.f32 v1, v0;
	_ =	sdelay $0x1  }
0x7e: {  	[tilespmem:s19+$0xFFFFFF90] =	vst v0;
	v0 =	vld [tilespmem:s19+$0xFFFFFFA0]  }
0x7f: {  	v1 =	vld [tilespmem:s12+$0xFFFFFFA0];
	_ =	sdelay $0x4  }
0x80: {  	v0 =	vadd.f32 v1, v0;
	_ =	sdelay $0x1  }
0x81: {  	[tilespmem:s19+$0xFFFFFFA0] =	vst v0;
	v0 =	vld [tilespmem:s19+$0xFFFFFFB0]  }
0x82: {  	v1 =	vld [tilespmem:s12+$0xFFFFFFB0];
	_ =	sdelay $0x4  }
0x83: {  	v0 =	vadd.f32 v1, v0;
	_ =	sdelay $0x1  }
0x84: {  	[tilespmem:s19+$0xFFFFFFB0] =	vst v0;
	v0 =	vld [tilespmem:s19+$0xFFFFFFC0]  }
0x85: {  	v1 =	vld [tilespmem:s12+$0xFFFFFFC0];
	_ =	sdelay $0x4  }
0x86: {  	v0 =	vadd.f32 v1, v0;
	_ =	sdelay $0x1  }
0x87: {  	[tilespmem:s19+$0xFFFFFFC0] =	vst v0;
	v0 =	vld [tilespmem:s19+$0xFFFFFFD0]  }
0x88: {  	v1 =	vld [tilespmem:s12+$0xFFFFFFD0];
	_ =	sdelay $0x4  }
0x89: {  	v0 =	vadd.f32 v1, v0;
	_ =	sdelay $0x1  }
0x8a: {  	[tilespmem:s19+$0xFFFFFFD0] =	vst v0;
	v0 =	vld [tilespmem:s19+$0xFFFFFFE0]  }
0x8b: {  	v1 =	vld [tilespmem:s12+$0xFFFFFFE0];
	_ =	sdelay $0x4  }
0x8c: {  	v0 =	vadd.f32 v1, v0;
	_ =	sdelay $0x1  }
0x8d: {  	[tilespmem:s19+$0xFFFFFFE0] =	vst v0;
	v0 =	vld [tilespmem:s19+$0xFFFFFFF0]  }
0x8e: {  	v1 =	vld [tilespmem:s12+$0xFFFFFFF0];
	_ =	sdelay $0x4  }
0x8f: {  	v0 =	vadd.f32 v1, v0;
	_ =	sdelay $0x1  }
0x90: {  	[tilespmem:s19+$0xFFFFFFF0] =	vst v0;
	v0 =	vld [tilespmem:s19+$0x0]  }
0x91: {  	v1 =	vld [tilespmem:s12+$0x0];
	_ =	sdelay $0x4  }
0x92: {  	v0 =	vadd.f32 v1, v0;
	_ =	sdelay $0x1  }
0x93: {  	[tilespmem:s19+$0x0] =	vst v0;
	v0 =	vld [tilespmem:s19+$0x10]  }
0x94: {  	v1 =	vld [tilespmem:s12+$0x10];
	_ =	sdelay $0x4  }
0x95: {  	v0 =	vadd.f32 v1, v0;
	_ =	sdelay $0x1  }
0x96: {  	[tilespmem:s19+$0x10] =	vst v0;
	v0 =	vld [tilespmem:s19+$0x20]  }
0x97: {  	v1 =	vld [tilespmem:s12+$0x20];
	_ =	sdelay $0x4  }
0x98: {  	v0 =	vadd.f32 v1, v0;
	_ =	sdelay $0x1  }
0x99: {  	[tilespmem:s19+$0x20] =	vst v0;
	v0 =	vld [tilespmem:s19+$0x30]  }
0x9a: {  	v1 =	vld [tilespmem:s12+$0x30];
	_ =	sdelay $0x4  }
0x9b: {  	v0 =	vadd.f32 v1, v0;
	_ =	sdelay $0x1  }
0x9c: {  	[tilespmem:s19+$0x30] =	vst v0;
	v0 =	vld [tilespmem:s19+$0x40]  }
0x9d: {  	v1 =	vld [tilespmem:s12+$0x40];
	_ =	sdelay $0x4  }
0x9e: {  	v0 =	vadd.f32 v1, v0;
	_ =	sdelay $0x1  }
0x9f: {  	[tilespmem:s19+$0x40] =	vst v0;
	v0 =	vld [tilespmem:s19+$0x50]  }
0xa0: {  	v1 =	vld [tilespmem:s12+$0x50];
	_ =	sdelay $0x4  }
0xa1: {  	v0 =	vadd.f32 v1, v0;
	_ =	sdelay $0x1  }
0xa2: {  	[tilespmem:s19+$0x50] =	vst v0;
	v0 =	vld [tilespmem:s19+$0x60]  }
0xa3: {  	v1 =	vld [tilespmem:s12+$0x60];
	_ =	sdelay $0x4  }
0xa4: {  	v0 =	vadd.f32 v1, v0;
	_ =	sdelay $0x1  }
0xa5: {  	[tilespmem:s19+$0x60] =	vst v0;
	v0 =	vld [tilespmem:s19+$0x70]  }
0xa6: {  	v1 =	vld [tilespmem:s12+$0x70];
	_ =	sdelay $0x1  }
.Ltmp0:
0xa7: {  	(pc) =	sbr.rel @p0 .LBB2_3-.Ltmp0, $3  }
0xa8: {  	_ =	sdelay $0x1  }
0xa9: {  	v0 =	vadd.f32 v1, v0  }
0xaa: {  	s19 =	sadd.s32 $0x100, s19  }
0xab: {  	[tilespmem:s17+$0x70] =	vst v0  }
0xac: {  	v0 =	vld [tilespmem:s16+$0x0]  }
0xad: {  	v1 =	vld [tilespmem:s16+$0x2780];
	_ =	sdelay $0x6  }
0xae: {  	v2 =	vld.idx.msk [tilespmem:v0+s18+$0x0], $0xffff  }
0xaf: {  	v3 =	vld.idx.msk [tilespmem:v1+s18+$0x0], $0xffff  }
0xb0: {  	v4 =	vld.idx.msk [tilespmem:v0+s20+$0x0], $0xffff  }
0xb1: {  	v5 =	vld.idx.msk [tilespmem:v1+s20+$0x0], $0xffff  }
0xb2: {  	v0 =	vld.idx.msk [tilespmem:v0+s21+$0x0], $0xffff  }
0xb3: {  	v1 =	vld.idx.msk [tilespmem:v1+s21+$0x0], $0xffff;
	_ =	sdelay $0x2  }
0xb4: {  	v2 =	vsub.f32 v2, v3;
	v3 =	vsub.f32 v4, v5;
	_ =	sdelay $0x1  }
0xb5: {  	v0 =	vsub.f32 v0, v1;
	v1 =	vmul.f32 v2, v2;
	v2 =	vmul.f32 v3, v3;
	_ =	sdelay $0x1  }
0xb6: {  	v0 =	vmul.f32 v0, v0;
	v1 =	vadd.f32 v2, v1;
	_ =	sdelay $0x1  }
0xb7: {  	v0 =	vadd.f32 v0, v1;
	_ =	sdelay $0x1  }
0xb8: {  	[tilespmem:$0x13F00] =	vst v0  }
0xb9: {  	v0 =	vld [tilespmem:s16+$0x10]  }
0xba: {  	v1 =	vld [tilespmem:s16+$0x2790];
	_ =	sdelay $0x6  }
0xbb: {  	v2 =	vld.idx.msk [tilespmem:v0+s18+$0x0], $0xffff  }
0xbc: {  	v3 =	vld.idx.msk [tilespmem:v1+s18+$0x0], $0xffff  }
0xbd: {  	v56 =	vld.idx.msk [tilespmem:v0+s20+$0x0], $0xffff  }
0xbe: {  	v57 =	vld.idx.msk [tilespmem:v1+s20+$0x0], $0xffff  }
0xbf: {  	v0 =	vld.idx.msk [tilespmem:v0+s21+$0x0], $0xffff  }
0xc0: {  	v1 =	vld.idx.msk [tilespmem:v1+s21+$0x0], $0xffff;
	_ =	sdelay $0x2  }
0xc1: {  	v2 =	vsub.f32 v2, v3;
	v3 =	vsub.f32 v56, v57;
	_ =	sdelay $0x1  }
0xc2: {  	v0 =	vsub.f32 v0, v1;
	v1 =	vmul.f32 v2, v2;
	v2 =	vmul.f32 v3, v3;
	_ =	sdelay $0x1  }
0xc3: {  	v0 =	vmul.f32 v0, v0;
	v1 =	vadd.f32 v2, v1;
	_ =	sdelay $0x1  }
0xc4: {  	v0 =	vadd.f32 v0, v1;
	_ =	sdelay $0x1  }
0xc5: {  	[tilespmem:$0x13F10] =	vst v0  }
0xc6: {  	v0 =	vld [tilespmem:s16+$0x20]  }
0xc7: {  	v1 =	vld [tilespmem:s16+$0x27A0];
	_ =	sdelay $0x6  }
0xc8: {  	v2 =	vld.idx.msk [tilespmem:v0+s18+$0x0], $0xffff  }
0xc9: {  	v3 =	vld.idx.msk [tilespmem:v1+s18+$0x0], $0xffff  }
0xca: {  	v58 =	vld.idx.msk [tilespmem:v0+s20+$0x0], $0xffff  }
0xcb: {  	v59 =	vld.idx.msk [tilespmem:v1+s20+$0x0], $0xffff  }
0xcc: {  	v0 =	vld.idx.msk [tilespmem:v0+s21+$0x0], $0xffff  }
0xcd: {  	v1 =	vld.idx.msk [tilespmem:v1+s21+$0x0], $0xffff;
	_ =	sdelay $0x2  }
0xce: {  	v2 =	vsub.f32 v2, v3;
	v3 =	vsub.f32 v58, v59;
	_ =	sdelay $0x1  }
0xcf: {  	v0 =	vsub.f32 v0, v1;
	v1 =	vmul.f32 v2, v2;
	v2 =	vmul.f32 v3, v3;
	_ =	sdelay $0x1  }
0xd0: {  	v0 =	vmul.f32 v0, v0;
	v1 =	vadd.f32 v2, v1;
	_ =	sdelay $0x1  }
0xd1: {  	v0 =	vadd.f32 v0, v1;
	_ =	sdelay $0x1  }
0xd2: {  	[tilespmem:$0x13F20] =	vst v0  }
0xd3: {  	v0 =	vld [tilespmem:s16+$0x30]  }
0xd4: {  	v1 =	vld [tilespmem:s16+$0x27B0];
	_ =	sdelay $0x6  }
0xd5: {  	v2 =	vld.idx.msk [tilespmem:v0+s18+$0x0], $0xffff  }
0xd6: {  	v3 =	vld.idx.msk [tilespmem:v1+s18+$0x0], $0xffff  }
0xd7: {  	v60 =	vld.idx.msk [tilespmem:v0+s20+$0x0], $0xffff  }
0xd8: {  	v61 =	vld.idx.msk [tilespmem:v1+s20+$0x0], $0xffff  }
0xd9: {  	v0 =	vld.idx.msk [tilespmem:v0+s21+$0x0], $0xffff  }
0xda: {  	v1 =	vld.idx.msk [tilespmem:v1+s21+$0x0], $0xffff;
	_ =	sdelay $0x2  }
0xdb: {  	v2 =	vsub.f32 v2, v3;
	v3 =	vsub.f32 v60, v61;
	_ =	sdelay $0x1  }
0xdc: {  	v0 =	vsub.f32 v0, v1;
	v1 =	vmul.f32 v2, v2;
	v2 =	vmul.f32 v3, v3;
	_ =	sdelay $0x1  }
0xdd: {  	v0 =	vmul.f32 v0, v0;
	v1 =	vadd.f32 v2, v1;
	_ =	sdelay $0x1  }
0xde: {  	v0 =	vadd.f32 v0, v1;
	_ =	sdelay $0x1  }
0xdf: {  	[tilespmem:$0x13F30] =	vst v0  }
0xe0: {  	v0 =	vld [tilespmem:s16+$0x40]  }
0xe1: {  	v1 =	vld [tilespmem:s16+$0x27C0];
	_ =	sdelay $0x6  }
0xe2: {  	v2 =	vld.idx.msk [tilespmem:v0+s18+$0x0], $0xffff  }
0xe3: {  	v3 =	vld.idx.msk [tilespmem:v1+s18+$0x0], $0xffff  }
0xe4: {  	v62 =	vld.idx.msk [tilespmem:v0+s20+$0x0], $0xffff  }
0xe5: {  	v63 =	vld.idx.msk [tilespmem:v1+s20+$0x0], $0xffff  }
0xe6: {  	v0 =	vld.idx.msk [tilespmem:v0+s21+$0x0], $0xffff  }
0xe7: {  	v1 =	vld.idx.msk [tilespmem:v1+s21+$0x0], $0xffff;
	_ =	sdelay $0x2  }
0xe8: {  	v2 =	vsub.f32 v2, v3;
	v3 =	vsub.f32 v62, v63;
	_ =	sdelay $0x1  }
0xe9: {  	v0 =	vsub.f32 v0, v1;
	v1 =	vmul.f32 v2, v2;
	v2 =	vmul.f32 v3, v3;
	_ =	sdelay $0x1  }
0xea: {  	v0 =	vmul.f32 v0, v0;
	v1 =	vadd.f32 v2, v1;
	_ =	sdelay $0x1  }
0xeb: {  	s12 =	sadd.s32 s5, s16;
	v0 =	vadd.f32 v0, v1  }
0xec: {  	s13 =	sshll.u32 s12, $0x4  }
0xed: {  	s12 =	sshrl.u32 s12, $0x3;
	s13 =	sadd.s32 s9, s13;
	[tilespmem:$0x13F40] =	vst v0  }
0xee: {  	[hbm4b:s13+s4] =	stream.linear.scatter [tilespmem:s24], [sflag:$0x4], $0x2800, $0x38;
	[tilespmem:$0x1B700] =	vst v63  }
0xef: {  	s12 =	sadd.s32 s10, s12  }
0xf0: {  	[hbm4b:s12+s4] =	stream.linear.scatter [tilespmem:s0], [sflag:$0x4], $0x50, $0x38;
	[tilespmem:$0x1B700] =	vst v63  }
0xf1: {  	_ =	swait.ge [sflag:s3], $0x2800  }
0xf2: {  	[sflag:s3] =	ssyncset.done $0x0  }
0xf3: {  	[sflag:s3] =	ssyncadd.s32 $0xFFFFD800  }
0xf4: {  	_ =	swait.ge [sflag:s3], $0x50  }
0xf5: {  	[sflag:s3] =	ssyncset.done $0x0  }
0xf6: {  	s17 =	sadd.s32 $0xF0, s16;
	[sflag:s3] =	ssyncadd.s32 $0xFFFFFFB0  }
0xf7: {  	[tilespmem:s24], [sflag:$0x1] =	stream.indirect.gather [hbm4b:s1+s23], $0x80, s17, s23, $0xb8;
	[tilespmem:$0x1B700] =	vst v63  }
0xf8: {  	s19 =	sadd.s32 $0x2870, s16  }
0xf9: {  	[tilespmem:s25], [sflag:$0x1] =	stream.indirect.gather [hbm4b:s6+s23], $0x80, s19, s23, $0xb8;
	[tilespmem:$0x1B700] =	vst v63  }
0xfa: {  	_ =	swait.ge [sflag:s28], $0x2800  }
0xfb: {  	[sflag:s28] =	ssyncset.done $0x0  }
0xfc: {  	[sflag:s28] =	ssyncadd.s32 $0xFFFFD800  }
0xfd: {  	_ =	swait.ge [sflag:s28], $0x2800  }
0xfe: {  	[sflag:s28] =	ssyncset.done $0x0  }
0xff: {  	s17 =	simm.s32 $0x9F80;
	[sflag:s28] =	ssyncadd.s32 $0xFFFFD800  }
0x100: {  	s12 =	simm.s32 $0xC780;
	v0 =	vld [tilespmem:s17+$0xFFFFFF80]  }
0x101: {  	v1 =	vld [tilespmem:s12+$0xFFFFFF80];
	_ =	sdelay $0x4  }
0x102: {  	v0 =	vadd.f32 v1, v0;
	_ =	sdelay $0x1  }
0x103: {  	[tilespmem:s17+$0xFFFFFF80] =	vst v0;
	v0 =	vld [tilespmem:s17+$0xFFFFFF90]  }
0x104: {  	v1 =	vld [tilespmem:s12+$0xFFFFFF90];
	_ =	sdelay $0x4  }
0x105: {  	v0 =	vadd.f32 v1, v0;
	_ =	sdelay $0x1  }
0x106: {  	[tilespmem:s17+$0xFFFFFF90] =	vst v0;
	v0 =	vld [tilespmem:s17+$0xFFFFFFA0]  }
0x107: {  	v1 =	vld [tilespmem:s12+$0xFFFFFFA0];
	_ =	sdelay $0x4  }
0x108: {  	v0 =	vadd.f32 v1, v0;
	_ =	sdelay $0x1  }
0x109: {  	[tilespmem:s17+$0xFFFFFFA0] =	vst v0;
	v0 =	vld [tilespmem:s17+$0xFFFFFFB0]  }
0x10a: {  	v1 =	vld [tilespmem:s12+$0xFFFFFFB0];
	_ =	sdelay $0x4  }
0x10b: {  	v0 =	vadd.f32 v1, v0;
	_ =	sdelay $0x1  }
0x10c: {  	[tilespmem:s17+$0xFFFFFFB0] =	vst v0;
	v0 =	vld [tilespmem:s17+$0xFFFFFFC0]  }
0x10d: {  	v1 =	vld [tilespmem:s12+$0xFFFFFFC0];
	_ =	sdelay $0x4  }
0x10e: {  	v0 =	vadd.f32 v1, v0;
	_ =	sdelay $0x1  }
0x10f: {  	[tilespmem:s17+$0xFFFFFFC0] =	vst v0;
	v0 =	vld [tilespmem:s17+$0xFFFFFFD0]  }
0x110: {  	v1 =	vld [tilespmem:s12+$0xFFFFFFD0];
	_ =	sdelay $0x4  }
0x111: {  	v0 =	vadd.f32 v1, v0;
	_ =	sdelay $0x1  }
0x112: {  	[tilespmem:s17+$0xFFFFFFD0] =	vst v0;
	v0 =	vld [tilespmem:s17+$0xFFFFFFE0]  }
0x113: {  	v1 =	vld [tilespmem:s12+$0xFFFFFFE0];
	_ =	sdelay $0x4  }
0x114: {  	v0 =	vadd.f32 v1, v0;
	_ =	sdelay $0x1  }
0x115: {  	[tilespmem:s17+$0xFFFFFFE0] =	vst v0;
	v0 =	vld [tilespmem:s17+$0xFFFFFFF0]  }
0x116: {  	v1 =	vld [tilespmem:s12+$0xFFFFFFF0];
	_ =	sdelay $0x4  }
0x117: {  	v0 =	vadd.f32 v1, v0;
	_ =	sdelay $0x1  }
0x118: {  	[tilespmem:s17+$0xFFFFFFF0] =	vst v0;
	v0 =	vld [tilespmem:s17+$0x0]  }
0x119: {  	v1 =	vld [tilespmem:s12+$0x0];
	_ =	sdelay $0x4  }
0x11a: {  	v0 =	vadd.f32 v1, v0;
	_ =	sdelay $0x1  }
0x11b: {  	[tilespmem:s17+$0x0] =	vst v0;
	v0 =	vld [tilespmem:s17+$0x10]  }
0x11c: {  	v1 =	vld [tilespmem:s12+$0x10];
	_ =	sdelay $0x4  }
0x11d: {  	v0 =	vadd.f32 v1, v0;
	_ =	sdelay $0x1  }
0x11e: {  	[tilespmem:s17+$0x10] =	vst v0;
	v0 =	vld [tilespmem:s17+$0x20]  }
0x11f: {  	v1 =	vld [tilespmem:s12+$0x20];
	_ =	sdelay $0x4  }
0x120: {  	v0 =	vadd.f32 v1, v0;
	_ =	sdelay $0x1  }
0x121: {  	[tilespmem:s17+$0x20] =	vst v0;
	v0 =	vld [tilespmem:s17+$0x30]  }
0x122: {  	v1 =	vld [tilespmem:s12+$0x30];
	_ =	sdelay $0x4  }
0x123: {  	v0 =	vadd.f32 v1, v0;
	_ =	sdelay $0x1  }
0x124: {  	[tilespmem:s17+$0x30] =	vst v0;
	v0 =	vld [tilespmem:s17+$0x40]  }
0x125: {  	v1 =	vld [tilespmem:s12+$0x40];
	_ =	sdelay $0x4  }
0x126: {  	v0 =	vadd.f32 v1, v0;
	_ =	sdelay $0x1  }
0x127: {  	[tilespmem:s17+$0x40] =	vst v0;
	v0 =	vld [tilespmem:s17+$0x50]  }
0x128: {  	v1 =	vld [tilespmem:s12+$0x50];
	_ =	sdelay $0x4  }
0x129: {  	v0 =	vadd.f32 v1, v0;
	_ =	sdelay $0x1  }
0x12a: {  	[tilespmem:s17+$0x50] =	vst v0;
	v0 =	vld [tilespmem:s17+$0x60]  }
0x12b: {  	v1 =	vld [tilespmem:s12+$0x60];
	_ =	sdelay $0x4  }
0x12c: {  	v0 =	vadd.f32 v1, v0;
	_ =	sdelay $0x1  }
0x12d: {  	[tilespmem:s17+$0x60] =	vst v0;
	v0 =	vld [tilespmem:s17+$0x70]  }
0x12e: {  	v1 =	vld [tilespmem:s12+$0x70];
	_ =	sdelay $0x4  }
0x12f: {  	v0 =	vadd.f32 v1, v0  }
0x130: {  	s13 =	simm.s32 $0x0;
	s19 =	simm.s32 $0xA080  }
.LBB2_5:
0x131: {  	v1 =	vld [tilespmem:s19+$0xFFFFFF80];
	[tilespmem:s17+$0x70] =	vst v0;
	s12 =	sadd.s32 $0x100, s12;
	s17 =	smov.u32 s19  }
0x132: {  	s13 =	sadd.s32 $0x2, s13;
	v0 =	vld [tilespmem:s12+$0xFFFFFF80]  }
0x133: {  	p0 =	slt.u32 s13, $0x4E;
	_ =	sdelay $0x3  }
0x134: {  	v0 =	vadd.f32 v0, v1;
	_ =	sdelay $0x1  }
0x135: {  	[tilespmem:s19+$0xFFFFFF80] =	vst v0;
	v0 =	vld [tilespmem:s19+$0xFFFFFF90]  }
0x136: {  	v1 =	vld [tilespmem:s12+$0xFFFFFF90];
	_ =	sdelay $0x4  }
0x137: {  	v0 =	vadd.f32 v1, v0;
	_ =	sdelay $0x1  }
0x138: {  	[tilespmem:s19+$0xFFFFFF90] =	vst v0;
	v0 =	vld [tilespmem:s19+$0xFFFFFFA0]  }
0x139: {  	v1 =	vld [tilespmem:s12+$0xFFFFFFA0];
	_ =	sdelay $0x4  }
0x13a: {  	v0 =	vadd.f32 v1, v0;
	_ =	sdelay $0x1  }
0x13b: {  	[tilespmem:s19+$0xFFFFFFA0] =	vst v0;
	v0 =	vld [tilespmem:s19+$0xFFFFFFB0]  }
0x13c: {  	v1 =	vld [tilespmem:s12+$0xFFFFFFB0];
	_ =	sdelay $0x4  }
0x13d: {  	v0 =	vadd.f32 v1, v0;
	_ =	sdelay $0x1  }
0x13e: {  	[tilespmem:s19+$0xFFFFFFB0] =	vst v0;
	v0 =	vld [tilespmem:s19+$0xFFFFFFC0]  }
0x13f: {  	v1 =	vld [tilespmem:s12+$0xFFFFFFC0];
	_ =	sdelay $0x4  }
0x140: {  	v0 =	vadd.f32 v1, v0;
	_ =	sdelay $0x1  }
0x141: {  	[tilespmem:s19+$0xFFFFFFC0] =	vst v0;
	v0 =	vld [tilespmem:s19+$0xFFFFFFD0]  }
0x142: {  	v1 =	vld [tilespmem:s12+$0xFFFFFFD0];
	_ =	sdelay $0x4  }
0x143: {  	v0 =	vadd.f32 v1, v0;
	_ =	sdelay $0x1  }
0x144: {  	[tilespmem:s19+$0xFFFFFFD0] =	vst v0;
	v0 =	vld [tilespmem:s19+$0xFFFFFFE0]  }
0x145: {  	v1 =	vld [tilespmem:s12+$0xFFFFFFE0];
	_ =	sdelay $0x4  }
0x146: {  	v0 =	vadd.f32 v1, v0;
	_ =	sdelay $0x1  }
0x147: {  	[tilespmem:s19+$0xFFFFFFE0] =	vst v0;
	v0 =	vld [tilespmem:s19+$0xFFFFFFF0]  }
0x148: {  	v1 =	vld [tilespmem:s12+$0xFFFFFFF0];
	_ =	sdelay $0x4  }
0x149: {  	v0 =	vadd.f32 v1, v0;
	_ =	sdelay $0x1  }
0x14a: {  	[tilespmem:s19+$0xFFFFFFF0] =	vst v0;
	v0 =	vld [tilespmem:s19+$0x0]  }
0x14b: {  	v1 =	vld [tilespmem:s12+$0x0];
	_ =	sdelay $0x4  }
0x14c: {  	v0 =	vadd.f32 v1, v0;
	_ =	sdelay $0x1  }
0x14d: {  	[tilespmem:s19+$0x0] =	vst v0;
	v0 =	vld [tilespmem:s19+$0x10]  }
0x14e: {  	v1 =	vld [tilespmem:s12+$0x10];
	_ =	sdelay $0x4  }
0x14f: {  	v0 =	vadd.f32 v1, v0;
	_ =	sdelay $0x1  }
0x150: {  	[tilespmem:s19+$0x10] =	vst v0;
	v0 =	vld [tilespmem:s19+$0x20]  }
0x151: {  	v1 =	vld [tilespmem:s12+$0x20];
	_ =	sdelay $0x4  }
0x152: {  	v0 =	vadd.f32 v1, v0;
	_ =	sdelay $0x1  }
0x153: {  	[tilespmem:s19+$0x20] =	vst v0;
	v0 =	vld [tilespmem:s19+$0x30]  }
0x154: {  	v1 =	vld [tilespmem:s12+$0x30];
	_ =	sdelay $0x4  }
0x155: {  	v0 =	vadd.f32 v1, v0;
	_ =	sdelay $0x1  }
0x156: {  	[tilespmem:s19+$0x30] =	vst v0;
	v0 =	vld [tilespmem:s19+$0x40]  }
0x157: {  	v1 =	vld [tilespmem:s12+$0x40];
	_ =	sdelay $0x4  }
0x158: {  	v0 =	vadd.f32 v1, v0;
	_ =	sdelay $0x1  }
0x159: {  	[tilespmem:s19+$0x40] =	vst v0;
	v0 =	vld [tilespmem:s19+$0x50]  }
0x15a: {  	v1 =	vld [tilespmem:s12+$0x50];
	_ =	sdelay $0x4  }
0x15b: {  	v0 =	vadd.f32 v1, v0;
	_ =	sdelay $0x1  }
0x15c: {  	[tilespmem:s19+$0x50] =	vst v0;
	v0 =	vld [tilespmem:s19+$0x60]  }
0x15d: {  	v1 =	vld [tilespmem:s12+$0x60];
	_ =	sdelay $0x4  }
0x15e: {  	v0 =	vadd.f32 v1, v0;
	_ =	sdelay $0x1  }
0x15f: {  	[tilespmem:s19+$0x60] =	vst v0;
	v0 =	vld [tilespmem:s19+$0x70]  }
0x160: {  	v1 =	vld [tilespmem:s12+$0x70];
	_ =	sdelay $0x1  }
.Ltmp1:
0x161: {  	(pc) =	sbr.rel @p0 .LBB2_5-.Ltmp1, $3  }
0x162: {  	_ =	sdelay $0x1  }
0x163: {  	v0 =	vadd.f32 v1, v0  }
0x164: {  	s19 =	sadd.s32 $0x100, s19  }
0x165: {  	[tilespmem:s17+$0x70] =	vst v0  }
0x166: {  	v0 =	vld [tilespmem:s16+$0x50]  }
0x167: {  	v1 =	vld [tilespmem:s16+$0x27D0];
	_ =	sdelay $0x6  }
0x168: {  	v2 =	vld.idx.msk [tilespmem:v0+s18+$0x0], $0xffff  }
0x169: {  	v3 =	vld.idx.msk [tilespmem:v1+s18+$0x0], $0xffff  }
0x16a: {  	v4 =	vld.idx.msk [tilespmem:v0+s20+$0x0], $0xffff  }
0x16b: {  	v5 =	vld.idx.msk [tilespmem:v1+s20+$0x0], $0xffff  }
0x16c: {  	v0 =	vld.idx.msk [tilespmem:v0+s21+$0x0], $0xffff  }
0x16d: {  	v1 =	vld.idx.msk [tilespmem:v1+s21+$0x0], $0xffff;
	_ =	sdelay $0x2  }
0x16e: {  	v2 =	vsub.f32 v2, v3;
	v3 =	vsub.f32 v4, v5;
	_ =	sdelay $0x1  }
0x16f: {  	v0 =	vsub.f32 v0, v1;
	v1 =	vmul.f32 v2, v2;
	v2 =	vmul.f32 v3, v3;
	_ =	sdelay $0x1  }
0x170: {  	v0 =	vmul.f32 v0, v0;
	v1 =	vadd.f32 v2, v1;
	_ =	sdelay $0x1  }
0x171: {  	v0 =	vadd.f32 v0, v1;
	_ =	sdelay $0x1  }
0x172: {  	[tilespmem:$0x13F80] =	vst v0  }
0x173: {  	v0 =	vld [tilespmem:s16+$0x60]  }
0x174: {  	v1 =	vld [tilespmem:s16+$0x27E0];
	_ =	sdelay $0x6  }
0x175: {  	v2 =	vld.idx.msk [tilespmem:v0+s18+$0x0], $0xffff  }
0x176: {  	v3 =	vld.idx.msk [tilespmem:v1+s18+$0x0], $0xffff  }
0x177: {  	v56 =	vld.idx.msk [tilespmem:v0+s20+$0x0], $0xffff  }
0x178: {  	v57 =	vld.idx.msk [tilespmem:v1+s20+$0x0], $0xffff  }
0x179: {  	v0 =	vld.idx.msk [tilespmem:v0+s21+$0x0], $0xffff  }
0x17a: {  	v1 =	vld.idx.msk [tilespmem:v1+s21+$0x0], $0xffff;
	_ =	sdelay $0x2  }
0x17b: {  	v2 =	vsub.f32 v2, v3;
	v3 =	vsub.f32 v56, v57;
	_ =	sdelay $0x1  }
0x17c: {  	v0 =	vsub.f32 v0, v1;
	v1 =	vmul.f32 v2, v2;
	v2 =	vmul.f32 v3, v3;
	_ =	sdelay $0x1  }
0x17d: {  	v0 =	vmul.f32 v0, v0;
	v1 =	vadd.f32 v2, v1;
	_ =	sdelay $0x1  }
0x17e: {  	v0 =	vadd.f32 v0, v1;
	_ =	sdelay $0x1  }
0x17f: {  	[tilespmem:$0x13F90] =	vst v0  }
0x180: {  	v0 =	vld [tilespmem:s16+$0x70]  }
0x181: {  	v1 =	vld [tilespmem:s16+$0x27F0];
	_ =	sdelay $0x6  }
0x182: {  	v2 =	vld.idx.msk [tilespmem:v0+s18+$0x0], $0xffff  }
0x183: {  	v3 =	vld.idx.msk [tilespmem:v1+s18+$0x0], $0xffff  }
0x184: {  	v58 =	vld.idx.msk [tilespmem:v0+s20+$0x0], $0xffff  }
0x185: {  	v59 =	vld.idx.msk [tilespmem:v1+s20+$0x0], $0xffff  }
0x186: {  	v0 =	vld.idx.msk [tilespmem:v0+s21+$0x0], $0xffff  }
0x187: {  	v1 =	vld.idx.msk [tilespmem:v1+s21+$0x0], $0xffff;
	_ =	sdelay $0x2  }
0x188: {  	v2 =	vsub.f32 v2, v3;
	v3 =	vsub.f32 v58, v59;
	_ =	sdelay $0x1  }
0x189: {  	v0 =	vsub.f32 v0, v1;
	v1 =	vmul.f32 v2, v2;
	v2 =	vmul.f32 v3, v3;
	_ =	sdelay $0x1  }
0x18a: {  	v0 =	vmul.f32 v0, v0;
	v1 =	vadd.f32 v2, v1;
	_ =	sdelay $0x1  }
0x18b: {  	v0 =	vadd.f32 v0, v1;
	_ =	sdelay $0x1  }
0x18c: {  	s12 =	sand.u32 $0x3FF0, s16;
	[tilespmem:$0x13FA0] =	vst v0  }
0x18d: {  	v0 =	vld [tilespmem:s12+$0x80]  }
0x18e: {  	v1 =	vld [tilespmem:s12+$0x2800];
	_ =	sdelay $0x6  }
0x18f: {  	v2 =	vld.idx.msk [tilespmem:v0+s18+$0x0], $0xffff  }
0x190: {  	v3 =	vld.idx.msk [tilespmem:v1+s18+$0x0], $0xffff  }
0x191: {  	v60 =	vld.idx.msk [tilespmem:v0+s20+$0x0], $0xffff  }
0x192: {  	v61 =	vld.idx.msk [tilespmem:v1+s20+$0x0], $0xffff  }
0x193: {  	v0 =	vld.idx.msk [tilespmem:v0+s21+$0x0], $0xffff  }
0x194: {  	v1 =	vld.idx.msk [tilespmem:v1+s21+$0x0], $0xffff;
	_ =	sdelay $0x2  }
0x195: {  	v2 =	vsub.f32 v2, v3;
	v3 =	vsub.f32 v60, v61;
	_ =	sdelay $0x1  }
0x196: {  	v0 =	vsub.f32 v0, v1;
	v1 =	vmul.f32 v2, v2;
	v2 =	vmul.f32 v3, v3;
	_ =	sdelay $0x1  }
0x197: {  	v0 =	vmul.f32 v0, v0;
	v1 =	vadd.f32 v2, v1;
	_ =	sdelay $0x1  }
0x198: {  	v0 =	vadd.f32 v0, v1;
	_ =	sdelay $0x1  }
0x199: {  	[tilespmem:$0x13FB0] =	vst v0  }
0x19a: {  	v0 =	vld [tilespmem:s16+$0x90]  }
0x19b: {  	v1 =	vld [tilespmem:s16+$0x2810];
	_ =	sdelay $0x6  }
0x19c: {  	v2 =	vld.idx.msk [tilespmem:v0+s18+$0x0], $0xffff  }
0x19d: {  	v3 =	vld.idx.msk [tilespmem:v1+s18+$0x0], $0xffff  }
0x19e: {  	v62 =	vld.idx.msk [tilespmem:v0+s20+$0x0], $0xffff  }
0x19f: {  	v63 =	vld.idx.msk [tilespmem:v1+s20+$0x0], $0xffff  }
0x1a0: {  	v0 =	vld.idx.msk [tilespmem:v0+s21+$0x0], $0xffff  }
0x1a1: {  	v1 =	vld.idx.msk [tilespmem:v1+s21+$0x0], $0xffff;
	_ =	sdelay $0x2  }
0x1a2: {  	v2 =	vsub.f32 v2, v3;
	v3 =	vsub.f32 v62, v63;
	_ =	sdelay $0x1  }
0x1a3: {  	v0 =	vsub.f32 v0, v1;
	v1 =	vmul.f32 v2, v2;
	v2 =	vmul.f32 v3, v3;
	_ =	sdelay $0x1  }
0x1a4: {  	v0 =	vmul.f32 v0, v0;
	v1 =	vadd.f32 v2, v1  }
0x1a5: {  	s13 =	sadd.s32 $0x50, s16  }
0x1a6: {  	s12 =	sadd.s32 s5, s13;
	v0 =	vadd.f32 v0, v1  }
0x1a7: {  	s13 =	sshll.u32 s12, $0x4  }
0x1a8: {  	s12 =	sshrl.u32 s12, $0x3;
	s13 =	sadd.s32 s9, s13;
	[tilespmem:$0x13FC0] =	vst v0  }
0x1a9: {  	[hbm4b:s13+s4] =	stream.linear.scatter [tilespmem:s26], [sflag:$0x5], $0x2800, $0x38;
	[tilespmem:$0x1B700] =	vst v63  }
0x1aa: {  	s12 =	sadd.s32 s10, s12  }
0x1ab: {  	[hbm4b:s12+s4] =	stream.linear.scatter [tilespmem:s22], [sflag:$0x5], $0x50, $0x38;
	[tilespmem:$0x1B700] =	vst v63  }
0x1ac: {  	_ =	swait.ge [sflag:s7], $0x2800  }
0x1ad: {  	[sflag:s7] =	ssyncset.done $0x0  }
0x1ae: {  	[sflag:s7] =	ssyncadd.s32 $0xFFFFD800  }
0x1af: {  	_ =	swait.ge [sflag:s7], $0x50  }
0x1b0: {  	[sflag:s7] =	ssyncset.done $0x0  }
0x1b1: {  	s17 =	sadd.s32 $0x140, s16;
	[sflag:s7] =	ssyncadd.s32 $0xFFFFFFB0  }
0x1b2: {  	[tilespmem:s26], [sflag:$0x2] =	stream.indirect.gather [hbm4b:s1+s23], $0x80, s17, s23, $0xb8;
	[tilespmem:$0x1B700] =	vst v63  }
0x1b3: {  	s19 =	sadd.s32 $0x28C0, s16  }
0x1b4: {  	[tilespmem:s29], [sflag:$0x2] =	stream.indirect.gather [hbm4b:s6+s23], $0x80, s19, s23, $0xb8;
	[tilespmem:$0x1B700] =	vst v63  }
0x1b5: {  	_ =	swait.ge [sflag:s8], $0x2800  }
0x1b6: {  	[sflag:s8] =	ssyncset.done $0x0  }
0x1b7: {  	[sflag:s8] =	ssyncadd.s32 $0xFFFFD800  }
0x1b8: {  	_ =	swait.ge [sflag:s8], $0x2800  }
0x1b9: {  	[sflag:s8] =	ssyncset.done $0x0  }
0x1ba: {  	s17 =	simm.s32 $0xEF80;
	[sflag:s8] =	ssyncadd.s32 $0xFFFFD800  }
0x1bb: {  	s12 =	simm.s32 $0x11780;
	v0 =	vld [tilespmem:s17+$0xFFFFFF80]  }
0x1bc: {  	v1 =	vld [tilespmem:s12+$0xFFFFFF80];
	_ =	sdelay $0x4  }
0x1bd: {  	v0 =	vadd.f32 v1, v0;
	_ =	sdelay $0x1  }
0x1be: {  	[tilespmem:s17+$0xFFFFFF80] =	vst v0;
	v0 =	vld [tilespmem:s17+$0xFFFFFF90]  }
0x1bf: {  	v1 =	vld [tilespmem:s12+$0xFFFFFF90];
	_ =	sdelay $0x4  }
0x1c0: {  	v0 =	vadd.f32 v1, v0;
	_ =	sdelay $0x1  }
0x1c1: {  	[tilespmem:s17+$0xFFFFFF90] =	vst v0;
	v0 =	vld [tilespmem:s17+$0xFFFFFFA0]  }
0x1c2: {  	v1 =	vld [tilespmem:s12+$0xFFFFFFA0];
	_ =	sdelay $0x4  }
0x1c3: {  	v0 =	vadd.f32 v1, v0;
	_ =	sdelay $0x1  }
0x1c4: {  	[tilespmem:s17+$0xFFFFFFA0] =	vst v0;
	v0 =	vld [tilespmem:s17+$0xFFFFFFB0]  }
0x1c5: {  	v1 =	vld [tilespmem:s12+$0xFFFFFFB0];
	_ =	sdelay $0x4  }
0x1c6: {  	v0 =	vadd.f32 v1, v0;
	_ =	sdelay $0x1  }
0x1c7: {  	[tilespmem:s17+$0xFFFFFFB0] =	vst v0;
	v0 =	vld [tilespmem:s17+$0xFFFFFFC0]  }
0x1c8: {  	v1 =	vld [tilespmem:s12+$0xFFFFFFC0];
	_ =	sdelay $0x4  }
0x1c9: {  	v0 =	vadd.f32 v1, v0;
	_ =	sdelay $0x1  }
0x1ca: {  	[tilespmem:s17+$0xFFFFFFC0] =	vst v0;
	v0 =	vld [tilespmem:s17+$0xFFFFFFD0]  }
0x1cb: {  	v1 =	vld [tilespmem:s12+$0xFFFFFFD0];
	_ =	sdelay $0x4  }
0x1cc: {  	v0 =	vadd.f32 v1, v0;
	_ =	sdelay $0x1  }
0x1cd: {  	[tilespmem:s17+$0xFFFFFFD0] =	vst v0;
	v0 =	vld [tilespmem:s17+$0xFFFFFFE0]  }
0x1ce: {  	v1 =	vld [tilespmem:s12+$0xFFFFFFE0];
	_ =	sdelay $0x4  }
0x1cf: {  	v0 =	vadd.f32 v1, v0;
	_ =	sdelay $0x1  }
0x1d0: {  	[tilespmem:s17+$0xFFFFFFE0] =	vst v0;
	v0 =	vld [tilespmem:s17+$0xFFFFFFF0]  }
0x1d1: {  	v1 =	vld [tilespmem:s12+$0xFFFFFFF0];
	_ =	sdelay $0x4  }
0x1d2: {  	v0 =	vadd.f32 v1, v0;
	_ =	sdelay $0x1  }
0x1d3: {  	[tilespmem:s17+$0xFFFFFFF0] =	vst v0;
	v0 =	vld [tilespmem:s17+$0x0]  }
0x1d4: {  	v1 =	vld [tilespmem:s12+$0x0];
	_ =	sdelay $0x4  }
0x1d5: {  	v0 =	vadd.f32 v1, v0;
	_ =	sdelay $0x1  }
0x1d6: {  	[tilespmem:s17+$0x0] =	vst v0;
	v0 =	vld [tilespmem:s17+$0x10]  }
0x1d7: {  	v1 =	vld [tilespmem:s12+$0x10];
	_ =	sdelay $0x4  }
0x1d8: {  	v0 =	vadd.f32 v1, v0;
	_ =	sdelay $0x1  }
0x1d9: {  	[tilespmem:s17+$0x10] =	vst v0;
	v0 =	vld [tilespmem:s17+$0x20]  }
0x1da: {  	v1 =	vld [tilespmem:s12+$0x20];
	_ =	sdelay $0x4  }
0x1db: {  	v0 =	vadd.f32 v1, v0;
	_ =	sdelay $0x1  }
0x1dc: {  	[tilespmem:s17+$0x20] =	vst v0;
	v0 =	vld [tilespmem:s17+$0x30]  }
0x1dd: {  	v1 =	vld [tilespmem:s12+$0x30];
	_ =	sdelay $0x4  }
0x1de: {  	v0 =	vadd.f32 v1, v0;
	_ =	sdelay $0x1  }
0x1df: {  	[tilespmem:s17+$0x30] =	vst v0;
	v0 =	vld [tilespmem:s17+$0x40]  }
0x1e0: {  	v1 =	vld [tilespmem:s12+$0x40];
	_ =	sdelay $0x4  }
0x1e1: {  	v0 =	vadd.f32 v1, v0;
	_ =	sdelay $0x1  }
0x1e2: {  	[tilespmem:s17+$0x40] =	vst v0;
	v0 =	vld [tilespmem:s17+$0x50]  }
0x1e3: {  	v1 =	vld [tilespmem:s12+$0x50];
	_ =	sdelay $0x4  }
0x1e4: {  	v0 =	vadd.f32 v1, v0;
	_ =	sdelay $0x1  }
0x1e5: {  	[tilespmem:s17+$0x50] =	vst v0;
	v0 =	vld [tilespmem:s17+$0x60]  }
0x1e6: {  	v1 =	vld [tilespmem:s12+$0x60];
	_ =	sdelay $0x4  }
0x1e7: {  	v0 =	vadd.f32 v1, v0;
	_ =	sdelay $0x1  }
0x1e8: {  	[tilespmem:s17+$0x60] =	vst v0;
	v0 =	vld [tilespmem:s17+$0x70]  }
0x1e9: {  	v1 =	vld [tilespmem:s12+$0x70];
	_ =	sdelay $0x4  }
0x1ea: {  	v0 =	vadd.f32 v1, v0  }
0x1eb: {  	s13 =	simm.s32 $0x0;
	s19 =	simm.s32 $0xF080  }
.LBB2_7:
0x1ec: {  	v1 =	vld [tilespmem:s19+$0xFFFFFF80];
	[tilespmem:s17+$0x70] =	vst v0;
	s12 =	sadd.s32 $0x100, s12;
	s17 =	smov.u32 s19  }
0x1ed: {  	s13 =	sadd.s32 $0x2, s13;
	v0 =	vld [tilespmem:s12+$0xFFFFFF80]  }
0x1ee: {  	p0 =	slt.u32 s13, $0x4E;
	_ =	sdelay $0x3  }
0x1ef: {  	v0 =	vadd.f32 v0, v1;
	_ =	sdelay $0x1  }
0x1f0: {  	[tilespmem:s19+$0xFFFFFF80] =	vst v0;
	v0 =	vld [tilespmem:s19+$0xFFFFFF90]  }
0x1f1: {  	v1 =	vld [tilespmem:s12+$0xFFFFFF90];
	_ =	sdelay $0x4  }
0x1f2: {  	v0 =	vadd.f32 v1, v0;
	_ =	sdelay $0x1  }
0x1f3: {  	[tilespmem:s19+$0xFFFFFF90] =	vst v0;
	v0 =	vld [tilespmem:s19+$0xFFFFFFA0]  }
0x1f4: {  	v1 =	vld [tilespmem:s12+$0xFFFFFFA0];
	_ =	sdelay $0x4  }
0x1f5: {  	v0 =	vadd.f32 v1, v0;
	_ =	sdelay $0x1  }
0x1f6: {  	[tilespmem:s19+$0xFFFFFFA0] =	vst v0;
	v0 =	vld [tilespmem:s19+$0xFFFFFFB0]  }
0x1f7: {  	v1 =	vld [tilespmem:s12+$0xFFFFFFB0];
	_ =	sdelay $0x4  }
0x1f8: {  	v0 =	vadd.f32 v1, v0;
	_ =	sdelay $0x1  }
0x1f9: {  	[tilespmem:s19+$0xFFFFFFB0] =	vst v0;
	v0 =	vld [tilespmem:s19+$0xFFFFFFC0]  }
0x1fa: {  	v1 =	vld [tilespmem:s12+$0xFFFFFFC0];
	_ =	sdelay $0x4  }
0x1fb: {  	v0 =	vadd.f32 v1, v0;
	_ =	sdelay $0x1  }
0x1fc: {  	[tilespmem:s19+$0xFFFFFFC0] =	vst v0;
	v0 =	vld [tilespmem:s19+$0xFFFFFFD0]  }
0x1fd: {  	v1 =	vld [tilespmem:s12+$0xFFFFFFD0];
	_ =	sdelay $0x4  }
0x1fe: {  	v0 =	vadd.f32 v1, v0;
	_ =	sdelay $0x1  }
0x1ff: {  	[tilespmem:s19+$0xFFFFFFD0] =	vst v0;
	v0 =	vld [tilespmem:s19+$0xFFFFFFE0]  }
0x200: {  	v1 =	vld [tilespmem:s12+$0xFFFFFFE0];
	_ =	sdelay $0x4  }
0x201: {  	v0 =	vadd.f32 v1, v0;
	_ =	sdelay $0x1  }
0x202: {  	[tilespmem:s19+$0xFFFFFFE0] =	vst v0;
	v0 =	vld [tilespmem:s19+$0xFFFFFFF0]  }
0x203: {  	v1 =	vld [tilespmem:s12+$0xFFFFFFF0];
	_ =	sdelay $0x4  }
0x204: {  	v0 =	vadd.f32 v1, v0;
	_ =	sdelay $0x1  }
0x205: {  	[tilespmem:s19+$0xFFFFFFF0] =	vst v0;
	v0 =	vld [tilespmem:s19+$0x0]  }
0x206: {  	v1 =	vld [tilespmem:s12+$0x0];
	_ =	sdelay $0x4  }
0x207: {  	v0 =	vadd.f32 v1, v0;
	_ =	sdelay $0x1  }
0x208: {  	[tilespmem:s19+$0x0] =	vst v0;
	v0 =	vld [tilespmem:s19+$0x10]  }
0x209: {  	v1 =	vld [tilespmem:s12+$0x10];
	_ =	sdelay $0x4  }
0x20a: {  	v0 =	vadd.f32 v1, v0;
	_ =	sdelay $0x1  }
0x20b: {  	[tilespmem:s19+$0x10] =	vst v0;
	v0 =	vld [tilespmem:s19+$0x20]  }
0x20c: {  	v1 =	vld [tilespmem:s12+$0x20];
	_ =	sdelay $0x4  }
0x20d: {  	v0 =	vadd.f32 v1, v0;
	_ =	sdelay $0x1  }
0x20e: {  	[tilespmem:s19+$0x20] =	vst v0;
	v0 =	vld [tilespmem:s19+$0x30]  }
0x20f: {  	v1 =	vld [tilespmem:s12+$0x30];
	_ =	sdelay $0x4  }
0x210: {  	v0 =	vadd.f32 v1, v0;
	_ =	sdelay $0x1  }
0x211: {  	[tilespmem:s19+$0x30] =	vst v0;
	v0 =	vld [tilespmem:s19+$0x40]  }
0x212: {  	v1 =	vld [tilespmem:s12+$0x40];
	_ =	sdelay $0x4  }
0x213: {  	v0 =	vadd.f32 v1, v0;
	_ =	sdelay $0x1  }
0x214: {  	[tilespmem:s19+$0x40] =	vst v0;
	v0 =	vld [tilespmem:s19+$0x50]  }
0x215: {  	v1 =	vld [tilespmem:s12+$0x50];
	_ =	sdelay $0x4  }
0x216: {  	v0 =	vadd.f32 v1, v0;
	_ =	sdelay $0x1  }
0x217: {  	[tilespmem:s19+$0x50] =	vst v0;
	v0 =	vld [tilespmem:s19+$0x60]  }
0x218: {  	v1 =	vld [tilespmem:s12+$0x60];
	_ =	sdelay $0x4  }
0x219: {  	v0 =	vadd.f32 v1, v0;
	_ =	sdelay $0x1  }
0x21a: {  	[tilespmem:s19+$0x60] =	vst v0;
	v0 =	vld [tilespmem:s19+$0x70]  }
0x21b: {  	v1 =	vld [tilespmem:s12+$0x70];
	_ =	sdelay $0x1  }
.Ltmp2:
0x21c: {  	(pc) =	sbr.rel @p0 .LBB2_7-.Ltmp2, $3  }
0x21d: {  	_ =	sdelay $0x1  }
0x21e: {  	v0 =	vadd.f32 v1, v0  }
0x21f: {  	s19 =	sadd.s32 $0x100, s19  }
0x220: {  	[tilespmem:s17+$0x70] =	vst v0  }
0x221: {  	v0 =	vld [tilespmem:s16+$0xA0]  }
0x222: {  	v1 =	vld [tilespmem:s15+$0x2780];
	_ =	sdelay $0x6  }
0x223: {  	v2 =	vld.idx.msk [tilespmem:v0+s18+$0x0], $0xffff  }
0x224: {  	v3 =	vld.idx.msk [tilespmem:v1+s18+$0x0], $0xffff  }
0x225: {  	v4 =	vld.idx.msk [tilespmem:v0+s20+$0x0], $0xffff  }
0x226: {  	v5 =	vld.idx.msk [tilespmem:v1+s20+$0x0], $0xffff  }
0x227: {  	v0 =	vld.idx.msk [tilespmem:v0+s21+$0x0], $0xffff  }
0x228: {  	v1 =	vld.idx.msk [tilespmem:v1+s21+$0x0], $0xffff;
	_ =	sdelay $0x2  }
0x229: {  	v2 =	vsub.f32 v2, v3;
	v29 =	vsub.f32 v4, v5;
	_ =	sdelay $0x1  }
0x22a: {  	v0 =	vsub.f32 v0, v1;
	v30 =	vmul.f32 v2, v2;
	v31 =	vmul.f32 v29, v29;
	_ =	sdelay $0x1  }
0x22b: {  	v0 =	vmul.f32 v0, v0;
	v1 =	vadd.f32 v31, v30;
	_ =	sdelay $0x1  }
0x22c: {  	v0 =	vadd.f32 v0, v1;
	_ =	sdelay $0x1  }
0x22d: {  	[tilespmem:$0x14000] =	vst v0  }
0x22e: {  	v0 =	vld [tilespmem:s16+$0xB0]  }
0x22f: {  	v32 =	vld [tilespmem:s16+$0x2830];
	_ =	sdelay $0x6  }
0x230: {  	v33 =	vld.idx.msk [tilespmem:v0+s18+$0x0], $0xffff  }
0x231: {  	v34 =	vld.idx.msk [tilespmem:v32+s18+$0x0], $0xffff  }
0x232: {  	v35 =	vld.idx.msk [tilespmem:v0+s20+$0x0], $0xffff  }
0x233: {  	v36 =	vld.idx.msk [tilespmem:v32+s20+$0x0], $0xffff  }
0x234: {  	v0 =	vld.idx.msk [tilespmem:v0+s21+$0x0], $0xffff  }
0x235: {  	v1 =	vld.idx.msk [tilespmem:v32+s21+$0x0], $0xffff;
	_ =	sdelay $0x2  }
0x236: {  	v2 =	vsub.f32 v33, v34;
	v37 =	vsub.f32 v35, v36;
	_ =	sdelay $0x1  }
0x237: {  	v0 =	vsub.f32 v0, v1;
	v38 =	vmul.f32 v2, v2;
	v39 =	vmul.f32 v37, v37;
	_ =	sdelay $0x1  }
0x238: {  	v0 =	vmul.f32 v0, v0;
	v1 =	vadd.f32 v39, v38;
	_ =	sdelay $0x1  }
0x239: {  	v0 =	vadd.f32 v0, v1;
	_ =	sdelay $0x1  }
0x23a: {  	[tilespmem:$0x14010] =	vst v0  }
0x23b: {  	v0 =	vld [tilespmem:s16+$0xC0]  }
0x23c: {  	v40 =	vld [tilespmem:s16+$0x2840];
	_ =	sdelay $0x6  }
0x23d: {  	v41 =	vld.idx.msk [tilespmem:v0+s18+$0x0], $0xffff  }
0x23e: {  	v42 =	vld.idx.msk [tilespmem:v40+s18+$0x0], $0xffff  }
0x23f: {  	v43 =	vld.idx.msk [tilespmem:v0+s20+$0x0], $0xffff  }
0x240: {  	v44 =	vld.idx.msk [tilespmem:v40+s20+$0x0], $0xffff  }
0x241: {  	v0 =	vld.idx.msk [tilespmem:v0+s21+$0x0], $0xffff  }
0x242: {  	v1 =	vld.idx.msk [tilespmem:v40+s21+$0x0], $0xffff;
	_ =	sdelay $0x2  }
0x243: {  	v2 =	vsub.f32 v41, v42;
	v45 =	vsub.f32 v43, v44;
	_ =	sdelay $0x1  }
0x244: {  	v0 =	vsub.f32 v0, v1;
	v46 =	vmul.f32 v2, v2;
	v47 =	vmul.f32 v45, v45;
	_ =	sdelay $0x1  }
0x245: {  	v0 =	vmul.f32 v0, v0;
	v1 =	vadd.f32 v47, v46;
	_ =	sdelay $0x1  }
0x246: {  	v0 =	vadd.f32 v0, v1;
	_ =	sdelay $0x1  }
0x247: {  	[tilespmem:$0x14020] =	vst v0  }
0x248: {  	v0 =	vld [tilespmem:s16+$0xD0]  }
0x249: {  	v48 =	vld [tilespmem:s16+$0x2850];
	_ =	sdelay $0x6  }
0x24a: {  	v49 =	vld.idx.msk [tilespmem:v0+s18+$0x0], $0xffff  }
0x24b: {  	v50 =	vld.idx.msk [tilespmem:v48+s18+$0x0], $0xffff  }
0x24c: {  	v51 =	vld.idx.msk [tilespmem:v0+s20+$0x0], $0xffff  }
0x24d: {  	v52 =	vld.idx.msk [tilespmem:v48+s20+$0x0], $0xffff  }
0x24e: {  	v0 =	vld.idx.msk [tilespmem:v0+s21+$0x0], $0xffff  }
0x24f: {  	v1 =	vld.idx.msk [tilespmem:v48+s21+$0x0], $0xffff;
	_ =	sdelay $0x2  }
0x250: {  	v2 =	vsub.f32 v49, v50;
	v53 =	vsub.f32 v51, v52;
	_ =	sdelay $0x1  }
0x251: {  	v0 =	vsub.f32 v0, v1;
	v54 =	vmul.f32 v2, v2;
	v55 =	vmul.f32 v53, v53;
	_ =	sdelay $0x1  }
0x252: {  	v0 =	vmul.f32 v0, v0;
	v1 =	vadd.f32 v55, v54;
	_ =	sdelay $0x1  }
0x253: {  	v0 =	vadd.f32 v0, v1;
	_ =	sdelay $0x1  }
0x254: {  	[tilespmem:$0x14030] =	vst v0  }
0x255: {  	v0 =	vld [tilespmem:s16+$0xE0]  }
0x256: {  	v56 =	vld [tilespmem:s16+$0x2860];
	_ =	sdelay $0x6  }
0x257: {  	v57 =	vld.idx.msk [tilespmem:v0+s18+$0x0], $0xffff  }
0x258: {  	v58 =	vld.idx.msk [tilespmem:v56+s18+$0x0], $0xffff  }
0x259: {  	v59 =	vld.idx.msk [tilespmem:v0+s20+$0x0], $0xffff  }
0x25a: {  	v60 =	vld.idx.msk [tilespmem:v56+s20+$0x0], $0xffff  }
0x25b: {  	v0 =	vld.idx.msk [tilespmem:v0+s21+$0x0], $0xffff  }
0x25c: {  	v1 =	vld.idx.msk [tilespmem:v56+s21+$0x0], $0xffff;
	_ =	sdelay $0x2  }
0x25d: {  	v2 =	vsub.f32 v57, v58;
	v61 =	vsub.f32 v59, v60;
	_ =	sdelay $0x1  }
0x25e: {  	v0 =	vsub.f32 v0, v1;
	v62 =	vmul.f32 v2, v2;
	v63 =	vmul.f32 v61, v61;
	_ =	sdelay $0x1  }
0x25f: {  	v0 =	vmul.f32 v0, v0;
	v1 =	vadd.f32 v63, v62  }
0x260: {  	s14 =	sadd.s32 $0x1, s14  }
0x261: {  	s12 =	sadd.s32 s5, s15;
	p0 =	sne.s32 s14, $0x29;
	v0 =	vadd.f32 v0, v1  }
.Ltmp3:
0x262: {  	s13 =	sshll.u32 s12, $0x4;
	(pc) =	sbr.rel @p0 .LBB2_2-.Ltmp3, $4  }
0x263: {  	s12 =	sshrl.u32 s12, $0x3;
	s13 =	sadd.s32 s9, s13;
	[tilespmem:$0x14040] =	vst v0  }
0x264: {  	[hbm4b:s13+s4] =	stream.linear.scatter [tilespmem:s30], [sflag:$0x6], $0x2800, $0x38;
	[tilespmem:$0x1B700] =	vst v63  }
0x265: {  	s12 =	sadd.s32 s10, s12  }
0x266: {  	[hbm4b:s12+s4] =	stream.linear.scatter [tilespmem:s11], [sflag:$0x6], $0x50, $0x38;
	[tilespmem:$0x1B700] =	vst v63  }
0x267: {  	_ =	swait.ge [sflag:s2], $0x2800  }
0x268: {  	[sflag:s2] =	ssyncset.done $0x0  }
0x269: {  	[sflag:s2] =	ssyncadd.s32 $0xFFFFD800  }
0x26a: {  	_ =	swait.ge [sflag:s2], $0x2800  }
0x26b: {  	[sflag:s2] =	ssyncset.done $0x0  }
0x26c: {  	s14 =	simm.s32 $0x4F80;
	[sflag:s2] =	ssyncadd.s32 $0xFFFFD800  }
0x26d: {  	s12 =	simm.s32 $0x7780;
	v0 =	vld [tilespmem:s14+$0xFFFFFF80]  }
0x26e: {  	v1 =	vld [tilespmem:s12+$0xFFFFFF80];
	_ =	sdelay $0x4  }
0x26f: {  	v0 =	vadd.f32 v1, v0;
	_ =	sdelay $0x1  }
0x270: {  	[tilespmem:s14+$0xFFFFFF80] =	vst v0;
	v0 =	vld [tilespmem:s14+$0xFFFFFF90]  }
0x271: {  	v1 =	vld [tilespmem:s12+$0xFFFFFF90];
	_ =	sdelay $0x4  }
0x272: {  	v0 =	vadd.f32 v1, v0;
	_ =	sdelay $0x1  }
0x273: {  	[tilespmem:s14+$0xFFFFFF90] =	vst v0;
	v0 =	vld [tilespmem:s14+$0xFFFFFFA0]  }
0x274: {  	v1 =	vld [tilespmem:s12+$0xFFFFFFA0];
	_ =	sdelay $0x4  }
0x275: {  	v0 =	vadd.f32 v1, v0;
	_ =	sdelay $0x1  }
0x276: {  	[tilespmem:s14+$0xFFFFFFA0] =	vst v0;
	v0 =	vld [tilespmem:s14+$0xFFFFFFB0]  }
0x277: {  	v1 =	vld [tilespmem:s12+$0xFFFFFFB0];
	_ =	sdelay $0x4  }
0x278: {  	v0 =	vadd.f32 v1, v0;
	_ =	sdelay $0x1  }
0x279: {  	[tilespmem:s14+$0xFFFFFFB0] =	vst v0;
	v0 =	vld [tilespmem:s14+$0xFFFFFFC0]  }
0x27a: {  	v1 =	vld [tilespmem:s12+$0xFFFFFFC0];
	_ =	sdelay $0x4  }
0x27b: {  	v0 =	vadd.f32 v1, v0;
	_ =	sdelay $0x1  }
0x27c: {  	[tilespmem:s14+$0xFFFFFFC0] =	vst v0;
	v0 =	vld [tilespmem:s14+$0xFFFFFFD0]  }
0x27d: {  	v1 =	vld [tilespmem:s12+$0xFFFFFFD0];
	_ =	sdelay $0x4  }
0x27e: {  	v0 =	vadd.f32 v1, v0;
	_ =	sdelay $0x1  }
0x27f: {  	[tilespmem:s14+$0xFFFFFFD0] =	vst v0;
	v0 =	vld [tilespmem:s14+$0xFFFFFFE0]  }
0x280: {  	v1 =	vld [tilespmem:s12+$0xFFFFFFE0];
	_ =	sdelay $0x4  }
0x281: {  	v0 =	vadd.f32 v1, v0;
	_ =	sdelay $0x1  }
0x282: {  	[tilespmem:s14+$0xFFFFFFE0] =	vst v0;
	v0 =	vld [tilespmem:s14+$0xFFFFFFF0]  }
0x283: {  	v1 =	vld [tilespmem:s12+$0xFFFFFFF0];
	_ =	sdelay $0x4  }
0x284: {  	v0 =	vadd.f32 v1, v0;
	_ =	sdelay $0x1  }
0x285: {  	[tilespmem:s14+$0xFFFFFFF0] =	vst v0;
	v0 =	vld [tilespmem:s14+$0x0]  }
0x286: {  	v1 =	vld [tilespmem:s12+$0x0];
	_ =	sdelay $0x4  }
0x287: {  	v0 =	vadd.f32 v1, v0;
	_ =	sdelay $0x1  }
0x288: {  	[tilespmem:s14+$0x0] =	vst v0;
	v0 =	vld [tilespmem:s14+$0x10]  }
0x289: {  	v1 =	vld [tilespmem:s12+$0x10];
	_ =	sdelay $0x4  }
0x28a: {  	v0 =	vadd.f32 v1, v0;
	_ =	sdelay $0x1  }
0x28b: {  	[tilespmem:s14+$0x10] =	vst v0;
	v0 =	vld [tilespmem:s14+$0x20]  }
0x28c: {  	v1 =	vld [tilespmem:s12+$0x20];
	_ =	sdelay $0x4  }
0x28d: {  	v0 =	vadd.f32 v1, v0;
	_ =	sdelay $0x1  }
0x28e: {  	[tilespmem:s14+$0x20] =	vst v0;
	v0 =	vld [tilespmem:s14+$0x30]  }
0x28f: {  	v1 =	vld [tilespmem:s12+$0x30];
	_ =	sdelay $0x4  }
0x290: {  	v0 =	vadd.f32 v1, v0;
	_ =	sdelay $0x1  }
0x291: {  	[tilespmem:s14+$0x30] =	vst v0;
	v0 =	vld [tilespmem:s14+$0x40]  }
0x292: {  	v1 =	vld [tilespmem:s12+$0x40];
	_ =	sdelay $0x4  }
0x293: {  	v0 =	vadd.f32 v1, v0;
	_ =	sdelay $0x1  }
0x294: {  	[tilespmem:s14+$0x40] =	vst v0;
	v0 =	vld [tilespmem:s14+$0x50]  }
0x295: {  	v1 =	vld [tilespmem:s12+$0x50];
	_ =	sdelay $0x4  }
0x296: {  	v0 =	vadd.f32 v1, v0;
	_ =	sdelay $0x1  }
0x297: {  	[tilespmem:s14+$0x50] =	vst v0;
	v0 =	vld [tilespmem:s14+$0x60]  }
0x298: {  	v1 =	vld [tilespmem:s12+$0x60];
	_ =	sdelay $0x4  }
0x299: {  	v0 =	vadd.f32 v1, v0;
	_ =	sdelay $0x1  }
0x29a: {  	[tilespmem:s14+$0x60] =	vst v0;
	v0 =	vld [tilespmem:s14+$0x70]  }
0x29b: {  	v1 =	vld [tilespmem:s12+$0x70];
	_ =	sdelay $0x4  }
0x29c: {  	v0 =	vadd.f32 v1, v0  }
0x29d: {  	s13 =	simm.s32 $0x0;
	s15 =	simm.s32 $0x5080  }
.LBB2_10:
0x29e: {  	v1 =	vld [tilespmem:s15+$0xFFFFFF80];
	[tilespmem:s14+$0x70] =	vst v0;
	s12 =	sadd.s32 $0x100, s12;
	s14 =	smov.u32 s15  }
0x29f: {  	s13 =	sadd.s32 $0x2, s13;
	v0 =	vld [tilespmem:s12+$0xFFFFFF80]  }
0x2a0: {  	p0 =	slt.u32 s13, $0x4E;
	_ =	sdelay $0x3  }
0x2a1: {  	v0 =	vadd.f32 v0, v1;
	_ =	sdelay $0x1  }
0x2a2: {  	[tilespmem:s15+$0xFFFFFF80] =	vst v0;
	v0 =	vld [tilespmem:s15+$0xFFFFFF90]  }
0x2a3: {  	v1 =	vld [tilespmem:s12+$0xFFFFFF90];
	_ =	sdelay $0x4  }
0x2a4: {  	v0 =	vadd.f32 v1, v0;
	_ =	sdelay $0x1  }
0x2a5: {  	[tilespmem:s15+$0xFFFFFF90] =	vst v0;
	v0 =	vld [tilespmem:s15+$0xFFFFFFA0]  }
0x2a6: {  	v1 =	vld [tilespmem:s12+$0xFFFFFFA0];
	_ =	sdelay $0x4  }
0x2a7: {  	v0 =	vadd.f32 v1, v0;
	_ =	sdelay $0x1  }
0x2a8: {  	[tilespmem:s15+$0xFFFFFFA0] =	vst v0;
	v0 =	vld [tilespmem:s15+$0xFFFFFFB0]  }
0x2a9: {  	v1 =	vld [tilespmem:s12+$0xFFFFFFB0];
	_ =	sdelay $0x4  }
0x2aa: {  	v0 =	vadd.f32 v1, v0;
	_ =	sdelay $0x1  }
0x2ab: {  	[tilespmem:s15+$0xFFFFFFB0] =	vst v0;
	v0 =	vld [tilespmem:s15+$0xFFFFFFC0]  }
0x2ac: {  	v1 =	vld [tilespmem:s12+$0xFFFFFFC0];
	_ =	sdelay $0x4  }
0x2ad: {  	v0 =	vadd.f32 v1, v0;
	_ =	sdelay $0x1  }
0x2ae: {  	[tilespmem:s15+$0xFFFFFFC0] =	vst v0;
	v0 =	vld [tilespmem:s15+$0xFFFFFFD0]  }
0x2af: {  	v1 =	vld [tilespmem:s12+$0xFFFFFFD0];
	_ =	sdelay $0x4  }
0x2b0: {  	v0 =	vadd.f32 v1, v0;
	_ =	sdelay $0x1  }
0x2b1: {  	[tilespmem:s15+$0xFFFFFFD0] =	vst v0;
	v0 =	vld [tilespmem:s15+$0xFFFFFFE0]  }
0x2b2: {  	v1 =	vld [tilespmem:s12+$0xFFFFFFE0];
	_ =	sdelay $0x4  }
0x2b3: {  	v0 =	vadd.f32 v1, v0;
	_ =	sdelay $0x1  }
0x2b4: {  	[tilespmem:s15+$0xFFFFFFE0] =	vst v0;
	v0 =	vld [tilespmem:s15+$0xFFFFFFF0]  }
0x2b5: {  	v1 =	vld [tilespmem:s12+$0xFFFFFFF0];
	_ =	sdelay $0x4  }
0x2b6: {  	v0 =	vadd.f32 v1, v0;
	_ =	sdelay $0x1  }
0x2b7: {  	[tilespmem:s15+$0xFFFFFFF0] =	vst v0;
	v0 =	vld [tilespmem:s15+$0x0]  }
0x2b8: {  	v1 =	vld [tilespmem:s12+$0x0];
	_ =	sdelay $0x4  }
0x2b9: {  	v0 =	vadd.f32 v1, v0;
	_ =	sdelay $0x1  }
0x2ba: {  	[tilespmem:s15+$0x0] =	vst v0;
	v0 =	vld [tilespmem:s15+$0x10]  }
0x2bb: {  	v1 =	vld [tilespmem:s12+$0x10];
	_ =	sdelay $0x4  }
0x2bc: {  	v0 =	vadd.f32 v1, v0;
	_ =	sdelay $0x1  }
0x2bd: {  	[tilespmem:s15+$0x10] =	vst v0;
	v0 =	vld [tilespmem:s15+$0x20]  }
0x2be: {  	v1 =	vld [tilespmem:s12+$0x20];
	_ =	sdelay $0x4  }
0x2bf: {  	v0 =	vadd.f32 v1, v0;
	_ =	sdelay $0x1  }
0x2c0: {  	[tilespmem:s15+$0x20] =	vst v0;
	v0 =	vld [tilespmem:s15+$0x30]  }
0x2c1: {  	v1 =	vld [tilespmem:s12+$0x30];
	_ =	sdelay $0x4  }
0x2c2: {  	v0 =	vadd.f32 v1, v0;
	_ =	sdelay $0x1  }
0x2c3: {  	[tilespmem:s15+$0x30] =	vst v0;
	v0 =	vld [tilespmem:s15+$0x40]  }
0x2c4: {  	v1 =	vld [tilespmem:s12+$0x40];
	_ =	sdelay $0x4  }
0x2c5: {  	v0 =	vadd.f32 v1, v0;
	_ =	sdelay $0x1  }
0x2c6: {  	[tilespmem:s15+$0x40] =	vst v0;
	v0 =	vld [tilespmem:s15+$0x50]  }
0x2c7: {  	v1 =	vld [tilespmem:s12+$0x50];
	_ =	sdelay $0x4  }
0x2c8: {  	v0 =	vadd.f32 v1, v0;
	_ =	sdelay $0x1  }
0x2c9: {  	[tilespmem:s15+$0x50] =	vst v0;
	v0 =	vld [tilespmem:s15+$0x60]  }
0x2ca: {  	v1 =	vld [tilespmem:s12+$0x60];
	_ =	sdelay $0x4  }
0x2cb: {  	v0 =	vadd.f32 v1, v0;
	_ =	sdelay $0x1  }
0x2cc: {  	[tilespmem:s15+$0x60] =	vst v0;
	v0 =	vld [tilespmem:s15+$0x70]  }
0x2cd: {  	v1 =	vld [tilespmem:s12+$0x70];
	_ =	sdelay $0x1  }
.Ltmp4:
0x2ce: {  	(pc) =	sbr.rel @p0 .LBB2_10-.Ltmp4, $3  }
0x2cf: {  	_ =	sdelay $0x1  }
0x2d0: {  	v0 =	vadd.f32 v1, v0  }
0x2d1: {  	s15 =	sadd.s32 $0x100, s15  }
0x2d2: {  	[tilespmem:s14+$0x70] =	vst v0  }
0x2d3: {  	v0 =	vld [tilespmem:$0x2670]  }
0x2d4: {  	v1 =	vld [tilespmem:$0x4DF0];
	_ =	sdelay $0x6  }
0x2d5: {  	v2 =	vld.idx.msk [tilespmem:v0+s18+$0x0], $0xffff  }
0x2d6: {  	v3 =	vld.idx.msk [tilespmem:v1+s18+$0x0], $0xffff  }
0x2d7: {  	v4 =	vld.idx.msk [tilespmem:v0+s20+$0x0], $0xffff  }
0x2d8: {  	v5 =	vld.idx.msk [tilespmem:v1+s20+$0x0], $0xffff  }
0x2d9: {  	v0 =	vld.idx.msk [tilespmem:v0+s21+$0x0], $0xffff  }
0x2da: {  	v1 =	vld.idx.msk [tilespmem:v1+s21+$0x0], $0xffff;
	_ =	sdelay $0x2  }
0x2db: {  	v2 =	vsub.f32 v2, v3;
	v3 =	vsub.f32 v4, v5  }
0x2dc: {  	v56 =	vld [tilespmem:$0x2680]  }
0x2dd: {  	v0 =	vsub.f32 v0, v1;
	v1 =	vmul.f32 v2, v2;
	v2 =	vmul.f32 v3, v3  }
0x2de: {  	v3 =	vld [tilespmem:$0x4E00]  }
0x2df: {  	v0 =	vmul.f32 v0, v0;
	v1 =	vadd.f32 v2, v1;
	_ =	sdelay $0x1  }
0x2e0: {  	v0 =	vadd.f32 v0, v1;
	_ =	sdelay $0x1  }
0x2e1: {  	[tilespmem:$0x13F00] =	vst v0  }
0x2e2: {  	v0 =	vld.idx.msk [tilespmem:v56+s18+$0x0], $0xffff  }
0x2e3: {  	v2 =	vld.idx.msk [tilespmem:v56+s20+$0x0], $0xffff  }
0x2e4: {  	v1 =	vld.idx.msk [tilespmem:v3+s18+$0x0], $0xffff  }
0x2e5: {  	v57 =	vld.idx.msk [tilespmem:v3+s20+$0x0], $0xffff  }
0x2e6: {  	v4 =	vld.idx.msk [tilespmem:v56+s21+$0x0], $0xffff  }
0x2e7: {  	v3 =	vld.idx.msk [tilespmem:v3+s21+$0x0], $0xffff;
	_ =	sdelay $0x2  }
0x2e8: {  	v0 =	vsub.f32 v0, v1;
	v1 =	vsub.f32 v2, v57  }
0x2e9: {  	v2 =	vld [tilespmem:$0x2690]  }
0x2ea: {  	v58 =	vld [tilespmem:$0x4E10];
	v3 =	vsub.f32 v4, v3;
	v0 =	vmul.f32 v0, v0;
	v1 =	vmul.f32 v1, v1;
	_ =	sdelay $0x1  }
0x2eb: {  	v0 =	vadd.f32 v1, v0;
	v1 =	vmul.f32 v3, v3;
	_ =	sdelay $0x1  }
0x2ec: {  	v0 =	vadd.f32 v1, v0;
	_ =	sdelay $0x1  }
0x2ed: {  	[tilespmem:$0x13F10] =	vst v0  }
0x2ee: {  	v0 =	vld.idx.msk [tilespmem:v2+s18+$0x0], $0xffff  }
0x2ef: {  	v1 =	vld.idx.msk [tilespmem:v58+s18+$0x0], $0xffff  }
0x2f0: {  	v3 =	vld.idx.msk [tilespmem:v2+s20+$0x0], $0xffff  }
0x2f1: {  	v59 =	vld.idx.msk [tilespmem:v58+s20+$0x0], $0xffff  }
0x2f2: {  	v2 =	vld.idx.msk [tilespmem:v2+s21+$0x0], $0xffff  }
0x2f3: {  	v4 =	vld.idx.msk [tilespmem:v58+s21+$0x0], $0xffff;
	_ =	sdelay $0x2  }
0x2f4: {  	v0 =	vsub.f32 v0, v1;
	v1 =	vsub.f32 v3, v59  }
0x2f5: {  	v3 =	vld [tilespmem:$0x26A0]  }
0x2f6: {  	v60 =	vld [tilespmem:$0x4E20];
	v2 =	vsub.f32 v2, v4;
	v0 =	vmul.f32 v0, v0;
	v1 =	vmul.f32 v1, v1;
	_ =	sdelay $0x1  }
0x2f7: {  	v0 =	vadd.f32 v1, v0;
	v1 =	vmul.f32 v2, v2;
	_ =	sdelay $0x1  }
0x2f8: {  	v0 =	vadd.f32 v1, v0;
	_ =	sdelay $0x1  }
0x2f9: {  	[tilespmem:$0x13F20] =	vst v0  }
0x2fa: {  	v0 =	vld.idx.msk [tilespmem:v3+s18+$0x0], $0xffff  }
0x2fb: {  	v1 =	vld.idx.msk [tilespmem:v60+s18+$0x0], $0xffff  }
0x2fc: {  	v2 =	vld.idx.msk [tilespmem:v3+s20+$0x0], $0xffff  }
0x2fd: {  	v61 =	vld.idx.msk [tilespmem:v60+s20+$0x0], $0xffff  }
0x2fe: {  	v3 =	vld.idx.msk [tilespmem:v3+s21+$0x0], $0xffff  }
0x2ff: {  	v4 =	vld.idx.msk [tilespmem:v60+s21+$0x0], $0xffff;
	_ =	sdelay $0x2  }
0x300: {  	v0 =	vsub.f32 v0, v1;
	v1 =	vsub.f32 v2, v61  }
0x301: {  	v2 =	vld [tilespmem:$0x26B0]  }
0x302: {  	v62 =	vld [tilespmem:$0x4E30];
	v3 =	vsub.f32 v3, v4;
	v0 =	vmul.f32 v0, v0;
	v1 =	vmul.f32 v1, v1;
	_ =	sdelay $0x1  }
0x303: {  	v0 =	vadd.f32 v1, v0;
	v1 =	vmul.f32 v3, v3;
	_ =	sdelay $0x1  }
0x304: {  	v0 =	vadd.f32 v1, v0;
	_ =	sdelay $0x1  }
0x305: {  	[tilespmem:$0x13F30] =	vst v0  }
0x306: {  	v0 =	vld.idx.msk [tilespmem:v2+s18+$0x0], $0xffff  }
0x307: {  	v1 =	vld.idx.msk [tilespmem:v62+s18+$0x0], $0xffff  }
0x308: {  	v3 =	vld.idx.msk [tilespmem:v2+s20+$0x0], $0xffff  }
0x309: {  	v63 =	vld.idx.msk [tilespmem:v62+s20+$0x0], $0xffff  }
0x30a: {  	v2 =	vld.idx.msk [tilespmem:v2+s21+$0x0], $0xffff  }
0x30b: {  	v4 =	vld.idx.msk [tilespmem:v62+s21+$0x0], $0xffff;
	_ =	sdelay $0x2  }
0x30c: {  	v0 =	vsub.f32 v0, v1;
	v1 =	vsub.f32 v3, v63;
	_ =	sdelay $0x1  }
0x30d: {  	v2 =	vsub.f32 v2, v4;
	v0 =	vmul.f32 v0, v0;
	v1 =	vmul.f32 v1, v1;
	_ =	sdelay $0x1  }
0x30e: {  	v0 =	vadd.f32 v1, v0;
	v1 =	vmul.f32 v2, v2;
	_ =	sdelay $0x1  }
0x30f: {  	v0 =	vadd.f32 v1, v0;
	_ =	sdelay $0x1  }
0x310: {  	s12 =	rddreg [dreg:$0x8];
	[tilespmem:$0x13F40] =	vst v0  }
0x311: {  	[hbm4b:s12+s4] =	stream.linear.scatter [tilespmem:s24], [sflag:$0x4], $0x2800, $0x38;
	[tilespmem:$0x1B700] =	vst v63  }
0x312: {  	s19 =	rddreg [dreg:$0x9]  }
0x313: {  	[hbm4b:s19+s4] =	stream.linear.scatter [tilespmem:s0], [sflag:$0x4], $0x50, $0x38;
	[tilespmem:$0x1B700] =	vst v63  }
0x314: {  	_ =	swait.ge [sflag:s28], $0x2800  }
0x315: {  	[sflag:s28] =	ssyncset.done $0x0  }
0x316: {  	[sflag:s28] =	ssyncadd.s32 $0xFFFFD800  }
0x317: {  	_ =	swait.ge [sflag:s28], $0x2800  }
0x318: {  	[sflag:s28] =	ssyncset.done $0x0  }
0x319: {  	s14 =	simm.s32 $0x9F80;
	[sflag:s28] =	ssyncadd.s32 $0xFFFFD800  }
0x31a: {  	s12 =	simm.s32 $0xC780;
	v0 =	vld [tilespmem:s14+$0xFFFFFF80]  }
0x31b: {  	v1 =	vld [tilespmem:s12+$0xFFFFFF80];
	_ =	sdelay $0x4  }
0x31c: {  	v0 =	vadd.f32 v1, v0;
	_ =	sdelay $0x1  }
0x31d: {  	[tilespmem:s14+$0xFFFFFF80] =	vst v0;
	v0 =	vld [tilespmem:s14+$0xFFFFFF90]  }
0x31e: {  	v1 =	vld [tilespmem:s12+$0xFFFFFF90];
	_ =	sdelay $0x4  }
0x31f: {  	v0 =	vadd.f32 v1, v0;
	_ =	sdelay $0x1  }
0x320: {  	[tilespmem:s14+$0xFFFFFF90] =	vst v0;
	v0 =	vld [tilespmem:s14+$0xFFFFFFA0]  }
0x321: {  	v1 =	vld [tilespmem:s12+$0xFFFFFFA0];
	_ =	sdelay $0x4  }
0x322: {  	v0 =	vadd.f32 v1, v0;
	_ =	sdelay $0x1  }
0x323: {  	[tilespmem:s14+$0xFFFFFFA0] =	vst v0;
	v0 =	vld [tilespmem:s14+$0xFFFFFFB0]  }
0x324: {  	v1 =	vld [tilespmem:s12+$0xFFFFFFB0];
	_ =	sdelay $0x4  }
0x325: {  	v0 =	vadd.f32 v1, v0;
	_ =	sdelay $0x1  }
0x326: {  	[tilespmem:s14+$0xFFFFFFB0] =	vst v0;
	v0 =	vld [tilespmem:s14+$0xFFFFFFC0]  }
0x327: {  	v1 =	vld [tilespmem:s12+$0xFFFFFFC0];
	_ =	sdelay $0x4  }
0x328: {  	v0 =	vadd.f32 v1, v0;
	_ =	sdelay $0x1  }
0x329: {  	[tilespmem:s14+$0xFFFFFFC0] =	vst v0;
	v0 =	vld [tilespmem:s14+$0xFFFFFFD0]  }
0x32a: {  	v1 =	vld [tilespmem:s12+$0xFFFFFFD0];
	_ =	sdelay $0x4  }
0x32b: {  	v0 =	vadd.f32 v1, v0;
	_ =	sdelay $0x1  }
0x32c: {  	[tilespmem:s14+$0xFFFFFFD0] =	vst v0;
	v0 =	vld [tilespmem:s14+$0xFFFFFFE0]  }
0x32d: {  	v1 =	vld [tilespmem:s12+$0xFFFFFFE0];
	_ =	sdelay $0x4  }
0x32e: {  	v0 =	vadd.f32 v1, v0;
	_ =	sdelay $0x1  }
0x32f: {  	[tilespmem:s14+$0xFFFFFFE0] =	vst v0;
	v0 =	vld [tilespmem:s14+$0xFFFFFFF0]  }
0x330: {  	v1 =	vld [tilespmem:s12+$0xFFFFFFF0];
	_ =	sdelay $0x4  }
0x331: {  	v0 =	vadd.f32 v1, v0;
	_ =	sdelay $0x1  }
0x332: {  	[tilespmem:s14+$0xFFFFFFF0] =	vst v0;
	v0 =	vld [tilespmem:s14+$0x0]  }
0x333: {  	v1 =	vld [tilespmem:s12+$0x0];
	_ =	sdelay $0x4  }
0x334: {  	v0 =	vadd.f32 v1, v0;
	_ =	sdelay $0x1  }
0x335: {  	[tilespmem:s14+$0x0] =	vst v0;
	v0 =	vld [tilespmem:s14+$0x10]  }
0x336: {  	v1 =	vld [tilespmem:s12+$0x10];
	_ =	sdelay $0x4  }
0x337: {  	v0 =	vadd.f32 v1, v0;
	_ =	sdelay $0x1  }
0x338: {  	[tilespmem:s14+$0x10] =	vst v0;
	v0 =	vld [tilespmem:s14+$0x20]  }
0x339: {  	v1 =	vld [tilespmem:s12+$0x20];
	_ =	sdelay $0x4  }
0x33a: {  	v0 =	vadd.f32 v1, v0;
	_ =	sdelay $0x1  }
0x33b: {  	[tilespmem:s14+$0x20] =	vst v0;
	v0 =	vld [tilespmem:s14+$0x30]  }
0x33c: {  	v1 =	vld [tilespmem:s12+$0x30];
	_ =	sdelay $0x4  }
0x33d: {  	v0 =	vadd.f32 v1, v0;
	_ =	sdelay $0x1  }
0x33e: {  	[tilespmem:s14+$0x30] =	vst v0;
	v0 =	vld [tilespmem:s14+$0x40]  }
0x33f: {  	v1 =	vld [tilespmem:s12+$0x40];
	_ =	sdelay $0x4  }
0x340: {  	v0 =	vadd.f32 v1, v0;
	_ =	sdelay $0x1  }
0x341: {  	[tilespmem:s14+$0x40] =	vst v0;
	v0 =	vld [tilespmem:s14+$0x50]  }
0x342: {  	v1 =	vld [tilespmem:s12+$0x50];
	_ =	sdelay $0x4  }
0x343: {  	v0 =	vadd.f32 v1, v0;
	_ =	sdelay $0x1  }
0x344: {  	[tilespmem:s14+$0x50] =	vst v0;
	v0 =	vld [tilespmem:s14+$0x60]  }
0x345: {  	v1 =	vld [tilespmem:s12+$0x60];
	_ =	sdelay $0x4  }
0x346: {  	v0 =	vadd.f32 v1, v0;
	_ =	sdelay $0x1  }
0x347: {  	[tilespmem:s14+$0x60] =	vst v0;
	v0 =	vld [tilespmem:s14+$0x70]  }
0x348: {  	v1 =	vld [tilespmem:s12+$0x70];
	_ =	sdelay $0x4  }
0x349: {  	v0 =	vadd.f32 v1, v0  }
0x34a: {  	s13 =	simm.s32 $0x0;
	s15 =	simm.s32 $0xA080  }
.LBB2_12:
0x34b: {  	v1 =	vld [tilespmem:s15+$0xFFFFFF80];
	[tilespmem:s14+$0x70] =	vst v0;
	s12 =	sadd.s32 $0x100, s12;
	s14 =	smov.u32 s15  }
0x34c: {  	s13 =	sadd.s32 $0x2, s13;
	v0 =	vld [tilespmem:s12+$0xFFFFFF80]  }
0x34d: {  	p0 =	slt.u32 s13, $0x4E;
	_ =	sdelay $0x3  }
0x34e: {  	v0 =	vadd.f32 v0, v1;
	_ =	sdelay $0x1  }
0x34f: {  	[tilespmem:s15+$0xFFFFFF80] =	vst v0;
	v0 =	vld [tilespmem:s15+$0xFFFFFF90]  }
0x350: {  	v1 =	vld [tilespmem:s12+$0xFFFFFF90];
	_ =	sdelay $0x4  }
0x351: {  	v0 =	vadd.f32 v1, v0;
	_ =	sdelay $0x1  }
0x352: {  	[tilespmem:s15+$0xFFFFFF90] =	vst v0;
	v0 =	vld [tilespmem:s15+$0xFFFFFFA0]  }
0x353: {  	v1 =	vld [tilespmem:s12+$0xFFFFFFA0];
	_ =	sdelay $0x4  }
0x354: {  	v0 =	vadd.f32 v1, v0;
	_ =	sdelay $0x1  }
0x355: {  	[tilespmem:s15+$0xFFFFFFA0] =	vst v0;
	v0 =	vld [tilespmem:s15+$0xFFFFFFB0]  }
0x356: {  	v1 =	vld [tilespmem:s12+$0xFFFFFFB0];
	_ =	sdelay $0x4  }
0x357: {  	v0 =	vadd.f32 v1, v0;
	_ =	sdelay $0x1  }
0x358: {  	[tilespmem:s15+$0xFFFFFFB0] =	vst v0;
	v0 =	vld [tilespmem:s15+$0xFFFFFFC0]  }
0x359: {  	v1 =	vld [tilespmem:s12+$0xFFFFFFC0];
	_ =	sdelay $0x4  }
0x35a: {  	v0 =	vadd.f32 v1, v0;
	_ =	sdelay $0x1  }
0x35b: {  	[tilespmem:s15+$0xFFFFFFC0] =	vst v0;
	v0 =	vld [tilespmem:s15+$0xFFFFFFD0]  }
0x35c: {  	v1 =	vld [tilespmem:s12+$0xFFFFFFD0];
	_ =	sdelay $0x4  }
0x35d: {  	v0 =	vadd.f32 v1, v0;
	_ =	sdelay $0x1  }
0x35e: {  	[tilespmem:s15+$0xFFFFFFD0] =	vst v0;
	v0 =	vld [tilespmem:s15+$0xFFFFFFE0]  }
0x35f: {  	v1 =	vld [tilespmem:s12+$0xFFFFFFE0];
	_ =	sdelay $0x4  }
0x360: {  	v0 =	vadd.f32 v1, v0;
	_ =	sdelay $0x1  }
0x361: {  	[tilespmem:s15+$0xFFFFFFE0] =	vst v0;
	v0 =	vld [tilespmem:s15+$0xFFFFFFF0]  }
0x362: {  	v1 =	vld [tilespmem:s12+$0xFFFFFFF0];
	_ =	sdelay $0x4  }
0x363: {  	v0 =	vadd.f32 v1, v0;
	_ =	sdelay $0x1  }
0x364: {  	[tilespmem:s15+$0xFFFFFFF0] =	vst v0;
	v0 =	vld [tilespmem:s15+$0x0]  }
0x365: {  	v1 =	vld [tilespmem:s12+$0x0];
	_ =	sdelay $0x4  }
0x366: {  	v0 =	vadd.f32 v1, v0;
	_ =	sdelay $0x1  }
0x367: {  	[tilespmem:s15+$0x0] =	vst v0;
	v0 =	vld [tilespmem:s15+$0x10]  }
0x368: {  	v1 =	vld [tilespmem:s12+$0x10];
	_ =	sdelay $0x4  }
0x369: {  	v0 =	vadd.f32 v1, v0;
	_ =	sdelay $0x1  }
0x36a: {  	[tilespmem:s15+$0x10] =	vst v0;
	v0 =	vld [tilespmem:s15+$0x20]  }
0x36b: {  	v1 =	vld [tilespmem:s12+$0x20];
	_ =	sdelay $0x4  }
0x36c: {  	v0 =	vadd.f32 v1, v0;
	_ =	sdelay $0x1  }
0x36d: {  	[tilespmem:s15+$0x20] =	vst v0;
	v0 =	vld [tilespmem:s15+$0x30]  }
0x36e: {  	v1 =	vld [tilespmem:s12+$0x30];
	_ =	sdelay $0x4  }
0x36f: {  	v0 =	vadd.f32 v1, v0;
	_ =	sdelay $0x1  }
0x370: {  	[tilespmem:s15+$0x30] =	vst v0;
	v0 =	vld [tilespmem:s15+$0x40]  }
0x371: {  	v1 =	vld [tilespmem:s12+$0x40];
	_ =	sdelay $0x4  }
0x372: {  	v0 =	vadd.f32 v1, v0;
	_ =	sdelay $0x1  }
0x373: {  	[tilespmem:s15+$0x40] =	vst v0;
	v0 =	vld [tilespmem:s15+$0x50]  }
0x374: {  	v1 =	vld [tilespmem:s12+$0x50];
	_ =	sdelay $0x4  }
0x375: {  	v0 =	vadd.f32 v1, v0;
	_ =	sdelay $0x1  }
0x376: {  	[tilespmem:s15+$0x50] =	vst v0;
	v0 =	vld [tilespmem:s15+$0x60]  }
0x377: {  	v1 =	vld [tilespmem:s12+$0x60];
	_ =	sdelay $0x4  }
0x378: {  	v0 =	vadd.f32 v1, v0;
	_ =	sdelay $0x1  }
0x379: {  	[tilespmem:s15+$0x60] =	vst v0;
	v0 =	vld [tilespmem:s15+$0x70]  }
0x37a: {  	v1 =	vld [tilespmem:s12+$0x70];
	_ =	sdelay $0x1  }
.Ltmp5:
0x37b: {  	(pc) =	sbr.rel @p0 .LBB2_12-.Ltmp5, $3  }
0x37c: {  	_ =	sdelay $0x1  }
0x37d: {  	v0 =	vadd.f32 v1, v0  }
0x37e: {  	s15 =	sadd.s32 $0x100, s15  }
0x37f: {  	[tilespmem:s14+$0x70] =	vst v0  }
0x380: {  	v0 =	vld [tilespmem:$0x26C0]  }
0x381: {  	v1 =	vld [tilespmem:$0x4E40];
	_ =	sdelay $0x6  }
0x382: {  	v2 =	vld.idx.msk [tilespmem:v0+s18+$0x0], $0xffff  }
0x383: {  	v3 =	vld.idx.msk [tilespmem:v1+s18+$0x0], $0xffff  }
0x384: {  	v4 =	vld.idx.msk [tilespmem:v0+s20+$0x0], $0xffff  }
0x385: {  	v5 =	vld.idx.msk [tilespmem:v1+s20+$0x0], $0xffff  }
0x386: {  	v0 =	vld.idx.msk [tilespmem:v0+s21+$0x0], $0xffff  }
0x387: {  	v1 =	vld.idx.msk [tilespmem:v1+s21+$0x0], $0xffff;
	_ =	sdelay $0x2  }
0x388: {  	v2 =	vsub.f32 v2, v3;
	v33 =	vsub.f32 v4, v5  }
0x389: {  	v34 =	vld [tilespmem:$0x26D0]  }
0x38a: {  	v37 =	vld [tilespmem:$0x4E50];
	v0 =	vsub.f32 v0, v1;
	v35 =	vmul.f32 v2, v2;
	v36 =	vmul.f32 v33, v33;
	_ =	sdelay $0x1  }
0x38b: {  	v0 =	vmul.f32 v0, v0;
	v1 =	vadd.f32 v36, v35;
	_ =	sdelay $0x1  }
0x38c: {  	v0 =	vadd.f32 v0, v1;
	_ =	sdelay $0x1  }
0x38d: {  	[tilespmem:$0x13F80] =	vst v0  }
0x38e: {  	v0 =	vld.idx.msk [tilespmem:v34+s18+$0x0], $0xffff  }
0x38f: {  	v38 =	vld.idx.msk [tilespmem:v37+s18+$0x0], $0xffff  }
0x390: {  	v39 =	vld.idx.msk [tilespmem:v34+s20+$0x0], $0xffff  }
0x391: {  	v40 =	vld.idx.msk [tilespmem:v37+s20+$0x0], $0xffff  }
0x392: {  	v4 =	vld.idx.msk [tilespmem:v34+s21+$0x0], $0xffff  }
0x393: {  	v3 =	vld.idx.msk [tilespmem:v37+s21+$0x0], $0xffff;
	_ =	sdelay $0x2  }
0x394: {  	v0 =	vsub.f32 v0, v38;
	v41 =	vsub.f32 v39, v40  }
0x395: {  	v42 =	vld [tilespmem:$0x26E0]  }
0x396: {  	v43 =	vld [tilespmem:$0x4E60];
	v3 =	vsub.f32 v4, v3;
	v0 =	vmul.f32 v0, v0;
	v1 =	vmul.f32 v41, v41;
	_ =	sdelay $0x1  }
0x397: {  	v44 =	vmul.f32 v3, v3;
	v0 =	vadd.f32 v1, v0;
	_ =	sdelay $0x1  }
0x398: {  	v0 =	vadd.f32 v44, v0;
	_ =	sdelay $0x1  }
0x399: {  	[tilespmem:$0x13F90] =	vst v0  }
0x39a: {  	v0 =	vld.idx.msk [tilespmem:v42+s18+$0x0], $0xffff  }
0x39b: {  	v45 =	vld.idx.msk [tilespmem:v43+s18+$0x0], $0xffff  }
0x39c: {  	v46 =	vld.idx.msk [tilespmem:v42+s20+$0x0], $0xffff  }
0x39d: {  	v47 =	vld.idx.msk [tilespmem:v43+s20+$0x0], $0xffff  }
0x39e: {  	v2 =	vld.idx.msk [tilespmem:v42+s21+$0x0], $0xffff  }
0x39f: {  	v4 =	vld.idx.msk [tilespmem:v43+s21+$0x0], $0xffff;
	_ =	sdelay $0x2  }
0x3a0: {  	v0 =	vsub.f32 v0, v45;
	v48 =	vsub.f32 v46, v47  }
0x3a1: {  	v49 =	vld [tilespmem:$0x26F0]  }
0x3a2: {  	v50 =	vld [tilespmem:$0x4E70];
	v2 =	vsub.f32 v2, v4;
	v0 =	vmul.f32 v0, v0;
	v1 =	vmul.f32 v48, v48;
	_ =	sdelay $0x1  }
0x3a3: {  	v51 =	vmul.f32 v2, v2;
	v0 =	vadd.f32 v1, v0;
	_ =	sdelay $0x1  }
0x3a4: {  	v0 =	vadd.f32 v51, v0;
	_ =	sdelay $0x1  }
0x3a5: {  	[tilespmem:$0x13FA0] =	vst v0  }
0x3a6: {  	v0 =	vld.idx.msk [tilespmem:v49+s18+$0x0], $0xffff  }
0x3a7: {  	v52 =	vld.idx.msk [tilespmem:v50+s18+$0x0], $0xffff  }
0x3a8: {  	v53 =	vld.idx.msk [tilespmem:v49+s20+$0x0], $0xffff  }
0x3a9: {  	v54 =	vld.idx.msk [tilespmem:v50+s20+$0x0], $0xffff  }
0x3aa: {  	v3 =	vld.idx.msk [tilespmem:v49+s21+$0x0], $0xffff  }
0x3ab: {  	v4 =	vld.idx.msk [tilespmem:v50+s21+$0x0], $0xffff;
	_ =	sdelay $0x2  }
0x3ac: {  	v0 =	vsub.f32 v0, v52;
	v55 =	vsub.f32 v53, v54  }
0x3ad: {  	v56 =	vld [tilespmem:$0x2700]  }
0x3ae: {  	v57 =	vld [tilespmem:$0x4E80];
	v3 =	vsub.f32 v3, v4;
	v0 =	vmul.f32 v0, v0;
	v1 =	vmul.f32 v55, v55;
	_ =	sdelay $0x1  }
0x3af: {  	v58 =	vmul.f32 v3, v3;
	v0 =	vadd.f32 v1, v0;
	_ =	sdelay $0x1  }
0x3b0: {  	v0 =	vadd.f32 v58, v0;
	_ =	sdelay $0x1  }
0x3b1: {  	[tilespmem:$0x13FB0] =	vst v0  }
0x3b2: {  	v0 =	vld.idx.msk [tilespmem:v56+s18+$0x0], $0xffff  }
0x3b3: {  	v59 =	vld.idx.msk [tilespmem:v57+s18+$0x0], $0xffff  }
0x3b4: {  	v60 =	vld.idx.msk [tilespmem:v56+s20+$0x0], $0xffff  }
0x3b5: {  	v61 =	vld.idx.msk [tilespmem:v57+s20+$0x0], $0xffff  }
0x3b6: {  	v2 =	vld.idx.msk [tilespmem:v56+s21+$0x0], $0xffff  }
0x3b7: {  	v4 =	vld.idx.msk [tilespmem:v57+s21+$0x0], $0xffff;
	_ =	sdelay $0x2  }
0x3b8: {  	v0 =	vsub.f32 v0, v59;
	v62 =	vsub.f32 v60, v61;
	_ =	sdelay $0x1  }
0x3b9: {  	v2 =	vsub.f32 v2, v4;
	v0 =	vmul.f32 v0, v0;
	v1 =	vmul.f32 v62, v62;
	_ =	sdelay $0x1  }
0x3ba: {  	v63 =	vmul.f32 v2, v2;
	v0 =	vadd.f32 v1, v0;
	_ =	sdelay $0x1  }
0x3bb: {  	v0 =	vadd.f32 v63, v0;
	_ =	sdelay $0x1  }
0x3bc: {  	s12 =	rddreg [dreg:$0xa];
	[tilespmem:$0x13FC0] =	vst v0  }
0x3bd: {  	[hbm4b:s12+s4] =	stream.linear.scatter [tilespmem:s26], [sflag:$0x5], $0x2800, $0x38;
	[tilespmem:$0x1B700] =	vst v63  }
0x3be: {  	s16 =	rddreg [dreg:$0xb];
	s17 =	simm.s32 $0x6  }
0x3bf: {  	[hbm4b:s16+s4] =	stream.linear.scatter [tilespmem:s22], [sflag:$0x5], $0x50, $0x38;
	[tilespmem:$0x1B700] =	vst v63  }
0x3c0: {  	_ =	swait.ge [sflag:s17], $0x2800  }
0x3c1: {  	[sflag:s17] =	ssyncset.done $0x0  }
0x3c2: {  	[sflag:s17] =	ssyncadd.s32 $0xFFFFD800  }
0x3c3: {  	_ =	swait.ge [sflag:s17], $0x50  }
0x3c4: {  	[sflag:s17] =	ssyncset.done $0x0  }
0x3c5: {  	[sflag:s17] =	ssyncadd.s32 $0xFFFFFFB0  }
0x3c6: {  	_ =	swait.ge [sflag:s3], $0x2800  }
0x3c7: {  	[sflag:s3] =	ssyncset.done $0x0  }
0x3c8: {  	[sflag:s3] =	ssyncadd.s32 $0xFFFFD800  }
0x3c9: {  	_ =	swait.ge [sflag:s3], $0x50  }
0x3ca: {  	[sflag:s3] =	ssyncset.done $0x0  }
0x3cb: {  	[sflag:s3] =	ssyncadd.s32 $0xFFFFFFB0  }
0x3cc: {  	_ =	swait.ge [sflag:s7], $0x2800  }
0x3cd: {  	[sflag:s7] =	ssyncset.done $0x0  }
0x3ce: {  	[sflag:s7] =	ssyncadd.s32 $0xFFFFD800  }
0x3cf: {  	_ =	swait.ge [sflag:s7], $0x50  }
0x3d0: {  	s13 =	rddreg [dreg:$0xd]  }
0x3d1: {  	s19 =	rddreg [dreg:$0xc];
	s13 =	sadd.s32 $0x1, s13  }
0x3d2: {  	p0 =	sne.s32 s13, s19  }
.Ltmp6:
0x3d3: {  	_ = 	snop;
	(pc) =	sbr.rel @p0 .LBB2_1-.Ltmp6, $3  }
0x3d4: {  	_ =	sdelay $0x1  }
0x3d5: {  	[sflag:s7] =	ssyncset.done $0x0  }
0x3d6: {  	[sflag:s7] =	ssyncadd.s32 $0xFFFFFFB0  }
0x3d7: {  	_ =	sfence.sel $0x180000  }
0x3d8: {  	[bflag:$0x0] =	sbarrier.arrive $0xFFFF  }
0x3d9: {  	_ =	strace $0x90000047  }
0x3da: {  	s0 =	stileid.u32;
	[bflag:$0x2] =	sbarrier.arrive $0xFFFF  }
0x3db: {  	p0 =	sne.s32 s0, $0x0;
	s0 =	rddreg [dreg:$0x3]  }
0x3dc: {  	s0 =	sadd.s32 @!p0 $0x100000, s0  }
0x3dd: {  	[sflag:s0] =	ssyncadd.tile.s32 @!p0 $0x1;
	_ =	shalt  }
.Lfunc_end2:
_tile_overlayer_lowered:
.L_overlay_start_2:
0x3de: {  	(tag) =	ssettag $0x2  }
0x3df: {  	s0 =	rddreg [dreg:$0x0];
	s2 =	stileid.u32  }
0x3e0: {  	s1 =	rddreg [dreg:$0x1];
	p0 =	sne.s32 s2, $0x0  }
0x3e1: {  	s3 =	rddreg [dreg:$0x2];
	[bflag:$0x3] =	sbarrier.arrive $0xFFFF;
	s2 =	simm.s32 @!p0 $0x1C07  }
0x3e2: {  	[timem:s3], [sflag:s2] =	dma.local @!p0 [hbm:s0], s1  }
0x3e3: {  	s0 =	simm.s32 @!p0 $0x7  }
0x3e4: {  	_ =	swait.ge @!p0 [sflag:s0], s1  }
0x3e5: {  	s1 =	ssub.s32 @!p0 $0x0, s1;
	[sflag:s0] =	ssyncset.done @!p0 $0x0  }
0x3e6: {  	[sflag:s0] =	ssyncadd.s32 @!p0 s1  }
0x3e7: {  	[bflag:$0x3] =	sbarrier.arrive $0xFFFF  }
0x3e8: {  	_ =	shalt  }

</sc_bundles>
